<compile_context>
chip_gen: v7x
topology: tpu7x:2x2x1
jax: 0.10.2.dev20260603
libtpu: 0.0.44.dev20260713+nightly
codegen_flags: <defaults>
</compile_context>

<pallas_src>
import functools

import jax
import jax.numpy as jnp
from jax import lax
from jax.experimental import pallas as pl
from jax.experimental.pallas import tpu as pltpu
from jax.experimental.pallas import tpu_sc as plsc

_N = 10000
_E = 320000
_NC = 2
_NS = 16
_NW = _NC * _NS
_EPT = _E // _NW
_K = 80
_NCH = _EPT // _K
_NPAN = 5
_CPP = _NCH // _NPAN
_NP = 10240
_RPT = _NP // _NS
_R = 1000

_mesh = plsc.VectorSubcoreMesh(core_axis_name="c", subcore_axis_name="s")



@functools.partial(
    pl.kernel,
    mesh=_mesh,
    out_type=jax.ShapeDtypeStruct((_NC, _NP, 16), jnp.float32),
    scratch_types=[
        pltpu.VMEM((_NCH, _K), jnp.int32),
        pltpu.VMEM((_K, 16), jnp.float32),
        pltpu.VMEM_SHARED((_NP, 16), jnp.float32),
        pltpu.SemaphoreType.DMA,
    ],
)
def _deg_kernel(dst_hbm, ones_hbm, zeros_hbm, out_hbm, dstv, onesv, shared,
                sem):
    c = lax.axis_index("c")
    s = lax.axis_index("s")
    w = c * _NS + s
    pltpu.sync_copy(dst_hbm.at[w], dstv)
    pltpu.sync_copy(ones_hbm, onesv)
    pltpu.sync_copy(zeros_hbm, shared.at[pl.ds(s * _RPT, _RPT)])
    plsc.subcore_barrier()

    @pl.loop(0, _NCH)
    def _acc(j):
        pltpu.async_copy(onesv, shared.at[dstv.at[j]], sem, add=True)

    @pl.loop(0, _NCH)
    def _drain(j):
        pltpu.make_async_copy(onesv, shared.at[dstv.at[j]], sem).wait()

    plsc.subcore_barrier()
    pltpu.sync_copy(shared.at[pl.ds(s * _RPT, _RPT)],
                    out_hbm.at[c, pl.ds(s * _RPT, _RPT)])


def _make_agg(d):
    @functools.partial(
        pl.kernel,
        mesh=_mesh,
        out_type=jax.ShapeDtypeStruct((_NC, _NP, d), jnp.float32),
        scratch_types=[
            pltpu.VMEM((_CPP, _K), jnp.int32),
            pltpu.VMEM((_CPP, _K), jnp.int32),
            pltpu.VMEM((4, _K, d), jnp.float32),
            pltpu.VMEM_SHARED((_NP, d), jnp.float32),
            pltpu.SemaphoreType.DMA,
            pltpu.SemaphoreType.DMA,
            pltpu.SemaphoreType.DMA,
            pltpu.SemaphoreType.DMA,
            pltpu.SemaphoreType.DMA,
            pltpu.SemaphoreType.DMA,
            pltpu.SemaphoreType.DMA,
            pltpu.SemaphoreType.DMA,
        ],
    )
    def agg(y_hbm, src_hbm, dst_hbm, zeros_hbm, out_hbm,
            srcp, dstp, bufs, shared,
            g0, g1, g2, g3, s0, s1, s2, s3):
        c = lax.axis_index("c")
        s = lax.axis_index("s")
        w = c * _NS + s
        gsem = (g0, g1, g2, g3)
        ssem = (s0, s1, s2, s3)
        pltpu.sync_copy(zeros_hbm, shared.at[pl.ds(s * _RPT, _RPT)])
        plsc.subcore_barrier()

        @pl.loop(0, _NPAN)
        def _panel(p):
            pltpu.sync_copy(src_hbm.at[w, p], srcp)
            pltpu.sync_copy(dst_hbm.at[w, p], dstp)
            for b in range(4):
                pltpu.async_copy(y_hbm.at[srcp.at[b]], bufs.at[b], gsem[b])
            for b in range(4):
                pltpu.make_async_copy(
                    y_hbm.at[srcp.at[b]], bufs.at[b], gsem[b]).wait()
                pltpu.async_copy(bufs.at[b], shared.at[dstp.at[b]],
                                 ssem[b], add=True)

            @pl.loop(4, _CPP - 1, step=4)
            def _pipe(i):
                for b in range(4):
                    pltpu.make_async_copy(
                        bufs.at[b], shared.at[dstp.at[i - 4 + b]],
                        ssem[b]).wait()
                    pltpu.async_copy(y_hbm.at[srcp.at[i + b]], bufs.at[b],
                                     gsem[b])
                for b in range(4):
                    pltpu.make_async_copy(
                        y_hbm.at[srcp.at[i + b]], bufs.at[b], gsem[b]).wait()
                    pltpu.async_copy(bufs.at[b], shared.at[dstp.at[i + b]],
                                     ssem[b], add=True)

            for b in range(4):
                pltpu.make_async_copy(
                    bufs.at[b], shared.at[dstp.at[_CPP - 5 + b]],
                    ssem[b]).wait()
            pltpu.async_copy(y_hbm.at[srcp.at[_CPP - 1]], bufs.at[0], gsem[0])
            pltpu.make_async_copy(
                y_hbm.at[srcp.at[_CPP - 1]], bufs.at[0], gsem[0]).wait()
            pltpu.sync_copy(bufs.at[0], shared.at[dstp.at[_CPP - 1]], add=True)

        plsc.subcore_barrier()
        pltpu.sync_copy(shared.at[pl.ds(s * _RPT, _RPT)],
                        out_hbm.at[c, pl.ds(s * _RPT, _RPT)])

    return agg


_agg128 = _make_agg(128)



def _norm_from(degp):
    deg = degp[0, :, 0:1] + degp[1, :, 0:1]
    return jnp.where(deg > 0, lax.rsqrt(jnp.maximum(deg, 1.0)), 0.0)


def _tc1_body(x_ref, w_ref, degp_ref, y_ref):
    norm = _norm_from(degp_ref[...])
    y_ref[...] = norm * jnp.dot(x_ref[...], w_ref[...],
                                preferred_element_type=jnp.float32)


def _tc_mid_body(p_ref, degp_ref, b_ref, w_ref, y_ref):
    a = p_ref[...]
    norm = _norm_from(degp_ref[...])
    h = (a[0] + a[1]) * norm + b_ref[...]
    y_ref[...] = norm * jnp.dot(h, w_ref[...],
                                preferred_element_type=jnp.float32)


def _tc_scale_body(p_ref, degp_ref, b_ref, y_ref):
    a = p_ref[...]
    norm = _norm_from(degp_ref[...])
    y_ref[...] = norm * ((a[0] + a[1]) * norm + b_ref[...])


def _tc_final_body(p_ref, degp_ref, b_ref, w_ref, out_ref):
    a = p_ref[...]
    norm = _norm_from(degp_ref[...])
    o = jnp.dot((a[0] + a[1]) * norm, w_ref[...],
                preferred_element_type=jnp.float32) + b_ref[...]
    m = jnp.max(o, axis=1, keepdims=True)
    ls = jnp.log(jnp.sum(jnp.exp(o - m), axis=1, keepdims=True))
    out_ref[...] = o - m - ls


_x_spec = pl.BlockSpec((_R, 128), lambda i: (i, 0))
_p_spec = pl.BlockSpec((_NC, _R, 128), lambda i: (0, i, 0))
_degp_spec = pl.BlockSpec((_NC, _R, 16), lambda i: (0, i, 0))


def _tc1(x, w1, degp):
    return pl.pallas_call(
        _tc1_body,
        grid=(_N // _R,),
        in_specs=[_x_spec, pl.BlockSpec((128, 128), lambda i: (0, 0)),
                  _degp_spec],
        out_specs=_x_spec,
        out_shape=jax.ShapeDtypeStruct((_N, 128), jnp.float32),
    )(x, w1, degp)


def _tc_mid(p, degp, b, w):
    return pl.pallas_call(
        _tc_mid_body,
        grid=(_N // _R,),
        in_specs=[_p_spec, _degp_spec,
                  pl.BlockSpec((1, 128), lambda i: (0, 0)),
                  pl.BlockSpec((128, 128), lambda i: (0, 0))],
        out_specs=_x_spec,
        out_shape=jax.ShapeDtypeStruct((_N, 128), jnp.float32),
    )(p, degp, b, w)


def _tc_scale(p, degp, b):
    return pl.pallas_call(
        _tc_scale_body,
        grid=(_N // _R,),
        in_specs=[_p_spec, _degp_spec,
                  pl.BlockSpec((1, 128), lambda i: (0, 0))],
        out_specs=_x_spec,
        out_shape=jax.ShapeDtypeStruct((_N, 128), jnp.float32),
    )(p, degp, b)


def _tc_final(p, degp, b, w):
    return pl.pallas_call(
        _tc_final_body,
        grid=(_N // _R,),
        in_specs=[_p_spec, _degp_spec,
                  pl.BlockSpec((1, 64), lambda i: (0, 0)),
                  pl.BlockSpec((128, 64), lambda i: (0, 0))],
        out_specs=pl.BlockSpec((_R, 64), lambda i: (i, 0)),
        out_shape=jax.ShapeDtypeStruct((_N, 64), jnp.float32),
    )(p, degp, b, w)



def kernel(features, edge_index, W1, b1, W2, b2, W3, b3):
    src = edge_index[0].reshape(_NW, _NPAN, _CPP, _K)
    dst = edge_index[1].reshape(_NW, _NPAN, _CPP, _K)
    dst2 = edge_index[1].reshape(_NW, _NCH, _K)
    ones16 = jnp.ones((_K, 16), jnp.float32)
    z16 = jnp.zeros((_RPT, 16), jnp.float32)
    z128 = jnp.zeros((_RPT, 128), jnp.float32)

    degp = _deg_kernel(dst2, ones16, z16)
    y1 = _tc1(features, W1, degp)
    p1 = _agg128(y1, src, dst, z128)
    y2 = _tc_mid(p1, degp, b1.reshape(1, 128), W2)
    p2 = _agg128(y2, src, dst, z128)
    y3 = _tc_scale(p2, degp, b2.reshape(1, 128))
    p3 = _agg128(y3, src, dst, z128)
    return _tc_final(p3, degp, b3.reshape(1, 64), W3)

# --- scband reference (transcript-rebuilt; emitter-appended) ---
"""Pipeline reference for scband-gcn-23716809408892 (READ-ONLY COPY).

The authoritative reference and input builder live on the scoring server;
editing this copy changes nothing except your own understanding.
"""

import jax, jax.numpy as jnp
import numpy as np

N = 10000
E = 320000
D_IN = 128
D_H = 128
D_OUT = 64


def setup_inputs(seed: int = 0) -> dict:
    key = jax.random.key(seed)
    ks = jax.random.split(key, 8)
    features = jax.random.normal(ks[0], (N, D_IN), dtype=jnp.float32)
    edge_index = jax.random.randint(ks[1], (2, E), 0, N, dtype=jnp.int32)
    W1 = jax.random.normal(ks[2], (D_IN, D_H), dtype=jnp.float32) / np.sqrt(D_IN)
    b1 = jnp.zeros((D_H,), dtype=jnp.float32)
    W2 = jax.random.normal(ks[3], (D_H, D_H), dtype=jnp.float32) / np.sqrt(D_H)
    b2 = jnp.zeros((D_H,), dtype=jnp.float32)
    W3 = jax.random.normal(ks[4], (D_H, D_OUT), dtype=jnp.float32) / np.sqrt(D_H)
    b3 = jnp.zeros((D_OUT,), dtype=jnp.float32)
    return {"features": features, "edge_index": edge_index, "W1": W1, "b1": b1, "W2": W2, "b2": b2, "W3": W3, "b3": b3}


def _gcn_layer(x, src, dst, W, b):
    # DGL GraphConv with norm='both', allow_zero_in_degree=True
    deg = jnp.zeros((N,), dtype=x.dtype).at[dst].add(1.0)
    norm = jnp.where(deg > 0, jax.lax.rsqrt(jnp.maximum(deg, 1.0)), 0.0)
    h = x * norm[:, None]
    m = jnp.take(h, src, axis=0)
    agg = jax.ops.segment_sum(m, dst, num_segments=N)
    agg = agg * norm[:, None]
    return agg @ W + b


def reference(features, edge_index, W1, b1, W2, b2, W3, b3):
    src = edge_index[0]
    dst = edge_index[1]
    h = _gcn_layer(features, src, dst, W1, b1)
    h = _gcn_layer(h, src, dst, W2, b2)
    h = _gcn_layer(h, src, dst, W3, b3)
    return jax.nn.log_softmax(h, axis=1)

if __name__ == "__main__":
    import jax
    _d = setup_inputs()
    print(jax.jit(kernel)(*tuple(_d.values())))

</pallas_src>

<mosaic_0001>
#map = affine_map<(d0, d1) -> (0, 0)>
#map1 = affine_map<(d0, d1) -> (0, 0, 0, 0)>
#map2 = affine_map<(d0, d1) -> (0, 0, 0)>
module attributes {stable_mosaic.version = 14 : i64} {
  func.func @agg(%arg0: i32, %arg1: i32, %arg2: memref<10000x128xf32, #tpu.memory_space<hbm>>, %arg3: memref<32x5x25x80xi32, #tpu.memory_space<hbm>>, %arg4: memref<32x5x25x80xi32, #tpu.memory_space<hbm>>, %arg5: memref<640x128xf32, #tpu.memory_space<hbm>>, %arg6: memref<2x10240x128xf32, #tpu.memory_space<hbm>>, %arg7: memref<25x80xi32, #tpu.memory_space<vmem>>, %arg8: memref<25x80xi32, #tpu.memory_space<vmem>>, %arg9: memref<4x80x128xf32, #tpu.memory_space<vmem>>, %arg10: memref<10240x128xf32, #tpu.memory_space<vmem_shared>>, %arg11: memref<!tpu.dma_semaphore, #tpu.memory_space<semaphore_mem>>, %arg12: memref<!tpu.dma_semaphore, #tpu.memory_space<semaphore_mem>>, %arg13: memref<!tpu.dma_semaphore, #tpu.memory_space<semaphore_mem>>, %arg14: memref<!tpu.dma_semaphore, #tpu.memory_space<semaphore_mem>>, %arg15: memref<!tpu.dma_semaphore, #tpu.memory_space<semaphore_mem>>, %arg16: memref<!tpu.dma_semaphore, #tpu.memory_space<semaphore_mem>>, %arg17: memref<!tpu.dma_semaphore, #tpu.memory_space<semaphore_mem>>, %arg18: memref<!tpu.dma_semaphore, #tpu.memory_space<semaphore_mem>>) attributes {dimension_semantics = [#tpu.dimension_semantics<core_parallel>, #tpu.dimension_semantics<subcore_parallel>], iteration_bounds = array<i64: 2, 16>, scalar_prefetch = 0 : i64, scratch_operands = 12 : i64, tpu.core_type = #tpu.core_type<sc_vector_subcore>, window_params = [{transform_indices = #map}, {transform_indices = #map1}, {transform_indices = #map1}, {transform_indices = #map}, {transform_indices = #map2}]} {
    %mul3A = arith.constant 16 : i32
    %mul3A_0 = arith.muli %arg0, %mul3A : i32
    %add3A = arith.addi %mul3A_0, %arg1 : i32
    %mul3A_1 = arith.constant 640 : i32
    %mul3A_2 = arith.muli %arg1, %mul3A_1 : i32
    "tpu.region"() ({
      %run_scoped3A = tpu.sem_alloc : memref<!tpu.dma_semaphore, #tpu.memory_space<semaphore_mem>>
      %dma_start3A = arith.constant 0 : i32
      %dma_start3A_12 = tpu.memref_slice %arg10[%mul3A_2, %dma_start3A] : memref<10240x128xf32, #tpu.memory_space<vmem_shared>> -> memref<640x128xf32, #tpu.memory_space<vmem_shared>>
      tpu.enqueue_dma source(%arg5 : memref<640x128xf32, #tpu.memory_space<hbm>>) target(%dma_start3A_12 : memref<640x128xf32, #tpu.memory_space<vmem_shared>>) target_semaphore(%run_scoped3A : memref<!tpu.dma_semaphore, #tpu.memory_space<semaphore_mem>>)
      %dma_wait3A = arith.constant 0 : i32
      %dma_wait3A_13 = tpu.memref_slice %arg10[%mul3A_2, %dma_wait3A] : memref<10240x128xf32, #tpu.memory_space<vmem_shared>> -> memref<640x128xf32, #tpu.memory_space<vmem_shared>>
      tpu.wait_dma2 semaphore(%run_scoped3A : memref<!tpu.dma_semaphore, #tpu.memory_space<semaphore_mem>>) src(%arg5 : memref<640x128xf32, #tpu.memory_space<hbm>>) dst(%dma_wait3A_13 : memref<640x128xf32, #tpu.memory_space<vmem_shared>>)
      tpu.yield
    }) : () -> ()
    %barrier3A = arith.constant 0 : index
    tpu.barrier barrier_id(%barrier3A)
    %scan3A = arith.constant 0 : i32
    %scan3A_3 = arith.constant 5 : i32
    %scan3A_4 = arith.addi %scan3A, %scan3A_3 : i32
    %scan3A_5 = arith.constant 1 : i32
    scf.for %scan3A_12 = %scan3A to %scan3A_4 step %scan3A_5  : i32 {
      %mul3A_13 = arith.constant 1 : i32
      %mul3A_14 = arith.muli %scan3A_12, %mul3A_13 : i32
      %add3A_15 = arith.constant 0 : i32
      %add3A_16 = arith.addi %add3A_15, %mul3A_14 : i32
      "tpu.region"() ({
        %run_scoped3A_237 = tpu.sem_alloc : memref<!tpu.dma_semaphore, #tpu.memory_space<semaphore_mem>>
        %dma_start3A_238 = arith.constant 0 : i32
        %dma_start3A_239 = arith.constant 0 : i32
        %dma_start3A_240 = tpu.memref_slice %arg3[%add3A, %add3A_16, %dma_start3A_238, %dma_start3A_239] : memref<32x5x25x80xi32, #tpu.memory_space<hbm>> -> memref<1x1x25x80xi32, #tpu.memory_space<hbm>>
        %dma_start3A_241 = tpu.memref_squeeze %dma_start3A_240 : memref<1x1x25x80xi32, #tpu.memory_space<hbm>> -> memref<25x80xi32, #tpu.memory_space<hbm>>
        %dma_start3A_242 = arith.constant 0 : i32
        %dma_start3A_243 = arith.constant 0 : i32
        %dma_start3A_244 = tpu.memref_slice %arg3[%add3A, %add3A_16, %dma_start3A_242, %dma_start3A_243] : memref<32x5x25x80xi32, #tpu.memory_space<hbm>> -> memref<1x1x25x80xi32, #tpu.memory_space<hbm>>
        %dma_start3A_245 = tpu.memref_squeeze %dma_start3A_244 : memref<1x1x25x80xi32, #tpu.memory_space<hbm>> -> memref<25x80xi32, #tpu.memory_space<hbm>>
        tpu.enqueue_dma source(%dma_start3A_245 : memref<25x80xi32, #tpu.memory_space<hbm>>) target(%arg7 : memref<25x80xi32, #tpu.memory_space<vmem>>) target_semaphore(%run_scoped3A_237 : memref<!tpu.dma_semaphore, #tpu.memory_space<semaphore_mem>>)
        %dma_wait3A_246 = arith.constant 0 : i32
        %dma_wait3A_247 = arith.constant 0 : i32
        %dma_wait3A_248 = tpu.memref_slice %arg3[%add3A, %add3A_16, %dma_wait3A_246, %dma_wait3A_247] : memref<32x5x25x80xi32, #tpu.memory_space<hbm>> -> memref<1x1x25x80xi32, #tpu.memory_space<hbm>>
        %dma_wait3A_249 = tpu.memref_squeeze %dma_wait3A_248 : memref<1x1x25x80xi32, #tpu.memory_space<hbm>> -> memref<25x80xi32, #tpu.memory_space<hbm>>
        %dma_wait3A_250 = arith.constant 0 : i32
        %dma_wait3A_251 = arith.constant 0 : i32
        %dma_wait3A_252 = tpu.memref_slice %arg3[%add3A, %add3A_16, %dma_wait3A_250, %dma_wait3A_251] : memref<32x5x25x80xi32, #tpu.memory_space<hbm>> -> memref<1x1x25x80xi32, #tpu.memory_space<hbm>>
        %dma_wait3A_253 = tpu.memref_squeeze %dma_wait3A_252 : memref<1x1x25x80xi32, #tpu.memory_space<hbm>> -> memref<25x80xi32, #tpu.memory_space<hbm>>
        tpu.wait_dma2 semaphore(%run_scoped3A_237 : memref<!tpu.dma_semaphore, #tpu.memory_space<semaphore_mem>>) src(%dma_wait3A_253 : memref<25x80xi32, #tpu.memory_space<hbm>>) dst(%arg7 : memref<25x80xi32, #tpu.memory_space<vmem>>)
        tpu.yield
      }) : () -> ()
      "tpu.region"() ({
        %run_scoped3A_237 = tpu.sem_alloc : memref<!tpu.dma_semaphore, #tpu.memory_space<semaphore_mem>>
        %dma_start3A_238 = arith.constant 0 : i32
        %dma_start3A_239 = arith.constant 0 : i32
        %dma_start3A_240 = tpu.memref_slice %arg4[%add3A, %add3A_16, %dma_start3A_238, %dma_start3A_239] : memref<32x5x25x80xi32, #tpu.memory_space<hbm>> -> memref<1x1x25x80xi32, #tpu.memory_space<hbm>>
        %dma_start3A_241 = tpu.memref_squeeze %dma_start3A_240 : memref<1x1x25x80xi32, #tpu.memory_space<hbm>> -> memref<25x80xi32, #tpu.memory_space<hbm>>
        %dma_start3A_242 = arith.constant 0 : i32
        %dma_start3A_243 = arith.constant 0 : i32
        %dma_start3A_244 = tpu.memref_slice %arg4[%add3A, %add3A_16, %dma_start3A_242, %dma_start3A_243] : memref<32x5x25x80xi32, #tpu.memory_space<hbm>> -> memref<1x1x25x80xi32, #tpu.memory_space<hbm>>
        %dma_start3A_245 = tpu.memref_squeeze %dma_start3A_244 : memref<1x1x25x80xi32, #tpu.memory_space<hbm>> -> memref<25x80xi32, #tpu.memory_space<hbm>>
        tpu.enqueue_dma source(%dma_start3A_245 : memref<25x80xi32, #tpu.memory_space<hbm>>) target(%arg8 : memref<25x80xi32, #tpu.memory_space<vmem>>) target_semaphore(%run_scoped3A_237 : memref<!tpu.dma_semaphore, #tpu.memory_space<semaphore_mem>>)
        %dma_wait3A_246 = arith.constant 0 : i32
        %dma_wait3A_247 = arith.constant 0 : i32
        %dma_wait3A_248 = tpu.memref_slice %arg4[%add3A, %add3A_16, %dma_wait3A_246, %dma_wait3A_247] : memref<32x5x25x80xi32, #tpu.memory_space<hbm>> -> memref<1x1x25x80xi32, #tpu.memory_space<hbm>>
        %dma_wait3A_249 = tpu.memref_squeeze %dma_wait3A_248 : memref<1x1x25x80xi32, #tpu.memory_space<hbm>> -> memref<25x80xi32, #tpu.memory_space<hbm>>
        %dma_wait3A_250 = arith.constant 0 : i32
        %dma_wait3A_251 = arith.constant 0 : i32
        %dma_wait3A_252 = tpu.memref_slice %arg4[%add3A, %add3A_16, %dma_wait3A_250, %dma_wait3A_251] : memref<32x5x25x80xi32, #tpu.memory_space<hbm>> -> memref<1x1x25x80xi32, #tpu.memory_space<hbm>>
        %dma_wait3A_253 = tpu.memref_squeeze %dma_wait3A_252 : memref<1x1x25x80xi32, #tpu.memory_space<hbm>> -> memref<25x80xi32, #tpu.memory_space<hbm>>
        tpu.wait_dma2 semaphore(%run_scoped3A_237 : memref<!tpu.dma_semaphore, #tpu.memory_space<semaphore_mem>>) src(%dma_wait3A_253 : memref<25x80xi32, #tpu.memory_space<hbm>>) dst(%arg8 : memref<25x80xi32, #tpu.memory_space<vmem>>)
        tpu.yield
      }) : () -> ()
      %dma_start3A = arith.constant 0 : i32
      %dma_start3A_17 = arith.constant 0 : i32
      %dma_start3A_18 = arith.constant 0 : i32
      %dma_start3A_19 = arith.constant 0 : i32
      %dma_start3A_20 = tpu.memref_slice %arg9[%dma_start3A_17, %dma_start3A_18, %dma_start3A_19] : memref<4x80x128xf32, #tpu.memory_space<vmem>> -> memref<1x80x128xf32, #tpu.memory_space<vmem>>
      %dma_start3A_21 = tpu.memref_squeeze %dma_start3A_20 : memref<1x80x128xf32, #tpu.memory_space<vmem>> -> memref<80x128xf32, #tpu.memory_space<vmem>>
      %dma_start3A_22 = arith.constant 0 : i32
      %dma_start3A_23 = tpu.memref_slice %arg7[%dma_start3A, %dma_start3A_22] : memref<25x80xi32, #tpu.memory_space<vmem>> -> memref<1x80xi32, #tpu.memory_space<vmem>>
      %dma_start3A_24 = tpu.memref_squeeze %dma_start3A_23 : memref<1x80xi32, #tpu.memory_space<vmem>> -> memref<80xi32, #tpu.memory_space<vmem>>
      %dma_start3A_25 = arith.constant 0 : i32
      %dma_start3A_26 = arith.constant 0 : i32
      %dma_start3A_27 = tpu.memref_slice %arg2[%dma_start3A_25, %dma_start3A_26] : memref<10000x128xf32, #tpu.memory_space<hbm>> -> memref<10000x128xf32, #tpu.memory_space<hbm>>
      tpu.enqueue_indirect_dma source(%dma_start3A_27 : memref<10000x128xf32, #tpu.memory_space<hbm>>) target(%dma_start3A_21 : memref<80x128xf32, #tpu.memory_space<vmem>>) offsets(%dma_start3A_24 : memref<80xi32, #tpu.memory_space<vmem>>) semaphore(%arg11 : memref<!tpu.dma_semaphore, #tpu.memory_space<semaphore_mem>>)
      %dma_start3A_28 = arith.constant 1 : i32
      %dma_start3A_29 = arith.constant 1 : i32
      %dma_start3A_30 = arith.constant 0 : i32
      %dma_start3A_31 = arith.constant 0 : i32
      %dma_start3A_32 = tpu.memref_slice %arg9[%dma_start3A_29, %dma_start3A_30, %dma_start3A_31] : memref<4x80x128xf32, #tpu.memory_space<vmem>> -> memref<1x80x128xf32, #tpu.memory_space<vmem>>
      %dma_start3A_33 = tpu.memref_squeeze %dma_start3A_32 : memref<1x80x128xf32, #tpu.memory_space<vmem>> -> memref<80x128xf32, #tpu.memory_space<vmem>>
      %dma_start3A_34 = arith.constant 0 : i32
      %dma_start3A_35 = tpu.memref_slice %arg7[%dma_start3A_28, %dma_start3A_34] : memref<25x80xi32, #tpu.memory_space<vmem>> -> memref<1x80xi32, #tpu.memory_space<vmem>>
      %dma_start3A_36 = tpu.memref_squeeze %dma_start3A_35 : memref<1x80xi32, #tpu.memory_space<vmem>> -> memref<80xi32, #tpu.memory_space<vmem>>
      %dma_start3A_37 = arith.constant 0 : i32
      %dma_start3A_38 = arith.constant 0 : i32
      %dma_start3A_39 = tpu.memref_slice %arg2[%dma_start3A_37, %dma_start3A_38] : memref<10000x128xf32, #tpu.memory_space<hbm>> -> memref<10000x128xf32, #tpu.memory_space<hbm>>
      tpu.enqueue_indirect_dma source(%dma_start3A_39 : memref<10000x128xf32, #tpu.memory_space<hbm>>) target(%dma_start3A_33 : memref<80x128xf32, #tpu.memory_space<vmem>>) offsets(%dma_start3A_36 : memref<80xi32, #tpu.memory_space<vmem>>) semaphore(%arg12 : memref<!tpu.dma_semaphore, #tpu.memory_space<semaphore_mem>>)
      %dma_start3A_40 = arith.constant 2 : i32
      %dma_start3A_41 = arith.constant 2 : i32
      %dma_start3A_42 = arith.constant 0 : i32
      %dma_start3A_43 = arith.constant 0 : i32
      %dma_start3A_44 = tpu.memref_slice %arg9[%dma_start3A_41, %dma_start3A_42, %dma_start3A_43] : memref<4x80x128xf32, #tpu.memory_space<vmem>> -> memref<1x80x128xf32, #tpu.memory_space<vmem>>
      %dma_start3A_45 = tpu.memref_squeeze %dma_start3A_44 : memref<1x80x128xf32, #tpu.memory_space<vmem>> -> memref<80x128xf32, #tpu.memory_space<vmem>>
      %dma_start3A_46 = arith.constant 0 : i32
      %dma_start3A_47 = tpu.memref_slice %arg7[%dma_start3A_40, %dma_start3A_46] : memref<25x80xi32, #tpu.memory_space<vmem>> -> memref<1x80xi32, #tpu.memory_space<vmem>>
      %dma_start3A_48 = tpu.memref_squeeze %dma_start3A_47 : memref<1x80xi32, #tpu.memory_space<vmem>> -> memref<80xi32, #tpu.memory_space<vmem>>
      %dma_start3A_49 = arith.constant 0 : i32
      %dma_start3A_50 = arith.constant 0 : i32
      %dma_start3A_51 = tpu.memref_slice %arg2[%dma_start3A_49, %dma_start3A_50] : memref<10000x128xf32, #tpu.memory_space<hbm>> -> memref<10000x128xf32, #tpu.memory_space<hbm>>
      tpu.enqueue_indirect_dma source(%dma_start3A_51 : memref<10000x128xf32, #tpu.memory_space<hbm>>) target(%dma_start3A_45 : memref<80x128xf32, #tpu.memory_space<vmem>>) offsets(%dma_start3A_48 : memref<80xi32, #tpu.memory_space<vmem>>) semaphore(%arg13 : memref<!tpu.dma_semaphore, #tpu.memory_space<semaphore_mem>>)
      %dma_start3A_52 = arith.constant 3 : i32
      %dma_start3A_53 = arith.constant 3 : i32
      %dma_start3A_54 = arith.constant 0 : i32
      %dma_start3A_55 = arith.constant 0 : i32
      %dma_start3A_56 = tpu.memref_slice %arg9[%dma_start3A_53, %dma_start3A_54, %dma_start3A_55] : memref<4x80x128xf32, #tpu.memory_space<vmem>> -> memref<1x80x128xf32, #tpu.memory_space<vmem>>
      %dma_start3A_57 = tpu.memref_squeeze %dma_start3A_56 : memref<1x80x128xf32, #tpu.memory_space<vmem>> -> memref<80x128xf32, #tpu.memory_space<vmem>>
      %dma_start3A_58 = arith.constant 0 : i32
      %dma_start3A_59 = tpu.memref_slice %arg7[%dma_start3A_52, %dma_start3A_58] : memref<25x80xi32, #tpu.memory_space<vmem>> -> memref<1x80xi32, #tpu.memory_space<vmem>>
      %dma_start3A_60 = tpu.memref_squeeze %dma_start3A_59 : memref<1x80xi32, #tpu.memory_space<vmem>> -> memref<80xi32, #tpu.memory_space<vmem>>
      %dma_start3A_61 = arith.constant 0 : i32
      %dma_start3A_62 = arith.constant 0 : i32
      %dma_start3A_63 = tpu.memref_slice %arg2[%dma_start3A_61, %dma_start3A_62] : memref<10000x128xf32, #tpu.memory_space<hbm>> -> memref<10000x128xf32, #tpu.memory_space<hbm>>
      tpu.enqueue_indirect_dma source(%dma_start3A_63 : memref<10000x128xf32, #tpu.memory_space<hbm>>) target(%dma_start3A_57 : memref<80x128xf32, #tpu.memory_space<vmem>>) offsets(%dma_start3A_60 : memref<80xi32, #tpu.memory_space<vmem>>) semaphore(%arg14 : memref<!tpu.dma_semaphore, #tpu.memory_space<semaphore_mem>>)
      %dma_wait3A = arith.constant 0 : i32
      %dma_wait3A_64 = arith.constant 0 : i32
      %dma_wait3A_65 = arith.constant 0 : i32
      %dma_wait3A_66 = arith.constant 0 : i32
      %dma_wait3A_67 = tpu.memref_slice %arg9[%dma_wait3A_64, %dma_wait3A_65, %dma_wait3A_66] : memref<4x80x128xf32, #tpu.memory_space<vmem>> -> memref<1x80x128xf32, #tpu.memory_space<vmem>>
      %dma_wait3A_68 = tpu.memref_squeeze %dma_wait3A_67 : memref<1x80x128xf32, #tpu.memory_space<vmem>> -> memref<80x128xf32, #tpu.memory_space<vmem>>
      %dma_wait3A_69 = arith.constant 0 : i32
      %dma_wait3A_70 = tpu.memref_slice %arg7[%dma_wait3A, %dma_wait3A_69] : memref<25x80xi32, #tpu.memory_space<vmem>> -> memref<1x80xi32, #tpu.memory_space<vmem>>
      %dma_wait3A_71 = tpu.memref_squeeze %dma_wait3A_70 : memref<1x80xi32, #tpu.memory_space<vmem>> -> memref<80xi32, #tpu.memory_space<vmem>>
      %dma_wait3A_72 = arith.constant 0 : i32
      %dma_wait3A_73 = arith.constant 0 : i32
      %dma_wait3A_74 = tpu.memref_slice %arg2[%dma_wait3A_72, %dma_wait3A_73] : memref<10000x128xf32, #tpu.memory_space<hbm>> -> memref<10000x128xf32, #tpu.memory_space<hbm>>
      tpu.wait_indirect_dma semaphore(%arg11 : memref<!tpu.dma_semaphore, #tpu.memory_space<semaphore_mem>>) src(%dma_wait3A_74 : memref<10000x128xf32, #tpu.memory_space<hbm>>) dst(%dma_wait3A_68 : memref<80x128xf32, #tpu.memory_space<vmem>>)
      %dma_start3A_75 = arith.constant 0 : i32
      %dma_start3A_76 = arith.constant 0 : i32
      %dma_start3A_77 = arith.constant 0 : i32
      %dma_start3A_78 = arith.constant 0 : i32
      %dma_start3A_79 = tpu.memref_slice %arg9[%dma_start3A_75, %dma_start3A_77, %dma_start3A_78] : memref<4x80x128xf32, #tpu.memory_space<vmem>> -> memref<1x80x128xf32, #tpu.memory_space<vmem>>
      %dma_start3A_80 = tpu.memref_squeeze %dma_start3A_79 : memref<1x80x128xf32, #tpu.memory_space<vmem>> -> memref<80x128xf32, #tpu.memory_space<vmem>>
      %dma_start3A_81 = arith.constant 0 : i32
      %dma_start3A_82 = tpu.memref_slice %arg8[%dma_start3A_76, %dma_start3A_81] : memref<25x80xi32, #tpu.memory_space<vmem>> -> memref<1x80xi32, #tpu.memory_space<vmem>>
      %dma_start3A_83 = tpu.memref_squeeze %dma_start3A_82 : memref<1x80xi32, #tpu.memory_space<vmem>> -> memref<80xi32, #tpu.memory_space<vmem>>
      %dma_start3A_84 = arith.constant 0 : i32
      %dma_start3A_85 = arith.constant 0 : i32
      %dma_start3A_86 = tpu.memref_slice %arg10[%dma_start3A_84, %dma_start3A_85] : memref<10240x128xf32, #tpu.memory_space<vmem_shared>> -> memref<10240x128xf32, #tpu.memory_space<vmem_shared>>
      tpu.enqueue_indirect_dma source(%dma_start3A_80 : memref<80x128xf32, #tpu.memory_space<vmem>>) target(%dma_start3A_86 : memref<10240x128xf32, #tpu.memory_space<vmem_shared>>) offsets(%dma_start3A_83 : memref<80xi32, #tpu.memory_space<vmem>>) semaphore(%arg15 : memref<!tpu.dma_semaphore, #tpu.memory_space<semaphore_mem>>) {add = true}
      %dma_wait3A_87 = arith.constant 1 : i32
      %dma_wait3A_88 = arith.constant 1 : i32
      %dma_wait3A_89 = arith.constant 0 : i32
      %dma_wait3A_90 = arith.constant 0 : i32
      %dma_wait3A_91 = tpu.memref_slice %arg9[%dma_wait3A_88, %dma_wait3A_89, %dma_wait3A_90] : memref<4x80x128xf32, #tpu.memory_space<vmem>> -> memref<1x80x128xf32, #tpu.memory_space<vmem>>
      %dma_wait3A_92 = tpu.memref_squeeze %dma_wait3A_91 : memref<1x80x128xf32, #tpu.memory_space<vmem>> -> memref<80x128xf32, #tpu.memory_space<vmem>>
      %dma_wait3A_93 = arith.constant 0 : i32
      %dma_wait3A_94 = tpu.memref_slice %arg7[%dma_wait3A_87, %dma_wait3A_93] : memref<25x80xi32, #tpu.memory_space<vmem>> -> memref<1x80xi32, #tpu.memory_space<vmem>>
      %dma_wait3A_95 = tpu.memref_squeeze %dma_wait3A_94 : memref<1x80xi32, #tpu.memory_space<vmem>> -> memref<80xi32, #tpu.memory_space<vmem>>
      %dma_wait3A_96 = arith.constant 0 : i32
      %dma_wait3A_97 = arith.constant 0 : i32
      %dma_wait3A_98 = tpu.memref_slice %arg2[%dma_wait3A_96, %dma_wait3A_97] : memref<10000x128xf32, #tpu.memory_space<hbm>> -> memref<10000x128xf32, #tpu.memory_space<hbm>>
      tpu.wait_indirect_dma semaphore(%arg12 : memref<!tpu.dma_semaphore, #tpu.memory_space<semaphore_mem>>) src(%dma_wait3A_98 : memref<10000x128xf32, #tpu.memory_space<hbm>>) dst(%dma_wait3A_92 : memref<80x128xf32, #tpu.memory_space<vmem>>)
      %dma_start3A_99 = arith.constant 1 : i32
      %dma_start3A_100 = arith.constant 1 : i32
      %dma_start3A_101 = arith.constant 0 : i32
      %dma_start3A_102 = arith.constant 0 : i32
      %dma_start3A_103 = tpu.memref_slice %arg9[%dma_start3A_99, %dma_start3A_101, %dma_start3A_102] : memref<4x80x128xf32, #tpu.memory_space<vmem>> -> memref<1x80x128xf32, #tpu.memory_space<vmem>>
      %dma_start3A_104 = tpu.memref_squeeze %dma_start3A_103 : memref<1x80x128xf32, #tpu.memory_space<vmem>> -> memref<80x128xf32, #tpu.memory_space<vmem>>
      %dma_start3A_105 = arith.constant 0 : i32
      %dma_start3A_106 = tpu.memref_slice %arg8[%dma_start3A_100, %dma_start3A_105] : memref<25x80xi32, #tpu.memory_space<vmem>> -> memref<1x80xi32, #tpu.memory_space<vmem>>
      %dma_start3A_107 = tpu.memref_squeeze %dma_start3A_106 : memref<1x80xi32, #tpu.memory_space<vmem>> -> memref<80xi32, #tpu.memory_space<vmem>>
      %dma_start3A_108 = arith.constant 0 : i32
      %dma_start3A_109 = arith.constant 0 : i32
      %dma_start3A_110 = tpu.memref_slice %arg10[%dma_start3A_108, %dma_start3A_109] : memref<10240x128xf32, #tpu.memory_space<vmem_shared>> -> memref<10240x128xf32, #tpu.memory_space<vmem_shared>>
      tpu.enqueue_indirect_dma source(%dma_start3A_104 : memref<80x128xf32, #tpu.memory_space<vmem>>) target(%dma_start3A_110 : memref<10240x128xf32, #tpu.memory_space<vmem_shared>>) offsets(%dma_start3A_107 : memref<80xi32, #tpu.memory_space<vmem>>) semaphore(%arg16 : memref<!tpu.dma_semaphore, #tpu.memory_space<semaphore_mem>>) {add = true}
      %dma_wait3A_111 = arith.constant 2 : i32
      %dma_wait3A_112 = arith.constant 2 : i32
      %dma_wait3A_113 = arith.constant 0 : i32
      %dma_wait3A_114 = arith.constant 0 : i32
      %dma_wait3A_115 = tpu.memref_slice %arg9[%dma_wait3A_112, %dma_wait3A_113, %dma_wait3A_114] : memref<4x80x128xf32, #tpu.memory_space<vmem>> -> memref<1x80x128xf32, #tpu.memory_space<vmem>>
      %dma_wait3A_116 = tpu.memref_squeeze %dma_wait3A_115 : memref<1x80x128xf32, #tpu.memory_space<vmem>> -> memref<80x128xf32, #tpu.memory_space<vmem>>
      %dma_wait3A_117 = arith.constant 0 : i32
      %dma_wait3A_118 = tpu.memref_slice %arg7[%dma_wait3A_111, %dma_wait3A_117] : memref<25x80xi32, #tpu.memory_space<vmem>> -> memref<1x80xi32, #tpu.memory_space<vmem>>
      %dma_wait3A_119 = tpu.memref_squeeze %dma_wait3A_118 : memref<1x80xi32, #tpu.memory_space<vmem>> -> memref<80xi32, #tpu.memory_space<vmem>>
      %dma_wait3A_120 = arith.constant 0 : i32
      %dma_wait3A_121 = arith.constant 0 : i32
      %dma_wait3A_122 = tpu.memref_slice %arg2[%dma_wait3A_120, %dma_wait3A_121] : memref<10000x128xf32, #tpu.memory_space<hbm>> -> memref<10000x128xf32, #tpu.memory_space<hbm>>
      tpu.wait_indirect_dma semaphore(%arg13 : memref<!tpu.dma_semaphore, #tpu.memory_space<semaphore_mem>>) src(%dma_wait3A_122 : memref<10000x128xf32, #tpu.memory_space<hbm>>) dst(%dma_wait3A_116 : memref<80x128xf32, #tpu.memory_space<vmem>>)
      %dma_start3A_123 = arith.constant 2 : i32
      %dma_start3A_124 = arith.constant 2 : i32
      %dma_start3A_125 = arith.constant 0 : i32
      %dma_start3A_126 = arith.constant 0 : i32
      %dma_start3A_127 = tpu.memref_slice %arg9[%dma_start3A_123, %dma_start3A_125, %dma_start3A_126] : memref<4x80x128xf32, #tpu.memory_space<vmem>> -> memref<1x80x128xf32, #tpu.memory_space<vmem>>
      %dma_start3A_128 = tpu.memref_squeeze %dma_start3A_127 : memref<1x80x128xf32, #tpu.memory_space<vmem>> -> memref<80x128xf32, #tpu.memory_space<vmem>>
      %dma_start3A_129 = arith.constant 0 : i32
      %dma_start3A_130 = tpu.memref_slice %arg8[%dma_start3A_124, %dma_start3A_129] : memref<25x80xi32, #tpu.memory_space<vmem>> -> memref<1x80xi32, #tpu.memory_space<vmem>>
      %dma_start3A_131 = tpu.memref_squeeze %dma_start3A_130 : memref<1x80xi32, #tpu.memory_space<vmem>> -> memref<80xi32, #tpu.memory_space<vmem>>
      %dma_start3A_132 = arith.constant 0 : i32
      %dma_start3A_133 = arith.constant 0 : i32
      %dma_start3A_134 = tpu.memref_slice %arg10[%dma_start3A_132, %dma_start3A_133] : memref<10240x128xf32, #tpu.memory_space<vmem_shared>> -> memref<10240x128xf32, #tpu.memory_space<vmem_shared>>
      tpu.enqueue_indirect_dma source(%dma_start3A_128 : memref<80x128xf32, #tpu.memory_space<vmem>>) target(%dma_start3A_134 : memref<10240x128xf32, #tpu.memory_space<vmem_shared>>) offsets(%dma_start3A_131 : memref<80xi32, #tpu.memory_space<vmem>>) semaphore(%arg17 : memref<!tpu.dma_semaphore, #tpu.memory_space<semaphore_mem>>) {add = true}
      %dma_wait3A_135 = arith.constant 3 : i32
      %dma_wait3A_136 = arith.constant 3 : i32
      %dma_wait3A_137 = arith.constant 0 : i32
      %dma_wait3A_138 = arith.constant 0 : i32
      %dma_wait3A_139 = tpu.memref_slice %arg9[%dma_wait3A_136, %dma_wait3A_137, %dma_wait3A_138] : memref<4x80x128xf32, #tpu.memory_space<vmem>> -> memref<1x80x128xf32, #tpu.memory_space<vmem>>
      %dma_wait3A_140 = tpu.memref_squeeze %dma_wait3A_139 : memref<1x80x128xf32, #tpu.memory_space<vmem>> -> memref<80x128xf32, #tpu.memory_space<vmem>>
      %dma_wait3A_141 = arith.constant 0 : i32
      %dma_wait3A_142 = tpu.memref_slice %arg7[%dma_wait3A_135, %dma_wait3A_141] : memref<25x80xi32, #tpu.memory_space<vmem>> -> memref<1x80xi32, #tpu.memory_space<vmem>>
      %dma_wait3A_143 = tpu.memref_squeeze %dma_wait3A_142 : memref<1x80xi32, #tpu.memory_space<vmem>> -> memref<80xi32, #tpu.memory_space<vmem>>
      %dma_wait3A_144 = arith.constant 0 : i32
      %dma_wait3A_145 = arith.constant 0 : i32
      %dma_wait3A_146 = tpu.memref_slice %arg2[%dma_wait3A_144, %dma_wait3A_145] : memref<10000x128xf32, #tpu.memory_space<hbm>> -> memref<10000x128xf32, #tpu.memory_space<hbm>>
      tpu.wait_indirect_dma semaphore(%arg14 : memref<!tpu.dma_semaphore, #tpu.memory_space<semaphore_mem>>) src(%dma_wait3A_146 : memref<10000x128xf32, #tpu.memory_space<hbm>>) dst(%dma_wait3A_140 : memref<80x128xf32, #tpu.memory_space<vmem>>)
      %dma_start3A_147 = arith.constant 3 : i32
      %dma_start3A_148 = arith.constant 3 : i32
      %dma_start3A_149 = arith.constant 0 : i32
      %dma_start3A_150 = arith.constant 0 : i32
      %dma_start3A_151 = tpu.memref_slice %arg9[%dma_start3A_147, %dma_start3A_149, %dma_start3A_150] : memref<4x80x128xf32, #tpu.memory_space<vmem>> -> memref<1x80x128xf32, #tpu.memory_space<vmem>>
      %dma_start3A_152 = tpu.memref_squeeze %dma_start3A_151 : memref<1x80x128xf32, #tpu.memory_space<vmem>> -> memref<80x128xf32, #tpu.memory_space<vmem>>
      %dma_start3A_153 = arith.constant 0 : i32
      %dma_start3A_154 = tpu.memref_slice %arg8[%dma_start3A_148, %dma_start3A_153] : memref<25x80xi32, #tpu.memory_space<vmem>> -> memref<1x80xi32, #tpu.memory_space<vmem>>
      %dma_start3A_155 = tpu.memref_squeeze %dma_start3A_154 : memref<1x80xi32, #tpu.memory_space<vmem>> -> memref<80xi32, #tpu.memory_space<vmem>>
      %dma_start3A_156 = arith.constant 0 : i32
      %dma_start3A_157 = arith.constant 0 : i32
      %dma_start3A_158 = tpu.memref_slice %arg10[%dma_start3A_156, %dma_start3A_157] : memref<10240x128xf32, #tpu.memory_space<vmem_shared>> -> memref<10240x128xf32, #tpu.memory_space<vmem_shared>>
      tpu.enqueue_indirect_dma source(%dma_start3A_152 : memref<80x128xf32, #tpu.memory_space<vmem>>) target(%dma_start3A_158 : memref<10240x128xf32, #tpu.memory_space<vmem_shared>>) offsets(%dma_start3A_155 : memref<80xi32, #tpu.memory_space<vmem>>) semaphore(%arg18 : memref<!tpu.dma_semaphore, #tpu.memory_space<semaphore_mem>>) {add = true}
      %scan3A_159 = arith.constant 0 : i32
      %scan3A_160 = arith.constant 5 : i32
      %scan3A_161 = arith.addi %scan3A_159, %scan3A_160 : i32
      %scan3A_162 = arith.constant 1 : i32
      scf.for %scan3A_237 = %scan3A_159 to %scan3A_161 step %scan3A_162  : i32 {
        %mul3A_238 = arith.constant 4 : i32
        %mul3A_239 = arith.muli %scan3A_237, %mul3A_238 : i32
        %add3A_240 = arith.constant 4 : i32
        %add3A_241 = arith.addi %add3A_240, %mul3A_239 : i32
        %sub3A = arith.constant 4 : i32
        %sub3A_242 = arith.subi %add3A_241, %sub3A : i32
        %add3A_243 = arith.constant 0 : i32
        %add3A_244 = arith.addi %sub3A_242, %add3A_243 : i32
        %dma_wait3A_245 = arith.constant 0 : i32
        %dma_wait3A_246 = arith.constant 0 : i32
        %dma_wait3A_247 = arith.constant 0 : i32
        %dma_wait3A_248 = tpu.memref_slice %arg9[%dma_wait3A_245, %dma_wait3A_246, %dma_wait3A_247] : memref<4x80x128xf32, #tpu.memory_space<vmem>> -> memref<1x80x128xf32, #tpu.memory_space<vmem>>
        %dma_wait3A_249 = tpu.memref_squeeze %dma_wait3A_248 : memref<1x80x128xf32, #tpu.memory_space<vmem>> -> memref<80x128xf32, #tpu.memory_space<vmem>>
        %dma_wait3A_250 = arith.constant 0 : i32
        %dma_wait3A_251 = tpu.memref_slice %arg8[%add3A_244, %dma_wait3A_250] : memref<25x80xi32, #tpu.memory_space<vmem>> -> memref<1x80xi32, #tpu.memory_space<vmem>>
        %dma_wait3A_252 = tpu.memref_squeeze %dma_wait3A_251 : memref<1x80xi32, #tpu.memory_space<vmem>> -> memref<80xi32, #tpu.memory_space<vmem>>
        %dma_wait3A_253 = arith.constant 0 : i32
        %dma_wait3A_254 = arith.constant 0 : i32
        %dma_wait3A_255 = tpu.memref_slice %arg10[%dma_wait3A_253, %dma_wait3A_254] : memref<10240x128xf32, #tpu.memory_space<vmem_shared>> -> memref<10240x128xf32, #tpu.memory_space<vmem_shared>>
        tpu.wait_indirect_dma semaphore(%arg15 : memref<!tpu.dma_semaphore, #tpu.memory_space<semaphore_mem>>) src(%dma_wait3A_249 : memref<80x128xf32, #tpu.memory_space<vmem>>) dst(%dma_wait3A_255 : memref<10240x128xf32, #tpu.memory_space<vmem_shared>>)
        %add3A_256 = arith.constant 0 : i32
        %add3A_257 = arith.addi %add3A_241, %add3A_256 : i32
        %dma_start3A_258 = arith.constant 0 : i32
        %dma_start3A_259 = arith.constant 0 : i32
        %dma_start3A_260 = arith.constant 0 : i32
        %dma_start3A_261 = tpu.memref_slice %arg9[%dma_start3A_258, %dma_start3A_259, %dma_start3A_260] : memref<4x80x128xf32, #tpu.memory_space<vmem>> -> memref<1x80x128xf32, #tpu.memory_space<vmem>>
        %dma_start3A_262 = tpu.memref_squeeze %dma_start3A_261 : memref<1x80x128xf32, #tpu.memory_space<vmem>> -> memref<80x128xf32, #tpu.memory_space<vmem>>
        %dma_start3A_263 = arith.constant 0 : i32
        %dma_start3A_264 = tpu.memref_slice %arg7[%add3A_257, %dma_start3A_263] : memref<25x80xi32, #tpu.memory_space<vmem>> -> memref<1x80xi32, #tpu.memory_space<vmem>>
        %dma_start3A_265 = tpu.memref_squeeze %dma_start3A_264 : memref<1x80xi32, #tpu.memory_space<vmem>> -> memref<80xi32, #tpu.memory_space<vmem>>
        %dma_start3A_266 = arith.constant 0 : i32
        %dma_start3A_267 = arith.constant 0 : i32
        %dma_start3A_268 = tpu.memref_slice %arg2[%dma_start3A_266, %dma_start3A_267] : memref<10000x128xf32, #tpu.memory_space<hbm>> -> memref<10000x128xf32, #tpu.memory_space<hbm>>
        tpu.enqueue_indirect_dma source(%dma_start3A_268 : memref<10000x128xf32, #tpu.memory_space<hbm>>) target(%dma_start3A_262 : memref<80x128xf32, #tpu.memory_space<vmem>>) offsets(%dma_start3A_265 : memref<80xi32, #tpu.memory_space<vmem>>) semaphore(%arg11 : memref<!tpu.dma_semaphore, #tpu.memory_space<semaphore_mem>>)
        %sub3A_269 = arith.constant 4 : i32
        %sub3A_270 = arith.subi %add3A_241, %sub3A_269 : i32
        %add3A_271 = arith.constant 1 : i32
        %add3A_272 = arith.addi %sub3A_270, %add3A_271 : i32
        %dma_wait3A_273 = arith.constant 1 : i32
        %dma_wait3A_274 = arith.constant 0 : i32
        %dma_wait3A_275 = arith.constant 0 : i32
        %dma_wait3A_276 = tpu.memref_slice %arg9[%dma_wait3A_273, %dma_wait3A_274, %dma_wait3A_275] : memref<4x80x128xf32, #tpu.memory_space<vmem>> -> memref<1x80x128xf32, #tpu.memory_space<vmem>>
        %dma_wait3A_277 = tpu.memref_squeeze %dma_wait3A_276 : memref<1x80x128xf32, #tpu.memory_space<vmem>> -> memref<80x128xf32, #tpu.memory_space<vmem>>
        %dma_wait3A_278 = arith.constant 0 : i32
        %dma_wait3A_279 = tpu.memref_slice %arg8[%add3A_272, %dma_wait3A_278] : memref<25x80xi32, #tpu.memory_space<vmem>> -> memref<1x80xi32, #tpu.memory_space<vmem>>
        %dma_wait3A_280 = tpu.memref_squeeze %dma_wait3A_279 : memref<1x80xi32, #tpu.memory_space<vmem>> -> memref<80xi32, #tpu.memory_space<vmem>>
        %dma_wait3A_281 = arith.constant 0 : i32
        %dma_wait3A_282 = arith.constant 0 : i32
        %dma_wait3A_283 = tpu.memref_slice %arg10[%dma_wait3A_281, %dma_wait3A_282] : memref<10240x128xf32, #tpu.memory_space<vmem_shared>> -> memref<10240x128xf32, #tpu.memory_space<vmem_shared>>
        tpu.wait_indirect_dma semaphore(%arg16 : memref<!tpu.dma_semaphore, #tpu.memory_space<semaphore_mem>>) src(%dma_wait3A_277 : memref<80x128xf32, #tpu.memory_space<vmem>>) dst(%dma_wait3A_283 : memref<10240x128xf32, #tpu.memory_space<vmem_shared>>)
        %add3A_284 = arith.constant 1 : i32
        %add3A_285 = arith.addi %add3A_241, %add3A_284 : i32
        %dma_start3A_286 = arith.constant 1 : i32
        %dma_start3A_287 = arith.constant 0 : i32
        %dma_start3A_288 = arith.constant 0 : i32
        %dma_start3A_289 = tpu.memref_slice %arg9[%dma_start3A_286, %dma_start3A_287, %dma_start3A_288] : memref<4x80x128xf32, #tpu.memory_space<vmem>> -> memref<1x80x128xf32, #tpu.memory_space<vmem>>
        %dma_start3A_290 = tpu.memref_squeeze %dma_start3A_289 : memref<1x80x128xf32, #tpu.memory_space<vmem>> -> memref<80x128xf32, #tpu.memory_space<vmem>>
        %dma_start3A_291 = arith.constant 0 : i32
        %dma_start3A_292 = tpu.memref_slice %arg7[%add3A_285, %dma_start3A_291] : memref<25x80xi32, #tpu.memory_space<vmem>> -> memref<1x80xi32, #tpu.memory_space<vmem>>
        %dma_start3A_293 = tpu.memref_squeeze %dma_start3A_292 : memref<1x80xi32, #tpu.memory_space<vmem>> -> memref<80xi32, #tpu.memory_space<vmem>>
        %dma_start3A_294 = arith.constant 0 : i32
        %dma_start3A_295 = arith.constant 0 : i32
        %dma_start3A_296 = tpu.memref_slice %arg2[%dma_start3A_294, %dma_start3A_295] : memref<10000x128xf32, #tpu.memory_space<hbm>> -> memref<10000x128xf32, #tpu.memory_space<hbm>>
        tpu.enqueue_indirect_dma source(%dma_start3A_296 : memref<10000x128xf32, #tpu.memory_space<hbm>>) target(%dma_start3A_290 : memref<80x128xf32, #tpu.memory_space<vmem>>) offsets(%dma_start3A_293 : memref<80xi32, #tpu.memory_space<vmem>>) semaphore(%arg12 : memref<!tpu.dma_semaphore, #tpu.memory_space<semaphore_mem>>)
        %sub3A_297 = arith.constant 4 : i32
        %sub3A_298 = arith.subi %add3A_241, %sub3A_297 : i32
        %add3A_299 = arith.constant 2 : i32
        %add3A_300 = arith.addi %sub3A_298, %add3A_299 : i32
        %dma_wait3A_301 = arith.constant 2 : i32
        %dma_wait3A_302 = arith.constant 0 : i32
        %dma_wait3A_303 = arith.constant 0 : i32
        %dma_wait3A_304 = tpu.memref_slice %arg9[%dma_wait3A_301, %dma_wait3A_302, %dma_wait3A_303] : memref<4x80x128xf32, #tpu.memory_space<vmem>> -> memref<1x80x128xf32, #tpu.memory_space<vmem>>
        %dma_wait3A_305 = tpu.memref_squeeze %dma_wait3A_304 : memref<1x80x128xf32, #tpu.memory_space<vmem>> -> memref<80x128xf32, #tpu.memory_space<vmem>>
        %dma_wait3A_306 = arith.constant 0 : i32
        %dma_wait3A_307 = tpu.memref_slice %arg8[%add3A_300, %dma_wait3A_306] : memref<25x80xi32, #tpu.memory_space<vmem>> -> memref<1x80xi32, #tpu.memory_space<vmem>>
        %dma_wait3A_308 = tpu.memref_squeeze %dma_wait3A_307 : memref<1x80xi32, #tpu.memory_space<vmem>> -> memref<80xi32, #tpu.memory_space<vmem>>
        %dma_wait3A_309 = arith.constant 0 : i32
        %dma_wait3A_310 = arith.constant 0 : i32
        %dma_wait3A_311 = tpu.memref_slice %arg10[%dma_wait3A_309, %dma_wait3A_310] : memref<10240x128xf32, #tpu.memory_space<vmem_shared>> -> memref<10240x128xf32, #tpu.memory_space<vmem_shared>>
        tpu.wait_indirect_dma semaphore(%arg17 : memref<!tpu.dma_semaphore, #tpu.memory_space<semaphore_mem>>) src(%dma_wait3A_305 : memref<80x128xf32, #tpu.memory_space<vmem>>) dst(%dma_wait3A_311 : memref<10240x128xf32, #tpu.memory_space<vmem_shared>>)
        %add3A_312 = arith.constant 2 : i32
        %add3A_313 = arith.addi %add3A_241, %add3A_312 : i32
        %dma_start3A_314 = arith.constant 2 : i32
        %dma_start3A_315 = arith.constant 0 : i32
        %dma_start3A_316 = arith.constant 0 : i32
        %dma_start3A_317 = tpu.memref_slice %arg9[%dma_start3A_314, %dma_start3A_315, %dma_start3A_316] : memref<4x80x128xf32, #tpu.memory_space<vmem>> -> memref<1x80x128xf32, #tpu.memory_space<vmem>>
        %dma_start3A_318 = tpu.memref_squeeze %dma_start3A_317 : memref<1x80x128xf32, #tpu.memory_space<vmem>> -> memref<80x128xf32, #tpu.memory_space<vmem>>
        %dma_start3A_319 = arith.constant 0 : i32
        %dma_start3A_320 = tpu.memref_slice %arg7[%add3A_313, %dma_start3A_319] : memref<25x80xi32, #tpu.memory_space<vmem>> -> memref<1x80xi32, #tpu.memory_space<vmem>>
        %dma_start3A_321 = tpu.memref_squeeze %dma_start3A_320 : memref<1x80xi32, #tpu.memory_space<vmem>> -> memref<80xi32, #tpu.memory_space<vmem>>
        %dma_start3A_322 = arith.constant 0 : i32
        %dma_start3A_323 = arith.constant 0 : i32
        %dma_start3A_324 = tpu.memref_slice %arg2[%dma_start3A_322, %dma_start3A_323] : memref<10000x128xf32, #tpu.memory_space<hbm>> -> memref<10000x128xf32, #tpu.memory_space<hbm>>
        tpu.enqueue_indirect_dma source(%dma_start3A_324 : memref<10000x128xf32, #tpu.memory_space<hbm>>) target(%dma_start3A_318 : memref<80x128xf32, #tpu.memory_space<vmem>>) offsets(%dma_start3A_321 : memref<80xi32, #tpu.memory_space<vmem>>) semaphore(%arg13 : memref<!tpu.dma_semaphore, #tpu.memory_space<semaphore_mem>>)
        %sub3A_325 = arith.constant 4 : i32
        %sub3A_326 = arith.subi %add3A_241, %sub3A_325 : i32
        %add3A_327 = arith.constant 3 : i32
        %add3A_328 = arith.addi %sub3A_326, %add3A_327 : i32
        %dma_wait3A_329 = arith.constant 3 : i32
        %dma_wait3A_330 = arith.constant 0 : i32
        %dma_wait3A_331 = arith.constant 0 : i32
        %dma_wait3A_332 = tpu.memref_slice %arg9[%dma_wait3A_329, %dma_wait3A_330, %dma_wait3A_331] : memref<4x80x128xf32, #tpu.memory_space<vmem>> -> memref<1x80x128xf32, #tpu.memory_space<vmem>>
        %dma_wait3A_333 = tpu.memref_squeeze %dma_wait3A_332 : memref<1x80x128xf32, #tpu.memory_space<vmem>> -> memref<80x128xf32, #tpu.memory_space<vmem>>
        %dma_wait3A_334 = arith.constant 0 : i32
        %dma_wait3A_335 = tpu.memref_slice %arg8[%add3A_328, %dma_wait3A_334] : memref<25x80xi32, #tpu.memory_space<vmem>> -> memref<1x80xi32, #tpu.memory_space<vmem>>
        %dma_wait3A_336 = tpu.memref_squeeze %dma_wait3A_335 : memref<1x80xi32, #tpu.memory_space<vmem>> -> memref<80xi32, #tpu.memory_space<vmem>>
        %dma_wait3A_337 = arith.constant 0 : i32
        %dma_wait3A_338 = arith.constant 0 : i32
        %dma_wait3A_339 = tpu.memref_slice %arg10[%dma_wait3A_337, %dma_wait3A_338] : memref<10240x128xf32, #tpu.memory_space<vmem_shared>> -> memref<10240x128xf32, #tpu.memory_space<vmem_shared>>
        tpu.wait_indirect_dma semaphore(%arg18 : memref<!tpu.dma_semaphore, #tpu.memory_space<semaphore_mem>>) src(%dma_wait3A_333 : memref<80x128xf32, #tpu.memory_space<vmem>>) dst(%dma_wait3A_339 : memref<10240x128xf32, #tpu.memory_space<vmem_shared>>)
        %add3A_340 = arith.constant 3 : i32
        %add3A_341 = arith.addi %add3A_241, %add3A_340 : i32
        %dma_start3A_342 = arith.constant 3 : i32
        %dma_start3A_343 = arith.constant 0 : i32
        %dma_start3A_344 = arith.constant 0 : i32
        %dma_start3A_345 = tpu.memref_slice %arg9[%dma_start3A_342, %dma_start3A_343, %dma_start3A_344] : memref<4x80x128xf32, #tpu.memory_space<vmem>> -> memref<1x80x128xf32, #tpu.memory_space<vmem>>
        %dma_start3A_346 = tpu.memref_squeeze %dma_start3A_345 : memref<1x80x128xf32, #tpu.memory_space<vmem>> -> memref<80x128xf32, #tpu.memory_space<vmem>>
        %dma_start3A_347 = arith.constant 0 : i32
        %dma_start3A_348 = tpu.memref_slice %arg7[%add3A_341, %dma_start3A_347] : memref<25x80xi32, #tpu.memory_space<vmem>> -> memref<1x80xi32, #tpu.memory_space<vmem>>
        %dma_start3A_349 = tpu.memref_squeeze %dma_start3A_348 : memref<1x80xi32, #tpu.memory_space<vmem>> -> memref<80xi32, #tpu.memory_space<vmem>>
        %dma_start3A_350 = arith.constant 0 : i32
        %dma_start3A_351 = arith.constant 0 : i32
        %dma_start3A_352 = tpu.memref_slice %arg2[%dma_start3A_350, %dma_start3A_351] : memref<10000x128xf32, #tpu.memory_space<hbm>> -> memref<10000x128xf32, #tpu.memory_space<hbm>>
        tpu.enqueue_indirect_dma source(%dma_start3A_352 : memref<10000x128xf32, #tpu.memory_space<hbm>>) target(%dma_start3A_346 : memref<80x128xf32, #tpu.memory_space<vmem>>) offsets(%dma_start3A_349 : memref<80xi32, #tpu.memory_space<vmem>>) semaphore(%arg14 : memref<!tpu.dma_semaphore, #tpu.memory_space<semaphore_mem>>)
        %add3A_353 = arith.constant 0 : i32
        %add3A_354 = arith.addi %add3A_241, %add3A_353 : i32
        %dma_wait3A_355 = arith.constant 0 : i32
        %dma_wait3A_356 = arith.constant 0 : i32
        %dma_wait3A_357 = arith.constant 0 : i32
        %dma_wait3A_358 = tpu.memref_slice %arg9[%dma_wait3A_355, %dma_wait3A_356, %dma_wait3A_357] : memref<4x80x128xf32, #tpu.memory_space<vmem>> -> memref<1x80x128xf32, #tpu.memory_space<vmem>>
        %dma_wait3A_359 = tpu.memref_squeeze %dma_wait3A_358 : memref<1x80x128xf32, #tpu.memory_space<vmem>> -> memref<80x128xf32, #tpu.memory_space<vmem>>
        %dma_wait3A_360 = arith.constant 0 : i32
        %dma_wait3A_361 = tpu.memref_slice %arg7[%add3A_354, %dma_wait3A_360] : memref<25x80xi32, #tpu.memory_space<vmem>> -> memref<1x80xi32, #tpu.memory_space<vmem>>
        %dma_wait3A_362 = tpu.memref_squeeze %dma_wait3A_361 : memref<1x80xi32, #tpu.memory_space<vmem>> -> memref<80xi32, #tpu.memory_space<vmem>>
        %dma_wait3A_363 = arith.constant 0 : i32
        %dma_wait3A_364 = arith.constant 0 : i32
        %dma_wait3A_365 = tpu.memref_slice %arg2[%dma_wait3A_363, %dma_wait3A_364] : memref<10000x128xf32, #tpu.memory_space<hbm>> -> memref<10000x128xf32, #tpu.memory_space<hbm>>
        tpu.wait_indirect_dma semaphore(%arg11 : memref<!tpu.dma_semaphore, #tpu.memory_space<semaphore_mem>>) src(%dma_wait3A_365 : memref<10000x128xf32, #tpu.memory_space<hbm>>) dst(%dma_wait3A_359 : memref<80x128xf32, #tpu.memory_space<vmem>>)
        %add3A_366 = arith.constant 0 : i32
        %add3A_367 = arith.addi %add3A_241, %add3A_366 : i32
        %dma_start3A_368 = arith.constant 0 : i32
        %dma_start3A_369 = arith.constant 0 : i32
        %dma_start3A_370 = arith.constant 0 : i32
        %dma_start3A_371 = tpu.memref_slice %arg9[%dma_start3A_368, %dma_start3A_369, %dma_start3A_370] : memref<4x80x128xf32, #tpu.memory_space<vmem>> -> memref<1x80x128xf32, #tpu.memory_space<vmem>>
        %dma_start3A_372 = tpu.memref_squeeze %dma_start3A_371 : memref<1x80x128xf32, #tpu.memory_space<vmem>> -> memref<80x128xf32, #tpu.memory_space<vmem>>
        %dma_start3A_373 = arith.constant 0 : i32
        %dma_start3A_374 = tpu.memref_slice %arg8[%add3A_367, %dma_start3A_373] : memref<25x80xi32, #tpu.memory_space<vmem>> -> memref<1x80xi32, #tpu.memory_space<vmem>>
        %dma_start3A_375 = tpu.memref_squeeze %dma_start3A_374 : memref<1x80xi32, #tpu.memory_space<vmem>> -> memref<80xi32, #tpu.memory_space<vmem>>
        %dma_start3A_376 = arith.constant 0 : i32
        %dma_start3A_377 = arith.constant 0 : i32
        %dma_start3A_378 = tpu.memref_slice %arg10[%dma_start3A_376, %dma_start3A_377] : memref<10240x128xf32, #tpu.memory_space<vmem_shared>> -> memref<10240x128xf32, #tpu.memory_space<vmem_shared>>
        tpu.enqueue_indirect_dma source(%dma_start3A_372 : memref<80x128xf32, #tpu.memory_space<vmem>>) target(%dma_start3A_378 : memref<10240x128xf32, #tpu.memory_space<vmem_shared>>) offsets(%dma_start3A_375 : memref<80xi32, #tpu.memory_space<vmem>>) semaphore(%arg15 : memref<!tpu.dma_semaphore, #tpu.memory_space<semaphore_mem>>) {add = true}
        %add3A_379 = arith.constant 1 : i32
        %add3A_380 = arith.addi %add3A_241, %add3A_379 : i32
        %dma_wait3A_381 = arith.constant 1 : i32
        %dma_wait3A_382 = arith.constant 0 : i32
        %dma_wait3A_383 = arith.constant 0 : i32
        %dma_wait3A_384 = tpu.memref_slice %arg9[%dma_wait3A_381, %dma_wait3A_382, %dma_wait3A_383] : memref<4x80x128xf32, #tpu.memory_space<vmem>> -> memref<1x80x128xf32, #tpu.memory_space<vmem>>
        %dma_wait3A_385 = tpu.memref_squeeze %dma_wait3A_384 : memref<1x80x128xf32, #tpu.memory_space<vmem>> -> memref<80x128xf32, #tpu.memory_space<vmem>>
        %dma_wait3A_386 = arith.constant 0 : i32
        %dma_wait3A_387 = tpu.memref_slice %arg7[%add3A_380, %dma_wait3A_386] : memref<25x80xi32, #tpu.memory_space<vmem>> -> memref<1x80xi32, #tpu.memory_space<vmem>>
        %dma_wait3A_388 = tpu.memref_squeeze %dma_wait3A_387 : memref<1x80xi32, #tpu.memory_space<vmem>> -> memref<80xi32, #tpu.memory_space<vmem>>
        %dma_wait3A_389 = arith.constant 0 : i32
        %dma_wait3A_390 = arith.constant 0 : i32
        %dma_wait3A_391 = tpu.memref_slice %arg2[%dma_wait3A_389, %dma_wait3A_390] : memref<10000x128xf32, #tpu.memory_space<hbm>> -> memref<10000x128xf32, #tpu.memory_space<hbm>>
        tpu.wait_indirect_dma semaphore(%arg12 : memref<!tpu.dma_semaphore, #tpu.memory_space<semaphore_mem>>) src(%dma_wait3A_391 : memref<10000x128xf32, #tpu.memory_space<hbm>>) dst(%dma_wait3A_385 : memref<80x128xf32, #tpu.memory_space<vmem>>)
        %add3A_392 = arith.constant 1 : i32
        %add3A_393 = arith.addi %add3A_241, %add3A_392 : i32
        %dma_start3A_394 = arith.constant 1 : i32
        %dma_start3A_395 = arith.constant 0 : i32
        %dma_start3A_396 = arith.constant 0 : i32
        %dma_start3A_397 = tpu.memref_slice %arg9[%dma_start3A_394, %dma_start3A_395, %dma_start3A_396] : memref<4x80x128xf32, #tpu.memory_space<vmem>> -> memref<1x80x128xf32, #tpu.memory_space<vmem>>
        %dma_start3A_398 = tpu.memref_squeeze %dma_start3A_397 : memref<1x80x128xf32, #tpu.memory_space<vmem>> -> memref<80x128xf32, #tpu.memory_space<vmem>>
        %dma_start3A_399 = arith.constant 0 : i32
        %dma_start3A_400 = tpu.memref_slice %arg8[%add3A_393, %dma_start3A_399] : memref<25x80xi32, #tpu.memory_space<vmem>> -> memref<1x80xi32, #tpu.memory_space<vmem>>
        %dma_start3A_401 = tpu.memref_squeeze %dma_start3A_400 : memref<1x80xi32, #tpu.memory_space<vmem>> -> memref<80xi32, #tpu.memory_space<vmem>>
        %dma_start3A_402 = arith.constant 0 : i32
        %dma_start3A_403 = arith.constant 0 : i32
        %dma_start3A_404 = tpu.memref_slice %arg10[%dma_start3A_402, %dma_start3A_403] : memref<10240x128xf32, #tpu.memory_space<vmem_shared>> -> memref<10240x128xf32, #tpu.memory_space<vmem_shared>>
        tpu.enqueue_indirect_dma source(%dma_start3A_398 : memref<80x128xf32, #tpu.memory_space<vmem>>) target(%dma_start3A_404 : memref<10240x128xf32, #tpu.memory_space<vmem_shared>>) offsets(%dma_start3A_401 : memref<80xi32, #tpu.memory_space<vmem>>) semaphore(%arg16 : memref<!tpu.dma_semaphore, #tpu.memory_space<semaphore_mem>>) {add = true}
        %add3A_405 = arith.constant 2 : i32
        %add3A_406 = arith.addi %add3A_241, %add3A_405 : i32
        %dma_wait3A_407 = arith.constant 2 : i32
        %dma_wait3A_408 = arith.constant 0 : i32
        %dma_wait3A_409 = arith.constant 0 : i32
        %dma_wait3A_410 = tpu.memref_slice %arg9[%dma_wait3A_407, %dma_wait3A_408, %dma_wait3A_409] : memref<4x80x128xf32, #tpu.memory_space<vmem>> -> memref<1x80x128xf32, #tpu.memory_space<vmem>>
        %dma_wait3A_411 = tpu.memref_squeeze %dma_wait3A_410 : memref<1x80x128xf32, #tpu.memory_space<vmem>> -> memref<80x128xf32, #tpu.memory_space<vmem>>
        %dma_wait3A_412 = arith.constant 0 : i32
        %dma_wait3A_413 = tpu.memref_slice %arg7[%add3A_406, %dma_wait3A_412] : memref<25x80xi32, #tpu.memory_space<vmem>> -> memref<1x80xi32, #tpu.memory_space<vmem>>
        %dma_wait3A_414 = tpu.memref_squeeze %dma_wait3A_413 : memref<1x80xi32, #tpu.memory_space<vmem>> -> memref<80xi32, #tpu.memory_space<vmem>>
        %dma_wait3A_415 = arith.constant 0 : i32
        %dma_wait3A_416 = arith.constant 0 : i32
        %dma_wait3A_417 = tpu.memref_slice %arg2[%dma_wait3A_415, %dma_wait3A_416] : memref<10000x128xf32, #tpu.memory_space<hbm>> -> memref<10000x128xf32, #tpu.memory_space<hbm>>
        tpu.wait_indirect_dma semaphore(%arg13 : memref<!tpu.dma_semaphore, #tpu.memory_space<semaphore_mem>>) src(%dma_wait3A_417 : memref<10000x128xf32, #tpu.memory_space<hbm>>) dst(%dma_wait3A_411 : memref<80x128xf32, #tpu.memory_space<vmem>>)
        %add3A_418 = arith.constant 2 : i32
        %add3A_419 = arith.addi %add3A_241, %add3A_418 : i32
        %dma_start3A_420 = arith.constant 2 : i32
        %dma_start3A_421 = arith.constant 0 : i32
        %dma_start3A_422 = arith.constant 0 : i32
        %dma_start3A_423 = tpu.memref_slice %arg9[%dma_start3A_420, %dma_start3A_421, %dma_start3A_422] : memref<4x80x128xf32, #tpu.memory_space<vmem>> -> memref<1x80x128xf32, #tpu.memory_space<vmem>>
        %dma_start3A_424 = tpu.memref_squeeze %dma_start3A_423 : memref<1x80x128xf32, #tpu.memory_space<vmem>> -> memref<80x128xf32, #tpu.memory_space<vmem>>
        %dma_start3A_425 = arith.constant 0 : i32
        %dma_start3A_426 = tpu.memref_slice %arg8[%add3A_419, %dma_start3A_425] : memref<25x80xi32, #tpu.memory_space<vmem>> -> memref<1x80xi32, #tpu.memory_space<vmem>>
        %dma_start3A_427 = tpu.memref_squeeze %dma_start3A_426 : memref<1x80xi32, #tpu.memory_space<vmem>> -> memref<80xi32, #tpu.memory_space<vmem>>
        %dma_start3A_428 = arith.constant 0 : i32
        %dma_start3A_429 = arith.constant 0 : i32
        %dma_start3A_430 = tpu.memref_slice %arg10[%dma_start3A_428, %dma_start3A_429] : memref<10240x128xf32, #tpu.memory_space<vmem_shared>> -> memref<10240x128xf32, #tpu.memory_space<vmem_shared>>
        tpu.enqueue_indirect_dma source(%dma_start3A_424 : memref<80x128xf32, #tpu.memory_space<vmem>>) target(%dma_start3A_430 : memref<10240x128xf32, #tpu.memory_space<vmem_shared>>) offsets(%dma_start3A_427 : memref<80xi32, #tpu.memory_space<vmem>>) semaphore(%arg17 : memref<!tpu.dma_semaphore, #tpu.memory_space<semaphore_mem>>) {add = true}
        %add3A_431 = arith.constant 3 : i32
        %add3A_432 = arith.addi %add3A_241, %add3A_431 : i32
        %dma_wait3A_433 = arith.constant 3 : i32
        %dma_wait3A_434 = arith.constant 0 : i32
        %dma_wait3A_435 = arith.constant 0 : i32
        %dma_wait3A_436 = tpu.memref_slice %arg9[%dma_wait3A_433, %dma_wait3A_434, %dma_wait3A_435] : memref<4x80x128xf32, #tpu.memory_space<vmem>> -> memref<1x80x128xf32, #tpu.memory_space<vmem>>
        %dma_wait3A_437 = tpu.memref_squeeze %dma_wait3A_436 : memref<1x80x128xf32, #tpu.memory_space<vmem>> -> memref<80x128xf32, #tpu.memory_space<vmem>>
        %dma_wait3A_438 = arith.constant 0 : i32
        %dma_wait3A_439 = tpu.memref_slice %arg7[%add3A_432, %dma_wait3A_438] : memref<25x80xi32, #tpu.memory_space<vmem>> -> memref<1x80xi32, #tpu.memory_space<vmem>>
        %dma_wait3A_440 = tpu.memref_squeeze %dma_wait3A_439 : memref<1x80xi32, #tpu.memory_space<vmem>> -> memref<80xi32, #tpu.memory_space<vmem>>
        %dma_wait3A_441 = arith.constant 0 : i32
        %dma_wait3A_442 = arith.constant 0 : i32
        %dma_wait3A_443 = tpu.memref_slice %arg2[%dma_wait3A_441, %dma_wait3A_442] : memref<10000x128xf32, #tpu.memory_space<hbm>> -> memref<10000x128xf32, #tpu.memory_space<hbm>>
        tpu.wait_indirect_dma semaphore(%arg14 : memref<!tpu.dma_semaphore, #tpu.memory_space<semaphore_mem>>) src(%dma_wait3A_443 : memref<10000x128xf32, #tpu.memory_space<hbm>>) dst(%dma_wait3A_437 : memref<80x128xf32, #tpu.memory_space<vmem>>)
        %add3A_444 = arith.constant 3 : i32
        %add3A_445 = arith.addi %add3A_241, %add3A_444 : i32
        %dma_start3A_446 = arith.constant 3 : i32
        %dma_start3A_447 = arith.constant 0 : i32
        %dma_start3A_448 = arith.constant 0 : i32
        %dma_start3A_449 = tpu.memref_slice %arg9[%dma_start3A_446, %dma_start3A_447, %dma_start3A_448] : memref<4x80x128xf32, #tpu.memory_space<vmem>> -> memref<1x80x128xf32, #tpu.memory_space<vmem>>
        %dma_start3A_450 = tpu.memref_squeeze %dma_start3A_449 : memref<1x80x128xf32, #tpu.memory_space<vmem>> -> memref<80x128xf32, #tpu.memory_space<vmem>>
        %dma_start3A_451 = arith.constant 0 : i32
        %dma_start3A_452 = tpu.memref_slice %arg8[%add3A_445, %dma_start3A_451] : memref<25x80xi32, #tpu.memory_space<vmem>> -> memref<1x80xi32, #tpu.memory_space<vmem>>
        %dma_start3A_453 = tpu.memref_squeeze %dma_start3A_452 : memref<1x80xi32, #tpu.memory_space<vmem>> -> memref<80xi32, #tpu.memory_space<vmem>>
        %dma_start3A_454 = arith.constant 0 : i32
        %dma_start3A_455 = arith.constant 0 : i32
        %dma_start3A_456 = tpu.memref_slice %arg10[%dma_start3A_454, %dma_start3A_455] : memref<10240x128xf32, #tpu.memory_space<vmem_shared>> -> memref<10240x128xf32, #tpu.memory_space<vmem_shared>>
        tpu.enqueue_indirect_dma source(%dma_start3A_450 : memref<80x128xf32, #tpu.memory_space<vmem>>) target(%dma_start3A_456 : memref<10240x128xf32, #tpu.memory_space<vmem_shared>>) offsets(%dma_start3A_453 : memref<80xi32, #tpu.memory_space<vmem>>) semaphore(%arg18 : memref<!tpu.dma_semaphore, #tpu.memory_space<semaphore_mem>>) {add = true}
      }
      %scan3A_163 = arith.constant 5 : i32
      %dma_wait3A_164 = arith.constant 0 : i32
      %dma_wait3A_165 = arith.constant 20 : i32
      %dma_wait3A_166 = arith.constant 0 : i32
      %dma_wait3A_167 = arith.constant 0 : i32
      %dma_wait3A_168 = tpu.memref_slice %arg9[%dma_wait3A_164, %dma_wait3A_166, %dma_wait3A_167] : memref<4x80x128xf32, #tpu.memory_space<vmem>> -> memref<1x80x128xf32, #tpu.memory_space<vmem>>
      %dma_wait3A_169 = tpu.memref_squeeze %dma_wait3A_168 : memref<1x80x128xf32, #tpu.memory_space<vmem>> -> memref<80x128xf32, #tpu.memory_space<vmem>>
      %dma_wait3A_170 = arith.constant 0 : i32
      %dma_wait3A_171 = tpu.memref_slice %arg8[%dma_wait3A_165, %dma_wait3A_170] : memref<25x80xi32, #tpu.memory_space<vmem>> -> memref<1x80xi32, #tpu.memory_space<vmem>>
      %dma_wait3A_172 = tpu.memref_squeeze %dma_wait3A_171 : memref<1x80xi32, #tpu.memory_space<vmem>> -> memref<80xi32, #tpu.memory_space<vmem>>
      %dma_wait3A_173 = arith.constant 0 : i32
      %dma_wait3A_174 = arith.constant 0 : i32
      %dma_wait3A_175 = tpu.memref_slice %arg10[%dma_wait3A_173, %dma_wait3A_174] : memref<10240x128xf32, #tpu.memory_space<vmem_shared>> -> memref<10240x128xf32, #tpu.memory_space<vmem_shared>>
      tpu.wait_indirect_dma semaphore(%arg15 : memref<!tpu.dma_semaphore, #tpu.memory_space<semaphore_mem>>) src(%dma_wait3A_169 : memref<80x128xf32, #tpu.memory_space<vmem>>) dst(%dma_wait3A_175 : memref<10240x128xf32, #tpu.memory_space<vmem_shared>>)
      %dma_wait3A_176 = arith.constant 1 : i32
      %dma_wait3A_177 = arith.constant 21 : i32
      %dma_wait3A_178 = arith.constant 0 : i32
      %dma_wait3A_179 = arith.constant 0 : i32
      %dma_wait3A_180 = tpu.memref_slice %arg9[%dma_wait3A_176, %dma_wait3A_178, %dma_wait3A_179] : memref<4x80x128xf32, #tpu.memory_space<vmem>> -> memref<1x80x128xf32, #tpu.memory_space<vmem>>
      %dma_wait3A_181 = tpu.memref_squeeze %dma_wait3A_180 : memref<1x80x128xf32, #tpu.memory_space<vmem>> -> memref<80x128xf32, #tpu.memory_space<vmem>>
      %dma_wait3A_182 = arith.constant 0 : i32
      %dma_wait3A_183 = tpu.memref_slice %arg8[%dma_wait3A_177, %dma_wait3A_182] : memref<25x80xi32, #tpu.memory_space<vmem>> -> memref<1x80xi32, #tpu.memory_space<vmem>>
      %dma_wait3A_184 = tpu.memref_squeeze %dma_wait3A_183 : memref<1x80xi32, #tpu.memory_space<vmem>> -> memref<80xi32, #tpu.memory_space<vmem>>
      %dma_wait3A_185 = arith.constant 0 : i32
      %dma_wait3A_186 = arith.constant 0 : i32
      %dma_wait3A_187 = tpu.memref_slice %arg10[%dma_wait3A_185, %dma_wait3A_186] : memref<10240x128xf32, #tpu.memory_space<vmem_shared>> -> memref<10240x128xf32, #tpu.memory_space<vmem_shared>>
      tpu.wait_indirect_dma semaphore(%arg16 : memref<!tpu.dma_semaphore, #tpu.memory_space<semaphore_mem>>) src(%dma_wait3A_181 : memref<80x128xf32, #tpu.memory_space<vmem>>) dst(%dma_wait3A_187 : memref<10240x128xf32, #tpu.memory_space<vmem_shared>>)
      %dma_wait3A_188 = arith.constant 2 : i32
      %dma_wait3A_189 = arith.constant 22 : i32
      %dma_wait3A_190 = arith.constant 0 : i32
      %dma_wait3A_191 = arith.constant 0 : i32
      %dma_wait3A_192 = tpu.memref_slice %arg9[%dma_wait3A_188, %dma_wait3A_190, %dma_wait3A_191] : memref<4x80x128xf32, #tpu.memory_space<vmem>> -> memref<1x80x128xf32, #tpu.memory_space<vmem>>
      %dma_wait3A_193 = tpu.memref_squeeze %dma_wait3A_192 : memref<1x80x128xf32, #tpu.memory_space<vmem>> -> memref<80x128xf32, #tpu.memory_space<vmem>>
      %dma_wait3A_194 = arith.constant 0 : i32
      %dma_wait3A_195 = tpu.memref_slice %arg8[%dma_wait3A_189, %dma_wait3A_194] : memref<25x80xi32, #tpu.memory_space<vmem>> -> memref<1x80xi32, #tpu.memory_space<vmem>>
      %dma_wait3A_196 = tpu.memref_squeeze %dma_wait3A_195 : memref<1x80xi32, #tpu.memory_space<vmem>> -> memref<80xi32, #tpu.memory_space<vmem>>
      %dma_wait3A_197 = arith.constant 0 : i32
      %dma_wait3A_198 = arith.constant 0 : i32
      %dma_wait3A_199 = tpu.memref_slice %arg10[%dma_wait3A_197, %dma_wait3A_198] : memref<10240x128xf32, #tpu.memory_space<vmem_shared>> -> memref<10240x128xf32, #tpu.memory_space<vmem_shared>>
      tpu.wait_indirect_dma semaphore(%arg17 : memref<!tpu.dma_semaphore, #tpu.memory_space<semaphore_mem>>) src(%dma_wait3A_193 : memref<80x128xf32, #tpu.memory_space<vmem>>) dst(%dma_wait3A_199 : memref<10240x128xf32, #tpu.memory_space<vmem_shared>>)
      %dma_wait3A_200 = arith.constant 3 : i32
      %dma_wait3A_201 = arith.constant 23 : i32
      %dma_wait3A_202 = arith.constant 0 : i32
      %dma_wait3A_203 = arith.constant 0 : i32
      %dma_wait3A_204 = tpu.memref_slice %arg9[%dma_wait3A_200, %dma_wait3A_202, %dma_wait3A_203] : memref<4x80x128xf32, #tpu.memory_space<vmem>> -> memref<1x80x128xf32, #tpu.memory_space<vmem>>
      %dma_wait3A_205 = tpu.memref_squeeze %dma_wait3A_204 : memref<1x80x128xf32, #tpu.memory_space<vmem>> -> memref<80x128xf32, #tpu.memory_space<vmem>>
      %dma_wait3A_206 = arith.constant 0 : i32
      %dma_wait3A_207 = tpu.memref_slice %arg8[%dma_wait3A_201, %dma_wait3A_206] : memref<25x80xi32, #tpu.memory_space<vmem>> -> memref<1x80xi32, #tpu.memory_space<vmem>>
      %dma_wait3A_208 = tpu.memref_squeeze %dma_wait3A_207 : memref<1x80xi32, #tpu.memory_space<vmem>> -> memref<80xi32, #tpu.memory_space<vmem>>
      %dma_wait3A_209 = arith.constant 0 : i32
      %dma_wait3A_210 = arith.constant 0 : i32
      %dma_wait3A_211 = tpu.memref_slice %arg10[%dma_wait3A_209, %dma_wait3A_210] : memref<10240x128xf32, #tpu.memory_space<vmem_shared>> -> memref<10240x128xf32, #tpu.memory_space<vmem_shared>>
      tpu.wait_indirect_dma semaphore(%arg18 : memref<!tpu.dma_semaphore, #tpu.memory_space<semaphore_mem>>) src(%dma_wait3A_205 : memref<80x128xf32, #tpu.memory_space<vmem>>) dst(%dma_wait3A_211 : memref<10240x128xf32, #tpu.memory_space<vmem_shared>>)
      %dma_start3A_212 = arith.constant 24 : i32
      %dma_start3A_213 = arith.constant 0 : i32
      %dma_start3A_214 = arith.constant 0 : i32
      %dma_start3A_215 = arith.constant 0 : i32
      %dma_start3A_216 = tpu.memref_slice %arg9[%dma_start3A_213, %dma_start3A_214, %dma_start3A_215] : memref<4x80x128xf32, #tpu.memory_space<vmem>> -> memref<1x80x128xf32, #tpu.memory_space<vmem>>
      %dma_start3A_217 = tpu.memref_squeeze %dma_start3A_216 : memref<1x80x128xf32, #tpu.memory_space<vmem>> -> memref<80x128xf32, #tpu.memory_space<vmem>>
      %dma_start3A_218 = arith.constant 0 : i32
      %dma_start3A_219 = tpu.memref_slice %arg7[%dma_start3A_212, %dma_start3A_218] : memref<25x80xi32, #tpu.memory_space<vmem>> -> memref<1x80xi32, #tpu.memory_space<vmem>>
      %dma_start3A_220 = tpu.memref_squeeze %dma_start3A_219 : memref<1x80xi32, #tpu.memory_space<vmem>> -> memref<80xi32, #tpu.memory_space<vmem>>
      %dma_start3A_221 = arith.constant 0 : i32
      %dma_start3A_222 = arith.constant 0 : i32
      %dma_start3A_223 = tpu.memref_slice %arg2[%dma_start3A_221, %dma_start3A_222] : memref<10000x128xf32, #tpu.memory_space<hbm>> -> memref<10000x128xf32, #tpu.memory_space<hbm>>
      tpu.enqueue_indirect_dma source(%dma_start3A_223 : memref<10000x128xf32, #tpu.memory_space<hbm>>) target(%dma_start3A_217 : memref<80x128xf32, #tpu.memory_space<vmem>>) offsets(%dma_start3A_220 : memref<80xi32, #tpu.memory_space<vmem>>) semaphore(%arg11 : memref<!tpu.dma_semaphore, #tpu.memory_space<semaphore_mem>>)
      %dma_wait3A_224 = arith.constant 24 : i32
      %dma_wait3A_225 = arith.constant 0 : i32
      %dma_wait3A_226 = arith.constant 0 : i32
      %dma_wait3A_227 = arith.constant 0 : i32
      %dma_wait3A_228 = tpu.memref_slice %arg9[%dma_wait3A_225, %dma_wait3A_226, %dma_wait3A_227] : memref<4x80x128xf32, #tpu.memory_space<vmem>> -> memref<1x80x128xf32, #tpu.memory_space<vmem>>
      %dma_wait3A_229 = tpu.memref_squeeze %dma_wait3A_228 : memref<1x80x128xf32, #tpu.memory_space<vmem>> -> memref<80x128xf32, #tpu.memory_space<vmem>>
      %dma_wait3A_230 = arith.constant 0 : i32
      %dma_wait3A_231 = tpu.memref_slice %arg7[%dma_wait3A_224, %dma_wait3A_230] : memref<25x80xi32, #tpu.memory_space<vmem>> -> memref<1x80xi32, #tpu.memory_space<vmem>>
      %dma_wait3A_232 = tpu.memref_squeeze %dma_wait3A_231 : memref<1x80xi32, #tpu.memory_space<vmem>> -> memref<80xi32, #tpu.memory_space<vmem>>
      %dma_wait3A_233 = arith.constant 0 : i32
      %dma_wait3A_234 = arith.constant 0 : i32
      %dma_wait3A_235 = tpu.memref_slice %arg2[%dma_wait3A_233, %dma_wait3A_234] : memref<10000x128xf32, #tpu.memory_space<hbm>> -> memref<10000x128xf32, #tpu.memory_space<hbm>>
      tpu.wait_indirect_dma semaphore(%arg11 : memref<!tpu.dma_semaphore, #tpu.memory_space<semaphore_mem>>) src(%dma_wait3A_235 : memref<10000x128xf32, #tpu.memory_space<hbm>>) dst(%dma_wait3A_229 : memref<80x128xf32, #tpu.memory_space<vmem>>)
      %run_scoped3A = arith.constant 0 : i32
      %run_scoped3A_236 = arith.constant 24 : i32
      "tpu.region"() ({
        %run_scoped3A_237 = tpu.sem_alloc : memref<!tpu.dma_semaphore, #tpu.memory_space<semaphore_mem>>
        %dma_start3A_238 = arith.constant 0 : i32
        %dma_start3A_239 = arith.constant 0 : i32
        %dma_start3A_240 = tpu.memref_slice %arg9[%run_scoped3A, %dma_start3A_238, %dma_start3A_239] : memref<4x80x128xf32, #tpu.memory_space<vmem>> -> memref<1x80x128xf32, #tpu.memory_space<vmem>>
        %dma_start3A_241 = tpu.memref_squeeze %dma_start3A_240 : memref<1x80x128xf32, #tpu.memory_space<vmem>> -> memref<80x128xf32, #tpu.memory_space<vmem>>
        %dma_start3A_242 = arith.constant 0 : i32
        %dma_start3A_243 = tpu.memref_slice %arg8[%run_scoped3A_236, %dma_start3A_242] : memref<25x80xi32, #tpu.memory_space<vmem>> -> memref<1x80xi32, #tpu.memory_space<vmem>>
        %dma_start3A_244 = tpu.memref_squeeze %dma_start3A_243 : memref<1x80xi32, #tpu.memory_space<vmem>> -> memref<80xi32, #tpu.memory_space<vmem>>
        %dma_start3A_245 = arith.constant 0 : i32
        %dma_start3A_246 = arith.constant 0 : i32
        %dma_start3A_247 = tpu.memref_slice %arg10[%dma_start3A_245, %dma_start3A_246] : memref<10240x128xf32, #tpu.memory_space<vmem_shared>> -> memref<10240x128xf32, #tpu.memory_space<vmem_shared>>
        tpu.enqueue_indirect_dma source(%dma_start3A_241 : memref<80x128xf32, #tpu.memory_space<vmem>>) target(%dma_start3A_247 : memref<10240x128xf32, #tpu.memory_space<vmem_shared>>) offsets(%dma_start3A_244 : memref<80xi32, #tpu.memory_space<vmem>>) semaphore(%run_scoped3A_237 : memref<!tpu.dma_semaphore, #tpu.memory_space<semaphore_mem>>) {add = true}
        %dma_wait3A_248 = arith.constant 0 : i32
        %dma_wait3A_249 = arith.constant 0 : i32
        %dma_wait3A_250 = tpu.memref_slice %arg9[%run_scoped3A, %dma_wait3A_248, %dma_wait3A_249] : memref<4x80x128xf32, #tpu.memory_space<vmem>> -> memref<1x80x128xf32, #tpu.memory_space<vmem>>
        %dma_wait3A_251 = tpu.memref_squeeze %dma_wait3A_250 : memref<1x80x128xf32, #tpu.memory_space<vmem>> -> memref<80x128xf32, #tpu.memory_space<vmem>>
        %dma_wait3A_252 = arith.constant 0 : i32
        %dma_wait3A_253 = tpu.memref_slice %arg8[%run_scoped3A_236, %dma_wait3A_252] : memref<25x80xi32, #tpu.memory_space<vmem>> -> memref<1x80xi32, #tpu.memory_space<vmem>>
        %dma_wait3A_254 = tpu.memref_squeeze %dma_wait3A_253 : memref<1x80xi32, #tpu.memory_space<vmem>> -> memref<80xi32, #tpu.memory_space<vmem>>
        %dma_wait3A_255 = arith.constant 0 : i32
        %dma_wait3A_256 = arith.constant 0 : i32
        %dma_wait3A_257 = tpu.memref_slice %arg10[%dma_wait3A_255, %dma_wait3A_256] : memref<10240x128xf32, #tpu.memory_space<vmem_shared>> -> memref<10240x128xf32, #tpu.memory_space<vmem_shared>>
        tpu.wait_indirect_dma semaphore(%run_scoped3A_237 : memref<!tpu.dma_semaphore, #tpu.memory_space<semaphore_mem>>) src(%dma_wait3A_251 : memref<80x128xf32, #tpu.memory_space<vmem>>) dst(%dma_wait3A_257 : memref<10240x128xf32, #tpu.memory_space<vmem_shared>>)
        tpu.yield
      }) : () -> ()
    }
    %scan3A_6 = arith.constant 5 : i32
    %barrier3A_7 = arith.constant 0 : index
    tpu.barrier barrier_id(%barrier3A_7)
    %mul3A_8 = arith.constant 640 : i32
    %mul3A_9 = arith.muli %arg1, %mul3A_8 : i32
    %mul3A_10 = arith.constant 640 : i32
    %mul3A_11 = arith.muli %arg1, %mul3A_10 : i32
    "tpu.region"() ({
      %run_scoped3A = tpu.sem_alloc : memref<!tpu.dma_semaphore, #tpu.memory_space<semaphore_mem>>
      %dma_start3A = arith.constant 0 : i32
      %dma_start3A_12 = tpu.memref_slice %arg6[%arg0, %mul3A_11, %dma_start3A] : memref<2x10240x128xf32, #tpu.memory_space<hbm>> -> memref<1x640x128xf32, #tpu.memory_space<hbm>>
      %dma_start3A_13 = tpu.memref_squeeze %dma_start3A_12 : memref<1x640x128xf32, #tpu.memory_space<hbm>> -> memref<640x128xf32, #tpu.memory_space<hbm>>
      %dma_start3A_14 = arith.constant 0 : i32
      %dma_start3A_15 = tpu.memref_slice %arg10[%mul3A_9, %dma_start3A_14] : memref<10240x128xf32, #tpu.memory_space<vmem_shared>> -> memref<640x128xf32, #tpu.memory_space<vmem_shared>>
      tpu.enqueue_dma source(%dma_start3A_15 : memref<640x128xf32, #tpu.memory_space<vmem_shared>>) target(%dma_start3A_13 : memref<640x128xf32, #tpu.memory_space<hbm>>) target_semaphore(%run_scoped3A : memref<!tpu.dma_semaphore, #tpu.memory_space<semaphore_mem>>)
      %dma_wait3A = arith.constant 0 : i32
      %dma_wait3A_16 = tpu.memref_slice %arg6[%arg0, %mul3A_11, %dma_wait3A] : memref<2x10240x128xf32, #tpu.memory_space<hbm>> -> memref<1x640x128xf32, #tpu.memory_space<hbm>>
      %dma_wait3A_17 = tpu.memref_squeeze %dma_wait3A_16 : memref<1x640x128xf32, #tpu.memory_space<hbm>> -> memref<640x128xf32, #tpu.memory_space<hbm>>
      %dma_wait3A_18 = arith.constant 0 : i32
      %dma_wait3A_19 = tpu.memref_slice %arg10[%mul3A_9, %dma_wait3A_18] : memref<10240x128xf32, #tpu.memory_space<vmem_shared>> -> memref<640x128xf32, #tpu.memory_space<vmem_shared>>
      tpu.wait_dma2 semaphore(%run_scoped3A : memref<!tpu.dma_semaphore, #tpu.memory_space<semaphore_mem>>) src(%dma_wait3A_19 : memref<640x128xf32, #tpu.memory_space<vmem_shared>>) dst(%dma_wait3A_17 : memref<640x128xf32, #tpu.memory_space<hbm>>)
      tpu.yield
    }) : () -> ()
    return
  }
}

#map = affine_map<(d0, d1) -> (0, 0, 0)>
#map1 = affine_map<(d0, d1) -> (0, 0)>
module attributes {stable_mosaic.version = 14 : i64} {
  func.func @_deg_kernel(%arg0: i32, %arg1: i32, %arg2: memref<32x125x80xi32, #tpu.memory_space<hbm>>, %arg3: memref<80x16xf32, #tpu.memory_space<hbm>>, %arg4: memref<640x16xf32, #tpu.memory_space<hbm>>, %arg5: memref<2x10240x16xf32, #tpu.memory_space<hbm>>, %arg6: memref<125x80xi32, #tpu.memory_space<vmem>>, %arg7: memref<80x16xf32, #tpu.memory_space<vmem>>, %arg8: memref<10240x16xf32, #tpu.memory_space<vmem_shared>>, %arg9: memref<!tpu.dma_semaphore, #tpu.memory_space<semaphore_mem>>) attributes {dimension_semantics = [#tpu.dimension_semantics<core_parallel>, #tpu.dimension_semantics<subcore_parallel>], iteration_bounds = array<i64: 2, 16>, scalar_prefetch = 0 : i64, scratch_operands = 4 : i64, tpu.core_type = #tpu.core_type<sc_vector_subcore>, window_params = [{transform_indices = #map}, {transform_indices = #map1}, {transform_indices = #map1}, {transform_indices = #map}]} {
    %mul3A = arith.constant 16 : i32
    %mul3A_0 = arith.muli %arg0, %mul3A : i32
    %add3A = arith.addi %mul3A_0, %arg1 : i32
    "tpu.region"() ({
      %run_scoped3A = tpu.sem_alloc : memref<!tpu.dma_semaphore, #tpu.memory_space<semaphore_mem>>
      %dma_start3A = arith.constant 0 : i32
      %dma_start3A_17 = arith.constant 0 : i32
      %dma_start3A_18 = tpu.memref_slice %arg2[%add3A, %dma_start3A, %dma_start3A_17] : memref<32x125x80xi32, #tpu.memory_space<hbm>> -> memref<1x125x80xi32, #tpu.memory_space<hbm>>
      %dma_start3A_19 = tpu.memref_squeeze %dma_start3A_18 : memref<1x125x80xi32, #tpu.memory_space<hbm>> -> memref<125x80xi32, #tpu.memory_space<hbm>>
      %dma_start3A_20 = arith.constant 0 : i32
      %dma_start3A_21 = arith.constant 0 : i32
      %dma_start3A_22 = tpu.memref_slice %arg2[%add3A, %dma_start3A_20, %dma_start3A_21] : memref<32x125x80xi32, #tpu.memory_space<hbm>> -> memref<1x125x80xi32, #tpu.memory_space<hbm>>
      %dma_start3A_23 = tpu.memref_squeeze %dma_start3A_22 : memref<1x125x80xi32, #tpu.memory_space<hbm>> -> memref<125x80xi32, #tpu.memory_space<hbm>>
      tpu.enqueue_dma source(%dma_start3A_23 : memref<125x80xi32, #tpu.memory_space<hbm>>) target(%arg6 : memref<125x80xi32, #tpu.memory_space<vmem>>) target_semaphore(%run_scoped3A : memref<!tpu.dma_semaphore, #tpu.memory_space<semaphore_mem>>)
      %dma_wait3A = arith.constant 0 : i32
      %dma_wait3A_24 = arith.constant 0 : i32
      %dma_wait3A_25 = tpu.memref_slice %arg2[%add3A, %dma_wait3A, %dma_wait3A_24] : memref<32x125x80xi32, #tpu.memory_space<hbm>> -> memref<1x125x80xi32, #tpu.memory_space<hbm>>
      %dma_wait3A_26 = tpu.memref_squeeze %dma_wait3A_25 : memref<1x125x80xi32, #tpu.memory_space<hbm>> -> memref<125x80xi32, #tpu.memory_space<hbm>>
      %dma_wait3A_27 = arith.constant 0 : i32
      %dma_wait3A_28 = arith.constant 0 : i32
      %dma_wait3A_29 = tpu.memref_slice %arg2[%add3A, %dma_wait3A_27, %dma_wait3A_28] : memref<32x125x80xi32, #tpu.memory_space<hbm>> -> memref<1x125x80xi32, #tpu.memory_space<hbm>>
      %dma_wait3A_30 = tpu.memref_squeeze %dma_wait3A_29 : memref<1x125x80xi32, #tpu.memory_space<hbm>> -> memref<125x80xi32, #tpu.memory_space<hbm>>
      tpu.wait_dma2 semaphore(%run_scoped3A : memref<!tpu.dma_semaphore, #tpu.memory_space<semaphore_mem>>) src(%dma_wait3A_30 : memref<125x80xi32, #tpu.memory_space<hbm>>) dst(%arg6 : memref<125x80xi32, #tpu.memory_space<vmem>>)
      tpu.yield
    }) : () -> ()
    "tpu.region"() ({
      %run_scoped3A = tpu.sem_alloc : memref<!tpu.dma_semaphore, #tpu.memory_space<semaphore_mem>>
      tpu.enqueue_dma source(%arg3 : memref<80x16xf32, #tpu.memory_space<hbm>>) target(%arg7 : memref<80x16xf32, #tpu.memory_space<vmem>>) target_semaphore(%run_scoped3A : memref<!tpu.dma_semaphore, #tpu.memory_space<semaphore_mem>>)
      tpu.wait_dma2 semaphore(%run_scoped3A : memref<!tpu.dma_semaphore, #tpu.memory_space<semaphore_mem>>) src(%arg3 : memref<80x16xf32, #tpu.memory_space<hbm>>) dst(%arg7 : memref<80x16xf32, #tpu.memory_space<vmem>>)
      tpu.yield
    }) : () -> ()
    %mul3A_1 = arith.constant 640 : i32
    %mul3A_2 = arith.muli %arg1, %mul3A_1 : i32
    "tpu.region"() ({
      %run_scoped3A = tpu.sem_alloc : memref<!tpu.dma_semaphore, #tpu.memory_space<semaphore_mem>>
      %dma_start3A = arith.constant 0 : i32
      %dma_start3A_17 = tpu.memref_slice %arg8[%mul3A_2, %dma_start3A] : memref<10240x16xf32, #tpu.memory_space<vmem_shared>> -> memref<640x16xf32, #tpu.memory_space<vmem_shared>>
      tpu.enqueue_dma source(%arg4 : memref<640x16xf32, #tpu.memory_space<hbm>>) target(%dma_start3A_17 : memref<640x16xf32, #tpu.memory_space<vmem_shared>>) target_semaphore(%run_scoped3A : memref<!tpu.dma_semaphore, #tpu.memory_space<semaphore_mem>>)
      %dma_wait3A = arith.constant 0 : i32
      %dma_wait3A_18 = tpu.memref_slice %arg8[%mul3A_2, %dma_wait3A] : memref<10240x16xf32, #tpu.memory_space<vmem_shared>> -> memref<640x16xf32, #tpu.memory_space<vmem_shared>>
      tpu.wait_dma2 semaphore(%run_scoped3A : memref<!tpu.dma_semaphore, #tpu.memory_space<semaphore_mem>>) src(%arg4 : memref<640x16xf32, #tpu.memory_space<hbm>>) dst(%dma_wait3A_18 : memref<640x16xf32, #tpu.memory_space<vmem_shared>>)
      tpu.yield
    }) : () -> ()
    %barrier3A = arith.constant 0 : index
    tpu.barrier barrier_id(%barrier3A)
    %scan3A = arith.constant 0 : i32
    %scan3A_3 = arith.constant 125 : i32
    %scan3A_4 = arith.addi %scan3A, %scan3A_3 : i32
    %scan3A_5 = arith.constant 1 : i32
    scf.for %scan3A_17 = %scan3A to %scan3A_4 step %scan3A_5  : i32 {
      %mul3A_18 = arith.constant 1 : i32
      %mul3A_19 = arith.muli %scan3A_17, %mul3A_18 : i32
      %add3A_20 = arith.constant 0 : i32
      %add3A_21 = arith.addi %add3A_20, %mul3A_19 : i32
      %dma_start3A = arith.constant 0 : i32
      %dma_start3A_22 = tpu.memref_slice %arg6[%add3A_21, %dma_start3A] : memref<125x80xi32, #tpu.memory_space<vmem>> -> memref<1x80xi32, #tpu.memory_space<vmem>>
      %dma_start3A_23 = tpu.memref_squeeze %dma_start3A_22 : memref<1x80xi32, #tpu.memory_space<vmem>> -> memref<80xi32, #tpu.memory_space<vmem>>
      %dma_start3A_24 = arith.constant 0 : i32
      %dma_start3A_25 = arith.constant 0 : i32
      %dma_start3A_26 = tpu.memref_slice %arg8[%dma_start3A_24, %dma_start3A_25] : memref<10240x16xf32, #tpu.memory_space<vmem_shared>> -> memref<10240x16xf32, #tpu.memory_space<vmem_shared>>
      tpu.enqueue_indirect_dma source(%arg7 : memref<80x16xf32, #tpu.memory_space<vmem>>) target(%dma_start3A_26 : memref<10240x16xf32, #tpu.memory_space<vmem_shared>>) offsets(%dma_start3A_23 : memref<80xi32, #tpu.memory_space<vmem>>) semaphore(%arg9 : memref<!tpu.dma_semaphore, #tpu.memory_space<semaphore_mem>>) {add = true}
    }
    %scan3A_6 = arith.constant 125 : i32
    %scan3A_7 = arith.constant 0 : i32
    %scan3A_8 = arith.constant 125 : i32
    %scan3A_9 = arith.addi %scan3A_7, %scan3A_8 : i32
    %scan3A_10 = arith.constant 1 : i32
    scf.for %scan3A_17 = %scan3A_7 to %scan3A_9 step %scan3A_10  : i32 {
      %mul3A_18 = arith.constant 1 : i32
      %mul3A_19 = arith.muli %scan3A_17, %mul3A_18 : i32
      %add3A_20 = arith.constant 0 : i32
      %add3A_21 = arith.addi %add3A_20, %mul3A_19 : i32
      %dma_wait3A = arith.constant 0 : i32
      %dma_wait3A_22 = tpu.memref_slice %arg6[%add3A_21, %dma_wait3A] : memref<125x80xi32, #tpu.memory_space<vmem>> -> memref<1x80xi32, #tpu.memory_space<vmem>>
      %dma_wait3A_23 = tpu.memref_squeeze %dma_wait3A_22 : memref<1x80xi32, #tpu.memory_space<vmem>> -> memref<80xi32, #tpu.memory_space<vmem>>
      %dma_wait3A_24 = arith.constant 0 : i32
      %dma_wait3A_25 = arith.constant 0 : i32
      %dma_wait3A_26 = tpu.memref_slice %arg8[%dma_wait3A_24, %dma_wait3A_25] : memref<10240x16xf32, #tpu.memory_space<vmem_shared>> -> memref<10240x16xf32, #tpu.memory_space<vmem_shared>>
      tpu.wait_indirect_dma semaphore(%arg9 : memref<!tpu.dma_semaphore, #tpu.memory_space<semaphore_mem>>) src(%arg7 : memref<80x16xf32, #tpu.memory_space<vmem>>) dst(%dma_wait3A_26 : memref<10240x16xf32, #tpu.memory_space<vmem_shared>>)
    }
    %scan3A_11 = arith.constant 125 : i32
    %barrier3A_12 = arith.constant 0 : index
    tpu.barrier barrier_id(%barrier3A_12)
    %mul3A_13 = arith.constant 640 : i32
    %mul3A_14 = arith.muli %arg1, %mul3A_13 : i32
    %mul3A_15 = arith.constant 640 : i32
    %mul3A_16 = arith.muli %arg1, %mul3A_15 : i32
    "tpu.region"() ({
      %run_scoped3A = tpu.sem_alloc : memref<!tpu.dma_semaphore, #tpu.memory_space<semaphore_mem>>
      %dma_start3A = arith.constant 0 : i32
      %dma_start3A_17 = tpu.memref_slice %arg5[%arg0, %mul3A_16, %dma_start3A] : memref<2x10240x16xf32, #tpu.memory_space<hbm>> -> memref<1x640x16xf32, #tpu.memory_space<hbm>>
      %dma_start3A_18 = tpu.memref_squeeze %dma_start3A_17 : memref<1x640x16xf32, #tpu.memory_space<hbm>> -> memref<640x16xf32, #tpu.memory_space<hbm>>
      %dma_start3A_19 = arith.constant 0 : i32
      %dma_start3A_20 = tpu.memref_slice %arg8[%mul3A_14, %dma_start3A_19] : memref<10240x16xf32, #tpu.memory_space<vmem_shared>> -> memref<640x16xf32, #tpu.memory_space<vmem_shared>>
      tpu.enqueue_dma source(%dma_start3A_20 : memref<640x16xf32, #tpu.memory_space<vmem_shared>>) target(%dma_start3A_18 : memref<640x16xf32, #tpu.memory_space<hbm>>) target_semaphore(%run_scoped3A : memref<!tpu.dma_semaphore, #tpu.memory_space<semaphore_mem>>)
      %dma_wait3A = arith.constant 0 : i32
      %dma_wait3A_21 = tpu.memref_slice %arg5[%arg0, %mul3A_16, %dma_wait3A] : memref<2x10240x16xf32, #tpu.memory_space<hbm>> -> memref<1x640x16xf32, #tpu.memory_space<hbm>>
      %dma_wait3A_22 = tpu.memref_squeeze %dma_wait3A_21 : memref<1x640x16xf32, #tpu.memory_space<hbm>> -> memref<640x16xf32, #tpu.memory_space<hbm>>
      %dma_wait3A_23 = arith.constant 0 : i32
      %dma_wait3A_24 = tpu.memref_slice %arg8[%mul3A_14, %dma_wait3A_23] : memref<10240x16xf32, #tpu.memory_space<vmem_shared>> -> memref<640x16xf32, #tpu.memory_space<vmem_shared>>
      tpu.wait_dma2 semaphore(%run_scoped3A : memref<!tpu.dma_semaphore, #tpu.memory_space<semaphore_mem>>) src(%dma_wait3A_24 : memref<640x16xf32, #tpu.memory_space<vmem_shared>>) dst(%dma_wait3A_22 : memref<640x16xf32, #tpu.memory_space<hbm>>)
      tpu.yield
    }) : () -> ()
    return
  }
}

#map = affine_map<(d0, d1) -> (0, 0)>
#map1 = affine_map<(d0, d1) -> (0, 0, 0, 0)>
#map2 = affine_map<(d0, d1) -> (0, 0, 0)>
module attributes {stable_mosaic.version = 14 : i64} {
  func.func @agg(%arg0: i32, %arg1: i32, %arg2: memref<10000x128xf32, #tpu.memory_space<hbm>>, %arg3: memref<32x5x25x80xi32, #tpu.memory_space<hbm>>, %arg4: memref<32x5x25x80xi32, #tpu.memory_space<hbm>>, %arg5: memref<640x128xf32, #tpu.memory_space<hbm>>, %arg6: memref<2x10240x128xf32, #tpu.memory_space<hbm>>, %arg7: memref<25x80xi32, #tpu.memory_space<vmem>>, %arg8: memref<25x80xi32, #tpu.memory_space<vmem>>, %arg9: memref<4x80x128xf32, #tpu.memory_space<vmem>>, %arg10: memref<10240x128xf32, #tpu.memory_space<vmem_shared>>, %arg11: memref<!tpu.dma_semaphore, #tpu.memory_space<semaphore_mem>>, %arg12: memref<!tpu.dma_semaphore, #tpu.memory_space<semaphore_mem>>, %arg13: memref<!tpu.dma_semaphore, #tpu.memory_space<semaphore_mem>>, %arg14: memref<!tpu.dma_semaphore, #tpu.memory_space<semaphore_mem>>, %arg15: memref<!tpu.dma_semaphore, #tpu.memory_space<semaphore_mem>>, %arg16: memref<!tpu.dma_semaphore, #tpu.memory_space<semaphore_mem>>, %arg17: memref<!tpu.dma_semaphore, #tpu.memory_space<semaphore_mem>>, %arg18: memref<!tpu.dma_semaphore, #tpu.memory_space<semaphore_mem>>) attributes {dimension_semantics = [#tpu.dimension_semantics<core_parallel>, #tpu.dimension_semantics<subcore_parallel>], iteration_bounds = array<i64: 2, 16>, scalar_prefetch = 0 : i64, scratch_operands = 12 : i64, tpu.core_type = #tpu.core_type<sc_vector_subcore>, window_params = [{transform_indices = #map}, {transform_indices = #map1}, {transform_indices = #map1}, {transform_indices = #map}, {transform_indices = #map2}]} {
    %mul3A = arith.constant 16 : i32
    %mul3A_0 = arith.muli %arg0, %mul3A : i32
    %add3A = arith.addi %mul3A_0, %arg1 : i32
    %mul3A_1 = arith.constant 640 : i32
    %mul3A_2 = arith.muli %arg1, %mul3A_1 : i32
    "tpu.region"() ({
      %run_scoped3A = tpu.sem_alloc : memref<!tpu.dma_semaphore, #tpu.memory_space<semaphore_mem>>
      %dma_start3A = arith.constant 0 : i32
      %dma_start3A_12 = tpu.memref_slice %arg10[%mul3A_2, %dma_start3A] : memref<10240x128xf32, #tpu.memory_space<vmem_shared>> -> memref<640x128xf32, #tpu.memory_space<vmem_shared>>
      tpu.enqueue_dma source(%arg5 : memref<640x128xf32, #tpu.memory_space<hbm>>) target(%dma_start3A_12 : memref<640x128xf32, #tpu.memory_space<vmem_shared>>) target_semaphore(%run_scoped3A : memref<!tpu.dma_semaphore, #tpu.memory_space<semaphore_mem>>)
      %dma_wait3A = arith.constant 0 : i32
      %dma_wait3A_13 = tpu.memref_slice %arg10[%mul3A_2, %dma_wait3A] : memref<10240x128xf32, #tpu.memory_space<vmem_shared>> -> memref<640x128xf32, #tpu.memory_space<vmem_shared>>
      tpu.wait_dma2 semaphore(%run_scoped3A : memref<!tpu.dma_semaphore, #tpu.memory_space<semaphore_mem>>) src(%arg5 : memref<640x128xf32, #tpu.memory_space<hbm>>) dst(%dma_wait3A_13 : memref<640x128xf32, #tpu.memory_space<vmem_shared>>)
      tpu.yield
    }) : () -> ()
    %barrier3A = arith.constant 0 : index
    tpu.barrier barrier_id(%barrier3A)
    %scan3A = arith.constant 0 : i32
    %scan3A_3 = arith.constant 5 : i32
    %scan3A_4 = arith.addi %scan3A, %scan3A_3 : i32
    %scan3A_5 = arith.constant 1 : i32
    scf.for %scan3A_12 = %scan3A to %scan3A_4 step %scan3A_5  : i32 {
      %mul3A_13 = arith.constant 1 : i32
      %mul3A_14 = arith.muli %scan3A_12, %mul3A_13 : i32
      %add3A_15 = arith.constant 0 : i32
      %add3A_16 = arith.addi %add3A_15, %mul3A_14 : i32
      "tpu.region"() ({
        %run_scoped3A_237 = tpu.sem_alloc : memref<!tpu.dma_semaphore, #tpu.memory_space<semaphore_mem>>
        %dma_start3A_238 = arith.constant 0 : i32
        %dma_start3A_239 = arith.constant 0 : i32
        %dma_start3A_240 = tpu.memref_slice %arg3[%add3A, %add3A_16, %dma_start3A_238, %dma_start3A_239] : memref<32x5x25x80xi32, #tpu.memory_space<hbm>> -> memref<1x1x25x80xi32, #tpu.memory_space<hbm>>
        %dma_start3A_241 = tpu.memref_squeeze %dma_start3A_240 : memref<1x1x25x80xi32, #tpu.memory_space<hbm>> -> memref<25x80xi32, #tpu.memory_space<hbm>>
        %dma_start3A_242 = arith.constant 0 : i32
        %dma_start3A_243 = arith.constant 0 : i32
        %dma_start3A_244 = tpu.memref_slice %arg3[%add3A, %add3A_16, %dma_start3A_242, %dma_start3A_243] : memref<32x5x25x80xi32, #tpu.memory_space<hbm>> -> memref<1x1x25x80xi32, #tpu.memory_space<hbm>>
        %dma_start3A_245 = tpu.memref_squeeze %dma_start3A_244 : memref<1x1x25x80xi32, #tpu.memory_space<hbm>> -> memref<25x80xi32, #tpu.memory_space<hbm>>
        tpu.enqueue_dma source(%dma_start3A_245 : memref<25x80xi32, #tpu.memory_space<hbm>>) target(%arg7 : memref<25x80xi32, #tpu.memory_space<vmem>>) target_semaphore(%run_scoped3A_237 : memref<!tpu.dma_semaphore, #tpu.memory_space<semaphore_mem>>)
        %dma_wait3A_246 = arith.constant 0 : i32
        %dma_wait3A_247 = arith.constant 0 : i32
        %dma_wait3A_248 = tpu.memref_slice %arg3[%add3A, %add3A_16, %dma_wait3A_246, %dma_wait3A_247] : memref<32x5x25x80xi32, #tpu.memory_space<hbm>> -> memref<1x1x25x80xi32, #tpu.memory_space<hbm>>
        %dma_wait3A_249 = tpu.memref_squeeze %dma_wait3A_248 : memref<1x1x25x80xi32, #tpu.memory_space<hbm>> -> memref<25x80xi32, #tpu.memory_space<hbm>>
        %dma_wait3A_250 = arith.constant 0 : i32
        %dma_wait3A_251 = arith.constant 0 : i32
        %dma_wait3A_252 = tpu.memref_slice %arg3[%add3A, %add3A_16, %dma_wait3A_250, %dma_wait3A_251] : memref<32x5x25x80xi32, #tpu.memory_space<hbm>> -> memref<1x1x25x80xi32, #tpu.memory_space<hbm>>
        %dma_wait3A_253 = tpu.memref_squeeze %dma_wait3A_252 : memref<1x1x25x80xi32, #tpu.memory_space<hbm>> -> memref<25x80xi32, #tpu.memory_space<hbm>>
        tpu.wait_dma2 semaphore(%run_scoped3A_237 : memref<!tpu.dma_semaphore, #tpu.memory_space<semaphore_mem>>) src(%dma_wait3A_253 : memref<25x80xi32, #tpu.memory_space<hbm>>) dst(%arg7 : memref<25x80xi32, #tpu.memory_space<vmem>>)
        tpu.yield
      }) : () -> ()
      "tpu.region"() ({
        %run_scoped3A_237 = tpu.sem_alloc : memref<!tpu.dma_semaphore, #tpu.memory_space<semaphore_mem>>
        %dma_start3A_238 = arith.constant 0 : i32
        %dma_start3A_239 = arith.constant 0 : i32
        %dma_start3A_240 = tpu.memref_slice %arg4[%add3A, %add3A_16, %dma_start3A_238, %dma_start3A_239] : memref<32x5x25x80xi32, #tpu.memory_space<hbm>> -> memref<1x1x25x80xi32, #tpu.memory_space<hbm>>
        %dma_start3A_241 = tpu.memref_squeeze %dma_start3A_240 : memref<1x1x25x80xi32, #tpu.memory_space<hbm>> -> memref<25x80xi32, #tpu.memory_space<hbm>>
        %dma_start3A_242 = arith.constant 0 : i32
        %dma_start3A_243 = arith.constant 0 : i32
        %dma_start3A_244 = tpu.memref_slice %arg4[%add3A, %add3A_16, %dma_start3A_242, %dma_start3A_243] : memref<32x5x25x80xi32, #tpu.memory_space<hbm>> -> memref<1x1x25x80xi32, #tpu.memory_space<hbm>>
        %dma_start3A_245 = tpu.memref_squeeze %dma_start3A_244 : memref<1x1x25x80xi32, #tpu.memory_space<hbm>> -> memref<25x80xi32, #tpu.memory_space<hbm>>
        tpu.enqueue_dma source(%dma_start3A_245 : memref<25x80xi32, #tpu.memory_space<hbm>>) target(%arg8 : memref<25x80xi32, #tpu.memory_space<vmem>>) target_semaphore(%run_scoped3A_237 : memref<!tpu.dma_semaphore, #tpu.memory_space<semaphore_mem>>)
        %dma_wait3A_246 = arith.constant 0 : i32
        %dma_wait3A_247 = arith.constant 0 : i32
        %dma_wait3A_248 = tpu.memref_slice %arg4[%add3A, %add3A_16, %dma_wait3A_246, %dma_wait3A_247] : memref<32x5x25x80xi32, #tpu.memory_space<hbm>> -> memref<1x1x25x80xi32, #tpu.memory_space<hbm>>
        %dma_wait3A_249 = tpu.memref_squeeze %dma_wait3A_248 : memref<1x1x25x80xi32, #tpu.memory_space<hbm>> -> memref<25x80xi32, #tpu.memory_space<hbm>>
        %dma_wait3A_250 = arith.constant 0 : i32
        %dma_wait3A_251 = arith.constant 0 : i32
        %dma_wait3A_252 = tpu.memref_slice %arg4[%add3A, %add3A_16, %dma_wait3A_250, %dma_wait3A_251] : memref<32x5x25x80xi32, #tpu.memory_space<hbm>> -> memref<1x1x25x80xi32, #tpu.memory_space<hbm>>
        %dma_wait3A_253 = tpu.memref_squeeze %dma_wait3A_252 : memref<1x1x25x80xi32, #tpu.memory_space<hbm>> -> memref<25x80xi32, #tpu.memory_space<hbm>>
        tpu.wait_dma2 semaphore(%run_scoped3A_237 : memref<!tpu.dma_semaphore, #tpu.memory_space<semaphore_mem>>) src(%dma_wait3A_253 : memref<25x80xi32, #tpu.memory_space<hbm>>) dst(%arg8 : memref<25x80xi32, #tpu.memory_space<vmem>>)
        tpu.yield
      }) : () -> ()
      %dma_start3A = arith.constant 0 : i32
      %dma_start3A_17 = arith.constant 0 : i32
      %dma_start3A_18 = arith.constant 0 : i32
      %dma_start3A_19 = arith.constant 0 : i32
      %dma_start3A_20 = tpu.memref_slice %arg9[%dma_start3A_17, %dma_start3A_18, %dma_start3A_19] : memref<4x80x128xf32, #tpu.memory_space<vmem>> -> memref<1x80x128xf32, #tpu.memory_space<vmem>>
      %dma_start3A_21 = tpu.memref_squeeze %dma_start3A_20 : memref<1x80x128xf32, #tpu.memory_space<vmem>> -> memref<80x128xf32, #tpu.memory_space<vmem>>
      %dma_start3A_22 = arith.constant 0 : i32
      %dma_start3A_23 = tpu.memref_slice %arg7[%dma_start3A, %dma_start3A_22] : memref<25x80xi32, #tpu.memory_space<vmem>> -> memref<1x80xi32, #tpu.memory_space<vmem>>
      %dma_start3A_24 = tpu.memref_squeeze %dma_start3A_23 : memref<1x80xi32, #tpu.memory_space<vmem>> -> memref<80xi32, #tpu.memory_space<vmem>>
      %dma_start3A_25 = arith.constant 0 : i32
      %dma_start3A_26 = arith.constant 0 : i32
      %dma_start3A_27 = tpu.memref_slice %arg2[%dma_start3A_25, %dma_start3A_26] : memref<10000x128xf32, #tpu.memory_space<hbm>> -> memref<10000x128xf32, #tpu.memory_space<hbm>>
      tpu.enqueue_indirect_dma source(%dma_start3A_27 : memref<10000x128xf32, #tpu.memory_space<hbm>>) target(%dma_start3A_21 : memref<80x128xf32, #tpu.memory_space<vmem>>) offsets(%dma_start3A_24 : memref<80xi32, #tpu.memory_space<vmem>>) semaphore(%arg11 : memref<!tpu.dma_semaphore, #tpu.memory_space<semaphore_mem>>)
      %dma_start3A_28 = arith.constant 1 : i32
      %dma_start3A_29 = arith.constant 1 : i32
      %dma_start3A_30 = arith.constant 0 : i32
      %dma_start3A_31 = arith.constant 0 : i32
      %dma_start3A_32 = tpu.memref_slice %arg9[%dma_start3A_29, %dma_start3A_30, %dma_start3A_31] : memref<4x80x128xf32, #tpu.memory_space<vmem>> -> memref<1x80x128xf32, #tpu.memory_space<vmem>>
      %dma_start3A_33 = tpu.memref_squeeze %dma_start3A_32 : memref<1x80x128xf32, #tpu.memory_space<vmem>> -> memref<80x128xf32, #tpu.memory_space<vmem>>
      %dma_start3A_34 = arith.constant 0 : i32
      %dma_start3A_35 = tpu.memref_slice %arg7[%dma_start3A_28, %dma_start3A_34] : memref<25x80xi32, #tpu.memory_space<vmem>> -> memref<1x80xi32, #tpu.memory_space<vmem>>
      %dma_start3A_36 = tpu.memref_squeeze %dma_start3A_35 : memref<1x80xi32, #tpu.memory_space<vmem>> -> memref<80xi32, #tpu.memory_space<vmem>>
      %dma_start3A_37 = arith.constant 0 : i32
      %dma_start3A_38 = arith.constant 0 : i32
      %dma_start3A_39 = tpu.memref_slice %arg2[%dma_start3A_37, %dma_start3A_38] : memref<10000x128xf32, #tpu.memory_space<hbm>> -> memref<10000x128xf32, #tpu.memory_space<hbm>>
      tpu.enqueue_indirect_dma source(%dma_start3A_39 : memref<10000x128xf32, #tpu.memory_space<hbm>>) target(%dma_start3A_33 : memref<80x128xf32, #tpu.memory_space<vmem>>) offsets(%dma_start3A_36 : memref<80xi32, #tpu.memory_space<vmem>>) semaphore(%arg12 : memref<!tpu.dma_semaphore, #tpu.memory_space<semaphore_mem>>)
      %dma_start3A_40 = arith.constant 2 : i32
      %dma_start3A_41 = arith.constant 2 : i32
      %dma_start3A_42 = arith.constant 0 : i32
      %dma_start3A_43 = arith.constant 0 : i32
      %dma_start3A_44 = tpu.memref_slice %arg9[%dma_start3A_41, %dma_start3A_42, %dma_start3A_43] : memref<4x80x128xf32, #tpu.memory_space<vmem>> -> memref<1x80x128xf32, #tpu.memory_space<vmem>>
      %dma_start3A_45 = tpu.memref_squeeze %dma_start3A_44 : memref<1x80x128xf32, #tpu.memory_space<vmem>> -> memref<80x128xf32, #tpu.memory_space<vmem>>
      %dma_start3A_46 = arith.constant 0 : i32
      %dma_start3A_47 = tpu.memref_slice %arg7[%dma_start3A_40, %dma_start3A_46] : memref<25x80xi32, #tpu.memory_space<vmem>> -> memref<1x80xi32, #tpu.memory_space<vmem>>
      %dma_start3A_48 = tpu.memref_squeeze %dma_start3A_47 : memref<1x80xi32, #tpu.memory_space<vmem>> -> memref<80xi32, #tpu.memory_space<vmem>>
      %dma_start3A_49 = arith.constant 0 : i32
      %dma_start3A_50 = arith.constant 0 : i32
      %dma_start3A_51 = tpu.memref_slice %arg2[%dma_start3A_49, %dma_start3A_50] : memref<10000x128xf32, #tpu.memory_space<hbm>> -> memref<10000x128xf32, #tpu.memory_space<hbm>>
      tpu.enqueue_indirect_dma source(%dma_start3A_51 : memref<10000x128xf32, #tpu.memory_space<hbm>>) target(%dma_start3A_45 : memref<80x128xf32, #tpu.memory_space<vmem>>) offsets(%dma_start3A_48 : memref<80xi32, #tpu.memory_space<vmem>>) semaphore(%arg13 : memref<!tpu.dma_semaphore, #tpu.memory_space<semaphore_mem>>)
      %dma_start3A_52 = arith.constant 3 : i32
      %dma_start3A_53 = arith.constant 3 : i32
      %dma_start3A_54 = arith.constant 0 : i32
      %dma_start3A_55 = arith.constant 0 : i32
      %dma_start3A_56 = tpu.memref_slice %arg9[%dma_start3A_53, %dma_start3A_54, %dma_start3A_55] : memref<4x80x128xf32, #tpu.memory_space<vmem>> -> memref<1x80x128xf32, #tpu.memory_space<vmem>>
      %dma_start3A_57 = tpu.memref_squeeze %dma_start3A_56 : memref<1x80x128xf32, #tpu.memory_space<vmem>> -> memref<80x128xf32, #tpu.memory_space<vmem>>
      %dma_start3A_58 = arith.constant 0 : i32
      %dma_start3A_59 = tpu.memref_slice %arg7[%dma_start3A_52, %dma_start3A_58] : memref<25x80xi32, #tpu.memory_space<vmem>> -> memref<1x80xi32, #tpu.memory_space<vmem>>
      %dma_start3A_60 = tpu.memref_squeeze %dma_start3A_59 : memref<1x80xi32, #tpu.memory_space<vmem>> -> memref<80xi32, #tpu.memory_space<vmem>>
      %dma_start3A_61 = arith.constant 0 : i32
      %dma_start3A_62 = arith.constant 0 : i32
      %dma_start3A_63 = tpu.memref_slice %arg2[%dma_start3A_61, %dma_start3A_62] : memref<10000x128xf32, #tpu.memory_space<hbm>> -> memref<10000x128xf32, #tpu.memory_space<hbm>>
      tpu.enqueue_indirect_dma source(%dma_start3A_63 : memref<10000x128xf32, #tpu.memory_space<hbm>>) target(%dma_start3A_57 : memref<80x128xf32, #tpu.memory_space<vmem>>) offsets(%dma_start3A_60 : memref<80xi32, #tpu.memory_space<vmem>>) semaphore(%arg14 : memref<!tpu.dma_semaphore, #tpu.memory_space<semaphore_mem>>)
      %dma_wait3A = arith.constant 0 : i32
      %dma_wait3A_64 = arith.constant 0 : i32
      %dma_wait3A_65 = arith.constant 0 : i32
      %dma_wait3A_66 = arith.constant 0 : i32
      %dma_wait3A_67 = tpu.memref_slice %arg9[%dma_wait3A_64, %dma_wait3A_65, %dma_wait3A_66] : memref<4x80x128xf32, #tpu.memory_space<vmem>> -> memref<1x80x128xf32, #tpu.memory_space<vmem>>
      %dma_wait3A_68 = tpu.memref_squeeze %dma_wait3A_67 : memref<1x80x128xf32, #tpu.memory_space<vmem>> -> memref<80x128xf32, #tpu.memory_space<vmem>>
      %dma_wait3A_69 = arith.constant 0 : i32
      %dma_wait3A_70 = tpu.memref_slice %arg7[%dma_wait3A, %dma_wait3A_69] : memref<25x80xi32, #tpu.memory_space<vmem>> -> memref<1x80xi32, #tpu.memory_space<vmem>>
      %dma_wait3A_71 = tpu.memref_squeeze %dma_wait3A_70 : memref<1x80xi32, #tpu.memory_space<vmem>> -> memref<80xi32, #tpu.memory_space<vmem>>
      %dma_wait3A_72 = arith.constant 0 : i32
      %dma_wait3A_73 = arith.constant 0 : i32
      %dma_wait3A_74 = tpu.memref_slice %arg2[%dma_wait3A_72, %dma_wait3A_73] : memref<10000x128xf32, #tpu.memory_space<hbm>> -> memref<10000x128xf32, #tpu.memory_space<hbm>>
      tpu.wait_indirect_dma semaphore(%arg11 : memref<!tpu.dma_semaphore, #tpu.memory_space<semaphore_mem>>) src(%dma_wait3A_74 : memref<10000x128xf32, #tpu.memory_space<hbm>>) dst(%dma_wait3A_68 : memref<80x128xf32, #tpu.memory_space<vmem>>)
      %dma_start3A_75 = arith.constant 0 : i32
      %dma_start3A_76 = arith.constant 0 : i32
      %dma_start3A_77 = arith.constant 0 : i32
      %dma_start3A_78 = arith.constant 0 : i32
      %dma_start3A_79 = tpu.memref_slice %arg9[%dma_start3A_75, %dma_start3A_77, %dma_start3A_78] : memref<4x80x128xf32, #tpu.memory_space<vmem>> -> memref<1x80x128xf32, #tpu.memory_space<vmem>>
      %dma_start3A_80 = tpu.memref_squeeze %dma_start3A_79 : memref<1x80x128xf32, #tpu.memory_space<vmem>> -> memref<80x128xf32, #tpu.memory_space<vmem>>
      %dma_start3A_81 = arith.constant 0 : i32
      %dma_start3A_82 = tpu.memref_slice %arg8[%dma_start3A_76, %dma_start3A_81] : memref<25x80xi32, #tpu.memory_space<vmem>> -> memref<1x80xi32, #tpu.memory_space<vmem>>
      %dma_start3A_83 = tpu.memref_squeeze %dma_start3A_82 : memref<1x80xi32, #tpu.memory_space<vmem>> -> memref<80xi32, #tpu.memory_space<vmem>>
      %dma_start3A_84 = arith.constant 0 : i32
      %dma_start3A_85 = arith.constant 0 : i32
      %dma_start3A_86 = tpu.memref_slice %arg10[%dma_start3A_84, %dma_start3A_85] : memref<10240x128xf32, #tpu.memory_space<vmem_shared>> -> memref<10240x128xf32, #tpu.memory_space<vmem_shared>>
      tpu.enqueue_indirect_dma source(%dma_start3A_80 : memref<80x128xf32, #tpu.memory_space<vmem>>) target(%dma_start3A_86 : memref<10240x128xf32, #tpu.memory_space<vmem_shared>>) offsets(%dma_start3A_83 : memref<80xi32, #tpu.memory_space<vmem>>) semaphore(%arg15 : memref<!tpu.dma_semaphore, #tpu.memory_space<semaphore_mem>>) {add = true}
      %dma_wait3A_87 = arith.constant 1 : i32
      %dma_wait3A_88 = arith.constant 1 : i32
      %dma_wait3A_89 = arith.constant 0 : i32
      %dma_wait3A_90 = arith.constant 0 : i32
      %dma_wait3A_91 = tpu.memref_slice %arg9[%dma_wait3A_88, %dma_wait3A_89, %dma_wait3A_90] : memref<4x80x128xf32, #tpu.memory_space<vmem>> -> memref<1x80x128xf32, #tpu.memory_space<vmem>>
      %dma_wait3A_92 = tpu.memref_squeeze %dma_wait3A_91 : memref<1x80x128xf32, #tpu.memory_space<vmem>> -> memref<80x128xf32, #tpu.memory_space<vmem>>
      %dma_wait3A_93 = arith.constant 0 : i32
      %dma_wait3A_94 = tpu.memref_slice %arg7[%dma_wait3A_87, %dma_wait3A_93] : memref<25x80xi32, #tpu.memory_space<vmem>> -> memref<1x80xi32, #tpu.memory_space<vmem>>
      %dma_wait3A_95 = tpu.memref_squeeze %dma_wait3A_94 : memref<1x80xi32, #tpu.memory_space<vmem>> -> memref<80xi32, #tpu.memory_space<vmem>>
      %dma_wait3A_96 = arith.constant 0 : i32
      %dma_wait3A_97 = arith.constant 0 : i32
      %dma_wait3A_98 = tpu.memref_slice %arg2[%dma_wait3A_96, %dma_wait3A_97] : memref<10000x128xf32, #tpu.memory_space<hbm>> -> memref<10000x128xf32, #tpu.memory_space<hbm>>
      tpu.wait_indirect_dma semaphore(%arg12 : memref<!tpu.dma_semaphore, #tpu.memory_space<semaphore_mem>>) src(%dma_wait3A_98 : memref<10000x128xf32, #tpu.memory_space<hbm>>) dst(%dma_wait3A_92 : memref<80x128xf32, #tpu.memory_space<vmem>>)
      %dma_start3A_99 = arith.constant 1 : i32
      %dma_start3A_100 = arith.constant 1 : i32
      %dma_start3A_101 = arith.constant 0 : i32
      %dma_start3A_102 = arith.constant 0 : i32
      %dma_start3A_103 = tpu.memref_slice %arg9[%dma_start3A_99, %dma_start3A_101, %dma_start3A_102] : memref<4x80x128xf32, #tpu.memory_space<vmem>> -> memref<1x80x128xf32, #tpu.memory_space<vmem>>
      %dma_start3A_104 = tpu.memref_squeeze %dma_start3A_103 : memref<1x80x128xf32, #tpu.memory_space<vmem>> -> memref<80x128xf32, #tpu.memory_space<vmem>>
      %dma_start3A_105 = arith.constant 0 : i32
      %dma_start3A_106 = tpu.memref_slice %arg8[%dma_start3A_100, %dma_start3A_105] : memref<25x80xi32, #tpu.memory_space<vmem>> -> memref<1x80xi32, #tpu.memory_space<vmem>>
      %dma_start3A_107 = tpu.memref_squeeze %dma_start3A_106 : memref<1x80xi32, #tpu.memory_space<vmem>> -> memref<80xi32, #tpu.memory_space<vmem>>
      %dma_start3A_108 = arith.constant 0 : i32
      %dma_start3A_109 = arith.constant 0 : i32
      %dma_start3A_110 = tpu.memref_slice %arg10[%dma_start3A_108, %dma_start3A_109] : memref<10240x128xf32, #tpu.memory_space<vmem_shared>> -> memref<10240x128xf32, #tpu.memory_space<vmem_shared>>
      tpu.enqueue_indirect_dma source(%dma_start3A_104 : memref<80x128xf32, #tpu.memory_space<vmem>>) target(%dma_start3A_110 : memref<10240x128xf32, #tpu.memory_space<vmem_shared>>) offsets(%dma_start3A_107 : memref<80xi32, #tpu.memory_space<vmem>>) semaphore(%arg16 : memref<!tpu.dma_semaphore, #tpu.memory_space<semaphore_mem>>) {add = true}
      %dma_wait3A_111 = arith.constant 2 : i32
      %dma_wait3A_112 = arith.constant 2 : i32
      %dma_wait3A_113 = arith.constant 0 : i32
      %dma_wait3A_114 = arith.constant 0 : i32
      %dma_wait3A_115 = tpu.memref_slice %arg9[%dma_wait3A_112, %dma_wait3A_113, %dma_wait3A_114] : memref<4x80x128xf32, #tpu.memory_space<vmem>> -> memref<1x80x128xf32, #tpu.memory_space<vmem>>
      %dma_wait3A_116 = tpu.memref_squeeze %dma_wait3A_115 : memref<1x80x128xf32, #tpu.memory_space<vmem>> -> memref<80x128xf32, #tpu.memory_space<vmem>>
      %dma_wait3A_117 = arith.constant 0 : i32
      %dma_wait3A_118 = tpu.memref_slice %arg7[%dma_wait3A_111, %dma_wait3A_117] : memref<25x80xi32, #tpu.memory_space<vmem>> -> memref<1x80xi32, #tpu.memory_space<vmem>>
      %dma_wait3A_119 = tpu.memref_squeeze %dma_wait3A_118 : memref<1x80xi32, #tpu.memory_space<vmem>> -> memref<80xi32, #tpu.memory_space<vmem>>
      %dma_wait3A_120 = arith.constant 0 : i32
      %dma_wait3A_121 = arith.constant 0 : i32
      %dma_wait3A_122 = tpu.memref_slice %arg2[%dma_wait3A_120, %dma_wait3A_121] : memref<10000x128xf32, #tpu.memory_space<hbm>> -> memref<10000x128xf32, #tpu.memory_space<hbm>>
      tpu.wait_indirect_dma semaphore(%arg13 : memref<!tpu.dma_semaphore, #tpu.memory_space<semaphore_mem>>) src(%dma_wait3A_122 : memref<10000x128xf32, #tpu.memory_space<hbm>>) dst(%dma_wait3A_116 : memref<80x128xf32, #tpu.memory_space<vmem>>)
      %dma_start3A_123 = arith.constant 2 : i32
      %dma_start3A_124 = arith.constant 2 : i32
      %dma_start3A_125 = arith.constant 0 : i32
      %dma_start3A_126 = arith.constant 0 : i32
      %dma_start3A_127 = tpu.memref_slice %arg9[%dma_start3A_123, %dma_start3A_125, %dma_start3A_126] : memref<4x80x128xf32, #tpu.memory_space<vmem>> -> memref<1x80x128xf32, #tpu.memory_space<vmem>>
      %dma_start3A_128 = tpu.memref_squeeze %dma_start3A_127 : memref<1x80x128xf32, #tpu.memory_space<vmem>> -> memref<80x128xf32, #tpu.memory_space<vmem>>
      %dma_start3A_129 = arith.constant 0 : i32
      %dma_start3A_130 = tpu.memref_slice %arg8[%dma_start3A_124, %dma_start3A_129] : memref<25x80xi32, #tpu.memory_space<vmem>> -> memref<1x80xi32, #tpu.memory_space<vmem>>
      %dma_start3A_131 = tpu.memref_squeeze %dma_start3A_130 : memref<1x80xi32, #tpu.memory_space<vmem>> -> memref<80xi32, #tpu.memory_space<vmem>>
      %dma_start3A_132 = arith.constant 0 : i32
      %dma_start3A_133 = arith.constant 0 : i32
      %dma_start3A_134 = tpu.memref_slice %arg10[%dma_start3A_132, %dma_start3A_133] : memref<10240x128xf32, #tpu.memory_space<vmem_shared>> -> memref<10240x128xf32, #tpu.memory_space<vmem_shared>>
      tpu.enqueue_indirect_dma source(%dma_start3A_128 : memref<80x128xf32, #tpu.memory_space<vmem>>) target(%dma_start3A_134 : memref<10240x128xf32, #tpu.memory_space<vmem_shared>>) offsets(%dma_start3A_131 : memref<80xi32, #tpu.memory_space<vmem>>) semaphore(%arg17 : memref<!tpu.dma_semaphore, #tpu.memory_space<semaphore_mem>>) {add = true}
      %dma_wait3A_135 = arith.constant 3 : i32
      %dma_wait3A_136 = arith.constant 3 : i32
      %dma_wait3A_137 = arith.constant 0 : i32
      %dma_wait3A_138 = arith.constant 0 : i32
      %dma_wait3A_139 = tpu.memref_slice %arg9[%dma_wait3A_136, %dma_wait3A_137, %dma_wait3A_138] : memref<4x80x128xf32, #tpu.memory_space<vmem>> -> memref<1x80x128xf32, #tpu.memory_space<vmem>>
      %dma_wait3A_140 = tpu.memref_squeeze %dma_wait3A_139 : memref<1x80x128xf32, #tpu.memory_space<vmem>> -> memref<80x128xf32, #tpu.memory_space<vmem>>
      %dma_wait3A_141 = arith.constant 0 : i32
      %dma_wait3A_142 = tpu.memref_slice %arg7[%dma_wait3A_135, %dma_wait3A_141] : memref<25x80xi32, #tpu.memory_space<vmem>> -> memref<1x80xi32, #tpu.memory_space<vmem>>
      %dma_wait3A_143 = tpu.memref_squeeze %dma_wait3A_142 : memref<1x80xi32, #tpu.memory_space<vmem>> -> memref<80xi32, #tpu.memory_space<vmem>>
      %dma_wait3A_144 = arith.constant 0 : i32
      %dma_wait3A_145 = arith.constant 0 : i32
      %dma_wait3A_146 = tpu.memref_slice %arg2[%dma_wait3A_144, %dma_wait3A_145] : memref<10000x128xf32, #tpu.memory_space<hbm>> -> memref<10000x128xf32, #tpu.memory_space<hbm>>
      tpu.wait_indirect_dma semaphore(%arg14 : memref<!tpu.dma_semaphore, #tpu.memory_space<semaphore_mem>>) src(%dma_wait3A_146 : memref<10000x128xf32, #tpu.memory_space<hbm>>) dst(%dma_wait3A_140 : memref<80x128xf32, #tpu.memory_space<vmem>>)
      %dma_start3A_147 = arith.constant 3 : i32
      %dma_start3A_148 = arith.constant 3 : i32
      %dma_start3A_149 = arith.constant 0 : i32
      %dma_start3A_150 = arith.constant 0 : i32
      %dma_start3A_151 = tpu.memref_slice %arg9[%dma_start3A_147, %dma_start3A_149, %dma_start3A_150] : memref<4x80x128xf32, #tpu.memory_space<vmem>> -> memref<1x80x128xf32, #tpu.memory_space<vmem>>
      %dma_start3A_152 = tpu.memref_squeeze %dma_start3A_151 : memref<1x80x128xf32, #tpu.memory_space<vmem>> -> memref<80x128xf32, #tpu.memory_space<vmem>>
      %dma_start3A_153 = arith.constant 0 : i32
      %dma_start3A_154 = tpu.memref_slice %arg8[%dma_start3A_148, %dma_start3A_153] : memref<25x80xi32, #tpu.memory_space<vmem>> -> memref<1x80xi32, #tpu.memory_space<vmem>>
      %dma_start3A_155 = tpu.memref_squeeze %dma_start3A_154 : memref<1x80xi32, #tpu.memory_space<vmem>> -> memref<80xi32, #tpu.memory_space<vmem>>
      %dma_start3A_156 = arith.constant 0 : i32
      %dma_start3A_157 = arith.constant 0 : i32
      %dma_start3A_158 = tpu.memref_slice %arg10[%dma_start3A_156, %dma_start3A_157] : memref<10240x128xf32, #tpu.memory_space<vmem_shared>> -> memref<10240x128xf32, #tpu.memory_space<vmem_shared>>
      tpu.enqueue_indirect_dma source(%dma_start3A_152 : memref<80x128xf32, #tpu.memory_space<vmem>>) target(%dma_start3A_158 : memref<10240x128xf32, #tpu.memory_space<vmem_shared>>) offsets(%dma_start3A_155 : memref<80xi32, #tpu.memory_space<vmem>>) semaphore(%arg18 : memref<!tpu.dma_semaphore, #tpu.memory_space<semaphore_mem>>) {add = true}
      %scan3A_159 = arith.constant 0 : i32
      %scan3A_160 = arith.constant 5 : i32
      %scan3A_161 = arith.addi %scan3A_159, %scan3A_160 : i32
      %scan3A_162 = arith.constant 1 : i32
      scf.for %scan3A_237 = %scan3A_159 to %scan3A_161 step %scan3A_162  : i32 {
        %mul3A_238 = arith.constant 4 : i32
        %mul3A_239 = arith.muli %scan3A_237, %mul3A_238 : i32
        %add3A_240 = arith.constant 4 : i32
        %add3A_241 = arith.addi %add3A_240, %mul3A_239 : i32
        %sub3A = arith.constant 4 : i32
        %sub3A_242 = arith.subi %add3A_241, %sub3A : i32
        %add3A_243 = arith.constant 0 : i32
        %add3A_244 = arith.addi %sub3A_242, %add3A_243 : i32
        %dma_wait3A_245 = arith.constant 0 : i32
        %dma_wait3A_246 = arith.constant 0 : i32
        %dma_wait3A_247 = arith.constant 0 : i32
        %dma_wait3A_248 = tpu.memref_slice %arg9[%dma_wait3A_245, %dma_wait3A_246, %dma_wait3A_247] : memref<4x80x128xf32, #tpu.memory_space<vmem>> -> memref<1x80x128xf32, #tpu.memory_space<vmem>>
        %dma_wait3A_249 = tpu.memref_squeeze %dma_wait3A_248 : memref<1x80x128xf32, #tpu.memory_space<vmem>> -> memref<80x128xf32, #tpu.memory_space<vmem>>
        %dma_wait3A_250 = arith.constant 0 : i32
        %dma_wait3A_251 = tpu.memref_slice %arg8[%add3A_244, %dma_wait3A_250] : memref<25x80xi32, #tpu.memory_space<vmem>> -> memref<1x80xi32, #tpu.memory_space<vmem>>
        %dma_wait3A_252 = tpu.memref_squeeze %dma_wait3A_251 : memref<1x80xi32, #tpu.memory_space<vmem>> -> memref<80xi32, #tpu.memory_space<vmem>>
        %dma_wait3A_253 = arith.constant 0 : i32
        %dma_wait3A_254 = arith.constant 0 : i32
        %dma_wait3A_255 = tpu.memref_slice %arg10[%dma_wait3A_253, %dma_wait3A_254] : memref<10240x128xf32, #tpu.memory_space<vmem_shared>> -> memref<10240x128xf32, #tpu.memory_space<vmem_shared>>
        tpu.wait_indirect_dma semaphore(%arg15 : memref<!tpu.dma_semaphore, #tpu.memory_space<semaphore_mem>>) src(%dma_wait3A_249 : memref<80x128xf32, #tpu.memory_space<vmem>>) dst(%dma_wait3A_255 : memref<10240x128xf32, #tpu.memory_space<vmem_shared>>)
        %add3A_256 = arith.constant 0 : i32
        %add3A_257 = arith.addi %add3A_241, %add3A_256 : i32
        %dma_start3A_258 = arith.constant 0 : i32
        %dma_start3A_259 = arith.constant 0 : i32
        %dma_start3A_260 = arith.constant 0 : i32
        %dma_start3A_261 = tpu.memref_slice %arg9[%dma_start3A_258, %dma_start3A_259, %dma_start3A_260] : memref<4x80x128xf32, #tpu.memory_space<vmem>> -> memref<1x80x128xf32, #tpu.memory_space<vmem>>
        %dma_start3A_262 = tpu.memref_squeeze %dma_start3A_261 : memref<1x80x128xf32, #tpu.memory_space<vmem>> -> memref<80x128xf32, #tpu.memory_space<vmem>>
        %dma_start3A_263 = arith.constant 0 : i32
        %dma_start3A_264 = tpu.memref_slice %arg7[%add3A_257, %dma_start3A_263] : memref<25x80xi32, #tpu.memory_space<vmem>> -> memref<1x80xi32, #tpu.memory_space<vmem>>
        %dma_start3A_265 = tpu.memref_squeeze %dma_start3A_264 : memref<1x80xi32, #tpu.memory_space<vmem>> -> memref<80xi32, #tpu.memory_space<vmem>>
        %dma_start3A_266 = arith.constant 0 : i32
        %dma_start3A_267 = arith.constant 0 : i32
        %dma_start3A_268 = tpu.memref_slice %arg2[%dma_start3A_266, %dma_start3A_267] : memref<10000x128xf32, #tpu.memory_space<hbm>> -> memref<10000x128xf32, #tpu.memory_space<hbm>>
        tpu.enqueue_indirect_dma source(%dma_start3A_268 : memref<10000x128xf32, #tpu.memory_space<hbm>>) target(%dma_start3A_262 : memref<80x128xf32, #tpu.memory_space<vmem>>) offsets(%dma_start3A_265 : memref<80xi32, #tpu.memory_space<vmem>>) semaphore(%arg11 : memref<!tpu.dma_semaphore, #tpu.memory_space<semaphore_mem>>)
        %sub3A_269 = arith.constant 4 : i32
        %sub3A_270 = arith.subi %add3A_241, %sub3A_269 : i32
        %add3A_271 = arith.constant 1 : i32
        %add3A_272 = arith.addi %sub3A_270, %add3A_271 : i32
        %dma_wait3A_273 = arith.constant 1 : i32
        %dma_wait3A_274 = arith.constant 0 : i32
        %dma_wait3A_275 = arith.constant 0 : i32
        %dma_wait3A_276 = tpu.memref_slice %arg9[%dma_wait3A_273, %dma_wait3A_274, %dma_wait3A_275] : memref<4x80x128xf32, #tpu.memory_space<vmem>> -> memref<1x80x128xf32, #tpu.memory_space<vmem>>
        %dma_wait3A_277 = tpu.memref_squeeze %dma_wait3A_276 : memref<1x80x128xf32, #tpu.memory_space<vmem>> -> memref<80x128xf32, #tpu.memory_space<vmem>>
        %dma_wait3A_278 = arith.constant 0 : i32
        %dma_wait3A_279 = tpu.memref_slice %arg8[%add3A_272, %dma_wait3A_278] : memref<25x80xi32, #tpu.memory_space<vmem>> -> memref<1x80xi32, #tpu.memory_space<vmem>>
        %dma_wait3A_280 = tpu.memref_squeeze %dma_wait3A_279 : memref<1x80xi32, #tpu.memory_space<vmem>> -> memref<80xi32, #tpu.memory_space<vmem>>
        %dma_wait3A_281 = arith.constant 0 : i32
        %dma_wait3A_282 = arith.constant 0 : i32
        %dma_wait3A_283 = tpu.memref_slice %arg10[%dma_wait3A_281, %dma_wait3A_282] : memref<10240x128xf32, #tpu.memory_space<vmem_shared>> -> memref<10240x128xf32, #tpu.memory_space<vmem_shared>>
        tpu.wait_indirect_dma semaphore(%arg16 : memref<!tpu.dma_semaphore, #tpu.memory_space<semaphore_mem>>) src(%dma_wait3A_277 : memref<80x128xf32, #tpu.memory_space<vmem>>) dst(%dma_wait3A_283 : memref<10240x128xf32, #tpu.memory_space<vmem_shared>>)
        %add3A_284 = arith.constant 1 : i32
        %add3A_285 = arith.addi %add3A_241, %add3A_284 : i32
        %dma_start3A_286 = arith.constant 1 : i32
        %dma_start3A_287 = arith.constant 0 : i32
        %dma_start3A_288 = arith.constant 0 : i32
        %dma_start3A_289 = tpu.memref_slice %arg9[%dma_start3A_286, %dma_start3A_287, %dma_start3A_288] : memref<4x80x128xf32, #tpu.memory_space<vmem>> -> memref<1x80x128xf32, #tpu.memory_space<vmem>>
        %dma_start3A_290 = tpu.memref_squeeze %dma_start3A_289 : memref<1x80x128xf32, #tpu.memory_space<vmem>> -> memref<80x128xf32, #tpu.memory_space<vmem>>
        %dma_start3A_291 = arith.constant 0 : i32
        %dma_start3A_292 = tpu.memref_slice %arg7[%add3A_285, %dma_start3A_291] : memref<25x80xi32, #tpu.memory_space<vmem>> -> memref<1x80xi32, #tpu.memory_space<vmem>>
        %dma_start3A_293 = tpu.memref_squeeze %dma_start3A_292 : memref<1x80xi32, #tpu.memory_space<vmem>> -> memref<80xi32, #tpu.memory_space<vmem>>
        %dma_start3A_294 = arith.constant 0 : i32
        %dma_start3A_295 = arith.constant 0 : i32
        %dma_start3A_296 = tpu.memref_slice %arg2[%dma_start3A_294, %dma_start3A_295] : memref<10000x128xf32, #tpu.memory_space<hbm>> -> memref<10000x128xf32, #tpu.memory_space<hbm>>
        tpu.enqueue_indirect_dma source(%dma_start3A_296 : memref<10000x128xf32, #tpu.memory_space<hbm>>) target(%dma_start3A_290 : memref<80x128xf32, #tpu.memory_space<vmem>>) offsets(%dma_start3A_293 : memref<80xi32, #tpu.memory_space<vmem>>) semaphore(%arg12 : memref<!tpu.dma_semaphore, #tpu.memory_space<semaphore_mem>>)
        %sub3A_297 = arith.constant 4 : i32
        %sub3A_298 = arith.subi %add3A_241, %sub3A_297 : i32
        %add3A_299 = arith.constant 2 : i32
        %add3A_300 = arith.addi %sub3A_298, %add3A_299 : i32
        %dma_wait3A_301 = arith.constant 2 : i32
        %dma_wait3A_302 = arith.constant 0 : i32
        %dma_wait3A_303 = arith.constant 0 : i32
        %dma_wait3A_304 = tpu.memref_slice %arg9[%dma_wait3A_301, %dma_wait3A_302, %dma_wait3A_303] : memref<4x80x128xf32, #tpu.memory_space<vmem>> -> memref<1x80x128xf32, #tpu.memory_space<vmem>>
        %dma_wait3A_305 = tpu.memref_squeeze %dma_wait3A_304 : memref<1x80x128xf32, #tpu.memory_space<vmem>> -> memref<80x128xf32, #tpu.memory_space<vmem>>
        %dma_wait3A_306 = arith.constant 0 : i32
        %dma_wait3A_307 = tpu.memref_slice %arg8[%add3A_300, %dma_wait3A_306] : memref<25x80xi32, #tpu.memory_space<vmem>> -> memref<1x80xi32, #tpu.memory_space<vmem>>
        %dma_wait3A_308 = tpu.memref_squeeze %dma_wait3A_307 : memref<1x80xi32, #tpu.memory_space<vmem>> -> memref<80xi32, #tpu.memory_space<vmem>>
        %dma_wait3A_309 = arith.constant 0 : i32
        %dma_wait3A_310 = arith.constant 0 : i32
        %dma_wait3A_311 = tpu.memref_slice %arg10[%dma_wait3A_309, %dma_wait3A_310] : memref<10240x128xf32, #tpu.memory_space<vmem_shared>> -> memref<10240x128xf32, #tpu.memory_space<vmem_shared>>
        tpu.wait_indirect_dma semaphore(%arg17 : memref<!tpu.dma_semaphore, #tpu.memory_space<semaphore_mem>>) src(%dma_wait3A_305 : memref<80x128xf32, #tpu.memory_space<vmem>>) dst(%dma_wait3A_311 : memref<10240x128xf32, #tpu.memory_space<vmem_shared>>)
        %add3A_312 = arith.constant 2 : i32
        %add3A_313 = arith.addi %add3A_241, %add3A_312 : i32
        %dma_start3A_314 = arith.constant 2 : i32
        %dma_start3A_315 = arith.constant 0 : i32
        %dma_start3A_316 = arith.constant 0 : i32
        %dma_start3A_317 = tpu.memref_slice %arg9[%dma_start3A_314, %dma_start3A_315, %dma_start3A_316] : memref<4x80x128xf32, #tpu.memory_space<vmem>> -> memref<1x80x128xf32, #tpu.memory_space<vmem>>
        %dma_start3A_318 = tpu.memref_squeeze %dma_start3A_317 : memref<1x80x128xf32, #tpu.memory_space<vmem>> -> memref<80x128xf32, #tpu.memory_space<vmem>>
        %dma_start3A_319 = arith.constant 0 : i32
        %dma_start3A_320 = tpu.memref_slice %arg7[%add3A_313, %dma_start3A_319] : memref<25x80xi32, #tpu.memory_space<vmem>> -> memref<1x80xi32, #tpu.memory_space<vmem>>
        %dma_start3A_321 = tpu.memref_squeeze %dma_start3A_320 : memref<1x80xi32, #tpu.memory_space<vmem>> -> memref<80xi32, #tpu.memory_space<vmem>>
        %dma_start3A_322 = arith.constant 0 : i32
        %dma_start3A_323 = arith.constant 0 : i32
        %dma_start3A_324 = tpu.memref_slice %arg2[%dma_start3A_322, %dma_start3A_323] : memref<10000x128xf32, #tpu.memory_space<hbm>> -> memref<10000x128xf32, #tpu.memory_space<hbm>>
        tpu.enqueue_indirect_dma source(%dma_start3A_324 : memref<10000x128xf32, #tpu.memory_space<hbm>>) target(%dma_start3A_318 : memref<80x128xf32, #tpu.memory_space<vmem>>) offsets(%dma_start3A_321 : memref<80xi32, #tpu.memory_space<vmem>>) semaphore(%arg13 : memref<!tpu.dma_semaphore, #tpu.memory_space<semaphore_mem>>)
        %sub3A_325 = arith.constant 4 : i32
        %sub3A_326 = arith.subi %add3A_241, %sub3A_325 : i32
        %add3A_327 = arith.constant 3 : i32
        %add3A_328 = arith.addi %sub3A_326, %add3A_327 : i32
        %dma_wait3A_329 = arith.constant 3 : i32
        %dma_wait3A_330 = arith.constant 0 : i32
        %dma_wait3A_331 = arith.constant 0 : i32
        %dma_wait3A_332 = tpu.memref_slice %arg9[%dma_wait3A_329, %dma_wait3A_330, %dma_wait3A_331] : memref<4x80x128xf32, #tpu.memory_space<vmem>> -> memref<1x80x128xf32, #tpu.memory_space<vmem>>
        %dma_wait3A_333 = tpu.memref_squeeze %dma_wait3A_332 : memref<1x80x128xf32, #tpu.memory_space<vmem>> -> memref<80x128xf32, #tpu.memory_space<vmem>>
        %dma_wait3A_334 = arith.constant 0 : i32
        %dma_wait3A_335 = tpu.memref_slice %arg8[%add3A_328, %dma_wait3A_334] : memref<25x80xi32, #tpu.memory_space<vmem>> -> memref<1x80xi32, #tpu.memory_space<vmem>>
        %dma_wait3A_336 = tpu.memref_squeeze %dma_wait3A_335 : memref<1x80xi32, #tpu.memory_space<vmem>> -> memref<80xi32, #tpu.memory_space<vmem>>
        %dma_wait3A_337 = arith.constant 0 : i32
        %dma_wait3A_338 = arith.constant 0 : i32
        %dma_wait3A_339 = tpu.memref_slice %arg10[%dma_wait3A_337, %dma_wait3A_338] : memref<10240x128xf32, #tpu.memory_space<vmem_shared>> -> memref<10240x128xf32, #tpu.memory_space<vmem_shared>>
        tpu.wait_indirect_dma semaphore(%arg18 : memref<!tpu.dma_semaphore, #tpu.memory_space<semaphore_mem>>) src(%dma_wait3A_333 : memref<80x128xf32, #tpu.memory_space<vmem>>) dst(%dma_wait3A_339 : memref<10240x128xf32, #tpu.memory_space<vmem_shared>>)
        %add3A_340 = arith.constant 3 : i32
        %add3A_341 = arith.addi %add3A_241, %add3A_340 : i32
        %dma_start3A_342 = arith.constant 3 : i32
        %dma_start3A_343 = arith.constant 0 : i32
        %dma_start3A_344 = arith.constant 0 : i32
        %dma_start3A_345 = tpu.memref_slice %arg9[%dma_start3A_342, %dma_start3A_343, %dma_start3A_344] : memref<4x80x128xf32, #tpu.memory_space<vmem>> -> memref<1x80x128xf32, #tpu.memory_space<vmem>>
        %dma_start3A_346 = tpu.memref_squeeze %dma_start3A_345 : memref<1x80x128xf32, #tpu.memory_space<vmem>> -> memref<80x128xf32, #tpu.memory_space<vmem>>
        %dma_start3A_347 = arith.constant 0 : i32
        %dma_start3A_348 = tpu.memref_slice %arg7[%add3A_341, %dma_start3A_347] : memref<25x80xi32, #tpu.memory_space<vmem>> -> memref<1x80xi32, #tpu.memory_space<vmem>>
        %dma_start3A_349 = tpu.memref_squeeze %dma_start3A_348 : memref<1x80xi32, #tpu.memory_space<vmem>> -> memref<80xi32, #tpu.memory_space<vmem>>
        %dma_start3A_350 = arith.constant 0 : i32
        %dma_start3A_351 = arith.constant 0 : i32
        %dma_start3A_352 = tpu.memref_slice %arg2[%dma_start3A_350, %dma_start3A_351] : memref<10000x128xf32, #tpu.memory_space<hbm>> -> memref<10000x128xf32, #tpu.memory_space<hbm>>
        tpu.enqueue_indirect_dma source(%dma_start3A_352 : memref<10000x128xf32, #tpu.memory_space<hbm>>) target(%dma_start3A_346 : memref<80x128xf32, #tpu.memory_space<vmem>>) offsets(%dma_start3A_349 : memref<80xi32, #tpu.memory_space<vmem>>) semaphore(%arg14 : memref<!tpu.dma_semaphore, #tpu.memory_space<semaphore_mem>>)
        %add3A_353 = arith.constant 0 : i32
        %add3A_354 = arith.addi %add3A_241, %add3A_353 : i32
        %dma_wait3A_355 = arith.constant 0 : i32
        %dma_wait3A_356 = arith.constant 0 : i32
        %dma_wait3A_357 = arith.constant 0 : i32
        %dma_wait3A_358 = tpu.memref_slice %arg9[%dma_wait3A_355, %dma_wait3A_356, %dma_wait3A_357] : memref<4x80x128xf32, #tpu.memory_space<vmem>> -> memref<1x80x128xf32, #tpu.memory_space<vmem>>
        %dma_wait3A_359 = tpu.memref_squeeze %dma_wait3A_358 : memref<1x80x128xf32, #tpu.memory_space<vmem>> -> memref<80x128xf32, #tpu.memory_space<vmem>>
        %dma_wait3A_360 = arith.constant 0 : i32
        %dma_wait3A_361 = tpu.memref_slice %arg7[%add3A_354, %dma_wait3A_360] : memref<25x80xi32, #tpu.memory_space<vmem>> -> memref<1x80xi32, #tpu.memory_space<vmem>>
        %dma_wait3A_362 = tpu.memref_squeeze %dma_wait3A_361 : memref<1x80xi32, #tpu.memory_space<vmem>> -> memref<80xi32, #tpu.memory_space<vmem>>
        %dma_wait3A_363 = arith.constant 0 : i32
        %dma_wait3A_364 = arith.constant 0 : i32
        %dma_wait3A_365 = tpu.memref_slice %arg2[%dma_wait3A_363, %dma_wait3A_364] : memref<10000x128xf32, #tpu.memory_space<hbm>> -> memref<10000x128xf32, #tpu.memory_space<hbm>>
        tpu.wait_indirect_dma semaphore(%arg11 : memref<!tpu.dma_semaphore, #tpu.memory_space<semaphore_mem>>) src(%dma_wait3A_365 : memref<10000x128xf32, #tpu.memory_space<hbm>>) dst(%dma_wait3A_359 : memref<80x128xf32, #tpu.memory_space<vmem>>)
        %add3A_366 = arith.constant 0 : i32
        %add3A_367 = arith.addi %add3A_241, %add3A_366 : i32
        %dma_start3A_368 = arith.constant 0 : i32
        %dma_start3A_369 = arith.constant 0 : i32
        %dma_start3A_370 = arith.constant 0 : i32
        %dma_start3A_371 = tpu.memref_slice %arg9[%dma_start3A_368, %dma_start3A_369, %dma_start3A_370] : memref<4x80x128xf32, #tpu.memory_space<vmem>> -> memref<1x80x128xf32, #tpu.memory_space<vmem>>
        %dma_start3A_372 = tpu.memref_squeeze %dma_start3A_371 : memref<1x80x128xf32, #tpu.memory_space<vmem>> -> memref<80x128xf32, #tpu.memory_space<vmem>>
        %dma_start3A_373 = arith.constant 0 : i32
        %dma_start3A_374 = tpu.memref_slice %arg8[%add3A_367, %dma_start3A_373] : memref<25x80xi32, #tpu.memory_space<vmem>> -> memref<1x80xi32, #tpu.memory_space<vmem>>
        %dma_start3A_375 = tpu.memref_squeeze %dma_start3A_374 : memref<1x80xi32, #tpu.memory_space<vmem>> -> memref<80xi32, #tpu.memory_space<vmem>>
        %dma_start3A_376 = arith.constant 0 : i32
        %dma_start3A_377 = arith.constant 0 : i32
        %dma_start3A_378 = tpu.memref_slice %arg10[%dma_start3A_376, %dma_start3A_377] : memref<10240x128xf32, #tpu.memory_space<vmem_shared>> -> memref<10240x128xf32, #tpu.memory_space<vmem_shared>>
        tpu.enqueue_indirect_dma source(%dma_start3A_372 : memref<80x128xf32, #tpu.memory_space<vmem>>) target(%dma_start3A_378 : memref<10240x128xf32, #tpu.memory_space<vmem_shared>>) offsets(%dma_start3A_375 : memref<80xi32, #tpu.memory_space<vmem>>) semaphore(%arg15 : memref<!tpu.dma_semaphore, #tpu.memory_space<semaphore_mem>>) {add = true}
        %add3A_379 = arith.constant 1 : i32
        %add3A_380 = arith.addi %add3A_241, %add3A_379 : i32
        %dma_wait3A_381 = arith.constant 1 : i32
        %dma_wait3A_382 = arith.constant 0 : i32
        %dma_wait3A_383 = arith.constant 0 : i32
        %dma_wait3A_384 = tpu.memref_slice %arg9[%dma_wait3A_381, %dma_wait3A_382, %dma_wait3A_383] : memref<4x80x128xf32, #tpu.memory_space<vmem>> -> memref<1x80x128xf32, #tpu.memory_space<vmem>>
        %dma_wait3A_385 = tpu.memref_squeeze %dma_wait3A_384 : memref<1x80x128xf32, #tpu.memory_space<vmem>> -> memref<80x128xf32, #tpu.memory_space<vmem>>
        %dma_wait3A_386 = arith.constant 0 : i32
        %dma_wait3A_387 = tpu.memref_slice %arg7[%add3A_380, %dma_wait3A_386] : memref<25x80xi32, #tpu.memory_space<vmem>> -> memref<1x80xi32, #tpu.memory_space<vmem>>
        %dma_wait3A_388 = tpu.memref_squeeze %dma_wait3A_387 : memref<1x80xi32, #tpu.memory_space<vmem>> -> memref<80xi32, #tpu.memory_space<vmem>>
        %dma_wait3A_389 = arith.constant 0 : i32
        %dma_wait3A_390 = arith.constant 0 : i32
        %dma_wait3A_391 = tpu.memref_slice %arg2[%dma_wait3A_389, %dma_wait3A_390] : memref<10000x128xf32, #tpu.memory_space<hbm>> -> memref<10000x128xf32, #tpu.memory_space<hbm>>
        tpu.wait_indirect_dma semaphore(%arg12 : memref<!tpu.dma_semaphore, #tpu.memory_space<semaphore_mem>>) src(%dma_wait3A_391 : memref<10000x128xf32, #tpu.memory_space<hbm>>) dst(%dma_wait3A_385 : memref<80x128xf32, #tpu.memory_space<vmem>>)
        %add3A_392 = arith.constant 1 : i32
        %add3A_393 = arith.addi %add3A_241, %add3A_392 : i32
        %dma_start3A_394 = arith.constant 1 : i32
        %dma_start3A_395 = arith.constant 0 : i32
        %dma_start3A_396 = arith.constant 0 : i32
        %dma_start3A_397 = tpu.memref_slice %arg9[%dma_start3A_394, %dma_start3A_395, %dma_start3A_396] : memref<4x80x128xf32, #tpu.memory_space<vmem>> -> memref<1x80x128xf32, #tpu.memory_space<vmem>>
        %dma_start3A_398 = tpu.memref_squeeze %dma_start3A_397 : memref<1x80x128xf32, #tpu.memory_space<vmem>> -> memref<80x128xf32, #tpu.memory_space<vmem>>
        %dma_start3A_399 = arith.constant 0 : i32
        %dma_start3A_400 = tpu.memref_slice %arg8[%add3A_393, %dma_start3A_399] : memref<25x80xi32, #tpu.memory_space<vmem>> -> memref<1x80xi32, #tpu.memory_space<vmem>>
        %dma_start3A_401 = tpu.memref_squeeze %dma_start3A_400 : memref<1x80xi32, #tpu.memory_space<vmem>> -> memref<80xi32, #tpu.memory_space<vmem>>
        %dma_start3A_402 = arith.constant 0 : i32
        %dma_start3A_403 = arith.constant 0 : i32
        %dma_start3A_404 = tpu.memref_slice %arg10[%dma_start3A_402, %dma_start3A_403] : memref<10240x128xf32, #tpu.memory_space<vmem_shared>> -> memref<10240x128xf32, #tpu.memory_space<vmem_shared>>
        tpu.enqueue_indirect_dma source(%dma_start3A_398 : memref<80x128xf32, #tpu.memory_space<vmem>>) target(%dma_start3A_404 : memref<10240x128xf32, #tpu.memory_space<vmem_shared>>) offsets(%dma_start3A_401 : memref<80xi32, #tpu.memory_space<vmem>>) semaphore(%arg16 : memref<!tpu.dma_semaphore, #tpu.memory_space<semaphore_mem>>) {add = true}
        %add3A_405 = arith.constant 2 : i32
        %add3A_406 = arith.addi %add3A_241, %add3A_405 : i32
        %dma_wait3A_407 = arith.constant 2 : i32
        %dma_wait3A_408 = arith.constant 0 : i32
        %dma_wait3A_409 = arith.constant 0 : i32
        %dma_wait3A_410 = tpu.memref_slice %arg9[%dma_wait3A_407, %dma_wait3A_408, %dma_wait3A_409] : memref<4x80x128xf32, #tpu.memory_space<vmem>> -> memref<1x80x128xf32, #tpu.memory_space<vmem>>
        %dma_wait3A_411 = tpu.memref_squeeze %dma_wait3A_410 : memref<1x80x128xf32, #tpu.memory_space<vmem>> -> memref<80x128xf32, #tpu.memory_space<vmem>>
        %dma_wait3A_412 = arith.constant 0 : i32
        %dma_wait3A_413 = tpu.memref_slice %arg7[%add3A_406, %dma_wait3A_412] : memref<25x80xi32, #tpu.memory_space<vmem>> -> memref<1x80xi32, #tpu.memory_space<vmem>>
        %dma_wait3A_414 = tpu.memref_squeeze %dma_wait3A_413 : memref<1x80xi32, #tpu.memory_space<vmem>> -> memref<80xi32, #tpu.memory_space<vmem>>
        %dma_wait3A_415 = arith.constant 0 : i32
        %dma_wait3A_416 = arith.constant 0 : i32
        %dma_wait3A_417 = tpu.memref_slice %arg2[%dma_wait3A_415, %dma_wait3A_416] : memref<10000x128xf32, #tpu.memory_space<hbm>> -> memref<10000x128xf32, #tpu.memory_space<hbm>>
        tpu.wait_indirect_dma semaphore(%arg13 : memref<!tpu.dma_semaphore, #tpu.memory_space<semaphore_mem>>) src(%dma_wait3A_417 : memref<10000x128xf32, #tpu.memory_space<hbm>>) dst(%dma_wait3A_411 : memref<80x128xf32, #tpu.memory_space<vmem>>)
        %add3A_418 = arith.constant 2 : i32
        %add3A_419 = arith.addi %add3A_241, %add3A_418 : i32
        %dma_start3A_420 = arith.constant 2 : i32
        %dma_start3A_421 = arith.constant 0 : i32
        %dma_start3A_422 = arith.constant 0 : i32
        %dma_start3A_423 = tpu.memref_slice %arg9[%dma_start3A_420, %dma_start3A_421, %dma_start3A_422] : memref<4x80x128xf32, #tpu.memory_space<vmem>> -> memref<1x80x128xf32, #tpu.memory_space<vmem>>
        %dma_start3A_424 = tpu.memref_squeeze %dma_start3A_423 : memref<1x80x128xf32, #tpu.memory_space<vmem>> -> memref<80x128xf32, #tpu.memory_space<vmem>>
        %dma_start3A_425 = arith.constant 0 : i32
        %dma_start3A_426 = tpu.memref_slice %arg8[%add3A_419, %dma_start3A_425] : memref<25x80xi32, #tpu.memory_space<vmem>> -> memref<1x80xi32, #tpu.memory_space<vmem>>
        %dma_start3A_427 = tpu.memref_squeeze %dma_start3A_426 : memref<1x80xi32, #tpu.memory_space<vmem>> -> memref<80xi32, #tpu.memory_space<vmem>>
        %dma_start3A_428 = arith.constant 0 : i32
        %dma_start3A_429 = arith.constant 0 : i32
        %dma_start3A_430 = tpu.memref_slice %arg10[%dma_start3A_428, %dma_start3A_429] : memref<10240x128xf32, #tpu.memory_space<vmem_shared>> -> memref<10240x128xf32, #tpu.memory_space<vmem_shared>>
        tpu.enqueue_indirect_dma source(%dma_start3A_424 : memref<80x128xf32, #tpu.memory_space<vmem>>) target(%dma_start3A_430 : memref<10240x128xf32, #tpu.memory_space<vmem_shared>>) offsets(%dma_start3A_427 : memref<80xi32, #tpu.memory_space<vmem>>) semaphore(%arg17 : memref<!tpu.dma_semaphore, #tpu.memory_space<semaphore_mem>>) {add = true}
        %add3A_431 = arith.constant 3 : i32
        %add3A_432 = arith.addi %add3A_241, %add3A_431 : i32
        %dma_wait3A_433 = arith.constant 3 : i32
        %dma_wait3A_434 = arith.constant 0 : i32
        %dma_wait3A_435 = arith.constant 0 : i32
        %dma_wait3A_436 = tpu.memref_slice %arg9[%dma_wait3A_433, %dma_wait3A_434, %dma_wait3A_435] : memref<4x80x128xf32, #tpu.memory_space<vmem>> -> memref<1x80x128xf32, #tpu.memory_space<vmem>>
        %dma_wait3A_437 = tpu.memref_squeeze %dma_wait3A_436 : memref<1x80x128xf32, #tpu.memory_space<vmem>> -> memref<80x128xf32, #tpu.memory_space<vmem>>
        %dma_wait3A_438 = arith.constant 0 : i32
        %dma_wait3A_439 = tpu.memref_slice %arg7[%add3A_432, %dma_wait3A_438] : memref<25x80xi32, #tpu.memory_space<vmem>> -> memref<1x80xi32, #tpu.memory_space<vmem>>
        %dma_wait3A_440 = tpu.memref_squeeze %dma_wait3A_439 : memref<1x80xi32, #tpu.memory_space<vmem>> -> memref<80xi32, #tpu.memory_space<vmem>>
        %dma_wait3A_441 = arith.constant 0 : i32
        %dma_wait3A_442 = arith.constant 0 : i32
        %dma_wait3A_443 = tpu.memref_slice %arg2[%dma_wait3A_441, %dma_wait3A_442] : memref<10000x128xf32, #tpu.memory_space<hbm>> -> memref<10000x128xf32, #tpu.memory_space<hbm>>
        tpu.wait_indirect_dma semaphore(%arg14 : memref<!tpu.dma_semaphore, #tpu.memory_space<semaphore_mem>>) src(%dma_wait3A_443 : memref<10000x128xf32, #tpu.memory_space<hbm>>) dst(%dma_wait3A_437 : memref<80x128xf32, #tpu.memory_space<vmem>>)
        %add3A_444 = arith.constant 3 : i32
        %add3A_445 = arith.addi %add3A_241, %add3A_444 : i32
        %dma_start3A_446 = arith.constant 3 : i32
        %dma_start3A_447 = arith.constant 0 : i32
        %dma_start3A_448 = arith.constant 0 : i32
        %dma_start3A_449 = tpu.memref_slice %arg9[%dma_start3A_446, %dma_start3A_447, %dma_start3A_448] : memref<4x80x128xf32, #tpu.memory_space<vmem>> -> memref<1x80x128xf32, #tpu.memory_space<vmem>>
        %dma_start3A_450 = tpu.memref_squeeze %dma_start3A_449 : memref<1x80x128xf32, #tpu.memory_space<vmem>> -> memref<80x128xf32, #tpu.memory_space<vmem>>
        %dma_start3A_451 = arith.constant 0 : i32
        %dma_start3A_452 = tpu.memref_slice %arg8[%add3A_445, %dma_start3A_451] : memref<25x80xi32, #tpu.memory_space<vmem>> -> memref<1x80xi32, #tpu.memory_space<vmem>>
        %dma_start3A_453 = tpu.memref_squeeze %dma_start3A_452 : memref<1x80xi32, #tpu.memory_space<vmem>> -> memref<80xi32, #tpu.memory_space<vmem>>
        %dma_start3A_454 = arith.constant 0 : i32
        %dma_start3A_455 = arith.constant 0 : i32
        %dma_start3A_456 = tpu.memref_slice %arg10[%dma_start3A_454, %dma_start3A_455] : memref<10240x128xf32, #tpu.memory_space<vmem_shared>> -> memref<10240x128xf32, #tpu.memory_space<vmem_shared>>
        tpu.enqueue_indirect_dma source(%dma_start3A_450 : memref<80x128xf32, #tpu.memory_space<vmem>>) target(%dma_start3A_456 : memref<10240x128xf32, #tpu.memory_space<vmem_shared>>) offsets(%dma_start3A_453 : memref<80xi32, #tpu.memory_space<vmem>>) semaphore(%arg18 : memref<!tpu.dma_semaphore, #tpu.memory_space<semaphore_mem>>) {add = true}
      }
      %scan3A_163 = arith.constant 5 : i32
      %dma_wait3A_164 = arith.constant 0 : i32
      %dma_wait3A_165 = arith.constant 20 : i32
      %dma_wait3A_166 = arith.constant 0 : i32
      %dma_wait3A_167 = arith.constant 0 : i32
      %dma_wait3A_168 = tpu.memref_slice %arg9[%dma_wait3A_164, %dma_wait3A_166, %dma_wait3A_167] : memref<4x80x128xf32, #tpu.memory_space<vmem>> -> memref<1x80x128xf32, #tpu.memory_space<vmem>>
      %dma_wait3A_169 = tpu.memref_squeeze %dma_wait3A_168 : memref<1x80x128xf32, #tpu.memory_space<vmem>> -> memref<80x128xf32, #tpu.memory_space<vmem>>
      %dma_wait3A_170 = arith.constant 0 : i32
      %dma_wait3A_171 = tpu.memref_slice %arg8[%dma_wait3A_165, %dma_wait3A_170] : memref<25x80xi32, #tpu.memory_space<vmem>> -> memref<1x80xi32, #tpu.memory_space<vmem>>
      %dma_wait3A_172 = tpu.memref_squeeze %dma_wait3A_171 : memref<1x80xi32, #tpu.memory_space<vmem>> -> memref<80xi32, #tpu.memory_space<vmem>>
      %dma_wait3A_173 = arith.constant 0 : i32
      %dma_wait3A_174 = arith.constant 0 : i32
      %dma_wait3A_175 = tpu.memref_slice %arg10[%dma_wait3A_173, %dma_wait3A_174] : memref<10240x128xf32, #tpu.memory_space<vmem_shared>> -> memref<10240x128xf32, #tpu.memory_space<vmem_shared>>
      tpu.wait_indirect_dma semaphore(%arg15 : memref<!tpu.dma_semaphore, #tpu.memory_space<semaphore_mem>>) src(%dma_wait3A_169 : memref<80x128xf32, #tpu.memory_space<vmem>>) dst(%dma_wait3A_175 : memref<10240x128xf32, #tpu.memory_space<vmem_shared>>)
      %dma_wait3A_176 = arith.constant 1 : i32
      %dma_wait3A_177 = arith.constant 21 : i32
      %dma_wait3A_178 = arith.constant 0 : i32
      %dma_wait3A_179 = arith.constant 0 : i32
      %dma_wait3A_180 = tpu.memref_slice %arg9[%dma_wait3A_176, %dma_wait3A_178, %dma_wait3A_179] : memref<4x80x128xf32, #tpu.memory_space<vmem>> -> memref<1x80x128xf32, #tpu.memory_space<vmem>>
      %dma_wait3A_181 = tpu.memref_squeeze %dma_wait3A_180 : memref<1x80x128xf32, #tpu.memory_space<vmem>> -> memref<80x128xf32, #tpu.memory_space<vmem>>
      %dma_wait3A_182 = arith.constant 0 : i32
      %dma_wait3A_183 = tpu.memref_slice %arg8[%dma_wait3A_177, %dma_wait3A_182] : memref<25x80xi32, #tpu.memory_space<vmem>> -> memref<1x80xi32, #tpu.memory_space<vmem>>
      %dma_wait3A_184 = tpu.memref_squeeze %dma_wait3A_183 : memref<1x80xi32, #tpu.memory_space<vmem>> -> memref<80xi32, #tpu.memory_space<vmem>>
      %dma_wait3A_185 = arith.constant 0 : i32
      %dma_wait3A_186 = arith.constant 0 : i32
      %dma_wait3A_187 = tpu.memref_slice %arg10[%dma_wait3A_185, %dma_wait3A_186] : memref<10240x128xf32, #tpu.memory_space<vmem_shared>> -> memref<10240x128xf32, #tpu.memory_space<vmem_shared>>
      tpu.wait_indirect_dma semaphore(%arg16 : memref<!tpu.dma_semaphore, #tpu.memory_space<semaphore_mem>>) src(%dma_wait3A_181 : memref<80x128xf32, #tpu.memory_space<vmem>>) dst(%dma_wait3A_187 : memref<10240x128xf32, #tpu.memory_space<vmem_shared>>)
      %dma_wait3A_188 = arith.constant 2 : i32
      %dma_wait3A_189 = arith.constant 22 : i32
      %dma_wait3A_190 = arith.constant 0 : i32
      %dma_wait3A_191 = arith.constant 0 : i32
      %dma_wait3A_192 = tpu.memref_slice %arg9[%dma_wait3A_188, %dma_wait3A_190, %dma_wait3A_191] : memref<4x80x128xf32, #tpu.memory_space<vmem>> -> memref<1x80x128xf32, #tpu.memory_space<vmem>>
      %dma_wait3A_193 = tpu.memref_squeeze %dma_wait3A_192 : memref<1x80x128xf32, #tpu.memory_space<vmem>> -> memref<80x128xf32, #tpu.memory_space<vmem>>
      %dma_wait3A_194 = arith.constant 0 : i32
      %dma_wait3A_195 = tpu.memref_slice %arg8[%dma_wait3A_189, %dma_wait3A_194] : memref<25x80xi32, #tpu.memory_space<vmem>> -> memref<1x80xi32, #tpu.memory_space<vmem>>
      %dma_wait3A_196 = tpu.memref_squeeze %dma_wait3A_195 : memref<1x80xi32, #tpu.memory_space<vmem>> -> memref<80xi32, #tpu.memory_space<vmem>>
      %dma_wait3A_197 = arith.constant 0 : i32
      %dma_wait3A_198 = arith.constant 0 : i32
      %dma_wait3A_199 = tpu.memref_slice %arg10[%dma_wait3A_197, %dma_wait3A_198] : memref<10240x128xf32, #tpu.memory_space<vmem_shared>> -> memref<10240x128xf32, #tpu.memory_space<vmem_shared>>
      tpu.wait_indirect_dma semaphore(%arg17 : memref<!tpu.dma_semaphore, #tpu.memory_space<semaphore_mem>>) src(%dma_wait3A_193 : memref<80x128xf32, #tpu.memory_space<vmem>>) dst(%dma_wait3A_199 : memref<10240x128xf32, #tpu.memory_space<vmem_shared>>)
      %dma_wait3A_200 = arith.constant 3 : i32
      %dma_wait3A_201 = arith.constant 23 : i32
      %dma_wait3A_202 = arith.constant 0 : i32
      %dma_wait3A_203 = arith.constant 0 : i32
      %dma_wait3A_204 = tpu.memref_slice %arg9[%dma_wait3A_200, %dma_wait3A_202, %dma_wait3A_203] : memref<4x80x128xf32, #tpu.memory_space<vmem>> -> memref<1x80x128xf32, #tpu.memory_space<vmem>>
      %dma_wait3A_205 = tpu.memref_squeeze %dma_wait3A_204 : memref<1x80x128xf32, #tpu.memory_space<vmem>> -> memref<80x128xf32, #tpu.memory_space<vmem>>
      %dma_wait3A_206 = arith.constant 0 : i32
      %dma_wait3A_207 = tpu.memref_slice %arg8[%dma_wait3A_201, %dma_wait3A_206] : memref<25x80xi32, #tpu.memory_space<vmem>> -> memref<1x80xi32, #tpu.memory_space<vmem>>
      %dma_wait3A_208 = tpu.memref_squeeze %dma_wait3A_207 : memref<1x80xi32, #tpu.memory_space<vmem>> -> memref<80xi32, #tpu.memory_space<vmem>>
      %dma_wait3A_209 = arith.constant 0 : i32
      %dma_wait3A_210 = arith.constant 0 : i32
      %dma_wait3A_211 = tpu.memref_slice %arg10[%dma_wait3A_209, %dma_wait3A_210] : memref<10240x128xf32, #tpu.memory_space<vmem_shared>> -> memref<10240x128xf32, #tpu.memory_space<vmem_shared>>
      tpu.wait_indirect_dma semaphore(%arg18 : memref<!tpu.dma_semaphore, #tpu.memory_space<semaphore_mem>>) src(%dma_wait3A_205 : memref<80x128xf32, #tpu.memory_space<vmem>>) dst(%dma_wait3A_211 : memref<10240x128xf32, #tpu.memory_space<vmem_shared>>)
      %dma_start3A_212 = arith.constant 24 : i32
      %dma_start3A_213 = arith.constant 0 : i32
      %dma_start3A_214 = arith.constant 0 : i32
      %dma_start3A_215 = arith.constant 0 : i32
      %dma_start3A_216 = tpu.memref_slice %arg9[%dma_start3A_213, %dma_start3A_214, %dma_start3A_215] : memref<4x80x128xf32, #tpu.memory_space<vmem>> -> memref<1x80x128xf32, #tpu.memory_space<vmem>>
      %dma_start3A_217 = tpu.memref_squeeze %dma_start3A_216 : memref<1x80x128xf32, #tpu.memory_space<vmem>> -> memref<80x128xf32, #tpu.memory_space<vmem>>
      %dma_start3A_218 = arith.constant 0 : i32
      %dma_start3A_219 = tpu.memref_slice %arg7[%dma_start3A_212, %dma_start3A_218] : memref<25x80xi32, #tpu.memory_space<vmem>> -> memref<1x80xi32, #tpu.memory_space<vmem>>
      %dma_start3A_220 = tpu.memref_squeeze %dma_start3A_219 : memref<1x80xi32, #tpu.memory_space<vmem>> -> memref<80xi32, #tpu.memory_space<vmem>>
      %dma_start3A_221 = arith.constant 0 : i32
      %dma_start3A_222 = arith.constant 0 : i32
      %dma_start3A_223 = tpu.memref_slice %arg2[%dma_start3A_221, %dma_start3A_222] : memref<10000x128xf32, #tpu.memory_space<hbm>> -> memref<10000x128xf32, #tpu.memory_space<hbm>>
      tpu.enqueue_indirect_dma source(%dma_start3A_223 : memref<10000x128xf32, #tpu.memory_space<hbm>>) target(%dma_start3A_217 : memref<80x128xf32, #tpu.memory_space<vmem>>) offsets(%dma_start3A_220 : memref<80xi32, #tpu.memory_space<vmem>>) semaphore(%arg11 : memref<!tpu.dma_semaphore, #tpu.memory_space<semaphore_mem>>)
      %dma_wait3A_224 = arith.constant 24 : i32
      %dma_wait3A_225 = arith.constant 0 : i32
      %dma_wait3A_226 = arith.constant 0 : i32
      %dma_wait3A_227 = arith.constant 0 : i32
      %dma_wait3A_228 = tpu.memref_slice %arg9[%dma_wait3A_225, %dma_wait3A_226, %dma_wait3A_227] : memref<4x80x128xf32, #tpu.memory_space<vmem>> -> memref<1x80x128xf32, #tpu.memory_space<vmem>>
      %dma_wait3A_229 = tpu.memref_squeeze %dma_wait3A_228 : memref<1x80x128xf32, #tpu.memory_space<vmem>> -> memref<80x128xf32, #tpu.memory_space<vmem>>
      %dma_wait3A_230 = arith.constant 0 : i32
      %dma_wait3A_231 = tpu.memref_slice %arg7[%dma_wait3A_224, %dma_wait3A_230] : memref<25x80xi32, #tpu.memory_space<vmem>> -> memref<1x80xi32, #tpu.memory_space<vmem>>
      %dma_wait3A_232 = tpu.memref_squeeze %dma_wait3A_231 : memref<1x80xi32, #tpu.memory_space<vmem>> -> memref<80xi32, #tpu.memory_space<vmem>>
      %dma_wait3A_233 = arith.constant 0 : i32
      %dma_wait3A_234 = arith.constant 0 : i32
      %dma_wait3A_235 = tpu.memref_slice %arg2[%dma_wait3A_233, %dma_wait3A_234] : memref<10000x128xf32, #tpu.memory_space<hbm>> -> memref<10000x128xf32, #tpu.memory_space<hbm>>
      tpu.wait_indirect_dma semaphore(%arg11 : memref<!tpu.dma_semaphore, #tpu.memory_space<semaphore_mem>>) src(%dma_wait3A_235 : memref<10000x128xf32, #tpu.memory_space<hbm>>) dst(%dma_wait3A_229 : memref<80x128xf32, #tpu.memory_space<vmem>>)
      %run_scoped3A = arith.constant 0 : i32
      %run_scoped3A_236 = arith.constant 24 : i32
      "tpu.region"() ({
        %run_scoped3A_237 = tpu.sem_alloc : memref<!tpu.dma_semaphore, #tpu.memory_space<semaphore_mem>>
        %dma_start3A_238 = arith.constant 0 : i32
        %dma_start3A_239 = arith.constant 0 : i32
        %dma_start3A_240 = tpu.memref_slice %arg9[%run_scoped3A, %dma_start3A_238, %dma_start3A_239] : memref<4x80x128xf32, #tpu.memory_space<vmem>> -> memref<1x80x128xf32, #tpu.memory_space<vmem>>
        %dma_start3A_241 = tpu.memref_squeeze %dma_start3A_240 : memref<1x80x128xf32, #tpu.memory_space<vmem>> -> memref<80x128xf32, #tpu.memory_space<vmem>>
        %dma_start3A_242 = arith.constant 0 : i32
        %dma_start3A_243 = tpu.memref_slice %arg8[%run_scoped3A_236, %dma_start3A_242] : memref<25x80xi32, #tpu.memory_space<vmem>> -> memref<1x80xi32, #tpu.memory_space<vmem>>
        %dma_start3A_244 = tpu.memref_squeeze %dma_start3A_243 : memref<1x80xi32, #tpu.memory_space<vmem>> -> memref<80xi32, #tpu.memory_space<vmem>>
        %dma_start3A_245 = arith.constant 0 : i32
        %dma_start3A_246 = arith.constant 0 : i32
        %dma_start3A_247 = tpu.memref_slice %arg10[%dma_start3A_245, %dma_start3A_246] : memref<10240x128xf32, #tpu.memory_space<vmem_shared>> -> memref<10240x128xf32, #tpu.memory_space<vmem_shared>>
        tpu.enqueue_indirect_dma source(%dma_start3A_241 : memref<80x128xf32, #tpu.memory_space<vmem>>) target(%dma_start3A_247 : memref<10240x128xf32, #tpu.memory_space<vmem_shared>>) offsets(%dma_start3A_244 : memref<80xi32, #tpu.memory_space<vmem>>) semaphore(%run_scoped3A_237 : memref<!tpu.dma_semaphore, #tpu.memory_space<semaphore_mem>>) {add = true}
        %dma_wait3A_248 = arith.constant 0 : i32
        %dma_wait3A_249 = arith.constant 0 : i32
        %dma_wait3A_250 = tpu.memref_slice %arg9[%run_scoped3A, %dma_wait3A_248, %dma_wait3A_249] : memref<4x80x128xf32, #tpu.memory_space<vmem>> -> memref<1x80x128xf32, #tpu.memory_space<vmem>>
        %dma_wait3A_251 = tpu.memref_squeeze %dma_wait3A_250 : memref<1x80x128xf32, #tpu.memory_space<vmem>> -> memref<80x128xf32, #tpu.memory_space<vmem>>
        %dma_wait3A_252 = arith.constant 0 : i32
        %dma_wait3A_253 = tpu.memref_slice %arg8[%run_scoped3A_236, %dma_wait3A_252] : memref<25x80xi32, #tpu.memory_space<vmem>> -> memref<1x80xi32, #tpu.memory_space<vmem>>
        %dma_wait3A_254 = tpu.memref_squeeze %dma_wait3A_253 : memref<1x80xi32, #tpu.memory_space<vmem>> -> memref<80xi32, #tpu.memory_space<vmem>>
        %dma_wait3A_255 = arith.constant 0 : i32
        %dma_wait3A_256 = arith.constant 0 : i32
        %dma_wait3A_257 = tpu.memref_slice %arg10[%dma_wait3A_255, %dma_wait3A_256] : memref<10240x128xf32, #tpu.memory_space<vmem_shared>> -> memref<10240x128xf32, #tpu.memory_space<vmem_shared>>
        tpu.wait_indirect_dma semaphore(%run_scoped3A_237 : memref<!tpu.dma_semaphore, #tpu.memory_space<semaphore_mem>>) src(%dma_wait3A_251 : memref<80x128xf32, #tpu.memory_space<vmem>>) dst(%dma_wait3A_257 : memref<10240x128xf32, #tpu.memory_space<vmem_shared>>)
        tpu.yield
      }) : () -> ()
    }
    %scan3A_6 = arith.constant 5 : i32
    %barrier3A_7 = arith.constant 0 : index
    tpu.barrier barrier_id(%barrier3A_7)
    %mul3A_8 = arith.constant 640 : i32
    %mul3A_9 = arith.muli %arg1, %mul3A_8 : i32
    %mul3A_10 = arith.constant 640 : i32
    %mul3A_11 = arith.muli %arg1, %mul3A_10 : i32
    "tpu.region"() ({
      %run_scoped3A = tpu.sem_alloc : memref<!tpu.dma_semaphore, #tpu.memory_space<semaphore_mem>>
      %dma_start3A = arith.constant 0 : i32
      %dma_start3A_12 = tpu.memref_slice %arg6[%arg0, %mul3A_11, %dma_start3A] : memref<2x10240x128xf32, #tpu.memory_space<hbm>> -> memref<1x640x128xf32, #tpu.memory_space<hbm>>
      %dma_start3A_13 = tpu.memref_squeeze %dma_start3A_12 : memref<1x640x128xf32, #tpu.memory_space<hbm>> -> memref<640x128xf32, #tpu.memory_space<hbm>>
      %dma_start3A_14 = arith.constant 0 : i32
      %dma_start3A_15 = tpu.memref_slice %arg10[%mul3A_9, %dma_start3A_14] : memref<10240x128xf32, #tpu.memory_space<vmem_shared>> -> memref<640x128xf32, #tpu.memory_space<vmem_shared>>
      tpu.enqueue_dma source(%dma_start3A_15 : memref<640x128xf32, #tpu.memory_space<vmem_shared>>) target(%dma_start3A_13 : memref<640x128xf32, #tpu.memory_space<hbm>>) target_semaphore(%run_scoped3A : memref<!tpu.dma_semaphore, #tpu.memory_space<semaphore_mem>>)
      %dma_wait3A = arith.constant 0 : i32
      %dma_wait3A_16 = tpu.memref_slice %arg6[%arg0, %mul3A_11, %dma_wait3A] : memref<2x10240x128xf32, #tpu.memory_space<hbm>> -> memref<1x640x128xf32, #tpu.memory_space<hbm>>
      %dma_wait3A_17 = tpu.memref_squeeze %dma_wait3A_16 : memref<1x640x128xf32, #tpu.memory_space<hbm>> -> memref<640x128xf32, #tpu.memory_space<hbm>>
      %dma_wait3A_18 = arith.constant 0 : i32
      %dma_wait3A_19 = tpu.memref_slice %arg10[%mul3A_9, %dma_wait3A_18] : memref<10240x128xf32, #tpu.memory_space<vmem_shared>> -> memref<640x128xf32, #tpu.memory_space<vmem_shared>>
      tpu.wait_dma2 semaphore(%run_scoped3A : memref<!tpu.dma_semaphore, #tpu.memory_space<semaphore_mem>>) src(%dma_wait3A_19 : memref<640x128xf32, #tpu.memory_space<vmem_shared>>) dst(%dma_wait3A_17 : memref<640x128xf32, #tpu.memory_space<hbm>>)
      tpu.yield
    }) : () -> ()
    return
  }
}

#map = affine_map<(d0, d1) -> (0, 0)>
#map1 = affine_map<(d0, d1) -> (0, 0, 0, 0)>
#map2 = affine_map<(d0, d1) -> (0, 0, 0)>
module attributes {stable_mosaic.version = 14 : i64} {
  func.func @agg(%arg0: i32, %arg1: i32, %arg2: memref<10000x128xf32, #tpu.memory_space<hbm>>, %arg3: memref<32x5x25x80xi32, #tpu.memory_space<hbm>>, %arg4: memref<32x5x25x80xi32, #tpu.memory_space<hbm>>, %arg5: memref<640x128xf32, #tpu.memory_space<hbm>>, %arg6: memref<2x10240x128xf32, #tpu.memory_space<hbm>>, %arg7: memref<25x80xi32, #tpu.memory_space<vmem>>, %arg8: memref<25x80xi32, #tpu.memory_space<vmem>>, %arg9: memref<4x80x128xf32, #tpu.memory_space<vmem>>, %arg10: memref<10240x128xf32, #tpu.memory_space<vmem_shared>>, %arg11: memref<!tpu.dma_semaphore, #tpu.memory_space<semaphore_mem>>, %arg12: memref<!tpu.dma_semaphore, #tpu.memory_space<semaphore_mem>>, %arg13: memref<!tpu.dma_semaphore, #tpu.memory_space<semaphore_mem>>, %arg14: memref<!tpu.dma_semaphore, #tpu.memory_space<semaphore_mem>>, %arg15: memref<!tpu.dma_semaphore, #tpu.memory_space<semaphore_mem>>, %arg16: memref<!tpu.dma_semaphore, #tpu.memory_space<semaphore_mem>>, %arg17: memref<!tpu.dma_semaphore, #tpu.memory_space<semaphore_mem>>, %arg18: memref<!tpu.dma_semaphore, #tpu.memory_space<semaphore_mem>>) attributes {dimension_semantics = [#tpu.dimension_semantics<core_parallel>, #tpu.dimension_semantics<subcore_parallel>], iteration_bounds = array<i64: 2, 16>, scalar_prefetch = 0 : i64, scratch_operands = 12 : i64, tpu.core_type = #tpu.core_type<sc_vector_subcore>, window_params = [{transform_indices = #map}, {transform_indices = #map1}, {transform_indices = #map1}, {transform_indices = #map}, {transform_indices = #map2}]} {
    %mul3A = arith.constant 16 : i32
    %mul3A_0 = arith.muli %arg0, %mul3A : i32
    %add3A = arith.addi %mul3A_0, %arg1 : i32
    %mul3A_1 = arith.constant 640 : i32
    %mul3A_2 = arith.muli %arg1, %mul3A_1 : i32
    "tpu.region"() ({
      %run_scoped3A = tpu.sem_alloc : memref<!tpu.dma_semaphore, #tpu.memory_space<semaphore_mem>>
      %dma_start3A = arith.constant 0 : i32
      %dma_start3A_12 = tpu.memref_slice %arg10[%mul3A_2, %dma_start3A] : memref<10240x128xf32, #tpu.memory_space<vmem_shared>> -> memref<640x128xf32, #tpu.memory_space<vmem_shared>>
      tpu.enqueue_dma source(%arg5 : memref<640x128xf32, #tpu.memory_space<hbm>>) target(%dma_start3A_12 : memref<640x128xf32, #tpu.memory_space<vmem_shared>>) target_semaphore(%run_scoped3A : memref<!tpu.dma_semaphore, #tpu.memory_space<semaphore_mem>>)
      %dma_wait3A = arith.constant 0 : i32
      %dma_wait3A_13 = tpu.memref_slice %arg10[%mul3A_2, %dma_wait3A] : memref<10240x128xf32, #tpu.memory_space<vmem_shared>> -> memref<640x128xf32, #tpu.memory_space<vmem_shared>>
      tpu.wait_dma2 semaphore(%run_scoped3A : memref<!tpu.dma_semaphore, #tpu.memory_space<semaphore_mem>>) src(%arg5 : memref<640x128xf32, #tpu.memory_space<hbm>>) dst(%dma_wait3A_13 : memref<640x128xf32, #tpu.memory_space<vmem_shared>>)
      tpu.yield
    }) : () -> ()
    %barrier3A = arith.constant 0 : index
    tpu.barrier barrier_id(%barrier3A)
    %scan3A = arith.constant 0 : i32
    %scan3A_3 = arith.constant 5 : i32
    %scan3A_4 = arith.addi %scan3A, %scan3A_3 : i32
    %scan3A_5 = arith.constant 1 : i32
    scf.for %scan3A_12 = %scan3A to %scan3A_4 step %scan3A_5  : i32 {
      %mul3A_13 = arith.constant 1 : i32
      %mul3A_14 = arith.muli %scan3A_12, %mul3A_13 : i32
      %add3A_15 = arith.constant 0 : i32
      %add3A_16 = arith.addi %add3A_15, %mul3A_14 : i32
      "tpu.region"() ({
        %run_scoped3A_237 = tpu.sem_alloc : memref<!tpu.dma_semaphore, #tpu.memory_space<semaphore_mem>>
        %dma_start3A_238 = arith.constant 0 : i32
        %dma_start3A_239 = arith.constant 0 : i32
        %dma_start3A_240 = tpu.memref_slice %arg3[%add3A, %add3A_16, %dma_start3A_238, %dma_start3A_239] : memref<32x5x25x80xi32, #tpu.memory_space<hbm>> -> memref<1x1x25x80xi32, #tpu.memory_space<hbm>>
        %dma_start3A_241 = tpu.memref_squeeze %dma_start3A_240 : memref<1x1x25x80xi32, #tpu.memory_space<hbm>> -> memref<25x80xi32, #tpu.memory_space<hbm>>
        %dma_start3A_242 = arith.constant 0 : i32
        %dma_start3A_243 = arith.constant 0 : i32
        %dma_start3A_244 = tpu.memref_slice %arg3[%add3A, %add3A_16, %dma_start3A_242, %dma_start3A_243] : memref<32x5x25x80xi32, #tpu.memory_space<hbm>> -> memref<1x1x25x80xi32, #tpu.memory_space<hbm>>
        %dma_start3A_245 = tpu.memref_squeeze %dma_start3A_244 : memref<1x1x25x80xi32, #tpu.memory_space<hbm>> -> memref<25x80xi32, #tpu.memory_space<hbm>>
        tpu.enqueue_dma source(%dma_start3A_245 : memref<25x80xi32, #tpu.memory_space<hbm>>) target(%arg7 : memref<25x80xi32, #tpu.memory_space<vmem>>) target_semaphore(%run_scoped3A_237 : memref<!tpu.dma_semaphore, #tpu.memory_space<semaphore_mem>>)
        %dma_wait3A_246 = arith.constant 0 : i32
        %dma_wait3A_247 = arith.constant 0 : i32
        %dma_wait3A_248 = tpu.memref_slice %arg3[%add3A, %add3A_16, %dma_wait3A_246, %dma_wait3A_247] : memref<32x5x25x80xi32, #tpu.memory_space<hbm>> -> memref<1x1x25x80xi32, #tpu.memory_space<hbm>>
        %dma_wait3A_249 = tpu.memref_squeeze %dma_wait3A_248 : memref<1x1x25x80xi32, #tpu.memory_space<hbm>> -> memref<25x80xi32, #tpu.memory_space<hbm>>
        %dma_wait3A_250 = arith.constant 0 : i32
        %dma_wait3A_251 = arith.constant 0 : i32
        %dma_wait3A_252 = tpu.memref_slice %arg3[%add3A, %add3A_16, %dma_wait3A_250, %dma_wait3A_251] : memref<32x5x25x80xi32, #tpu.memory_space<hbm>> -> memref<1x1x25x80xi32, #tpu.memory_space<hbm>>
        %dma_wait3A_253 = tpu.memref_squeeze %dma_wait3A_252 : memref<1x1x25x80xi32, #tpu.memory_space<hbm>> -> memref<25x80xi32, #tpu.memory_space<hbm>>
        tpu.wait_dma2 semaphore(%run_scoped3A_237 : memref<!tpu.dma_semaphore, #tpu.memory_space<semaphore_mem>>) src(%dma_wait3A_253 : memref<25x80xi32, #tpu.memory_space<hbm>>) dst(%arg7 : memref<25x80xi32, #tpu.memory_space<vmem>>)
        tpu.yield
      }) : () -> ()
      "tpu.region"() ({
        %run_scoped3A_237 = tpu.sem_alloc : memref<!tpu.dma_semaphore, #tpu.memory_space<semaphore_mem>>
        %dma_start3A_238 = arith.constant 0 : i32
        %dma_start3A_239 = arith.constant 0 : i32
        %dma_start3A_240 = tpu.memref_slice %arg4[%add3A, %add3A_16, %dma_start3A_238, %dma_start3A_239] : memref<32x5x25x80xi32, #tpu.memory_space<hbm>> -> memref<1x1x25x80xi32, #tpu.memory_space<hbm>>
        %dma_start3A_241 = tpu.memref_squeeze %dma_start3A_240 : memref<1x1x25x80xi32, #tpu.memory_space<hbm>> -> memref<25x80xi32, #tpu.memory_space<hbm>>
        %dma_start3A_242 = arith.constant 0 : i32
        %dma_start3A_243 = arith.constant 0 : i32
        %dma_start3A_244 = tpu.memref_slice %arg4[%add3A, %add3A_16, %dma_start3A_242, %dma_start3A_243] : memref<32x5x25x80xi32, #tpu.memory_space<hbm>> -> memref<1x1x25x80xi32, #tpu.memory_space<hbm>>
        %dma_start3A_245 = tpu.memref_squeeze %dma_start3A_244 : memref<1x1x25x80xi32, #tpu.memory_space<hbm>> -> memref<25x80xi32, #tpu.memory_space<hbm>>
        tpu.enqueue_dma source(%dma_start3A_245 : memref<25x80xi32, #tpu.memory_space<hbm>>) target(%arg8 : memref<25x80xi32, #tpu.memory_space<vmem>>) target_semaphore(%run_scoped3A_237 : memref<!tpu.dma_semaphore, #tpu.memory_space<semaphore_mem>>)
        %dma_wait3A_246 = arith.constant 0 : i32
        %dma_wait3A_247 = arith.constant 0 : i32
        %dma_wait3A_248 = tpu.memref_slice %arg4[%add3A, %add3A_16, %dma_wait3A_246, %dma_wait3A_247] : memref<32x5x25x80xi32, #tpu.memory_space<hbm>> -> memref<1x1x25x80xi32, #tpu.memory_space<hbm>>
        %dma_wait3A_249 = tpu.memref_squeeze %dma_wait3A_248 : memref<1x1x25x80xi32, #tpu.memory_space<hbm>> -> memref<25x80xi32, #tpu.memory_space<hbm>>
        %dma_wait3A_250 = arith.constant 0 : i32
        %dma_wait3A_251 = arith.constant 0 : i32
        %dma_wait3A_252 = tpu.memref_slice %arg4[%add3A, %add3A_16, %dma_wait3A_250, %dma_wait3A_251] : memref<32x5x25x80xi32, #tpu.memory_space<hbm>> -> memref<1x1x25x80xi32, #tpu.memory_space<hbm>>
        %dma_wait3A_253 = tpu.memref_squeeze %dma_wait3A_252 : memref<1x1x25x80xi32, #tpu.memory_space<hbm>> -> memref<25x80xi32, #tpu.memory_space<hbm>>
        tpu.wait_dma2 semaphore(%run_scoped3A_237 : memref<!tpu.dma_semaphore, #tpu.memory_space<semaphore_mem>>) src(%dma_wait3A_253 : memref<25x80xi32, #tpu.memory_space<hbm>>) dst(%arg8 : memref<25x80xi32, #tpu.memory_space<vmem>>)
        tpu.yield
      }) : () -> ()
      %dma_start3A = arith.constant 0 : i32
      %dma_start3A_17 = arith.constant 0 : i32
      %dma_start3A_18 = arith.constant 0 : i32
      %dma_start3A_19 = arith.constant 0 : i32
      %dma_start3A_20 = tpu.memref_slice %arg9[%dma_start3A_17, %dma_start3A_18, %dma_start3A_19] : memref<4x80x128xf32, #tpu.memory_space<vmem>> -> memref<1x80x128xf32, #tpu.memory_space<vmem>>
      %dma_start3A_21 = tpu.memref_squeeze %dma_start3A_20 : memref<1x80x128xf32, #tpu.memory_space<vmem>> -> memref<80x128xf32, #tpu.memory_space<vmem>>
      %dma_start3A_22 = arith.constant 0 : i32
      %dma_start3A_23 = tpu.memref_slice %arg7[%dma_start3A, %dma_start3A_22] : memref<25x80xi32, #tpu.memory_space<vmem>> -> memref<1x80xi32, #tpu.memory_space<vmem>>
      %dma_start3A_24 = tpu.memref_squeeze %dma_start3A_23 : memref<1x80xi32, #tpu.memory_space<vmem>> -> memref<80xi32, #tpu.memory_space<vmem>>
      %dma_start3A_25 = arith.constant 0 : i32
      %dma_start3A_26 = arith.constant 0 : i32
      %dma_start3A_27 = tpu.memref_slice %arg2[%dma_start3A_25, %dma_start3A_26] : memref<10000x128xf32, #tpu.memory_space<hbm>> -> memref<10000x128xf32, #tpu.memory_space<hbm>>
      tpu.enqueue_indirect_dma source(%dma_start3A_27 : memref<10000x128xf32, #tpu.memory_space<hbm>>) target(%dma_start3A_21 : memref<80x128xf32, #tpu.memory_space<vmem>>) offsets(%dma_start3A_24 : memref<80xi32, #tpu.memory_space<vmem>>) semaphore(%arg11 : memref<!tpu.dma_semaphore, #tpu.memory_space<semaphore_mem>>)
      %dma_start3A_28 = arith.constant 1 : i32
      %dma_start3A_29 = arith.constant 1 : i32
      %dma_start3A_30 = arith.constant 0 : i32
      %dma_start3A_31 = arith.constant 0 : i32
      %dma_start3A_32 = tpu.memref_slice %arg9[%dma_start3A_29, %dma_start3A_30, %dma_start3A_31] : memref<4x80x128xf32, #tpu.memory_space<vmem>> -> memref<1x80x128xf32, #tpu.memory_space<vmem>>
      %dma_start3A_33 = tpu.memref_squeeze %dma_start3A_32 : memref<1x80x128xf32, #tpu.memory_space<vmem>> -> memref<80x128xf32, #tpu.memory_space<vmem>>
      %dma_start3A_34 = arith.constant 0 : i32
      %dma_start3A_35 = tpu.memref_slice %arg7[%dma_start3A_28, %dma_start3A_34] : memref<25x80xi32, #tpu.memory_space<vmem>> -> memref<1x80xi32, #tpu.memory_space<vmem>>
      %dma_start3A_36 = tpu.memref_squeeze %dma_start3A_35 : memref<1x80xi32, #tpu.memory_space<vmem>> -> memref<80xi32, #tpu.memory_space<vmem>>
      %dma_start3A_37 = arith.constant 0 : i32
      %dma_start3A_38 = arith.constant 0 : i32
      %dma_start3A_39 = tpu.memref_slice %arg2[%dma_start3A_37, %dma_start3A_38] : memref<10000x128xf32, #tpu.memory_space<hbm>> -> memref<10000x128xf32, #tpu.memory_space<hbm>>
      tpu.enqueue_indirect_dma source(%dma_start3A_39 : memref<10000x128xf32, #tpu.memory_space<hbm>>) target(%dma_start3A_33 : memref<80x128xf32, #tpu.memory_space<vmem>>) offsets(%dma_start3A_36 : memref<80xi32, #tpu.memory_space<vmem>>) semaphore(%arg12 : memref<!tpu.dma_semaphore, #tpu.memory_space<semaphore_mem>>)
      %dma_start3A_40 = arith.constant 2 : i32
      %dma_start3A_41 = arith.constant 2 : i32
      %dma_start3A_42 = arith.constant 0 : i32
      %dma_start3A_43 = arith.constant 0 : i32
      %dma_start3A_44 = tpu.memref_slice %arg9[%dma_start3A_41, %dma_start3A_42, %dma_start3A_43] : memref<4x80x128xf32, #tpu.memory_space<vmem>> -> memref<1x80x128xf32, #tpu.memory_space<vmem>>
      %dma_start3A_45 = tpu.memref_squeeze %dma_start3A_44 : memref<1x80x128xf32, #tpu.memory_space<vmem>> -> memref<80x128xf32, #tpu.memory_space<vmem>>
      %dma_start3A_46 = arith.constant 0 : i32
      %dma_start3A_47 = tpu.memref_slice %arg7[%dma_start3A_40, %dma_start3A_46] : memref<25x80xi32, #tpu.memory_space<vmem>> -> memref<1x80xi32, #tpu.memory_space<vmem>>
      %dma_start3A_48 = tpu.memref_squeeze %dma_start3A_47 : memref<1x80xi32, #tpu.memory_space<vmem>> -> memref<80xi32, #tpu.memory_space<vmem>>
      %dma_start3A_49 = arith.constant 0 : i32
      %dma_start3A_50 = arith.constant 0 : i32
      %dma_start3A_51 = tpu.memref_slice %arg2[%dma_start3A_49, %dma_start3A_50] : memref<10000x128xf32, #tpu.memory_space<hbm>> -> memref<10000x128xf32, #tpu.memory_space<hbm>>
      tpu.enqueue_indirect_dma source(%dma_start3A_51 : memref<10000x128xf32, #tpu.memory_space<hbm>>) target(%dma_start3A_45 : memref<80x128xf32, #tpu.memory_space<vmem>>) offsets(%dma_start3A_48 : memref<80xi32, #tpu.memory_space<vmem>>) semaphore(%arg13 : memref<!tpu.dma_semaphore, #tpu.memory_space<semaphore_mem>>)
      %dma_start3A_52 = arith.constant 3 : i32
      %dma_start3A_53 = arith.constant 3 : i32
      %dma_start3A_54 = arith.constant 0 : i32
      %dma_start3A_55 = arith.constant 0 : i32
      %dma_start3A_56 = tpu.memref_slice %arg9[%dma_start3A_53, %dma_start3A_54, %dma_start3A_55] : memref<4x80x128xf32, #tpu.memory_space<vmem>> -> memref<1x80x128xf32, #tpu.memory_space<vmem>>
      %dma_start3A_57 = tpu.memref_squeeze %dma_start3A_56 : memref<1x80x128xf32, #tpu.memory_space<vmem>> -> memref<80x128xf32, #tpu.memory_space<vmem>>
      %dma_start3A_58 = arith.constant 0 : i32
      %dma_start3A_59 = tpu.memref_slice %arg7[%dma_start3A_52, %dma_start3A_58] : memref<25x80xi32, #tpu.memory_space<vmem>> -> memref<1x80xi32, #tpu.memory_space<vmem>>
      %dma_start3A_60 = tpu.memref_squeeze %dma_start3A_59 : memref<1x80xi32, #tpu.memory_space<vmem>> -> memref<80xi32, #tpu.memory_space<vmem>>
      %dma_start3A_61 = arith.constant 0 : i32
      %dma_start3A_62 = arith.constant 0 : i32
      %dma_start3A_63 = tpu.memref_slice %arg2[%dma_start3A_61, %dma_start3A_62] : memref<10000x128xf32, #tpu.memory_space<hbm>> -> memref<10000x128xf32, #tpu.memory_space<hbm>>
      tpu.enqueue_indirect_dma source(%dma_start3A_63 : memref<10000x128xf32, #tpu.memory_space<hbm>>) target(%dma_start3A_57 : memref<80x128xf32, #tpu.memory_space<vmem>>) offsets(%dma_start3A_60 : memref<80xi32, #tpu.memory_space<vmem>>) semaphore(%arg14 : memref<!tpu.dma_semaphore, #tpu.memory_space<semaphore_mem>>)
      %dma_wait3A = arith.constant 0 : i32
      %dma_wait3A_64 = arith.constant 0 : i32
      %dma_wait3A_65 = arith.constant 0 : i32
      %dma_wait3A_66 = arith.constant 0 : i32
      %dma_wait3A_67 = tpu.memref_slice %arg9[%dma_wait3A_64, %dma_wait3A_65, %dma_wait3A_66] : memref<4x80x128xf32, #tpu.memory_space<vmem>> -> memref<1x80x128xf32, #tpu.memory_space<vmem>>
      %dma_wait3A_68 = tpu.memref_squeeze %dma_wait3A_67 : memref<1x80x128xf32, #tpu.memory_space<vmem>> -> memref<80x128xf32, #tpu.memory_space<vmem>>
      %dma_wait3A_69 = arith.constant 0 : i32
      %dma_wait3A_70 = tpu.memref_slice %arg7[%dma_wait3A, %dma_wait3A_69] : memref<25x80xi32, #tpu.memory_space<vmem>> -> memref<1x80xi32, #tpu.memory_space<vmem>>
      %dma_wait3A_71 = tpu.memref_squeeze %dma_wait3A_70 : memref<1x80xi32, #tpu.memory_space<vmem>> -> memref<80xi32, #tpu.memory_space<vmem>>
      %dma_wait3A_72 = arith.constant 0 : i32
      %dma_wait3A_73 = arith.constant 0 : i32
      %dma_wait3A_74 = tpu.memref_slice %arg2[%dma_wait3A_72, %dma_wait3A_73] : memref<10000x128xf32, #tpu.memory_space<hbm>> -> memref<10000x128xf32, #tpu.memory_space<hbm>>
      tpu.wait_indirect_dma semaphore(%arg11 : memref<!tpu.dma_semaphore, #tpu.memory_space<semaphore_mem>>) src(%dma_wait3A_74 : memref<10000x128xf32, #tpu.memory_space<hbm>>) dst(%dma_wait3A_68 : memref<80x128xf32, #tpu.memory_space<vmem>>)
      %dma_start3A_75 = arith.constant 0 : i32
      %dma_start3A_76 = arith.constant 0 : i32
      %dma_start3A_77 = arith.constant 0 : i32
      %dma_start3A_78 = arith.constant 0 : i32
      %dma_start3A_79 = tpu.memref_slice %arg9[%dma_start3A_75, %dma_start3A_77, %dma_start3A_78] : memref<4x80x128xf32, #tpu.memory_space<vmem>> -> memref<1x80x128xf32, #tpu.memory_space<vmem>>
      %dma_start3A_80 = tpu.memref_squeeze %dma_start3A_79 : memref<1x80x128xf32, #tpu.memory_space<vmem>> -> memref<80x128xf32, #tpu.memory_space<vmem>>
      %dma_start3A_81 = arith.constant 0 : i32
      %dma_start3A_82 = tpu.memref_slice %arg8[%dma_start3A_76, %dma_start3A_81] : memref<25x80xi32, #tpu.memory_space<vmem>> -> memref<1x80xi32, #tpu.memory_space<vmem>>
      %dma_start3A_83 = tpu.memref_squeeze %dma_start3A_82 : memref<1x80xi32, #tpu.memory_space<vmem>> -> memref<80xi32, #tpu.memory_space<vmem>>
      %dma_start3A_84 = arith.constant 0 : i32
      %dma_start3A_85 = arith.constant 0 : i32
      %dma_start3A_86 = tpu.memref_slice %arg10[%dma_start3A_84, %dma_start3A_85] : memref<10240x128xf32, #tpu.memory_space<vmem_shared>> -> memref<10240x128xf32, #tpu.memory_space<vmem_shared>>
      tpu.enqueue_indirect_dma source(%dma_start3A_80 : memref<80x128xf32, #tpu.memory_space<vmem>>) target(%dma_start3A_86 : memref<10240x128xf32, #tpu.memory_space<vmem_shared>>) offsets(%dma_start3A_83 : memref<80xi32, #tpu.memory_space<vmem>>) semaphore(%arg15 : memref<!tpu.dma_semaphore, #tpu.memory_space<semaphore_mem>>) {add = true}
      %dma_wait3A_87 = arith.constant 1 : i32
      %dma_wait3A_88 = arith.constant 1 : i32
      %dma_wait3A_89 = arith.constant 0 : i32
      %dma_wait3A_90 = arith.constant 0 : i32
      %dma_wait3A_91 = tpu.memref_slice %arg9[%dma_wait3A_88, %dma_wait3A_89, %dma_wait3A_90] : memref<4x80x128xf32, #tpu.memory_space<vmem>> -> memref<1x80x128xf32, #tpu.memory_space<vmem>>
      %dma_wait3A_92 = tpu.memref_squeeze %dma_wait3A_91 : memref<1x80x128xf32, #tpu.memory_space<vmem>> -> memref<80x128xf32, #tpu.memory_space<vmem>>
      %dma_wait3A_93 = arith.constant 0 : i32
      %dma_wait3A_94 = tpu.memref_slice %arg7[%dma_wait3A_87, %dma_wait3A_93] : memref<25x80xi32, #tpu.memory_space<vmem>> -> memref<1x80xi32, #tpu.memory_space<vmem>>
      %dma_wait3A_95 = tpu.memref_squeeze %dma_wait3A_94 : memref<1x80xi32, #tpu.memory_space<vmem>> -> memref<80xi32, #tpu.memory_space<vmem>>
      %dma_wait3A_96 = arith.constant 0 : i32
      %dma_wait3A_97 = arith.constant 0 : i32
      %dma_wait3A_98 = tpu.memref_slice %arg2[%dma_wait3A_96, %dma_wait3A_97] : memref<10000x128xf32, #tpu.memory_space<hbm>> -> memref<10000x128xf32, #tpu.memory_space<hbm>>
      tpu.wait_indirect_dma semaphore(%arg12 : memref<!tpu.dma_semaphore, #tpu.memory_space<semaphore_mem>>) src(%dma_wait3A_98 : memref<10000x128xf32, #tpu.memory_space<hbm>>) dst(%dma_wait3A_92 : memref<80x128xf32, #tpu.memory_space<vmem>>)
      %dma_start3A_99 = arith.constant 1 : i32
      %dma_start3A_100 = arith.constant 1 : i32
      %dma_start3A_101 = arith.constant 0 : i32
      %dma_start3A_102 = arith.constant 0 : i32
      %dma_start3A_103 = tpu.memref_slice %arg9[%dma_start3A_99, %dma_start3A_101, %dma_start3A_102] : memref<4x80x128xf32, #tpu.memory_space<vmem>> -> memref<1x80x128xf32, #tpu.memory_space<vmem>>
      %dma_start3A_104 = tpu.memref_squeeze %dma_start3A_103 : memref<1x80x128xf32, #tpu.memory_space<vmem>> -> memref<80x128xf32, #tpu.memory_space<vmem>>
      %dma_start3A_105 = arith.constant 0 : i32
      %dma_start3A_106 = tpu.memref_slice %arg8[%dma_start3A_100, %dma_start3A_105] : memref<25x80xi32, #tpu.memory_space<vmem>> -> memref<1x80xi32, #tpu.memory_space<vmem>>
      %dma_start3A_107 = tpu.memref_squeeze %dma_start3A_106 : memref<1x80xi32, #tpu.memory_space<vmem>> -> memref<80xi32, #tpu.memory_space<vmem>>
      %dma_start3A_108 = arith.constant 0 : i32
      %dma_start3A_109 = arith.constant 0 : i32
      %dma_start3A_110 = tpu.memref_slice %arg10[%dma_start3A_108, %dma_start3A_109] : memref<10240x128xf32, #tpu.memory_space<vmem_shared>> -> memref<10240x128xf32, #tpu.memory_space<vmem_shared>>
      tpu.enqueue_indirect_dma source(%dma_start3A_104 : memref<80x128xf32, #tpu.memory_space<vmem>>) target(%dma_start3A_110 : memref<10240x128xf32, #tpu.memory_space<vmem_shared>>) offsets(%dma_start3A_107 : memref<80xi32, #tpu.memory_space<vmem>>) semaphore(%arg16 : memref<!tpu.dma_semaphore, #tpu.memory_space<semaphore_mem>>) {add = true}
      %dma_wait3A_111 = arith.constant 2 : i32
      %dma_wait3A_112 = arith.constant 2 : i32
      %dma_wait3A_113 = arith.constant 0 : i32
      %dma_wait3A_114 = arith.constant 0 : i32
      %dma_wait3A_115 = tpu.memref_slice %arg9[%dma_wait3A_112, %dma_wait3A_113, %dma_wait3A_114] : memref<4x80x128xf32, #tpu.memory_space<vmem>> -> memref<1x80x128xf32, #tpu.memory_space<vmem>>
      %dma_wait3A_116 = tpu.memref_squeeze %dma_wait3A_115 : memref<1x80x128xf32, #tpu.memory_space<vmem>> -> memref<80x128xf32, #tpu.memory_space<vmem>>
      %dma_wait3A_117 = arith.constant 0 : i32
      %dma_wait3A_118 = tpu.memref_slice %arg7[%dma_wait3A_111, %dma_wait3A_117] : memref<25x80xi32, #tpu.memory_space<vmem>> -> memref<1x80xi32, #tpu.memory_space<vmem>>
      %dma_wait3A_119 = tpu.memref_squeeze %dma_wait3A_118 : memref<1x80xi32, #tpu.memory_space<vmem>> -> memref<80xi32, #tpu.memory_space<vmem>>
      %dma_wait3A_120 = arith.constant 0 : i32
      %dma_wait3A_121 = arith.constant 0 : i32
      %dma_wait3A_122 = tpu.memref_slice %arg2[%dma_wait3A_120, %dma_wait3A_121] : memref<10000x128xf32, #tpu.memory_space<hbm>> -> memref<10000x128xf32, #tpu.memory_space<hbm>>
      tpu.wait_indirect_dma semaphore(%arg13 : memref<!tpu.dma_semaphore, #tpu.memory_space<semaphore_mem>>) src(%dma_wait3A_122 : memref<10000x128xf32, #tpu.memory_space<hbm>>) dst(%dma_wait3A_116 : memref<80x128xf32, #tpu.memory_space<vmem>>)
      %dma_start3A_123 = arith.constant 2 : i32
      %dma_start3A_124 = arith.constant 2 : i32
      %dma_start3A_125 = arith.constant 0 : i32
      %dma_start3A_126 = arith.constant 0 : i32
      %dma_start3A_127 = tpu.memref_slice %arg9[%dma_start3A_123, %dma_start3A_125, %dma_start3A_126] : memref<4x80x128xf32, #tpu.memory_space<vmem>> -> memref<1x80x128xf32, #tpu.memory_space<vmem>>
      %dma_start3A_128 = tpu.memref_squeeze %dma_start3A_127 : memref<1x80x128xf32, #tpu.memory_space<vmem>> -> memref<80x128xf32, #tpu.memory_space<vmem>>
      %dma_start3A_129 = arith.constant 0 : i32
      %dma_start3A_130 = tpu.memref_slice %arg8[%dma_start3A_124, %dma_start3A_129] : memref<25x80xi32, #tpu.memory_space<vmem>> -> memref<1x80xi32, #tpu.memory_space<vmem>>
      %dma_start3A_131 = tpu.memref_squeeze %dma_start3A_130 : memref<1x80xi32, #tpu.memory_space<vmem>> -> memref<80xi32, #tpu.memory_space<vmem>>
      %dma_start3A_132 = arith.constant 0 : i32
      %dma_start3A_133 = arith.constant 0 : i32
      %dma_start3A_134 = tpu.memref_slice %arg10[%dma_start3A_132, %dma_start3A_133] : memref<10240x128xf32, #tpu.memory_space<vmem_shared>> -> memref<10240x128xf32, #tpu.memory_space<vmem_shared>>
      tpu.enqueue_indirect_dma source(%dma_start3A_128 : memref<80x128xf32, #tpu.memory_space<vmem>>) target(%dma_start3A_134 : memref<10240x128xf32, #tpu.memory_space<vmem_shared>>) offsets(%dma_start3A_131 : memref<80xi32, #tpu.memory_space<vmem>>) semaphore(%arg17 : memref<!tpu.dma_semaphore, #tpu.memory_space<semaphore_mem>>) {add = true}
      %dma_wait3A_135 = arith.constant 3 : i32
      %dma_wait3A_136 = arith.constant 3 : i32
      %dma_wait3A_137 = arith.constant 0 : i32
      %dma_wait3A_138 = arith.constant 0 : i32
      %dma_wait3A_139 = tpu.memref_slice %arg9[%dma_wait3A_136, %dma_wait3A_137, %dma_wait3A_138] : memref<4x80x128xf32, #tpu.memory_space<vmem>> -> memref<1x80x128xf32, #tpu.memory_space<vmem>>
      %dma_wait3A_140 = tpu.memref_squeeze %dma_wait3A_139 : memref<1x80x128xf32, #tpu.memory_space<vmem>> -> memref<80x128xf32, #tpu.memory_space<vmem>>
      %dma_wait3A_141 = arith.constant 0 : i32
      %dma_wait3A_142 = tpu.memref_slice %arg7[%dma_wait3A_135, %dma_wait3A_141] : memref<25x80xi32, #tpu.memory_space<vmem>> -> memref<1x80xi32, #tpu.memory_space<vmem>>
      %dma_wait3A_143 = tpu.memref_squeeze %dma_wait3A_142 : memref<1x80xi32, #tpu.memory_space<vmem>> -> memref<80xi32, #tpu.memory_space<vmem>>
      %dma_wait3A_144 = arith.constant 0 : i32
      %dma_wait3A_145 = arith.constant 0 : i32
      %dma_wait3A_146 = tpu.memref_slice %arg2[%dma_wait3A_144, %dma_wait3A_145] : memref<10000x128xf32, #tpu.memory_space<hbm>> -> memref<10000x128xf32, #tpu.memory_space<hbm>>
      tpu.wait_indirect_dma semaphore(%arg14 : memref<!tpu.dma_semaphore, #tpu.memory_space<semaphore_mem>>) src(%dma_wait3A_146 : memref<10000x128xf32, #tpu.memory_space<hbm>>) dst(%dma_wait3A_140 : memref<80x128xf32, #tpu.memory_space<vmem>>)
      %dma_start3A_147 = arith.constant 3 : i32
      %dma_start3A_148 = arith.constant 3 : i32
      %dma_start3A_149 = arith.constant 0 : i32
      %dma_start3A_150 = arith.constant 0 : i32
      %dma_start3A_151 = tpu.memref_slice %arg9[%dma_start3A_147, %dma_start3A_149, %dma_start3A_150] : memref<4x80x128xf32, #tpu.memory_space<vmem>> -> memref<1x80x128xf32, #tpu.memory_space<vmem>>
      %dma_start3A_152 = tpu.memref_squeeze %dma_start3A_151 : memref<1x80x128xf32, #tpu.memory_space<vmem>> -> memref<80x128xf32, #tpu.memory_space<vmem>>
      %dma_start3A_153 = arith.constant 0 : i32
      %dma_start3A_154 = tpu.memref_slice %arg8[%dma_start3A_148, %dma_start3A_153] : memref<25x80xi32, #tpu.memory_space<vmem>> -> memref<1x80xi32, #tpu.memory_space<vmem>>
      %dma_start3A_155 = tpu.memref_squeeze %dma_start3A_154 : memref<1x80xi32, #tpu.memory_space<vmem>> -> memref<80xi32, #tpu.memory_space<vmem>>
      %dma_start3A_156 = arith.constant 0 : i32
      %dma_start3A_157 = arith.constant 0 : i32
      %dma_start3A_158 = tpu.memref_slice %arg10[%dma_start3A_156, %dma_start3A_157] : memref<10240x128xf32, #tpu.memory_space<vmem_shared>> -> memref<10240x128xf32, #tpu.memory_space<vmem_shared>>
      tpu.enqueue_indirect_dma source(%dma_start3A_152 : memref<80x128xf32, #tpu.memory_space<vmem>>) target(%dma_start3A_158 : memref<10240x128xf32, #tpu.memory_space<vmem_shared>>) offsets(%dma_start3A_155 : memref<80xi32, #tpu.memory_space<vmem>>) semaphore(%arg18 : memref<!tpu.dma_semaphore, #tpu.memory_space<semaphore_mem>>) {add = true}
      %scan3A_159 = arith.constant 0 : i32
      %scan3A_160 = arith.constant 5 : i32
      %scan3A_161 = arith.addi %scan3A_159, %scan3A_160 : i32
      %scan3A_162 = arith.constant 1 : i32
      scf.for %scan3A_237 = %scan3A_159 to %scan3A_161 step %scan3A_162  : i32 {
        %mul3A_238 = arith.constant 4 : i32
        %mul3A_239 = arith.muli %scan3A_237, %mul3A_238 : i32
        %add3A_240 = arith.constant 4 : i32
        %add3A_241 = arith.addi %add3A_240, %mul3A_239 : i32
        %sub3A = arith.constant 4 : i32
        %sub3A_242 = arith.subi %add3A_241, %sub3A : i32
        %add3A_243 = arith.constant 0 : i32
        %add3A_244 = arith.addi %sub3A_242, %add3A_243 : i32
        %dma_wait3A_245 = arith.constant 0 : i32
        %dma_wait3A_246 = arith.constant 0 : i32
        %dma_wait3A_247 = arith.constant 0 : i32
        %dma_wait3A_248 = tpu.memref_slice %arg9[%dma_wait3A_245, %dma_wait3A_246, %dma_wait3A_247] : memref<4x80x128xf32, #tpu.memory_space<vmem>> -> memref<1x80x128xf32, #tpu.memory_space<vmem>>
        %dma_wait3A_249 = tpu.memref_squeeze %dma_wait3A_248 : memref<1x80x128xf32, #tpu.memory_space<vmem>> -> memref<80x128xf32, #tpu.memory_space<vmem>>
        %dma_wait3A_250 = arith.constant 0 : i32
        %dma_wait3A_251 = tpu.memref_slice %arg8[%add3A_244, %dma_wait3A_250] : memref<25x80xi32, #tpu.memory_space<vmem>> -> memref<1x80xi32, #tpu.memory_space<vmem>>
        %dma_wait3A_252 = tpu.memref_squeeze %dma_wait3A_251 : memref<1x80xi32, #tpu.memory_space<vmem>> -> memref<80xi32, #tpu.memory_space<vmem>>
        %dma_wait3A_253 = arith.constant 0 : i32
        %dma_wait3A_254 = arith.constant 0 : i32
        %dma_wait3A_255 = tpu.memref_slice %arg10[%dma_wait3A_253, %dma_wait3A_254] : memref<10240x128xf32, #tpu.memory_space<vmem_shared>> -> memref<10240x128xf32, #tpu.memory_space<vmem_shared>>
        tpu.wait_indirect_dma semaphore(%arg15 : memref<!tpu.dma_semaphore, #tpu.memory_space<semaphore_mem>>) src(%dma_wait3A_249 : memref<80x128xf32, #tpu.memory_space<vmem>>) dst(%dma_wait3A_255 : memref<10240x128xf32, #tpu.memory_space<vmem_shared>>)
        %add3A_256 = arith.constant 0 : i32
        %add3A_257 = arith.addi %add3A_241, %add3A_256 : i32
        %dma_start3A_258 = arith.constant 0 : i32
        %dma_start3A_259 = arith.constant 0 : i32
        %dma_start3A_260 = arith.constant 0 : i32
        %dma_start3A_261 = tpu.memref_slice %arg9[%dma_start3A_258, %dma_start3A_259, %dma_start3A_260] : memref<4x80x128xf32, #tpu.memory_space<vmem>> -> memref<1x80x128xf32, #tpu.memory_space<vmem>>
        %dma_start3A_262 = tpu.memref_squeeze %dma_start3A_261 : memref<1x80x128xf32, #tpu.memory_space<vmem>> -> memref<80x128xf32, #tpu.memory_space<vmem>>
        %dma_start3A_263 = arith.constant 0 : i32
        %dma_start3A_264 = tpu.memref_slice %arg7[%add3A_257, %dma_start3A_263] : memref<25x80xi32, #tpu.memory_space<vmem>> -> memref<1x80xi32, #tpu.memory_space<vmem>>
        %dma_start3A_265 = tpu.memref_squeeze %dma_start3A_264 : memref<1x80xi32, #tpu.memory_space<vmem>> -> memref<80xi32, #tpu.memory_space<vmem>>
        %dma_start3A_266 = arith.constant 0 : i32
        %dma_start3A_267 = arith.constant 0 : i32
        %dma_start3A_268 = tpu.memref_slice %arg2[%dma_start3A_266, %dma_start3A_267] : memref<10000x128xf32, #tpu.memory_space<hbm>> -> memref<10000x128xf32, #tpu.memory_space<hbm>>
        tpu.enqueue_indirect_dma source(%dma_start3A_268 : memref<10000x128xf32, #tpu.memory_space<hbm>>) target(%dma_start3A_262 : memref<80x128xf32, #tpu.memory_space<vmem>>) offsets(%dma_start3A_265 : memref<80xi32, #tpu.memory_space<vmem>>) semaphore(%arg11 : memref<!tpu.dma_semaphore, #tpu.memory_space<semaphore_mem>>)
        %sub3A_269 = arith.constant 4 : i32
        %sub3A_270 = arith.subi %add3A_241, %sub3A_269 : i32
        %add3A_271 = arith.constant 1 : i32
        %add3A_272 = arith.addi %sub3A_270, %add3A_271 : i32
        %dma_wait3A_273 = arith.constant 1 : i32
        %dma_wait3A_274 = arith.constant 0 : i32
        %dma_wait3A_275 = arith.constant 0 : i32
        %dma_wait3A_276 = tpu.memref_slice %arg9[%dma_wait3A_273, %dma_wait3A_274, %dma_wait3A_275] : memref<4x80x128xf32, #tpu.memory_space<vmem>> -> memref<1x80x128xf32, #tpu.memory_space<vmem>>
        %dma_wait3A_277 = tpu.memref_squeeze %dma_wait3A_276 : memref<1x80x128xf32, #tpu.memory_space<vmem>> -> memref<80x128xf32, #tpu.memory_space<vmem>>
        %dma_wait3A_278 = arith.constant 0 : i32
        %dma_wait3A_279 = tpu.memref_slice %arg8[%add3A_272, %dma_wait3A_278] : memref<25x80xi32, #tpu.memory_space<vmem>> -> memref<1x80xi32, #tpu.memory_space<vmem>>
        %dma_wait3A_280 = tpu.memref_squeeze %dma_wait3A_279 : memref<1x80xi32, #tpu.memory_space<vmem>> -> memref<80xi32, #tpu.memory_space<vmem>>
        %dma_wait3A_281 = arith.constant 0 : i32
        %dma_wait3A_282 = arith.constant 0 : i32
        %dma_wait3A_283 = tpu.memref_slice %arg10[%dma_wait3A_281, %dma_wait3A_282] : memref<10240x128xf32, #tpu.memory_space<vmem_shared>> -> memref<10240x128xf32, #tpu.memory_space<vmem_shared>>
        tpu.wait_indirect_dma semaphore(%arg16 : memref<!tpu.dma_semaphore, #tpu.memory_space<semaphore_mem>>) src(%dma_wait3A_277 : memref<80x128xf32, #tpu.memory_space<vmem>>) dst(%dma_wait3A_283 : memref<10240x128xf32, #tpu.memory_space<vmem_shared>>)
        %add3A_284 = arith.constant 1 : i32
        %add3A_285 = arith.addi %add3A_241, %add3A_284 : i32
        %dma_start3A_286 = arith.constant 1 : i32
        %dma_start3A_287 = arith.constant 0 : i32
        %dma_start3A_288 = arith.constant 0 : i32
        %dma_start3A_289 = tpu.memref_slice %arg9[%dma_start3A_286, %dma_start3A_287, %dma_start3A_288] : memref<4x80x128xf32, #tpu.memory_space<vmem>> -> memref<1x80x128xf32, #tpu.memory_space<vmem>>
        %dma_start3A_290 = tpu.memref_squeeze %dma_start3A_289 : memref<1x80x128xf32, #tpu.memory_space<vmem>> -> memref<80x128xf32, #tpu.memory_space<vmem>>
        %dma_start3A_291 = arith.constant 0 : i32
        %dma_start3A_292 = tpu.memref_slice %arg7[%add3A_285, %dma_start3A_291] : memref<25x80xi32, #tpu.memory_space<vmem>> -> memref<1x80xi32, #tpu.memory_space<vmem>>
        %dma_start3A_293 = tpu.memref_squeeze %dma_start3A_292 : memref<1x80xi32, #tpu.memory_space<vmem>> -> memref<80xi32, #tpu.memory_space<vmem>>
        %dma_start3A_294 = arith.constant 0 : i32
        %dma_start3A_295 = arith.constant 0 : i32
        %dma_start3A_296 = tpu.memref_slice %arg2[%dma_start3A_294, %dma_start3A_295] : memref<10000x128xf32, #tpu.memory_space<hbm>> -> memref<10000x128xf32, #tpu.memory_space<hbm>>
        tpu.enqueue_indirect_dma source(%dma_start3A_296 : memref<10000x128xf32, #tpu.memory_space<hbm>>) target(%dma_start3A_290 : memref<80x128xf32, #tpu.memory_space<vmem>>) offsets(%dma_start3A_293 : memref<80xi32, #tpu.memory_space<vmem>>) semaphore(%arg12 : memref<!tpu.dma_semaphore, #tpu.memory_space<semaphore_mem>>)
        %sub3A_297 = arith.constant 4 : i32
        %sub3A_298 = arith.subi %add3A_241, %sub3A_297 : i32
        %add3A_299 = arith.constant 2 : i32
        %add3A_300 = arith.addi %sub3A_298, %add3A_299 : i32
        %dma_wait3A_301 = arith.constant 2 : i32
        %dma_wait3A_302 = arith.constant 0 : i32
        %dma_wait3A_303 = arith.constant 0 : i32
        %dma_wait3A_304 = tpu.memref_slice %arg9[%dma_wait3A_301, %dma_wait3A_302, %dma_wait3A_303] : memref<4x80x128xf32, #tpu.memory_space<vmem>> -> memref<1x80x128xf32, #tpu.memory_space<vmem>>
        %dma_wait3A_305 = tpu.memref_squeeze %dma_wait3A_304 : memref<1x80x128xf32, #tpu.memory_space<vmem>> -> memref<80x128xf32, #tpu.memory_space<vmem>>
        %dma_wait3A_306 = arith.constant 0 : i32
        %dma_wait3A_307 = tpu.memref_slice %arg8[%add3A_300, %dma_wait3A_306] : memref<25x80xi32, #tpu.memory_space<vmem>> -> memref<1x80xi32, #tpu.memory_space<vmem>>
        %dma_wait3A_308 = tpu.memref_squeeze %dma_wait3A_307 : memref<1x80xi32, #tpu.memory_space<vmem>> -> memref<80xi32, #tpu.memory_space<vmem>>
        %dma_wait3A_309 = arith.constant 0 : i32
        %dma_wait3A_310 = arith.constant 0 : i32
        %dma_wait3A_311 = tpu.memref_slice %arg10[%dma_wait3A_309, %dma_wait3A_310] : memref<10240x128xf32, #tpu.memory_space<vmem_shared>> -> memref<10240x128xf32, #tpu.memory_space<vmem_shared>>
        tpu.wait_indirect_dma semaphore(%arg17 : memref<!tpu.dma_semaphore, #tpu.memory_space<semaphore_mem>>) src(%dma_wait3A_305 : memref<80x128xf32, #tpu.memory_space<vmem>>) dst(%dma_wait3A_311 : memref<10240x128xf32, #tpu.memory_space<vmem_shared>>)
        %add3A_312 = arith.constant 2 : i32
        %add3A_313 = arith.addi %add3A_241, %add3A_312 : i32
        %dma_start3A_314 = arith.constant 2 : i32
        %dma_start3A_315 = arith.constant 0 : i32
        %dma_start3A_316 = arith.constant 0 : i32
        %dma_start3A_317 = tpu.memref_slice %arg9[%dma_start3A_314, %dma_start3A_315, %dma_start3A_316] : memref<4x80x128xf32, #tpu.memory_space<vmem>> -> memref<1x80x128xf32, #tpu.memory_space<vmem>>
        %dma_start3A_318 = tpu.memref_squeeze %dma_start3A_317 : memref<1x80x128xf32, #tpu.memory_space<vmem>> -> memref<80x128xf32, #tpu.memory_space<vmem>>
        %dma_start3A_319 = arith.constant 0 : i32
        %dma_start3A_320 = tpu.memref_slice %arg7[%add3A_313, %dma_start3A_319] : memref<25x80xi32, #tpu.memory_space<vmem>> -> memref<1x80xi32, #tpu.memory_space<vmem>>
        %dma_start3A_321 = tpu.memref_squeeze %dma_start3A_320 : memref<1x80xi32, #tpu.memory_space<vmem>> -> memref<80xi32, #tpu.memory_space<vmem>>
        %dma_start3A_322 = arith.constant 0 : i32
        %dma_start3A_323 = arith.constant 0 : i32
        %dma_start3A_324 = tpu.memref_slice %arg2[%dma_start3A_322, %dma_start3A_323] : memref<10000x128xf32, #tpu.memory_space<hbm>> -> memref<10000x128xf32, #tpu.memory_space<hbm>>
        tpu.enqueue_indirect_dma source(%dma_start3A_324 : memref<10000x128xf32, #tpu.memory_space<hbm>>) target(%dma_start3A_318 : memref<80x128xf32, #tpu.memory_space<vmem>>) offsets(%dma_start3A_321 : memref<80xi32, #tpu.memory_space<vmem>>) semaphore(%arg13 : memref<!tpu.dma_semaphore, #tpu.memory_space<semaphore_mem>>)
        %sub3A_325 = arith.constant 4 : i32
        %sub3A_326 = arith.subi %add3A_241, %sub3A_325 : i32
        %add3A_327 = arith.constant 3 : i32
        %add3A_328 = arith.addi %sub3A_326, %add3A_327 : i32
        %dma_wait3A_329 = arith.constant 3 : i32
        %dma_wait3A_330 = arith.constant 0 : i32
        %dma_wait3A_331 = arith.constant 0 : i32
        %dma_wait3A_332 = tpu.memref_slice %arg9[%dma_wait3A_329, %dma_wait3A_330, %dma_wait3A_331] : memref<4x80x128xf32, #tpu.memory_space<vmem>> -> memref<1x80x128xf32, #tpu.memory_space<vmem>>
        %dma_wait3A_333 = tpu.memref_squeeze %dma_wait3A_332 : memref<1x80x128xf32, #tpu.memory_space<vmem>> -> memref<80x128xf32, #tpu.memory_space<vmem>>
        %dma_wait3A_334 = arith.constant 0 : i32
        %dma_wait3A_335 = tpu.memref_slice %arg8[%add3A_328, %dma_wait3A_334] : memref<25x80xi32, #tpu.memory_space<vmem>> -> memref<1x80xi32, #tpu.memory_space<vmem>>
        %dma_wait3A_336 = tpu.memref_squeeze %dma_wait3A_335 : memref<1x80xi32, #tpu.memory_space<vmem>> -> memref<80xi32, #tpu.memory_space<vmem>>
        %dma_wait3A_337 = arith.constant 0 : i32
        %dma_wait3A_338 = arith.constant 0 : i32
        %dma_wait3A_339 = tpu.memref_slice %arg10[%dma_wait3A_337, %dma_wait3A_338] : memref<10240x128xf32, #tpu.memory_space<vmem_shared>> -> memref<10240x128xf32, #tpu.memory_space<vmem_shared>>
        tpu.wait_indirect_dma semaphore(%arg18 : memref<!tpu.dma_semaphore, #tpu.memory_space<semaphore_mem>>) src(%dma_wait3A_333 : memref<80x128xf32, #tpu.memory_space<vmem>>) dst(%dma_wait3A_339 : memref<10240x128xf32, #tpu.memory_space<vmem_shared>>)
        %add3A_340 = arith.constant 3 : i32
        %add3A_341 = arith.addi %add3A_241, %add3A_340 : i32
        %dma_start3A_342 = arith.constant 3 : i32
        %dma_start3A_343 = arith.constant 0 : i32
        %dma_start3A_344 = arith.constant 0 : i32
        %dma_start3A_345 = tpu.memref_slice %arg9[%dma_start3A_342, %dma_start3A_343, %dma_start3A_344] : memref<4x80x128xf32, #tpu.memory_space<vmem>> -> memref<1x80x128xf32, #tpu.memory_space<vmem>>
        %dma_start3A_346 = tpu.memref_squeeze %dma_start3A_345 : memref<1x80x128xf32, #tpu.memory_space<vmem>> -> memref<80x128xf32, #tpu.memory_space<vmem>>
        %dma_start3A_347 = arith.constant 0 : i32
        %dma_start3A_348 = tpu.memref_slice %arg7[%add3A_341, %dma_start3A_347] : memref<25x80xi32, #tpu.memory_space<vmem>> -> memref<1x80xi32, #tpu.memory_space<vmem>>
        %dma_start3A_349 = tpu.memref_squeeze %dma_start3A_348 : memref<1x80xi32, #tpu.memory_space<vmem>> -> memref<80xi32, #tpu.memory_space<vmem>>
        %dma_start3A_350 = arith.constant 0 : i32
        %dma_start3A_351 = arith.constant 0 : i32
        %dma_start3A_352 = tpu.memref_slice %arg2[%dma_start3A_350, %dma_start3A_351] : memref<10000x128xf32, #tpu.memory_space<hbm>> -> memref<10000x128xf32, #tpu.memory_space<hbm>>
        tpu.enqueue_indirect_dma source(%dma_start3A_352 : memref<10000x128xf32, #tpu.memory_space<hbm>>) target(%dma_start3A_346 : memref<80x128xf32, #tpu.memory_space<vmem>>) offsets(%dma_start3A_349 : memref<80xi32, #tpu.memory_space<vmem>>) semaphore(%arg14 : memref<!tpu.dma_semaphore, #tpu.memory_space<semaphore_mem>>)
        %add3A_353 = arith.constant 0 : i32
        %add3A_354 = arith.addi %add3A_241, %add3A_353 : i32
        %dma_wait3A_355 = arith.constant 0 : i32
        %dma_wait3A_356 = arith.constant 0 : i32
        %dma_wait3A_357 = arith.constant 0 : i32
        %dma_wait3A_358 = tpu.memref_slice %arg9[%dma_wait3A_355, %dma_wait3A_356, %dma_wait3A_357] : memref<4x80x128xf32, #tpu.memory_space<vmem>> -> memref<1x80x128xf32, #tpu.memory_space<vmem>>
        %dma_wait3A_359 = tpu.memref_squeeze %dma_wait3A_358 : memref<1x80x128xf32, #tpu.memory_space<vmem>> -> memref<80x128xf32, #tpu.memory_space<vmem>>
        %dma_wait3A_360 = arith.constant 0 : i32
        %dma_wait3A_361 = tpu.memref_slice %arg7[%add3A_354, %dma_wait3A_360] : memref<25x80xi32, #tpu.memory_space<vmem>> -> memref<1x80xi32, #tpu.memory_space<vmem>>
        %dma_wait3A_362 = tpu.memref_squeeze %dma_wait3A_361 : memref<1x80xi32, #tpu.memory_space<vmem>> -> memref<80xi32, #tpu.memory_space<vmem>>
        %dma_wait3A_363 = arith.constant 0 : i32
        %dma_wait3A_364 = arith.constant 0 : i32
        %dma_wait3A_365 = tpu.memref_slice %arg2[%dma_wait3A_363, %dma_wait3A_364] : memref<10000x128xf32, #tpu.memory_space<hbm>> -> memref<10000x128xf32, #tpu.memory_space<hbm>>
        tpu.wait_indirect_dma semaphore(%arg11 : memref<!tpu.dma_semaphore, #tpu.memory_space<semaphore_mem>>) src(%dma_wait3A_365 : memref<10000x128xf32, #tpu.memory_space<hbm>>) dst(%dma_wait3A_359 : memref<80x128xf32, #tpu.memory_space<vmem>>)
        %add3A_366 = arith.constant 0 : i32
        %add3A_367 = arith.addi %add3A_241, %add3A_366 : i32
        %dma_start3A_368 = arith.constant 0 : i32
        %dma_start3A_369 = arith.constant 0 : i32
        %dma_start3A_370 = arith.constant 0 : i32
        %dma_start3A_371 = tpu.memref_slice %arg9[%dma_start3A_368, %dma_start3A_369, %dma_start3A_370] : memref<4x80x128xf32, #tpu.memory_space<vmem>> -> memref<1x80x128xf32, #tpu.memory_space<vmem>>
        %dma_start3A_372 = tpu.memref_squeeze %dma_start3A_371 : memref<1x80x128xf32, #tpu.memory_space<vmem>> -> memref<80x128xf32, #tpu.memory_space<vmem>>
        %dma_start3A_373 = arith.constant 0 : i32
        %dma_start3A_374 = tpu.memref_slice %arg8[%add3A_367, %dma_start3A_373] : memref<25x80xi32, #tpu.memory_space<vmem>> -> memref<1x80xi32, #tpu.memory_space<vmem>>
        %dma_start3A_375 = tpu.memref_squeeze %dma_start3A_374 : memref<1x80xi32, #tpu.memory_space<vmem>> -> memref<80xi32, #tpu.memory_space<vmem>>
        %dma_start3A_376 = arith.constant 0 : i32
        %dma_start3A_377 = arith.constant 0 : i32
        %dma_start3A_378 = tpu.memref_slice %arg10[%dma_start3A_376, %dma_start3A_377] : memref<10240x128xf32, #tpu.memory_space<vmem_shared>> -> memref<10240x128xf32, #tpu.memory_space<vmem_shared>>
        tpu.enqueue_indirect_dma source(%dma_start3A_372 : memref<80x128xf32, #tpu.memory_space<vmem>>) target(%dma_start3A_378 : memref<10240x128xf32, #tpu.memory_space<vmem_shared>>) offsets(%dma_start3A_375 : memref<80xi32, #tpu.memory_space<vmem>>) semaphore(%arg15 : memref<!tpu.dma_semaphore, #tpu.memory_space<semaphore_mem>>) {add = true}
        %add3A_379 = arith.constant 1 : i32
        %add3A_380 = arith.addi %add3A_241, %add3A_379 : i32
        %dma_wait3A_381 = arith.constant 1 : i32
        %dma_wait3A_382 = arith.constant 0 : i32
        %dma_wait3A_383 = arith.constant 0 : i32
        %dma_wait3A_384 = tpu.memref_slice %arg9[%dma_wait3A_381, %dma_wait3A_382, %dma_wait3A_383] : memref<4x80x128xf32, #tpu.memory_space<vmem>> -> memref<1x80x128xf32, #tpu.memory_space<vmem>>
        %dma_wait3A_385 = tpu.memref_squeeze %dma_wait3A_384 : memref<1x80x128xf32, #tpu.memory_space<vmem>> -> memref<80x128xf32, #tpu.memory_space<vmem>>
        %dma_wait3A_386 = arith.constant 0 : i32
        %dma_wait3A_387 = tpu.memref_slice %arg7[%add3A_380, %dma_wait3A_386] : memref<25x80xi32, #tpu.memory_space<vmem>> -> memref<1x80xi32, #tpu.memory_space<vmem>>
        %dma_wait3A_388 = tpu.memref_squeeze %dma_wait3A_387 : memref<1x80xi32, #tpu.memory_space<vmem>> -> memref<80xi32, #tpu.memory_space<vmem>>
        %dma_wait3A_389 = arith.constant 0 : i32
        %dma_wait3A_390 = arith.constant 0 : i32
        %dma_wait3A_391 = tpu.memref_slice %arg2[%dma_wait3A_389, %dma_wait3A_390] : memref<10000x128xf32, #tpu.memory_space<hbm>> -> memref<10000x128xf32, #tpu.memory_space<hbm>>
        tpu.wait_indirect_dma semaphore(%arg12 : memref<!tpu.dma_semaphore, #tpu.memory_space<semaphore_mem>>) src(%dma_wait3A_391 : memref<10000x128xf32, #tpu.memory_space<hbm>>) dst(%dma_wait3A_385 : memref<80x128xf32, #tpu.memory_space<vmem>>)
        %add3A_392 = arith.constant 1 : i32
        %add3A_393 = arith.addi %add3A_241, %add3A_392 : i32
        %dma_start3A_394 = arith.constant 1 : i32
        %dma_start3A_395 = arith.constant 0 : i32
        %dma_start3A_396 = arith.constant 0 : i32
        %dma_start3A_397 = tpu.memref_slice %arg9[%dma_start3A_394, %dma_start3A_395, %dma_start3A_396] : memref<4x80x128xf32, #tpu.memory_space<vmem>> -> memref<1x80x128xf32, #tpu.memory_space<vmem>>
        %dma_start3A_398 = tpu.memref_squeeze %dma_start3A_397 : memref<1x80x128xf32, #tpu.memory_space<vmem>> -> memref<80x128xf32, #tpu.memory_space<vmem>>
        %dma_start3A_399 = arith.constant 0 : i32
        %dma_start3A_400 = tpu.memref_slice %arg8[%add3A_393, %dma_start3A_399] : memref<25x80xi32, #tpu.memory_space<vmem>> -> memref<1x80xi32, #tpu.memory_space<vmem>>
        %dma_start3A_401 = tpu.memref_squeeze %dma_start3A_400 : memref<1x80xi32, #tpu.memory_space<vmem>> -> memref<80xi32, #tpu.memory_space<vmem>>
        %dma_start3A_402 = arith.constant 0 : i32
        %dma_start3A_403 = arith.constant 0 : i32
        %dma_start3A_404 = tpu.memref_slice %arg10[%dma_start3A_402, %dma_start3A_403] : memref<10240x128xf32, #tpu.memory_space<vmem_shared>> -> memref<10240x128xf32, #tpu.memory_space<vmem_shared>>
        tpu.enqueue_indirect_dma source(%dma_start3A_398 : memref<80x128xf32, #tpu.memory_space<vmem>>) target(%dma_start3A_404 : memref<10240x128xf32, #tpu.memory_space<vmem_shared>>) offsets(%dma_start3A_401 : memref<80xi32, #tpu.memory_space<vmem>>) semaphore(%arg16 : memref<!tpu.dma_semaphore, #tpu.memory_space<semaphore_mem>>) {add = true}
        %add3A_405 = arith.constant 2 : i32
        %add3A_406 = arith.addi %add3A_241, %add3A_405 : i32
        %dma_wait3A_407 = arith.constant 2 : i32
        %dma_wait3A_408 = arith.constant 0 : i32
        %dma_wait3A_409 = arith.constant 0 : i32
        %dma_wait3A_410 = tpu.memref_slice %arg9[%dma_wait3A_407, %dma_wait3A_408, %dma_wait3A_409] : memref<4x80x128xf32, #tpu.memory_space<vmem>> -> memref<1x80x128xf32, #tpu.memory_space<vmem>>
        %dma_wait3A_411 = tpu.memref_squeeze %dma_wait3A_410 : memref<1x80x128xf32, #tpu.memory_space<vmem>> -> memref<80x128xf32, #tpu.memory_space<vmem>>
        %dma_wait3A_412 = arith.constant 0 : i32
        %dma_wait3A_413 = tpu.memref_slice %arg7[%add3A_406, %dma_wait3A_412] : memref<25x80xi32, #tpu.memory_space<vmem>> -> memref<1x80xi32, #tpu.memory_space<vmem>>
        %dma_wait3A_414 = tpu.memref_squeeze %dma_wait3A_413 : memref<1x80xi32, #tpu.memory_space<vmem>> -> memref<80xi32, #tpu.memory_space<vmem>>
        %dma_wait3A_415 = arith.constant 0 : i32
        %dma_wait3A_416 = arith.constant 0 : i32
        %dma_wait3A_417 = tpu.memref_slice %arg2[%dma_wait3A_415, %dma_wait3A_416] : memref<10000x128xf32, #tpu.memory_space<hbm>> -> memref<10000x128xf32, #tpu.memory_space<hbm>>
        tpu.wait_indirect_dma semaphore(%arg13 : memref<!tpu.dma_semaphore, #tpu.memory_space<semaphore_mem>>) src(%dma_wait3A_417 : memref<10000x128xf32, #tpu.memory_space<hbm>>) dst(%dma_wait3A_411 : memref<80x128xf32, #tpu.memory_space<vmem>>)
        %add3A_418 = arith.constant 2 : i32
        %add3A_419 = arith.addi %add3A_241, %add3A_418 : i32
        %dma_start3A_420 = arith.constant 2 : i32
        %dma_start3A_421 = arith.constant 0 : i32
        %dma_start3A_422 = arith.constant 0 : i32
        %dma_start3A_423 = tpu.memref_slice %arg9[%dma_start3A_420, %dma_start3A_421, %dma_start3A_422] : memref<4x80x128xf32, #tpu.memory_space<vmem>> -> memref<1x80x128xf32, #tpu.memory_space<vmem>>
        %dma_start3A_424 = tpu.memref_squeeze %dma_start3A_423 : memref<1x80x128xf32, #tpu.memory_space<vmem>> -> memref<80x128xf32, #tpu.memory_space<vmem>>
        %dma_start3A_425 = arith.constant 0 : i32
        %dma_start3A_426 = tpu.memref_slice %arg8[%add3A_419, %dma_start3A_425] : memref<25x80xi32, #tpu.memory_space<vmem>> -> memref<1x80xi32, #tpu.memory_space<vmem>>
        %dma_start3A_427 = tpu.memref_squeeze %dma_start3A_426 : memref<1x80xi32, #tpu.memory_space<vmem>> -> memref<80xi32, #tpu.memory_space<vmem>>
        %dma_start3A_428 = arith.constant 0 : i32
        %dma_start3A_429 = arith.constant 0 : i32
        %dma_start3A_430 = tpu.memref_slice %arg10[%dma_start3A_428, %dma_start3A_429] : memref<10240x128xf32, #tpu.memory_space<vmem_shared>> -> memref<10240x128xf32, #tpu.memory_space<vmem_shared>>
        tpu.enqueue_indirect_dma source(%dma_start3A_424 : memref<80x128xf32, #tpu.memory_space<vmem>>) target(%dma_start3A_430 : memref<10240x128xf32, #tpu.memory_space<vmem_shared>>) offsets(%dma_start3A_427 : memref<80xi32, #tpu.memory_space<vmem>>) semaphore(%arg17 : memref<!tpu.dma_semaphore, #tpu.memory_space<semaphore_mem>>) {add = true}
        %add3A_431 = arith.constant 3 : i32
        %add3A_432 = arith.addi %add3A_241, %add3A_431 : i32
        %dma_wait3A_433 = arith.constant 3 : i32
        %dma_wait3A_434 = arith.constant 0 : i32
        %dma_wait3A_435 = arith.constant 0 : i32
        %dma_wait3A_436 = tpu.memref_slice %arg9[%dma_wait3A_433, %dma_wait3A_434, %dma_wait3A_435] : memref<4x80x128xf32, #tpu.memory_space<vmem>> -> memref<1x80x128xf32, #tpu.memory_space<vmem>>
        %dma_wait3A_437 = tpu.memref_squeeze %dma_wait3A_436 : memref<1x80x128xf32, #tpu.memory_space<vmem>> -> memref<80x128xf32, #tpu.memory_space<vmem>>
        %dma_wait3A_438 = arith.constant 0 : i32
        %dma_wait3A_439 = tpu.memref_slice %arg7[%add3A_432, %dma_wait3A_438] : memref<25x80xi32, #tpu.memory_space<vmem>> -> memref<1x80xi32, #tpu.memory_space<vmem>>
        %dma_wait3A_440 = tpu.memref_squeeze %dma_wait3A_439 : memref<1x80xi32, #tpu.memory_space<vmem>> -> memref<80xi32, #tpu.memory_space<vmem>>
        %dma_wait3A_441 = arith.constant 0 : i32
        %dma_wait3A_442 = arith.constant 0 : i32
        %dma_wait3A_443 = tpu.memref_slice %arg2[%dma_wait3A_441, %dma_wait3A_442] : memref<10000x128xf32, #tpu.memory_space<hbm>> -> memref<10000x128xf32, #tpu.memory_space<hbm>>
        tpu.wait_indirect_dma semaphore(%arg14 : memref<!tpu.dma_semaphore, #tpu.memory_space<semaphore_mem>>) src(%dma_wait3A_443 : memref<10000x128xf32, #tpu.memory_space<hbm>>) dst(%dma_wait3A_437 : memref<80x128xf32, #tpu.memory_space<vmem>>)
        %add3A_444 = arith.constant 3 : i32
        %add3A_445 = arith.addi %add3A_241, %add3A_444 : i32
        %dma_start3A_446 = arith.constant 3 : i32
        %dma_start3A_447 = arith.constant 0 : i32
        %dma_start3A_448 = arith.constant 0 : i32
        %dma_start3A_449 = tpu.memref_slice %arg9[%dma_start3A_446, %dma_start3A_447, %dma_start3A_448] : memref<4x80x128xf32, #tpu.memory_space<vmem>> -> memref<1x80x128xf32, #tpu.memory_space<vmem>>
        %dma_start3A_450 = tpu.memref_squeeze %dma_start3A_449 : memref<1x80x128xf32, #tpu.memory_space<vmem>> -> memref<80x128xf32, #tpu.memory_space<vmem>>
        %dma_start3A_451 = arith.constant 0 : i32
        %dma_start3A_452 = tpu.memref_slice %arg8[%add3A_445, %dma_start3A_451] : memref<25x80xi32, #tpu.memory_space<vmem>> -> memref<1x80xi32, #tpu.memory_space<vmem>>
        %dma_start3A_453 = tpu.memref_squeeze %dma_start3A_452 : memref<1x80xi32, #tpu.memory_space<vmem>> -> memref<80xi32, #tpu.memory_space<vmem>>
        %dma_start3A_454 = arith.constant 0 : i32
        %dma_start3A_455 = arith.constant 0 : i32
        %dma_start3A_456 = tpu.memref_slice %arg10[%dma_start3A_454, %dma_start3A_455] : memref<10240x128xf32, #tpu.memory_space<vmem_shared>> -> memref<10240x128xf32, #tpu.memory_space<vmem_shared>>
        tpu.enqueue_indirect_dma source(%dma_start3A_450 : memref<80x128xf32, #tpu.memory_space<vmem>>) target(%dma_start3A_456 : memref<10240x128xf32, #tpu.memory_space<vmem_shared>>) offsets(%dma_start3A_453 : memref<80xi32, #tpu.memory_space<vmem>>) semaphore(%arg18 : memref<!tpu.dma_semaphore, #tpu.memory_space<semaphore_mem>>) {add = true}
      }
      %scan3A_163 = arith.constant 5 : i32
      %dma_wait3A_164 = arith.constant 0 : i32
      %dma_wait3A_165 = arith.constant 20 : i32
      %dma_wait3A_166 = arith.constant 0 : i32
      %dma_wait3A_167 = arith.constant 0 : i32
      %dma_wait3A_168 = tpu.memref_slice %arg9[%dma_wait3A_164, %dma_wait3A_166, %dma_wait3A_167] : memref<4x80x128xf32, #tpu.memory_space<vmem>> -> memref<1x80x128xf32, #tpu.memory_space<vmem>>
      %dma_wait3A_169 = tpu.memref_squeeze %dma_wait3A_168 : memref<1x80x128xf32, #tpu.memory_space<vmem>> -> memref<80x128xf32, #tpu.memory_space<vmem>>
      %dma_wait3A_170 = arith.constant 0 : i32
      %dma_wait3A_171 = tpu.memref_slice %arg8[%dma_wait3A_165, %dma_wait3A_170] : memref<25x80xi32, #tpu.memory_space<vmem>> -> memref<1x80xi32, #tpu.memory_space<vmem>>
      %dma_wait3A_172 = tpu.memref_squeeze %dma_wait3A_171 : memref<1x80xi32, #tpu.memory_space<vmem>> -> memref<80xi32, #tpu.memory_space<vmem>>
      %dma_wait3A_173 = arith.constant 0 : i32
      %dma_wait3A_174 = arith.constant 0 : i32
      %dma_wait3A_175 = tpu.memref_slice %arg10[%dma_wait3A_173, %dma_wait3A_174] : memref<10240x128xf32, #tpu.memory_space<vmem_shared>> -> memref<10240x128xf32, #tpu.memory_space<vmem_shared>>
      tpu.wait_indirect_dma semaphore(%arg15 : memref<!tpu.dma_semaphore, #tpu.memory_space<semaphore_mem>>) src(%dma_wait3A_169 : memref<80x128xf32, #tpu.memory_space<vmem>>) dst(%dma_wait3A_175 : memref<10240x128xf32, #tpu.memory_space<vmem_shared>>)
      %dma_wait3A_176 = arith.constant 1 : i32
      %dma_wait3A_177 = arith.constant 21 : i32
      %dma_wait3A_178 = arith.constant 0 : i32
      %dma_wait3A_179 = arith.constant 0 : i32
      %dma_wait3A_180 = tpu.memref_slice %arg9[%dma_wait3A_176, %dma_wait3A_178, %dma_wait3A_179] : memref<4x80x128xf32, #tpu.memory_space<vmem>> -> memref<1x80x128xf32, #tpu.memory_space<vmem>>
      %dma_wait3A_181 = tpu.memref_squeeze %dma_wait3A_180 : memref<1x80x128xf32, #tpu.memory_space<vmem>> -> memref<80x128xf32, #tpu.memory_space<vmem>>
      %dma_wait3A_182 = arith.constant 0 : i32
      %dma_wait3A_183 = tpu.memref_slice %arg8[%dma_wait3A_177, %dma_wait3A_182] : memref<25x80xi32, #tpu.memory_space<vmem>> -> memref<1x80xi32, #tpu.memory_space<vmem>>
      %dma_wait3A_184 = tpu.memref_squeeze %dma_wait3A_183 : memref<1x80xi32, #tpu.memory_space<vmem>> -> memref<80xi32, #tpu.memory_space<vmem>>
      %dma_wait3A_185 = arith.constant 0 : i32
      %dma_wait3A_186 = arith.constant 0 : i32
      %dma_wait3A_187 = tpu.memref_slice %arg10[%dma_wait3A_185, %dma_wait3A_186] : memref<10240x128xf32, #tpu.memory_space<vmem_shared>> -> memref<10240x128xf32, #tpu.memory_space<vmem_shared>>
      tpu.wait_indirect_dma semaphore(%arg16 : memref<!tpu.dma_semaphore, #tpu.memory_space<semaphore_mem>>) src(%dma_wait3A_181 : memref<80x128xf32, #tpu.memory_space<vmem>>) dst(%dma_wait3A_187 : memref<10240x128xf32, #tpu.memory_space<vmem_shared>>)
      %dma_wait3A_188 = arith.constant 2 : i32
      %dma_wait3A_189 = arith.constant 22 : i32
      %dma_wait3A_190 = arith.constant 0 : i32
      %dma_wait3A_191 = arith.constant 0 : i32
      %dma_wait3A_192 = tpu.memref_slice %arg9[%dma_wait3A_188, %dma_wait3A_190, %dma_wait3A_191] : memref<4x80x128xf32, #tpu.memory_space<vmem>> -> memref<1x80x128xf32, #tpu.memory_space<vmem>>
      %dma_wait3A_193 = tpu.memref_squeeze %dma_wait3A_192 : memref<1x80x128xf32, #tpu.memory_space<vmem>> -> memref<80x128xf32, #tpu.memory_space<vmem>>
      %dma_wait3A_194 = arith.constant 0 : i32
      %dma_wait3A_195 = tpu.memref_slice %arg8[%dma_wait3A_189, %dma_wait3A_194] : memref<25x80xi32, #tpu.memory_space<vmem>> -> memref<1x80xi32, #tpu.memory_space<vmem>>
      %dma_wait3A_196 = tpu.memref_squeeze %dma_wait3A_195 : memref<1x80xi32, #tpu.memory_space<vmem>> -> memref<80xi32, #tpu.memory_space<vmem>>
      %dma_wait3A_197 = arith.constant 0 : i32
      %dma_wait3A_198 = arith.constant 0 : i32
      %dma_wait3A_199 = tpu.memref_slice %arg10[%dma_wait3A_197, %dma_wait3A_198] : memref<10240x128xf32, #tpu.memory_space<vmem_shared>> -> memref<10240x128xf32, #tpu.memory_space<vmem_shared>>
      tpu.wait_indirect_dma semaphore(%arg17 : memref<!tpu.dma_semaphore, #tpu.memory_space<semaphore_mem>>) src(%dma_wait3A_193 : memref<80x128xf32, #tpu.memory_space<vmem>>) dst(%dma_wait3A_199 : memref<10240x128xf32, #tpu.memory_space<vmem_shared>>)
      %dma_wait3A_200 = arith.constant 3 : i32
      %dma_wait3A_201 = arith.constant 23 : i32
      %dma_wait3A_202 = arith.constant 0 : i32
      %dma_wait3A_203 = arith.constant 0 : i32
      %dma_wait3A_204 = tpu.memref_slice %arg9[%dma_wait3A_200, %dma_wait3A_202, %dma_wait3A_203] : memref<4x80x128xf32, #tpu.memory_space<vmem>> -> memref<1x80x128xf32, #tpu.memory_space<vmem>>
      %dma_wait3A_205 = tpu.memref_squeeze %dma_wait3A_204 : memref<1x80x128xf32, #tpu.memory_space<vmem>> -> memref<80x128xf32, #tpu.memory_space<vmem>>
      %dma_wait3A_206 = arith.constant 0 : i32
      %dma_wait3A_207 = tpu.memref_slice %arg8[%dma_wait3A_201, %dma_wait3A_206] : memref<25x80xi32, #tpu.memory_space<vmem>> -> memref<1x80xi32, #tpu.memory_space<vmem>>
      %dma_wait3A_208 = tpu.memref_squeeze %dma_wait3A_207 : memref<1x80xi32, #tpu.memory_space<vmem>> -> memref<80xi32, #tpu.memory_space<vmem>>
      %dma_wait3A_209 = arith.constant 0 : i32
      %dma_wait3A_210 = arith.constant 0 : i32
      %dma_wait3A_211 = tpu.memref_slice %arg10[%dma_wait3A_209, %dma_wait3A_210] : memref<10240x128xf32, #tpu.memory_space<vmem_shared>> -> memref<10240x128xf32, #tpu.memory_space<vmem_shared>>
      tpu.wait_indirect_dma semaphore(%arg18 : memref<!tpu.dma_semaphore, #tpu.memory_space<semaphore_mem>>) src(%dma_wait3A_205 : memref<80x128xf32, #tpu.memory_space<vmem>>) dst(%dma_wait3A_211 : memref<10240x128xf32, #tpu.memory_space<vmem_shared>>)
      %dma_start3A_212 = arith.constant 24 : i32
      %dma_start3A_213 = arith.constant 0 : i32
      %dma_start3A_214 = arith.constant 0 : i32
      %dma_start3A_215 = arith.constant 0 : i32
      %dma_start3A_216 = tpu.memref_slice %arg9[%dma_start3A_213, %dma_start3A_214, %dma_start3A_215] : memref<4x80x128xf32, #tpu.memory_space<vmem>> -> memref<1x80x128xf32, #tpu.memory_space<vmem>>
      %dma_start3A_217 = tpu.memref_squeeze %dma_start3A_216 : memref<1x80x128xf32, #tpu.memory_space<vmem>> -> memref<80x128xf32, #tpu.memory_space<vmem>>
      %dma_start3A_218 = arith.constant 0 : i32
      %dma_start3A_219 = tpu.memref_slice %arg7[%dma_start3A_212, %dma_start3A_218] : memref<25x80xi32, #tpu.memory_space<vmem>> -> memref<1x80xi32, #tpu.memory_space<vmem>>
      %dma_start3A_220 = tpu.memref_squeeze %dma_start3A_219 : memref<1x80xi32, #tpu.memory_space<vmem>> -> memref<80xi32, #tpu.memory_space<vmem>>
      %dma_start3A_221 = arith.constant 0 : i32
      %dma_start3A_222 = arith.constant 0 : i32
      %dma_start3A_223 = tpu.memref_slice %arg2[%dma_start3A_221, %dma_start3A_222] : memref<10000x128xf32, #tpu.memory_space<hbm>> -> memref<10000x128xf32, #tpu.memory_space<hbm>>
      tpu.enqueue_indirect_dma source(%dma_start3A_223 : memref<10000x128xf32, #tpu.memory_space<hbm>>) target(%dma_start3A_217 : memref<80x128xf32, #tpu.memory_space<vmem>>) offsets(%dma_start3A_220 : memref<80xi32, #tpu.memory_space<vmem>>) semaphore(%arg11 : memref<!tpu.dma_semaphore, #tpu.memory_space<semaphore_mem>>)
      %dma_wait3A_224 = arith.constant 24 : i32
      %dma_wait3A_225 = arith.constant 0 : i32
      %dma_wait3A_226 = arith.constant 0 : i32
      %dma_wait3A_227 = arith.constant 0 : i32
      %dma_wait3A_228 = tpu.memref_slice %arg9[%dma_wait3A_225, %dma_wait3A_226, %dma_wait3A_227] : memref<4x80x128xf32, #tpu.memory_space<vmem>> -> memref<1x80x128xf32, #tpu.memory_space<vmem>>
      %dma_wait3A_229 = tpu.memref_squeeze %dma_wait3A_228 : memref<1x80x128xf32, #tpu.memory_space<vmem>> -> memref<80x128xf32, #tpu.memory_space<vmem>>
      %dma_wait3A_230 = arith.constant 0 : i32
      %dma_wait3A_231 = tpu.memref_slice %arg7[%dma_wait3A_224, %dma_wait3A_230] : memref<25x80xi32, #tpu.memory_space<vmem>> -> memref<1x80xi32, #tpu.memory_space<vmem>>
      %dma_wait3A_232 = tpu.memref_squeeze %dma_wait3A_231 : memref<1x80xi32, #tpu.memory_space<vmem>> -> memref<80xi32, #tpu.memory_space<vmem>>
      %dma_wait3A_233 = arith.constant 0 : i32
      %dma_wait3A_234 = arith.constant 0 : i32
      %dma_wait3A_235 = tpu.memref_slice %arg2[%dma_wait3A_233, %dma_wait3A_234] : memref<10000x128xf32, #tpu.memory_space<hbm>> -> memref<10000x128xf32, #tpu.memory_space<hbm>>
      tpu.wait_indirect_dma semaphore(%arg11 : memref<!tpu.dma_semaphore, #tpu.memory_space<semaphore_mem>>) src(%dma_wait3A_235 : memref<10000x128xf32, #tpu.memory_space<hbm>>) dst(%dma_wait3A_229 : memref<80x128xf32, #tpu.memory_space<vmem>>)
      %run_scoped3A = arith.constant 0 : i32
      %run_scoped3A_236 = arith.constant 24 : i32
      "tpu.region"() ({
        %run_scoped3A_237 = tpu.sem_alloc : memref<!tpu.dma_semaphore, #tpu.memory_space<semaphore_mem>>
        %dma_start3A_238 = arith.constant 0 : i32
        %dma_start3A_239 = arith.constant 0 : i32
        %dma_start3A_240 = tpu.memref_slice %arg9[%run_scoped3A, %dma_start3A_238, %dma_start3A_239] : memref<4x80x128xf32, #tpu.memory_space<vmem>> -> memref<1x80x128xf32, #tpu.memory_space<vmem>>
        %dma_start3A_241 = tpu.memref_squeeze %dma_start3A_240 : memref<1x80x128xf32, #tpu.memory_space<vmem>> -> memref<80x128xf32, #tpu.memory_space<vmem>>
        %dma_start3A_242 = arith.constant 0 : i32
        %dma_start3A_243 = tpu.memref_slice %arg8[%run_scoped3A_236, %dma_start3A_242] : memref<25x80xi32, #tpu.memory_space<vmem>> -> memref<1x80xi32, #tpu.memory_space<vmem>>
        %dma_start3A_244 = tpu.memref_squeeze %dma_start3A_243 : memref<1x80xi32, #tpu.memory_space<vmem>> -> memref<80xi32, #tpu.memory_space<vmem>>
        %dma_start3A_245 = arith.constant 0 : i32
        %dma_start3A_246 = arith.constant 0 : i32
        %dma_start3A_247 = tpu.memref_slice %arg10[%dma_start3A_245, %dma_start3A_246] : memref<10240x128xf32, #tpu.memory_space<vmem_shared>> -> memref<10240x128xf32, #tpu.memory_space<vmem_shared>>
        tpu.enqueue_indirect_dma source(%dma_start3A_241 : memref<80x128xf32, #tpu.memory_space<vmem>>) target(%dma_start3A_247 : memref<10240x128xf32, #tpu.memory_space<vmem_shared>>) offsets(%dma_start3A_244 : memref<80xi32, #tpu.memory_space<vmem>>) semaphore(%run_scoped3A_237 : memref<!tpu.dma_semaphore, #tpu.memory_space<semaphore_mem>>) {add = true}
        %dma_wait3A_248 = arith.constant 0 : i32
        %dma_wait3A_249 = arith.constant 0 : i32
        %dma_wait3A_250 = tpu.memref_slice %arg9[%run_scoped3A, %dma_wait3A_248, %dma_wait3A_249] : memref<4x80x128xf32, #tpu.memory_space<vmem>> -> memref<1x80x128xf32, #tpu.memory_space<vmem>>
        %dma_wait3A_251 = tpu.memref_squeeze %dma_wait3A_250 : memref<1x80x128xf32, #tpu.memory_space<vmem>> -> memref<80x128xf32, #tpu.memory_space<vmem>>
        %dma_wait3A_252 = arith.constant 0 : i32
        %dma_wait3A_253 = tpu.memref_slice %arg8[%run_scoped3A_236, %dma_wait3A_252] : memref<25x80xi32, #tpu.memory_space<vmem>> -> memref<1x80xi32, #tpu.memory_space<vmem>>
        %dma_wait3A_254 = tpu.memref_squeeze %dma_wait3A_253 : memref<1x80xi32, #tpu.memory_space<vmem>> -> memref<80xi32, #tpu.memory_space<vmem>>
        %dma_wait3A_255 = arith.constant 0 : i32
        %dma_wait3A_256 = arith.constant 0 : i32
        %dma_wait3A_257 = tpu.memref_slice %arg10[%dma_wait3A_255, %dma_wait3A_256] : memref<10240x128xf32, #tpu.memory_space<vmem_shared>> -> memref<10240x128xf32, #tpu.memory_space<vmem_shared>>
        tpu.wait_indirect_dma semaphore(%run_scoped3A_237 : memref<!tpu.dma_semaphore, #tpu.memory_space<semaphore_mem>>) src(%dma_wait3A_251 : memref<80x128xf32, #tpu.memory_space<vmem>>) dst(%dma_wait3A_257 : memref<10240x128xf32, #tpu.memory_space<vmem_shared>>)
        tpu.yield
      }) : () -> ()
    }
    %scan3A_6 = arith.constant 5 : i32
    %barrier3A_7 = arith.constant 0 : index
    tpu.barrier barrier_id(%barrier3A_7)
    %mul3A_8 = arith.constant 640 : i32
    %mul3A_9 = arith.muli %arg1, %mul3A_8 : i32
    %mul3A_10 = arith.constant 640 : i32
    %mul3A_11 = arith.muli %arg1, %mul3A_10 : i32
    "tpu.region"() ({
      %run_scoped3A = tpu.sem_alloc : memref<!tpu.dma_semaphore, #tpu.memory_space<semaphore_mem>>
      %dma_start3A = arith.constant 0 : i32
      %dma_start3A_12 = tpu.memref_slice %arg6[%arg0, %mul3A_11, %dma_start3A] : memref<2x10240x128xf32, #tpu.memory_space<hbm>> -> memref<1x640x128xf32, #tpu.memory_space<hbm>>
      %dma_start3A_13 = tpu.memref_squeeze %dma_start3A_12 : memref<1x640x128xf32, #tpu.memory_space<hbm>> -> memref<640x128xf32, #tpu.memory_space<hbm>>
      %dma_start3A_14 = arith.constant 0 : i32
      %dma_start3A_15 = tpu.memref_slice %arg10[%mul3A_9, %dma_start3A_14] : memref<10240x128xf32, #tpu.memory_space<vmem_shared>> -> memref<640x128xf32, #tpu.memory_space<vmem_shared>>
      tpu.enqueue_dma source(%dma_start3A_15 : memref<640x128xf32, #tpu.memory_space<vmem_shared>>) target(%dma_start3A_13 : memref<640x128xf32, #tpu.memory_space<hbm>>) target_semaphore(%run_scoped3A : memref<!tpu.dma_semaphore, #tpu.memory_space<semaphore_mem>>)
      %dma_wait3A = arith.constant 0 : i32
      %dma_wait3A_16 = tpu.memref_slice %arg6[%arg0, %mul3A_11, %dma_wait3A] : memref<2x10240x128xf32, #tpu.memory_space<hbm>> -> memref<1x640x128xf32, #tpu.memory_space<hbm>>
      %dma_wait3A_17 = tpu.memref_squeeze %dma_wait3A_16 : memref<1x640x128xf32, #tpu.memory_space<hbm>> -> memref<640x128xf32, #tpu.memory_space<hbm>>
      %dma_wait3A_18 = arith.constant 0 : i32
      %dma_wait3A_19 = tpu.memref_slice %arg10[%mul3A_9, %dma_wait3A_18] : memref<10240x128xf32, #tpu.memory_space<vmem_shared>> -> memref<640x128xf32, #tpu.memory_space<vmem_shared>>
      tpu.wait_dma2 semaphore(%run_scoped3A : memref<!tpu.dma_semaphore, #tpu.memory_space<semaphore_mem>>) src(%dma_wait3A_19 : memref<640x128xf32, #tpu.memory_space<vmem_shared>>) dst(%dma_wait3A_17 : memref<640x128xf32, #tpu.memory_space<hbm>>)
      tpu.yield
    }) : () -> ()
    return
  }
}

module attributes {stable_mosaic.version = 14 : i64} {
  func.func @_tc1_body(%arg0: i32, %arg1: memref<1000x128xf32, #tpu.memory_space<vmem>>, %arg2: memref<128x128xf32, #tpu.memory_space<vmem>>, %arg3: memref<2x1000x16xf32, #tpu.memory_space<vmem>>, %arg4: memref<1000x128xf32, #tpu.memory_space<vmem>>) attributes {dimension_semantics = [#tpu.dimension_semantics<arbitrary>], iteration_bounds = array<i64: 10>, scalar_prefetch = 0 : i64, scratch_operands = 0 : i64, tpu.core_type = #tpu.core_type<tc>, window_params = [{transform_indices = @transform_0, window_bounds = array<i64: 1000, 128>}, {pipeline_mode = #tpu.pipeline_mode<synchronous>, transform_indices = @transform_1, window_bounds = array<i64: 128, 128>}, {transform_indices = @transform_2, window_bounds = array<i64: 2, 1000, 16>}, {transform_indices = @transform_3, window_bounds = array<i64: 1000, 128>}]} {
    %get3A = arith.constant 0 : index
    %get3A_0 = arith.constant 0 : index
    %get3A_1 = arith.constant 0 : index
    %get3A_2 = vector.load %arg3[%get3A, %get3A_0, %get3A_1] : memref<2x1000x16xf32, #tpu.memory_space<vmem>>, vector<2x1000x16xf32>
    %slice3A = vector.extract_strided_slice %get3A_2 {offsets = [0, 0, 0], sizes = [1, 1000, 1], strides = [1, 1, 1]} : vector<2x1000x16xf32> to vector<1x1000x1xf32>
    %squeeze3A = vector.shape_cast %slice3A : vector<1x1000x1xf32> to vector<1000x1xf32>
    %slice3A_3 = vector.extract_strided_slice %get3A_2 {offsets = [1, 0, 0], sizes = [1, 1000, 1], strides = [1, 1, 1]} : vector<2x1000x16xf32> to vector<1x1000x1xf32>
    %squeeze3A_4 = vector.shape_cast %slice3A_3 : vector<1x1000x1xf32> to vector<1000x1xf32>
    %add3A = arith.addf %squeeze3A, %squeeze3A_4 : vector<1000x1xf32>
    %gt3A = arith.constant 0.000000e+00 : f32
    %gt3A_5 = vector.broadcast %gt3A : f32 to vector<1000x1xf32>
    %gt3A_6 = arith.cmpf ogt, %add3A, %gt3A_5 : vector<1000x1xf32>
    %max3A = arith.constant 1.000000e+00 : f32
    %max3A_7 = vector.broadcast %max3A : f32 to vector<1000x1xf32>
    %max3A_8 = arith.maximumf %add3A, %max3A_7 : vector<1000x1xf32>
    %rsqrt3A = math.rsqrt %max3A_8 : vector<1000x1xf32>
    %jit3A = arith.constant 0.000000e+00 : f32
    %broadcast_in_dim3A = vector.broadcast %jit3A : f32 to vector<1000x1xf32>
    %select_n3A = arith.select %gt3A_6, %rsqrt3A, %broadcast_in_dim3A : vector<1000x1xi1>, vector<1000x1xf32>
    %get3A_9 = arith.constant 0 : index
    %get3A_10 = arith.constant 0 : index
    %get3A_11 = vector.load %arg1[%get3A_9, %get3A_10] : memref<1000x128xf32, #tpu.memory_space<vmem>>, vector<1000x128xf32>
    %get3A_12 = arith.constant 0 : index
    %get3A_13 = arith.constant 0 : index
    %get3A_14 = vector.load %arg2[%get3A_12, %get3A_13] : memref<128x128xf32, #tpu.memory_space<vmem>>, vector<128x128xf32>
    %dot_general3A = arith.constant dense<0.000000e+00> : vector<1000x128xf32>
    %dot_general3A_15 = tpu.matmul %get3A_11, %get3A_14, %dot_general3A {dimension_numbers = #tpu.dot_dimension_numbers<[1], [0], [0], [1], [0, 0, 1, 1], [], []>, transpose_lhs_hint = false} : vector<1000x128xf32>, vector<128x128xf32>, vector<1000x128xf32> -> vector<1000x128xf32>
    %mul3A = vector.broadcast %select_n3A : vector<1000x1xf32> to vector<1000x128xf32>
    %mul3A_16 = arith.mulf %mul3A, %dot_general3A_15 : vector<1000x128xf32>
    %swap3A = arith.constant 0 : index
    %swap3A_17 = arith.constant 0 : index
    %swap3A_18 = vector.load %arg4[%swap3A, %swap3A_17] : memref<1000x128xf32, #tpu.memory_space<vmem>>, vector<1000x128xf32>
    tpu.vector_store %arg4[%swap3A, %swap3A_17], %mul3A_16 {strides = array<i32>} : memref<1000x128xf32, #tpu.memory_space<vmem>>, vector<1000x128xf32>,
    return
  }
  func.func @transform_0(%arg0: i32) -> (i32, i32) {
    %c0_i32 = arith.constant 0 : i32
    %c0_i32_0 = arith.constant 0 : i32
    return %arg0, %c0_i32 : i32, i32
  }
  func.func @transform_1(%arg0: i32) -> (i32, i32) {
    %c0_i32 = arith.constant 0 : i32
    %c0_i32_0 = arith.constant 0 : i32
    %c0_i32_1 = arith.constant 0 : i32
    return %c0_i32, %c0_i32_0 : i32, i32
  }
  func.func @transform_2(%arg0: i32) -> (i32, i32, i32) {
    %c0_i32 = arith.constant 0 : i32
    %c0_i32_0 = arith.constant 0 : i32
    %c0_i32_1 = arith.constant 0 : i32
    return %c0_i32, %arg0, %c0_i32_0 : i32, i32, i32
  }
  func.func @transform_3(%arg0: i32) -> (i32, i32) {
    %c0_i32 = arith.constant 0 : i32
    %c0_i32_0 = arith.constant 0 : i32
    return %arg0, %c0_i32 : i32, i32
  }
}

module attributes {stable_mosaic.version = 14 : i64} {
  func.func @_tc_mid_body(%arg0: i32, %arg1: memref<2x1000x128xf32, #tpu.memory_space<vmem>>, %arg2: memref<2x1000x16xf32, #tpu.memory_space<vmem>>, %arg3: memref<1x128xf32, #tpu.memory_space<vmem>>, %arg4: memref<128x128xf32, #tpu.memory_space<vmem>>, %arg5: memref<1000x128xf32, #tpu.memory_space<vmem>>) attributes {dimension_semantics = [#tpu.dimension_semantics<arbitrary>], iteration_bounds = array<i64: 10>, scalar_prefetch = 0 : i64, scratch_operands = 0 : i64, tpu.core_type = #tpu.core_type<tc>, window_params = [{transform_indices = @transform_0, window_bounds = array<i64: 2, 1000, 128>}, {transform_indices = @transform_1, window_bounds = array<i64: 2, 1000, 16>}, {pipeline_mode = #tpu.pipeline_mode<synchronous>, transform_indices = @transform_2, window_bounds = array<i64: 1, 128>}, {pipeline_mode = #tpu.pipeline_mode<synchronous>, transform_indices = @transform_3, window_bounds = array<i64: 128, 128>}, {transform_indices = @transform_4, window_bounds = array<i64: 1000, 128>}]} {
    %get3A = arith.constant 0 : index
    %get3A_0 = arith.constant 0 : index
    %get3A_1 = arith.constant 0 : index
    %get3A_2 = vector.load %arg1[%get3A, %get3A_0, %get3A_1] : memref<2x1000x128xf32, #tpu.memory_space<vmem>>, vector<2x1000x128xf32>
    %get3A_3 = arith.constant 0 : index
    %get3A_4 = arith.constant 0 : index
    %get3A_5 = arith.constant 0 : index
    %get3A_6 = vector.load %arg2[%get3A_3, %get3A_4, %get3A_5] : memref<2x1000x16xf32, #tpu.memory_space<vmem>>, vector<2x1000x16xf32>
    %slice3A = vector.extract_strided_slice %get3A_6 {offsets = [0, 0, 0], sizes = [1, 1000, 1], strides = [1, 1, 1]} : vector<2x1000x16xf32> to vector<1x1000x1xf32>
    %squeeze3A = vector.shape_cast %slice3A : vector<1x1000x1xf32> to vector<1000x1xf32>
    %slice3A_7 = vector.extract_strided_slice %get3A_6 {offsets = [1, 0, 0], sizes = [1, 1000, 1], strides = [1, 1, 1]} : vector<2x1000x16xf32> to vector<1x1000x1xf32>
    %squeeze3A_8 = vector.shape_cast %slice3A_7 : vector<1x1000x1xf32> to vector<1000x1xf32>
    %add3A = arith.addf %squeeze3A, %squeeze3A_8 : vector<1000x1xf32>
    %gt3A = arith.constant 0.000000e+00 : f32
    %gt3A_9 = vector.broadcast %gt3A : f32 to vector<1000x1xf32>
    %gt3A_10 = arith.cmpf ogt, %add3A, %gt3A_9 : vector<1000x1xf32>
    %max3A = arith.constant 1.000000e+00 : f32
    %max3A_11 = vector.broadcast %max3A : f32 to vector<1000x1xf32>
    %max3A_12 = arith.maximumf %add3A, %max3A_11 : vector<1000x1xf32>
    %rsqrt3A = math.rsqrt %max3A_12 : vector<1000x1xf32>
    %jit3A = arith.constant 0.000000e+00 : f32
    %broadcast_in_dim3A = vector.broadcast %jit3A : f32 to vector<1000x1xf32>
    %select_n3A = arith.select %gt3A_10, %rsqrt3A, %broadcast_in_dim3A : vector<1000x1xi1>, vector<1000x1xf32>
    %slice3A_13 = vector.extract_strided_slice %get3A_2 {offsets = [0, 0, 0], sizes = [1, 1000, 128], strides = [1, 1, 1]} : vector<2x1000x128xf32> to vector<1x1000x128xf32>
    %squeeze3A_14 = vector.shape_cast %slice3A_13 : vector<1x1000x128xf32> to vector<1000x128xf32>
    %slice3A_15 = vector.extract_strided_slice %get3A_2 {offsets = [1, 0, 0], sizes = [1, 1000, 128], strides = [1, 1, 1]} : vector<2x1000x128xf32> to vector<1x1000x128xf32>
    %squeeze3A_16 = vector.shape_cast %slice3A_15 : vector<1x1000x128xf32> to vector<1000x128xf32>
    %add3A_17 = arith.addf %squeeze3A_14, %squeeze3A_16 : vector<1000x128xf32>
    %mul3A = vector.broadcast %select_n3A : vector<1000x1xf32> to vector<1000x128xf32>
    %mul3A_18 = arith.mulf %add3A_17, %mul3A : vector<1000x128xf32>
    %get3A_19 = arith.constant 0 : index
    %get3A_20 = arith.constant 0 : index
    %get3A_21 = vector.load %arg3[%get3A_19, %get3A_20] : memref<1x128xf32, #tpu.memory_space<vmem>>, vector<1x128xf32>
    %add3A_22 = vector.broadcast %get3A_21 : vector<1x128xf32> to vector<1000x128xf32>
    %add3A_23 = arith.addf %mul3A_18, %add3A_22 : vector<1000x128xf32>
    %get3A_24 = arith.constant 0 : index
    %get3A_25 = arith.constant 0 : index
    %get3A_26 = vector.load %arg4[%get3A_24, %get3A_25] : memref<128x128xf32, #tpu.memory_space<vmem>>, vector<128x128xf32>
    %dot_general3A = arith.constant dense<0.000000e+00> : vector<1000x128xf32>
    %dot_general3A_27 = tpu.matmul %add3A_23, %get3A_26, %dot_general3A {dimension_numbers = #tpu.dot_dimension_numbers<[1], [0], [0], [1], [0, 0, 1, 1], [], []>, transpose_lhs_hint = false} : vector<1000x128xf32>, vector<128x128xf32>, vector<1000x128xf32> -> vector<1000x128xf32>
    %mul3A_28 = vector.broadcast %select_n3A : vector<1000x1xf32> to vector<1000x128xf32>
    %mul3A_29 = arith.mulf %mul3A_28, %dot_general3A_27 : vector<1000x128xf32>
    %swap3A = arith.constant 0 : index
    %swap3A_30 = arith.constant 0 : index
    %swap3A_31 = vector.load %arg5[%swap3A, %swap3A_30] : memref<1000x128xf32, #tpu.memory_space<vmem>>, vector<1000x128xf32>
    tpu.vector_store %arg5[%swap3A, %swap3A_30], %mul3A_29 {strides = array<i32>} : memref<1000x128xf32, #tpu.memory_space<vmem>>, vector<1000x128xf32>,
    return
  }
  func.func @transform_0(%arg0: i32) -> (i32, i32, i32) {
    %c0_i32 = arith.constant 0 : i32
    %c0_i32_0 = arith.constant 0 : i32
    %c0_i32_1 = arith.constant 0 : i32
    return %c0_i32, %arg0, %c0_i32_0 : i32, i32, i32
  }
  func.func @transform_1(%arg0: i32) -> (i32, i32, i32) {
    %c0_i32 = arith.constant 0 : i32
    %c0_i32_0 = arith.constant 0 : i32
    %c0_i32_1 = arith.constant 0 : i32
    return %c0_i32, %arg0, %c0_i32_0 : i32, i32, i32
  }
  func.func @transform_2(%arg0: i32) -> (i32, i32) {
    %c0_i32 = arith.constant 0 : i32
    %c0_i32_0 = arith.constant 0 : i32
    %c0_i32_1 = arith.constant 0 : i32
    return %c0_i32, %c0_i32_0 : i32, i32
  }
  func.func @transform_3(%arg0: i32) -> (i32, i32) {
    %c0_i32 = arith.constant 0 : i32
    %c0_i32_0 = arith.constant 0 : i32
    %c0_i32_1 = arith.constant 0 : i32
    return %c0_i32, %c0_i32_0 : i32, i32
  }
  func.func @transform_4(%arg0: i32) -> (i32, i32) {
    %c0_i32 = arith.constant 0 : i32
    %c0_i32_0 = arith.constant 0 : i32
    return %arg0, %c0_i32 : i32, i32
  }
}

module attributes {stable_mosaic.version = 14 : i64} {
  func.func @_tc_scale_body(%arg0: i32, %arg1: memref<2x1000x128xf32, #tpu.memory_space<vmem>>, %arg2: memref<2x1000x16xf32, #tpu.memory_space<vmem>>, %arg3: memref<1x128xf32, #tpu.memory_space<vmem>>, %arg4: memref<1000x128xf32, #tpu.memory_space<vmem>>) attributes {dimension_semantics = [#tpu.dimension_semantics<arbitrary>], iteration_bounds = array<i64: 10>, scalar_prefetch = 0 : i64, scratch_operands = 0 : i64, tpu.core_type = #tpu.core_type<tc>, window_params = [{transform_indices = @transform_0, window_bounds = array<i64: 2, 1000, 128>}, {transform_indices = @transform_1, window_bounds = array<i64: 2, 1000, 16>}, {pipeline_mode = #tpu.pipeline_mode<synchronous>, transform_indices = @transform_2, window_bounds = array<i64: 1, 128>}, {transform_indices = @transform_3, window_bounds = array<i64: 1000, 128>}]} {
    %get3A = arith.constant 0 : index
    %get3A_0 = arith.constant 0 : index
    %get3A_1 = arith.constant 0 : index
    %get3A_2 = vector.load %arg1[%get3A, %get3A_0, %get3A_1] : memref<2x1000x128xf32, #tpu.memory_space<vmem>>, vector<2x1000x128xf32>
    %get3A_3 = arith.constant 0 : index
    %get3A_4 = arith.constant 0 : index
    %get3A_5 = arith.constant 0 : index
    %get3A_6 = vector.load %arg2[%get3A_3, %get3A_4, %get3A_5] : memref<2x1000x16xf32, #tpu.memory_space<vmem>>, vector<2x1000x16xf32>
    %slice3A = vector.extract_strided_slice %get3A_6 {offsets = [0, 0, 0], sizes = [1, 1000, 1], strides = [1, 1, 1]} : vector<2x1000x16xf32> to vector<1x1000x1xf32>
    %squeeze3A = vector.shape_cast %slice3A : vector<1x1000x1xf32> to vector<1000x1xf32>
    %slice3A_7 = vector.extract_strided_slice %get3A_6 {offsets = [1, 0, 0], sizes = [1, 1000, 1], strides = [1, 1, 1]} : vector<2x1000x16xf32> to vector<1x1000x1xf32>
    %squeeze3A_8 = vector.shape_cast %slice3A_7 : vector<1x1000x1xf32> to vector<1000x1xf32>
    %add3A = arith.addf %squeeze3A, %squeeze3A_8 : vector<1000x1xf32>
    %gt3A = arith.constant 0.000000e+00 : f32
    %gt3A_9 = vector.broadcast %gt3A : f32 to vector<1000x1xf32>
    %gt3A_10 = arith.cmpf ogt, %add3A, %gt3A_9 : vector<1000x1xf32>
    %max3A = arith.constant 1.000000e+00 : f32
    %max3A_11 = vector.broadcast %max3A : f32 to vector<1000x1xf32>
    %max3A_12 = arith.maximumf %add3A, %max3A_11 : vector<1000x1xf32>
    %rsqrt3A = math.rsqrt %max3A_12 : vector<1000x1xf32>
    %jit3A = arith.constant 0.000000e+00 : f32
    %broadcast_in_dim3A = vector.broadcast %jit3A : f32 to vector<1000x1xf32>
    %select_n3A = arith.select %gt3A_10, %rsqrt3A, %broadcast_in_dim3A : vector<1000x1xi1>, vector<1000x1xf32>
    %slice3A_13 = vector.extract_strided_slice %get3A_2 {offsets = [0, 0, 0], sizes = [1, 1000, 128], strides = [1, 1, 1]} : vector<2x1000x128xf32> to vector<1x1000x128xf32>
    %squeeze3A_14 = vector.shape_cast %slice3A_13 : vector<1x1000x128xf32> to vector<1000x128xf32>
    %slice3A_15 = vector.extract_strided_slice %get3A_2 {offsets = [1, 0, 0], sizes = [1, 1000, 128], strides = [1, 1, 1]} : vector<2x1000x128xf32> to vector<1x1000x128xf32>
    %squeeze3A_16 = vector.shape_cast %slice3A_15 : vector<1x1000x128xf32> to vector<1000x128xf32>
    %add3A_17 = arith.addf %squeeze3A_14, %squeeze3A_16 : vector<1000x128xf32>
    %mul3A = vector.broadcast %select_n3A : vector<1000x1xf32> to vector<1000x128xf32>
    %mul3A_18 = arith.mulf %add3A_17, %mul3A : vector<1000x128xf32>
    %get3A_19 = arith.constant 0 : index
    %get3A_20 = arith.constant 0 : index
    %get3A_21 = vector.load %arg3[%get3A_19, %get3A_20] : memref<1x128xf32, #tpu.memory_space<vmem>>, vector<1x128xf32>
    %add3A_22 = vector.broadcast %get3A_21 : vector<1x128xf32> to vector<1000x128xf32>
    %add3A_23 = arith.addf %mul3A_18, %add3A_22 : vector<1000x128xf32>
    %mul3A_24 = vector.broadcast %select_n3A : vector<1000x1xf32> to vector<1000x128xf32>
    %mul3A_25 = arith.mulf %mul3A_24, %add3A_23 : vector<1000x128xf32>
    %swap3A = arith.constant 0 : index
    %swap3A_26 = arith.constant 0 : index
    %swap3A_27 = vector.load %arg4[%swap3A, %swap3A_26] : memref<1000x128xf32, #tpu.memory_space<vmem>>, vector<1000x128xf32>
    tpu.vector_store %arg4[%swap3A, %swap3A_26], %mul3A_25 {strides = array<i32>} : memref<1000x128xf32, #tpu.memory_space<vmem>>, vector<1000x128xf32>,
    return
  }
  func.func @transform_0(%arg0: i32) -> (i32, i32, i32) {
    %c0_i32 = arith.constant 0 : i32
    %c0_i32_0 = arith.constant 0 : i32
    %c0_i32_1 = arith.constant 0 : i32
    return %c0_i32, %arg0, %c0_i32_0 : i32, i32, i32
  }
  func.func @transform_1(%arg0: i32) -> (i32, i32, i32) {
    %c0_i32 = arith.constant 0 : i32
    %c0_i32_0 = arith.constant 0 : i32
    %c0_i32_1 = arith.constant 0 : i32
    return %c0_i32, %arg0, %c0_i32_0 : i32, i32, i32
  }
  func.func @transform_2(%arg0: i32) -> (i32, i32) {
    %c0_i32 = arith.constant 0 : i32
    %c0_i32_0 = arith.constant 0 : i32
    %c0_i32_1 = arith.constant 0 : i32
    return %c0_i32, %c0_i32_0 : i32, i32
  }
  func.func @transform_3(%arg0: i32) -> (i32, i32) {
    %c0_i32 = arith.constant 0 : i32
    %c0_i32_0 = arith.constant 0 : i32
    return %arg0, %c0_i32 : i32, i32
  }
}

module attributes {stable_mosaic.version = 14 : i64} {
  func.func @_tc_final_body(%arg0: i32, %arg1: memref<2x1000x128xf32, #tpu.memory_space<vmem>>, %arg2: memref<2x1000x16xf32, #tpu.memory_space<vmem>>, %arg3: memref<1x64xf32, #tpu.memory_space<vmem>>, %arg4: memref<128x64xf32, #tpu.memory_space<vmem>>, %arg5: memref<1000x64xf32, #tpu.memory_space<vmem>>) attributes {dimension_semantics = [#tpu.dimension_semantics<arbitrary>], iteration_bounds = array<i64: 10>, scalar_prefetch = 0 : i64, scratch_operands = 0 : i64, tpu.core_type = #tpu.core_type<tc>, window_params = [{transform_indices = @transform_0, window_bounds = array<i64: 2, 1000, 128>}, {transform_indices = @transform_1, window_bounds = array<i64: 2, 1000, 16>}, {pipeline_mode = #tpu.pipeline_mode<synchronous>, transform_indices = @transform_2, window_bounds = array<i64: 1, 64>}, {pipeline_mode = #tpu.pipeline_mode<synchronous>, transform_indices = @transform_3, window_bounds = array<i64: 128, 64>}, {transform_indices = @transform_4, window_bounds = array<i64: 1000, 64>}]} {
    %get3A = arith.constant 0 : index
    %get3A_0 = arith.constant 0 : index
    %get3A_1 = arith.constant 0 : index
    %get3A_2 = vector.load %arg1[%get3A, %get3A_0, %get3A_1] : memref<2x1000x128xf32, #tpu.memory_space<vmem>>, vector<2x1000x128xf32>
    %get3A_3 = arith.constant 0 : index
    %get3A_4 = arith.constant 0 : index
    %get3A_5 = arith.constant 0 : index
    %get3A_6 = vector.load %arg2[%get3A_3, %get3A_4, %get3A_5] : memref<2x1000x16xf32, #tpu.memory_space<vmem>>, vector<2x1000x16xf32>
    %slice3A = vector.extract_strided_slice %get3A_6 {offsets = [0, 0, 0], sizes = [1, 1000, 1], strides = [1, 1, 1]} : vector<2x1000x16xf32> to vector<1x1000x1xf32>
    %squeeze3A = vector.shape_cast %slice3A : vector<1x1000x1xf32> to vector<1000x1xf32>
    %slice3A_7 = vector.extract_strided_slice %get3A_6 {offsets = [1, 0, 0], sizes = [1, 1000, 1], strides = [1, 1, 1]} : vector<2x1000x16xf32> to vector<1x1000x1xf32>
    %squeeze3A_8 = vector.shape_cast %slice3A_7 : vector<1x1000x1xf32> to vector<1000x1xf32>
    %add3A = arith.addf %squeeze3A, %squeeze3A_8 : vector<1000x1xf32>
    %gt3A = arith.constant 0.000000e+00 : f32
    %gt3A_9 = vector.broadcast %gt3A : f32 to vector<1000x1xf32>
    %gt3A_10 = arith.cmpf ogt, %add3A, %gt3A_9 : vector<1000x1xf32>
    %max3A = arith.constant 1.000000e+00 : f32
    %max3A_11 = vector.broadcast %max3A : f32 to vector<1000x1xf32>
    %max3A_12 = arith.maximumf %add3A, %max3A_11 : vector<1000x1xf32>
    %rsqrt3A = math.rsqrt %max3A_12 : vector<1000x1xf32>
    %jit3A = arith.constant 0.000000e+00 : f32
    %broadcast_in_dim3A = vector.broadcast %jit3A : f32 to vector<1000x1xf32>
    %select_n3A = arith.select %gt3A_10, %rsqrt3A, %broadcast_in_dim3A : vector<1000x1xi1>, vector<1000x1xf32>
    %slice3A_13 = vector.extract_strided_slice %get3A_2 {offsets = [0, 0, 0], sizes = [1, 1000, 128], strides = [1, 1, 1]} : vector<2x1000x128xf32> to vector<1x1000x128xf32>
    %squeeze3A_14 = vector.shape_cast %slice3A_13 : vector<1x1000x128xf32> to vector<1000x128xf32>
    %slice3A_15 = vector.extract_strided_slice %get3A_2 {offsets = [1, 0, 0], sizes = [1, 1000, 128], strides = [1, 1, 1]} : vector<2x1000x128xf32> to vector<1x1000x128xf32>
    %squeeze3A_16 = vector.shape_cast %slice3A_15 : vector<1x1000x128xf32> to vector<1000x128xf32>
    %add3A_17 = arith.addf %squeeze3A_14, %squeeze3A_16 : vector<1000x128xf32>
    %mul3A = vector.broadcast %select_n3A : vector<1000x1xf32> to vector<1000x128xf32>
    %mul3A_18 = arith.mulf %add3A_17, %mul3A : vector<1000x128xf32>
    %get3A_19 = arith.constant 0 : index
    %get3A_20 = arith.constant 0 : index
    %get3A_21 = vector.load %arg4[%get3A_19, %get3A_20] : memref<128x64xf32, #tpu.memory_space<vmem>>, vector<128x64xf32>
    %dot_general3A = arith.constant dense<0.000000e+00> : vector<1000x64xf32>
    %dot_general3A_22 = tpu.matmul %mul3A_18, %get3A_21, %dot_general3A {dimension_numbers = #tpu.dot_dimension_numbers<[1], [0], [0], [1], [0, 0, 1, 1], [], []>, transpose_lhs_hint = false} : vector<1000x128xf32>, vector<128x64xf32>, vector<1000x64xf32> -> vector<1000x64xf32>
    %get3A_23 = arith.constant 0 : index
    %get3A_24 = arith.constant 0 : index
    %get3A_25 = vector.load %arg3[%get3A_23, %get3A_24] : memref<1x64xf32, #tpu.memory_space<vmem>>, vector<1x64xf32>
    %add3A_26 = vector.broadcast %get3A_25 : vector<1x64xf32> to vector<1000x64xf32>
    %add3A_27 = arith.addf %dot_general3A_22, %add3A_26 : vector<1000x64xf32>
    %reduce_max3A = arith.constant dense<0xFF800000> : vector<1000xf32>
    %reduce_max3A_28 = vector.multi_reduction <maximumf>, %add3A_27, %reduce_max3A [1] : vector<1000x64xf32> to vector<1000xf32>
    %broadcast_in_dim3A_29 = vector.shape_cast %reduce_max3A_28 : vector<1000xf32> to vector<1000x1xf32>
    %sub3A = vector.broadcast %broadcast_in_dim3A_29 : vector<1000x1xf32> to vector<1000x64xf32>
    %sub3A_30 = arith.subf %add3A_27, %sub3A : vector<1000x64xf32>
    %exp3A = math.exp %sub3A_30 : vector<1000x64xf32>
    %reduce_sum3A = arith.constant dense<0.000000e+00> : vector<1000xf32>
    %reduce_sum3A_31 = vector.multi_reduction <add>, %exp3A, %reduce_sum3A [1] : vector<1000x64xf32> to vector<1000xf32>
    %broadcast_in_dim3A_32 = vector.shape_cast %reduce_sum3A_31 : vector<1000xf32> to vector<1000x1xf32>
    %log3A = math.log %broadcast_in_dim3A_32 : vector<1000x1xf32>
    %sub3A_33 = vector.broadcast %broadcast_in_dim3A_29 : vector<1000x1xf32> to vector<1000x64xf32>
    %sub3A_34 = arith.subf %add3A_27, %sub3A_33 : vector<1000x64xf32>
    %sub3A_35 = vector.broadcast %log3A : vector<1000x1xf32> to vector<1000x64xf32>
    %sub3A_36 = arith.subf %sub3A_34, %sub3A_35 : vector<1000x64xf32>
    %swap3A = arith.constant 0 : index
    %swap3A_37 = arith.constant 0 : index
    %swap3A_38 = vector.load %arg5[%swap3A, %swap3A_37] : memref<1000x64xf32, #tpu.memory_space<vmem>>, vector<1000x64xf32>
    tpu.vector_store %arg5[%swap3A, %swap3A_37], %sub3A_36 {strides = array<i32>} : memref<1000x64xf32, #tpu.memory_space<vmem>>, vector<1000x64xf32>,
    return
  }
  func.func @transform_0(%arg0: i32) -> (i32, i32, i32) {
    %c0_i32 = arith.constant 0 : i32
    %c0_i32_0 = arith.constant 0 : i32
    %c0_i32_1 = arith.constant 0 : i32
    return %c0_i32, %arg0, %c0_i32_0 : i32, i32, i32
  }
  func.func @transform_1(%arg0: i32) -> (i32, i32, i32) {
    %c0_i32 = arith.constant 0 : i32
    %c0_i32_0 = arith.constant 0 : i32
    %c0_i32_1 = arith.constant 0 : i32
    return %c0_i32, %arg0, %c0_i32_0 : i32, i32, i32
  }
  func.func @transform_2(%arg0: i32) -> (i32, i32) {
    %c0_i32 = arith.constant 0 : i32
    %c0_i32_0 = arith.constant 0 : i32
    %c0_i32_1 = arith.constant 0 : i32
    return %c0_i32, %c0_i32_0 : i32, i32
  }
  func.func @transform_3(%arg0: i32) -> (i32, i32) {
    %c0_i32 = arith.constant 0 : i32
    %c0_i32_0 = arith.constant 0 : i32
    %c0_i32_1 = arith.constant 0 : i32
    return %c0_i32, %c0_i32_0 : i32, i32
  }
  func.func @transform_4(%arg0: i32) -> (i32, i32) {
    %c0_i32 = arith.constant 0 : i32
    %c0_i32_0 = arith.constant 0 : i32
    return %arg0, %c0_i32 : i32, i32
  }
}

</mosaic_0001>

<sc_bundles>
// kernel: kernel.10.cloned.1.call-start
scs
__scs_entry_jumppad:
0x0: {  	(pc) =	sbr.rel $0x88, $3  }
0x1: {  	(tag) =	ssettag $0x0;
	lr =	simm.s32 $0x1  }
0x2: {  	[smem:$0x3F99] =	sst lr;
	_ =	strace $0xD0000000  }
0x3: {  	_ = 	snop  }
0x4: {  	_ = 	snop  }
0x5: {  	_ = 	snop  }
0x6: {  	_ = 	snop  }
0x7: {  	_ = 	snop  }
__scs_overlays_trampoline_lowered:
0x8: {  	[smem:$0x3FA8] =	sst s0  }
0x9: {  	[smem:$0x3FA9] =	sst s1  }
0xa: {  	[smem:$0x3FAA] =	sst s2  }
0xb: {  	[smem:$0x3FAB] =	sst s3  }
0xc: {  	[smem:$0x3FAC] =	sst s4  }
0xd: {  	[smem:$0x3FAD] =	sst s5  }
0xe: {  	[smem:$0x3FAE] =	sst s6  }
0xf: {  	[smem:$0x3FAF] =	sst s7  }
0x10: {  	[smem:$0x3FB0] =	sst s8  }
0x11: {  	[smem:$0x3FB1] =	sst s9;
	s0 =	simm.s32 @!p0 $0x0  }
0x12: {  	s1 =	sld [smem:$0x3F97];
	s0 =	simm.s32 @p0 $0x1  }
0x13: {  	[smem:$0x3FB2] =	sst s0;
	s0 =	simm.s32 @!p1 $0x0  }
0x14: {  	s2 =	sld [smem:$0x3F96];
	s0 =	simm.s32 @p1 $0x1  }
0x15: {  	[smem:$0x3FB3] =	sst s0;
	s0 =	simm.s32 @!p2 $0x0  }
0x16: {  	s3 =	sld [smem:$0x3FDB];
	s0 =	simm.s32 @p2 $0x1  }
0x17: {  	s4 =	simm.s32 $0x1BF5;
	[smem:$0x3FB5] =	sst s0  }
0x18: {  	s0 =	sld [smem:$0x3F98];
	_ =	swait.ge [sflag:s4], $0x0  }
0x19: {  	s7 =	sld [smem:$0x3F99]  }
0x1a: {  	s8 =	sadd.s32 $0xFFFFE003, lr  }
0x1b: {  	s9 =	sadd.s32 $0xFFFFFEF7, lr;
	s5 =	simm.s32 $0xFFFFFFFF;
	p2 =	slt.u32 s8, $0xFFFFF086  }
0x1c: {  	p1 =	slt.u32 s9, $0xF7A;
	s5 =	simm.s32 @!p2 $0x0  }
0x1d: {  	s5 =	simm.s32 @p1 $0x1;
	p0 =	seq.s32 s7, s2  }
0x1e: {  	s7 =	smul.u32 @!p0 $0xF7A, s2;
	p2 =	seq.s32 @!p0 s5, $0x0  }
0x1f: {  	s9 =	smul.u32 $0xF7A, s1;
	s8 =	simm.s32 @!p0 $0x1BF5;
	p2 =	por !p2, p0  }
0x20: {  	[sflag:s8] =	ssyncset.s32 @!p0 $0xFFFFF086;
	s6 =	sadd.s32 @!p0 s3, s7;
	s7 =	simm.s32 @!p0 $0x108  }
0x21: {  	s3 =	sadd.s32 s3, s9;
	s6 =	sadd.s32 @!p0 $0x88, s6;
	s7 =	simm.s32 @p2 $0x1082  }
0x22: {  	[simem:s7], [sflag:s8] =	dma.local @!p0 [hbm:s6], $0xF7A  }
0x23: {  	s9 =	sor.u32 $0xD0000000, s2;
	s6 =	simm.s32 $0x108;
	_ =	swait.ge @!p0 [sflag:s8], $0x0  }
0x24: {  	s3 =	sadd.s32 $0x88, s3;
	s6 =	simm.s32 @!p1 $0x1082;
	[sflag:s4] =	ssyncset.s32 $0xFFFFF086  }
0x25: {  	[simem:s6], [sflag:s4] =	dma.local [hbm:s3], $0xF7A  }
0x26: {  	[smem:$0x3F99] =	sst s1;
	(tag) =	ssettag s2;
	_ =	strace s9  }
0x27: {  	s1 =	sld [smem:$0x3FA9]  }
0x28: {  	s2 =	sld [smem:$0x3FAA]  }
0x29: {  	s4 =	sld [smem:$0x3FAC]  }
0x2a: {  	p0 =	seq.s32 s5, $0x0;
	s5 =	sld [smem:$0x3FAD]  }
0x2b: {  	s6 =	sld [smem:$0x3FAE]  }
0x2c: {  	s7 =	sld [smem:$0x3FAF]  }
0x2d: {  	s3 =	simm.s32 $0x108;
	s8 =	sld [smem:$0x3FB0]  }
0x2e: {  	s3 =	simm.s32 @!p0 $0x1082;
	s9 =	sld [smem:$0x3FB1]  }
0x2f: {  	lr =	sadd.s32 s0, s3;
	s0 =	sld [smem:$0x3FA8]  }
0x30: {  	s3 =	sld [smem:$0x3FAB]  }
0x31: {  	[smem:$0x3FB4] =	sst s10  }
0x32: {  	s10 =	sld [smem:$0x3FB2];
	_ =	sdelay $0x3  }
0x33: {  	p0 =	seq.s32 s10, $0x1;
	s10 =	sld [smem:$0x3FB4];
	_ =	sdelay $0x3  }
0x34: {  	[smem:$0x3FB4] =	sst s10  }
0x35: {  	s10 =	sld [smem:$0x3FB3];
	_ =	sdelay $0x3  }
0x36: {  	p1 =	seq.s32 s10, $0x1;
	s10 =	sld [smem:$0x3FB4];
	_ =	sdelay $0x3  }
0x37: {  	[smem:$0x3FB4] =	sst s10  }
0x38: {  	s10 =	sld [smem:$0x3FB5]  }
0x39: {  	_ = 	snop;
	(pc) =	sbr.ind lr, $3  }
0x3a: {  	_ = 	snop  }
0x3b: {  	_ = 	snop  }
0x3c: {  	p2 =	seq.s32 s10, $0x1;
	s10 =	sld [smem:$0x3FB4]  }
0x3d: {  	_ =	shalt  }
0x3e: {  	_ =	shalt  }
0x3f: {  	_ =	shalt  }
0x40: {  	_ =	shalt  }
0x41: {  	_ =	shalt  }
0x42: {  	_ =	shalt  }
0x43: {  	_ =	shalt  }
0x44: {  	_ =	shalt  }
0x45: {  	_ =	shalt  }
0x46: {  	_ =	shalt  }
0x47: {  	_ =	shalt  }
0x48: {  	_ =	shalt  }
0x49: {  	_ =	shalt  }
0x4a: {  	_ =	shalt  }
0x4b: {  	_ =	shalt  }
0x4c: {  	_ =	shalt  }
0x4d: {  	_ =	shalt  }
0x4e: {  	_ =	shalt  }
0x4f: {  	_ =	shalt  }
0x50: {  	_ =	shalt  }
0x51: {  	_ =	shalt  }
0x52: {  	_ =	shalt  }
0x53: {  	_ =	shalt  }
0x54: {  	_ =	shalt  }
0x55: {  	_ =	shalt  }
0x56: {  	_ =	shalt  }
0x57: {  	_ =	shalt  }
0x58: {  	_ =	shalt  }
0x59: {  	_ =	shalt  }
0x5a: {  	_ =	shalt  }
0x5b: {  	_ =	shalt  }
0x5c: {  	_ =	shalt  }
0x5d: {  	_ =	shalt  }
0x5e: {  	_ =	shalt  }
0x5f: {  	_ =	shalt  }
0x60: {  	_ =	shalt  }
0x61: {  	_ =	shalt  }
0x62: {  	_ =	shalt  }
0x63: {  	_ =	shalt  }
0x64: {  	_ =	shalt  }
0x65: {  	_ =	shalt  }
0x66: {  	_ =	shalt  }
0x67: {  	_ =	shalt  }
0x68: {  	_ =	shalt  }
0x69: {  	_ =	shalt  }
0x6a: {  	_ =	shalt  }
0x6b: {  	_ =	shalt  }
0x6c: {  	_ =	shalt  }
0x6d: {  	_ =	shalt  }
0x6e: {  	_ =	shalt  }
0x6f: {  	_ =	shalt  }
0x70: {  	_ =	shalt  }
0x71: {  	_ =	shalt  }
0x72: {  	_ =	shalt  }
0x73: {  	_ =	shalt  }
0x74: {  	_ =	shalt  }
0x75: {  	_ =	shalt  }
0x76: {  	_ =	shalt  }
0x77: {  	_ =	shalt  }
0x78: {  	_ =	shalt  }
0x79: {  	_ =	shalt  }
0x7a: {  	_ =	shalt  }
0x7b: {  	_ =	shalt  }
0x7c: {  	_ =	shalt  }
0x7d: {  	_ =	shalt  }
0x7e: {  	_ =	shalt  }
0x7f: {  	_ =	shalt  }
0x80: {  	_ =	shalt  }
0x81: {  	_ =	shalt  }
0x82: {  	_ =	shalt  }
0x83: {  	_ =	shalt  }
0x84: {  	_ =	shalt  }
0x85: {  	_ =	shalt  }
0x86: {  	_ =	shalt  }
0x87: {  	_ =	shalt  }
.Lfunc_end0:
.L_simem_size_0:
called_computation_lowered:
.L_overlay_start_0:
0x88: {  	s2 =	sld [smem:$0x3FD9]  }
0x89: {  	s3 =	sld [smem:$0x3FFE];
	_ =	sdelay $0x1  }
0x8a: {  	s1 =	srdreg.scid  }
0x8b: {  	s0 =	sand.u32 $0x1, s1  }
0x8c: {  	s17 =	sshll.u32 s0, $0xA;
	s2 =	sadd.s32 s3, s2  }
0x8d: {  	s2 =	sadd.s32 s2, s17  }
0x8e: {  	[smem:$0x3FC0] =	sst s2  }
0x8f: {  	_ = 	snop  }
0x90: {  	s2 =	sld [smem:$0x3FD0];
	(tm) =	ssettm $0x1  }
0x91: {  	s18 =	sld [smem:$0x3FFB];
	_ =	sdelay $0x3  }
0x92: {  	_ =	strace s18  }
0x93: {  	s3 =	sld [smem:$0x3FFC];
	_ =	sdelay $0x3  }
0x94: {  	_ =	strace s3  }
0x95: {  	s3 =	sld [smem:$0x3FFD];
	_ =	sdelay $0x3  }
0x96: {  	_ =	strace s3  }
0x97: {  	_ =	strace $0x8FFFFFFF  }
0x98: {  	s19 =	sld [smem:$0x3FDB];
	_ =	sdelay $0x1  }
0x99: {  	s4 =	simm.s32 $_scs_section_size  }
0x9a: {  	s5 =	simm.s32 $_size__tile_overlayer_lowered;
	s6 =	simm.s32 $_tile_overlayer_lowered  }
0x9b: {  	s22 =	simm.s32 $0x1BFF;
	s21 =	sshll.u32 s6, $0x1;
	s3 =	sadd.s32 s4, s19  }
0x9c: {  	s7 =	simm.s32 $0x0;
	s20 =	sshll.u32 s5, $0x1;
	s5 =	sadd.s32 s21, s3  }
0x9d: {  	[timem:s7], [sflag:s22] =	dma.local [hbm:s5], s20  }
0x9e: {  	_ =	swait.ge [sflag:s22], s20  }
0x9f: {  	s4 =	ssub.s32 $0x0, s20;
	[sflag:s22] =	ssyncset.done $0x0  }
0xa0: {  	[sflag:s22] =	ssyncadd.s32 s4;
	_ =	sdelay $0x1  }
0xa1: {  	s23 =	simm.s32 $0x1B8B  }
0xa2: {  	_ =	swait.ge [sflag:s23], $0x1  }
0xa3: {  	[sflag:s23] =	ssyncset.done $0x0  }
0xa4: {  	s25 =	simm.s32 $0x1B8E;
	s24 =	sld [smem:$0x3FFE];
	[sflag:s23] =	ssyncadd.s32 $0xFFFFFFFF  }
0xa5: {  	s26 =	simm.s32 $execute0_lowered;
	[smem:$0x3FD2] =	sst s25  }
0xa6: {  	s5 =	sshll.u32 s26, $0x1;
	_ =	strace $0x80000046;
	[dreg:$0x1] =	wrdreg $0xFFFFFFFF  }
0xa7: {  	s28 =	simm.s32 $_size_execute0_lowered;
	s3 =	sadd.s32 s3, s5;
	[dreg:$0x0] =	wrdreg $0x0  }
0xa8: {  	s5 =	sshll.u32 s28, $0x1;
	[dreg:$0x2] =	wrdreg s3  }
0xa9: {  	[dreg:$0x3] =	wrdreg s5  }
0xaa: {  	[dreg:$0x4] =	wrdreg $0xC0  }
0xab: {  	_ =	task [dreg:s7], $0x5FFFF  }
0xac: {  	[dreg:$0x1] =	wrdreg $0xFFFFFFFF  }
0xad: {  	[dreg:$0x0] =	wrdreg $0x60  }
0xae: {  	[dreg:$0x2] =	wrdreg s2  }
0xaf: {  	[dreg:$0x3] =	wrdreg s24  }
0xb0: {  	[dreg:$0x4] =	wrdreg $0x68000  }
0xb1: {  	[dreg:$0x5] =	wrdreg $0x9  }
0xb2: {  	_ =	task.clear_ibuf [dreg:s7], $0x6FFFF;
	_ =	strace $0x90000046  }
0xb3: {  	s29 =	simm.s32 $0x9;
	_ =	strace $0x80000048  }
0xb4: {  	_ =	swait.ge [sflag:s29], $0x1  }
0xb5: {  	[sflag:s29] =	ssyncadd.s32 $0xFFFFFFFF  }
0xb6: {  	_ =	strace $0x90000048  }
0xb7: {  	_ =	sfence  }
0xb8: {  	s30 =	sld [smem:$0x0];
	_ =	sdelay $0x2  }
0xb9: {  	s31 =	sshll.u32 s1, $0xD;
	s1 =	sshrl.u32 s1, $0x2  }
0xba: {  	s3 =	sand.u32 $0x4000, s31;
	s1 =	sadd.s32 s1, s30  }
0xbb: {  	s0 =	sor.u32 s3, s0;
	s1 =	sshll.u32 s1, $0x11  }
0xbc: {  	s0 =	sor.u32 s1, s0  }
0xbd: {  	s0 =	sadd.s32 $0x8F2B, s0  }
0xbe: {  	[sflag:s0] =	ssyncadd.remote.s32 $0x1  }
0xbf: {  	_ =	sfence.sel $0xFFFF  }
0xc0: {  	[dreg:$0x0] =	wrdreg $0xFFFFFFFF;
	(pc) =	sbr.abs _section_cstart, $3  }
0xc1: {  	[dreg:$0x1] =	wrdreg $0xFFFFFFFF  }
0xc2: {  	_ =	task.clear_ibuf [dreg:s7], $0x2FFFF;
	_ =	strace $0x9FFFFFFF  }
0xc3: {  	(tm) =	ssettm $0x7FFFFFFF  }
tec
execute0_lowered:
.L_overlay_start_1:
0x0: {  	(tag) =	ssettag $0x1  }
0x1: {  	s6 =	rddreg [dreg:$0x0]  }
0x2: {  	s7 =	rddreg [dreg:$0x1]  }
0x3: {  	s1 =	rddreg [dreg:$0x2];
	s2 =	srdreg.scid  }
0x4: {  	s0 =	rddreg [dreg:$0x3];
	s3 =	simm.s32 $0x0;
	s13 =	simm.s32 $0x50  }
0x5: {  	s14 =	simm.s32 $0x1;
	s8 =	sand.u32 $0x1, s2;
	s2 =	stileid.u32  }
0x6: {  	s15 =	simm.s32 $0x0;
	[smem:$0x7FF] =	sst s3;
	s9 =	smul.u32 $0x140000, s8  }
0x7: {  	s4 =	sadd.s32 $0x5200, s7;
	s5 =	sadd.s32 $0x2A00, s7;
	s10 =	smul.u32 $0x14000, s2  }
0x8: {  	_ =	strace $0x80000047;
	s26 =	ssub.s32 $0x2, s8;
	s12 =	smul.u32 $0x50000, s2  }
0x9: {  	s29 =	sshll.u32 s2, $0xB;
	s8 =	sshll.u32 s8, $0xF;
	s31 =	sshll.u32 s2, $0x6  }
0xa: {  	s11 =	sshrl.u32 s26, $0x1;
	s6 =	sadd.s32 s6, s29;
	s9 =	sadd.s32 s10, s9  }
0xb: {  	s28 =	ssub.s32 s26, s11;
	s30 =	sshrl.u32 s12, $0x2;
	s6 =	sadd.s32 s8, s6  }
0xc: {  	s10 =	simm.s32 $0x4000;
	s11 =	sor.u32 $0x1C02, s31;
	s9 =	sshrl.u32 s9, $0x3  }
0xd: {  	s12 =	sadd.s32 s30, s1;
	s8 =	smax.u32 s28, $0x1;
	s7 =	sadd.s32 s9, s7  }
0xe: {  	s9 =	simm.s32 $0x2;
	s12 =	sshrl.u32 s12, $0x3;
	s7 =	sadd.s32 $0x5800, s7  }
.LBB2_1:
0xf: {  	[tilespmem:s3], [sflag:$0x2] =	stream.linear.gather [hbm4b:s6+s3], $0x3E80, $0x38;
	[tilespmem:$0x9000] =	vst v63  }
0x10: {  	_ =	swait.ge [sflag:s9], $0x3E80  }
0x11: {  	[sflag:s9] =	ssyncset.done $0x0  }
0x12: {  	[sflag:s9] =	ssyncadd.s32 $0xFFFFC180  }
0x13: {  	[tilespmem:s10], [sflag:$0x2] =	stream.linear.gather [hbm4b:s4+s3], $0x2800, $0x38;
	[tilespmem:$0x9000] =	vst v63  }
0x14: {  	_ =	swait.ge [sflag:s9], $0x2800  }
0x15: {  	[sflag:s9] =	ssyncset.done $0x0  }
0x16: {  	[sflag:s9] =	ssyncadd.s32 $0xFFFFD800  }
0x17: {  	[spmem:s12], [sflag:s11] =	dma.local [hbm:s5], $0x2800  }
0x18: {  	_ =	swait.ge [sflag:s9], $0x2800  }
0x19: {  	[sflag:s9] =	ssyncset.done $0x0  }
0x1a: {  	[sflag:s9] =	ssyncadd.s32 $0xFFFFD800  }
0x1b: {  	s16 =	simm.s32 $0x0;
	[bflag:$0x0] =	sbarrier.arrive $0xFFFF  }
.LBB2_2:
0x1c: {  	p0 =	sne.s32 s16, $0xF800  }
.Ltmp0:
0x1d: {  	_ = 	snop;
	(pc) =	sbr.rel @p0 .LBB2_2-.Ltmp0, $3  }
0x1e: {  	_ =	sdelay $0x1  }
0x1f: {  	s17 =	sshra.s32 s16, $0x2;
	s16 =	sadd.s32 $0x200, s16  }
0x20: {  	[spmem:s1] =	stream.indirect.scatter.add.f32 [tilespmem:s10], [sflag:$0x1], $0x10, s17, s13, $0xb8;
	[tilespmem:$0x9000] =	vst v63  }
0x21: {  	_ =	swait.ge [sflag:s14], $0x500  }
0x22: {  	s16 =	simm.s32 $0x7C;
	[sflag:s14] =	ssyncset.done $0x0  }
.LBB2_4:
0x23: {  	p0 =	sne.s32 s16, $0x1;
	s16 =	sadd.s32 $0xFFFFFFFF, s16;
	[sflag:s14] =	ssyncadd.s32 $0xFFFFFB00  }
.Ltmp1:
0x24: {  	(pc) =	sbr.rel @p0 .LBB2_4-.Ltmp1, $3  }
0x25: {  	_ =	sdelay $0x1  }
0x26: {  	_ =	swait.ge [sflag:s14], $0x500  }
0x27: {  	[sflag:s14] =	ssyncset.done $0x0  }
0x28: {  	s15 =	sadd.s32 $0x1, s15  }
0x29: {  	[sflag:s14] =	ssyncadd.s32 $0xFFFFFB00;
	p0 =	sne.s32 s15, s8  }
.Ltmp2:
0x2a: {  	[bflag:$0x0] =	sbarrier.arrive $0xFFFF;
	(pc) =	sbr.rel @p0 .LBB2_1-.Ltmp2, $4  }
0x2b: {  	[hbm:s7], [sflag:s11] =	dma.local [spmem:s12], $0x2800  }
0x2c: {  	_ =	swait.ge [sflag:s9], $0x2800  }
0x2d: {  	[sflag:s9] =	ssyncset.done $0x0  }
0x2e: {  	[sflag:s9] =	ssyncadd.s32 $0xFFFFD800  }
0x2f: {  	_ =	sfence.sel $0x180000  }
0x30: {  	[bflag:$0x0] =	sbarrier.arrive $0xFFFF  }
0x31: {  	p0 =	sne.s32 s2, $0x0;
	_ =	strace $0x90000047  }
0x32: {  	s0 =	sadd.s32 @!p0 $0x100000, s0;
	[bflag:$0x2] =	sbarrier.arrive $0xFFFF  }
0x33: {  	[sflag:s0] =	ssyncadd.tile.s32 @!p0 $0x1;
	_ =	shalt  }
.Lfunc_end2:
_tile_overlayer_lowered:
.L_overlay_start_2:
0x34: {  	(tag) =	ssettag $0x2  }
0x35: {  	s0 =	rddreg [dreg:$0x0];
	s2 =	stileid.u32  }
0x36: {  	s1 =	rddreg [dreg:$0x1];
	p0 =	sne.s32 s2, $0x0  }
0x37: {  	s3 =	rddreg [dreg:$0x2];
	[bflag:$0x3] =	sbarrier.arrive $0xFFFF;
	s2 =	simm.s32 @!p0 $0x1C02  }
0x38: {  	[timem:s3], [sflag:s2] =	dma.local @!p0 [hbm:s0], s1  }
0x39: {  	s0 =	simm.s32 @!p0 $0x2  }
0x3a: {  	_ =	swait.ge @!p0 [sflag:s0], s1  }
0x3b: {  	s1 =	ssub.s32 @!p0 $0x0, s1;
	[sflag:s0] =	ssyncset.done @!p0 $0x0  }
0x3c: {  	[sflag:s0] =	ssyncadd.s32 @!p0 s1  }
0x3d: {  	[bflag:$0x3] =	sbarrier.arrive $0xFFFF  }
0x3e: {  	_ =	shalt  }

// kernel: kernel.13.cloned.1.call-start
scs
__scs_entry_jumppad:
0x0: {  	(pc) =	sbr.rel $0x88, $3  }
0x1: {  	(tag) =	ssettag $0x0;
	lr =	simm.s32 $0x1  }
0x2: {  	[smem:$0x3F99] =	sst lr;
	_ =	strace $0xD0000000  }
0x3: {  	_ = 	snop  }
0x4: {  	_ = 	snop  }
0x5: {  	_ = 	snop  }
0x6: {  	_ = 	snop  }
0x7: {  	_ = 	snop  }
__scs_overlays_trampoline_lowered:
0x8: {  	[smem:$0x3FA8] =	sst s0  }
0x9: {  	[smem:$0x3FA9] =	sst s1  }
0xa: {  	[smem:$0x3FAA] =	sst s2  }
0xb: {  	[smem:$0x3FAB] =	sst s3  }
0xc: {  	[smem:$0x3FAC] =	sst s4  }
0xd: {  	[smem:$0x3FAD] =	sst s5  }
0xe: {  	[smem:$0x3FAE] =	sst s6  }
0xf: {  	[smem:$0x3FAF] =	sst s7  }
0x10: {  	[smem:$0x3FB0] =	sst s8  }
0x11: {  	[smem:$0x3FB1] =	sst s9;
	s0 =	simm.s32 @!p0 $0x0  }
0x12: {  	s1 =	sld [smem:$0x3F97];
	s0 =	simm.s32 @p0 $0x1  }
0x13: {  	[smem:$0x3FB2] =	sst s0;
	s0 =	simm.s32 @!p1 $0x0  }
0x14: {  	s2 =	sld [smem:$0x3F96];
	s0 =	simm.s32 @p1 $0x1  }
0x15: {  	[smem:$0x3FB3] =	sst s0;
	s0 =	simm.s32 @!p2 $0x0  }
0x16: {  	s3 =	sld [smem:$0x3FDB];
	s0 =	simm.s32 @p2 $0x1  }
0x17: {  	s4 =	simm.s32 $0x1BF5;
	[smem:$0x3FB5] =	sst s0  }
0x18: {  	s0 =	sld [smem:$0x3F98];
	_ =	swait.ge [sflag:s4], $0x0  }
0x19: {  	s7 =	sld [smem:$0x3F99]  }
0x1a: {  	s8 =	sadd.s32 $0xFFFFE003, lr  }
0x1b: {  	s9 =	sadd.s32 $0xFFFFFEF7, lr;
	s5 =	simm.s32 $0xFFFFFFFF;
	p2 =	slt.u32 s8, $0xFFFFF086  }
0x1c: {  	p1 =	slt.u32 s9, $0xF7A;
	s5 =	simm.s32 @!p2 $0x0  }
0x1d: {  	s5 =	simm.s32 @p1 $0x1;
	p0 =	seq.s32 s7, s2  }
0x1e: {  	s7 =	smul.u32 @!p0 $0xF7A, s2;
	p2 =	seq.s32 @!p0 s5, $0x0  }
0x1f: {  	s9 =	smul.u32 $0xF7A, s1;
	s8 =	simm.s32 @!p0 $0x1BF5;
	p2 =	por !p2, p0  }
0x20: {  	[sflag:s8] =	ssyncset.s32 @!p0 $0xFFFFF086;
	s6 =	sadd.s32 @!p0 s3, s7;
	s7 =	simm.s32 @!p0 $0x108  }
0x21: {  	s3 =	sadd.s32 s3, s9;
	s6 =	sadd.s32 @!p0 $0x88, s6;
	s7 =	simm.s32 @p2 $0x1082  }
0x22: {  	[simem:s7], [sflag:s8] =	dma.local @!p0 [hbm:s6], $0xF7A  }
0x23: {  	s9 =	sor.u32 $0xD0000000, s2;
	s6 =	simm.s32 $0x108;
	_ =	swait.ge @!p0 [sflag:s8], $0x0  }
0x24: {  	s3 =	sadd.s32 $0x88, s3;
	s6 =	simm.s32 @!p1 $0x1082;
	[sflag:s4] =	ssyncset.s32 $0xFFFFF086  }
0x25: {  	[simem:s6], [sflag:s4] =	dma.local [hbm:s3], $0xF7A  }
0x26: {  	[smem:$0x3F99] =	sst s1;
	(tag) =	ssettag s2;
	_ =	strace s9  }
0x27: {  	s1 =	sld [smem:$0x3FA9]  }
0x28: {  	s2 =	sld [smem:$0x3FAA]  }
0x29: {  	s4 =	sld [smem:$0x3FAC]  }
0x2a: {  	p0 =	seq.s32 s5, $0x0;
	s5 =	sld [smem:$0x3FAD]  }
0x2b: {  	s6 =	sld [smem:$0x3FAE]  }
0x2c: {  	s7 =	sld [smem:$0x3FAF]  }
0x2d: {  	s3 =	simm.s32 $0x108;
	s8 =	sld [smem:$0x3FB0]  }
0x2e: {  	s3 =	simm.s32 @!p0 $0x1082;
	s9 =	sld [smem:$0x3FB1]  }
0x2f: {  	lr =	sadd.s32 s0, s3;
	s0 =	sld [smem:$0x3FA8]  }
0x30: {  	s3 =	sld [smem:$0x3FAB]  }
0x31: {  	[smem:$0x3FB4] =	sst s10  }
0x32: {  	s10 =	sld [smem:$0x3FB2];
	_ =	sdelay $0x3  }
0x33: {  	p0 =	seq.s32 s10, $0x1;
	s10 =	sld [smem:$0x3FB4];
	_ =	sdelay $0x3  }
0x34: {  	[smem:$0x3FB4] =	sst s10  }
0x35: {  	s10 =	sld [smem:$0x3FB3];
	_ =	sdelay $0x3  }
0x36: {  	p1 =	seq.s32 s10, $0x1;
	s10 =	sld [smem:$0x3FB4];
	_ =	sdelay $0x3  }
0x37: {  	[smem:$0x3FB4] =	sst s10  }
0x38: {  	s10 =	sld [smem:$0x3FB5]  }
0x39: {  	_ = 	snop;
	(pc) =	sbr.ind lr, $3  }
0x3a: {  	_ = 	snop  }
0x3b: {  	_ = 	snop  }
0x3c: {  	p2 =	seq.s32 s10, $0x1;
	s10 =	sld [smem:$0x3FB4]  }
0x3d: {  	_ =	shalt  }
0x3e: {  	_ =	shalt  }
0x3f: {  	_ =	shalt  }
0x40: {  	_ =	shalt  }
0x41: {  	_ =	shalt  }
0x42: {  	_ =	shalt  }
0x43: {  	_ =	shalt  }
0x44: {  	_ =	shalt  }
0x45: {  	_ =	shalt  }
0x46: {  	_ =	shalt  }
0x47: {  	_ =	shalt  }
0x48: {  	_ =	shalt  }
0x49: {  	_ =	shalt  }
0x4a: {  	_ =	shalt  }
0x4b: {  	_ =	shalt  }
0x4c: {  	_ =	shalt  }
0x4d: {  	_ =	shalt  }
0x4e: {  	_ =	shalt  }
0x4f: {  	_ =	shalt  }
0x50: {  	_ =	shalt  }
0x51: {  	_ =	shalt  }
0x52: {  	_ =	shalt  }
0x53: {  	_ =	shalt  }
0x54: {  	_ =	shalt  }
0x55: {  	_ =	shalt  }
0x56: {  	_ =	shalt  }
0x57: {  	_ =	shalt  }
0x58: {  	_ =	shalt  }
0x59: {  	_ =	shalt  }
0x5a: {  	_ =	shalt  }
0x5b: {  	_ =	shalt  }
0x5c: {  	_ =	shalt  }
0x5d: {  	_ =	shalt  }
0x5e: {  	_ =	shalt  }
0x5f: {  	_ =	shalt  }
0x60: {  	_ =	shalt  }
0x61: {  	_ =	shalt  }
0x62: {  	_ =	shalt  }
0x63: {  	_ =	shalt  }
0x64: {  	_ =	shalt  }
0x65: {  	_ =	shalt  }
0x66: {  	_ =	shalt  }
0x67: {  	_ =	shalt  }
0x68: {  	_ =	shalt  }
0x69: {  	_ =	shalt  }
0x6a: {  	_ =	shalt  }
0x6b: {  	_ =	shalt  }
0x6c: {  	_ =	shalt  }
0x6d: {  	_ =	shalt  }
0x6e: {  	_ =	shalt  }
0x6f: {  	_ =	shalt  }
0x70: {  	_ =	shalt  }
0x71: {  	_ =	shalt  }
0x72: {  	_ =	shalt  }
0x73: {  	_ =	shalt  }
0x74: {  	_ =	shalt  }
0x75: {  	_ =	shalt  }
0x76: {  	_ =	shalt  }
0x77: {  	_ =	shalt  }
0x78: {  	_ =	shalt  }
0x79: {  	_ =	shalt  }
0x7a: {  	_ =	shalt  }
0x7b: {  	_ =	shalt  }
0x7c: {  	_ =	shalt  }
0x7d: {  	_ =	shalt  }
0x7e: {  	_ =	shalt  }
0x7f: {  	_ =	shalt  }
0x80: {  	_ =	shalt  }
0x81: {  	_ =	shalt  }
0x82: {  	_ =	shalt  }
0x83: {  	_ =	shalt  }
0x84: {  	_ =	shalt  }
0x85: {  	_ =	shalt  }
0x86: {  	_ =	shalt  }
0x87: {  	_ =	shalt  }
.Lfunc_end0:
.L_simem_size_0:
called_computation.1_lowered:
.L_overlay_start_0:
0x88: {  	s2 =	sld [smem:$0x3FD9]  }
0x89: {  	s3 =	sld [smem:$0x3FFE];
	_ =	sdelay $0x1  }
0x8a: {  	s1 =	srdreg.scid  }
0x8b: {  	s0 =	sand.u32 $0x1, s1  }
0x8c: {  	s17 =	sshll.u32 s0, $0xA;
	s2 =	sadd.s32 s3, s2  }
0x8d: {  	s2 =	sadd.s32 s2, s17  }
0x8e: {  	[smem:$0x3FC0] =	sst s2  }
0x8f: {  	_ = 	snop  }
0x90: {  	s2 =	sld [smem:$0x3FD0];
	(tm) =	ssettm $0x1  }
0x91: {  	s18 =	sld [smem:$0x3FFB];
	_ =	sdelay $0x3  }
0x92: {  	_ =	strace s18  }
0x93: {  	s3 =	sld [smem:$0x3FFC];
	_ =	sdelay $0x3  }
0x94: {  	_ =	strace s3  }
0x95: {  	s3 =	sld [smem:$0x3FFD];
	_ =	sdelay $0x3  }
0x96: {  	_ =	strace s3  }
0x97: {  	_ =	strace $0x8FFFFFFF  }
0x98: {  	s19 =	sld [smem:$0x3FDB];
	_ =	sdelay $0x1  }
0x99: {  	s4 =	simm.s32 $_scs_section_size  }
0x9a: {  	s5 =	simm.s32 $_size__tile_overlayer_lowered;
	s6 =	simm.s32 $_tile_overlayer_lowered  }
0x9b: {  	s22 =	simm.s32 $0x1BFF;
	s21 =	sshll.u32 s6, $0x1;
	s3 =	sadd.s32 s4, s19  }
0x9c: {  	s7 =	simm.s32 $0x0;
	s20 =	sshll.u32 s5, $0x1;
	s5 =	sadd.s32 s21, s3  }
0x9d: {  	[timem:s7], [sflag:s22] =	dma.local [hbm:s5], s20  }
0x9e: {  	_ =	swait.ge [sflag:s22], s20  }
0x9f: {  	s4 =	ssub.s32 $0x0, s20;
	[sflag:s22] =	ssyncset.done $0x0  }
0xa0: {  	[sflag:s22] =	ssyncadd.s32 s4;
	_ =	sdelay $0x1  }
0xa1: {  	s23 =	simm.s32 $0x1B8B  }
0xa2: {  	_ =	swait.ge [sflag:s23], $0x1  }
0xa3: {  	[sflag:s23] =	ssyncset.done $0x0  }
0xa4: {  	s25 =	simm.s32 $0x1B8E;
	s24 =	sld [smem:$0x3FFE];
	[sflag:s23] =	ssyncadd.s32 $0xFFFFFFFF  }
0xa5: {  	s26 =	simm.s32 $execute0_lowered;
	[smem:$0x3FD2] =	sst s25  }
0xa6: {  	s5 =	sshll.u32 s26, $0x1;
	_ =	strace $0x80000049;
	[dreg:$0x1] =	wrdreg $0xFFFFFFFF  }
0xa7: {  	s28 =	simm.s32 $_size_execute0_lowered;
	s3 =	sadd.s32 s3, s5;
	[dreg:$0x0] =	wrdreg $0x0  }
0xa8: {  	s5 =	sshll.u32 s28, $0x1;
	[dreg:$0x2] =	wrdreg s3  }
0xa9: {  	[dreg:$0x3] =	wrdreg s5  }
0xaa: {  	[dreg:$0x4] =	wrdreg $0xC0  }
0xab: {  	_ =	task [dreg:s7], $0x5FFFF  }
0xac: {  	[dreg:$0x1] =	wrdreg $0xFFFFFFFF  }
0xad: {  	[dreg:$0x0] =	wrdreg $0x60  }
0xae: {  	[dreg:$0x2] =	wrdreg s24  }
0xaf: {  	[dreg:$0x3] =	wrdreg s2  }
0xb0: {  	[dreg:$0x4] =	wrdreg $0xC0000  }
0xb1: {  	[dreg:$0x5] =	wrdreg $0x9  }
0xb2: {  	_ =	task.clear_ibuf [dreg:s7], $0x6FFFF;
	_ =	strace $0x90000049  }
0xb3: {  	s29 =	simm.s32 $0x9;
	_ =	strace $0x8000004B  }
0xb4: {  	_ =	swait.ge [sflag:s29], $0x1  }
0xb5: {  	[sflag:s29] =	ssyncadd.s32 $0xFFFFFFFF  }
0xb6: {  	_ =	strace $0x9000004B  }
0xb7: {  	_ =	sfence  }
0xb8: {  	s30 =	sld [smem:$0x0];
	_ =	sdelay $0x2  }
0xb9: {  	s31 =	sshll.u32 s1, $0xD;
	s1 =	sshrl.u32 s1, $0x2  }
0xba: {  	s3 =	sand.u32 $0x4000, s31;
	s1 =	sadd.s32 s1, s30  }
0xbb: {  	s0 =	sor.u32 s3, s0;
	s1 =	sshll.u32 s1, $0x11  }
0xbc: {  	s0 =	sor.u32 s1, s0  }
0xbd: {  	s0 =	sadd.s32 $0x8F2B, s0  }
0xbe: {  	[sflag:s0] =	ssyncadd.remote.s32 $0x1  }
0xbf: {  	_ =	sfence.sel $0xFFFF  }
0xc0: {  	[dreg:$0x0] =	wrdreg $0xFFFFFFFF;
	(pc) =	sbr.abs _section_cstart, $3  }
0xc1: {  	[dreg:$0x1] =	wrdreg $0xFFFFFFFF  }
0xc2: {  	_ =	task.clear_ibuf [dreg:s7], $0x2FFFF;
	_ =	strace $0x9FFFFFFF  }
0xc3: {  	(tm) =	ssettm $0x7FFFFFFF  }
tec
execute0_lowered:
.L_overlay_start_1:
0x0: {  	(tag) =	ssettag $0x1  }
0x1: {  	s0 =	srdreg.scid;
	s8 =	stileid.u32  }
0x2: {  	s0 =	sand.u32 $0x1, s0;
	s4 =	smul.u32 $0x5000, s8  }
0x3: {  	s1 =	smul.u32 $0x50000, s0  }
0x4: {  	s2 =	rddreg [dreg:$0x0]  }
0x5: {  	s3 =	rddreg [dreg:$0x2];
	s1 =	sadd.s32 s4, s1;
	s4 =	simm.s32 $0x0  }
0x6: {  	s24 =	simm.s32 $0x80;
	[smem:$0x7FF] =	sst s4  }
0x7: {  	s25 =	simm.s32 $0x100;
	_ =	strace $0x8000004A;
	[dreg:$0x6] =	wrdreg s24  }
0x8: {  	s26 =	simm.s32 $0x180;
	[dreg:$0x7] =	wrdreg s25  }
0x9: {  	s6 =	simm.s32 $0x1100;
	[dreg:$0x8] =	wrdreg s26  }
0xa: {  	s7 =	simm.s32 $0x1180;
	[dreg:$0xa] =	wrdreg s6  }
0xb: {  	s9 =	simm.s32 $0x200;
	[dreg:$0xb] =	wrdreg s7  }
0xc: {  	s10 =	simm.s32 $0x280;
	[dreg:$0xc] =	wrdreg s9  }
0xd: {  	s11 =	simm.s32 $0x300;
	[dreg:$0xd] =	wrdreg s10  }
0xe: {  	s12 =	simm.s32 $0x380;
	[dreg:$0xe] =	wrdreg s11  }
0xf: {  	s13 =	simm.s32 $0x1200;
	[dreg:$0xf] =	wrdreg s12  }
0x10: {  	s14 =	simm.s32 $0x1280;
	s15 =	simm.s32 $0x1300;
	[dreg:$0x10] =	wrdreg s13  }
0x11: {  	s16 =	simm.s32 $0x1380;
	s17 =	simm.s32 $0x400;
	[dreg:$0x11] =	wrdreg s14  }
0x12: {  	s19 =	simm.s32 $0x480;
	s21 =	simm.s32 $0x500;
	[dreg:$0x12] =	wrdreg s15  }
0x13: {  	s22 =	simm.s32 $0x580;
	s28 =	simm.s32 $0xB80;
	[dreg:$0x13] =	wrdreg s16  }
0x14: {  	s29 =	simm.s32 $0x1A00;
	s20 =	smul.u32 $0x50000, s8;
	[dreg:$0x14] =	wrdreg s17  }
0x15: {  	s30 =	simm.s32 $0x1A80;
	s31 =	simm.s32 $0x1B00;
	[dreg:$0x15] =	wrdreg s19  }
0x16: {  	s23 =	sshrl.u32 s20, $0x2;
	s1 =	sshrl.u32 s1, $0x3;
	[dreg:$0x16] =	wrdreg s21  }
0x17: {  	s20 =	simm.s32 $0x900;
	s1 =	sadd.s32 s1, s2;
	[dreg:$0x17] =	wrdreg s22  }
0x18: {  	s6 =	smul.u32 $0x140000, s0;
	s24 =	simm.s32 $0x1400;
	[smem:$0x7F5] =	sst s20  }
0x19: {  	s7 =	smul.u32 $0x14000, s8;
	s25 =	simm.s32 $0x1480;
	[dreg:$0x18] =	wrdreg s24  }
0x1a: {  	s26 =	sshll.u32 s8, $0x6;
	s8 =	simm.s32 $0x1500;
	[dreg:$0x19] =	wrdreg s25  }
0x1b: {  	s0 =	ssub.s32 $0x2, s0;
	s9 =	simm.s32 $0x1580;
	[dreg:$0x1a] =	wrdreg s8  }
0x1c: {  	s10 =	simm.s32 $0x600;
	s11 =	simm.s32 $0x680;
	[dreg:$0x1b] =	wrdreg s9  }
0x1d: {  	s12 =	simm.s32 $0x700;
	s13 =	simm.s32 $0x780;
	[dreg:$0x1c] =	wrdreg s10  }
0x1e: {  	s14 =	simm.s32 $0x1600;
	s15 =	simm.s32 $0x1680;
	[dreg:$0x1d] =	wrdreg s11  }
0x1f: {  	s16 =	simm.s32 $0x1700;
	s17 =	simm.s32 $0x1780;
	[dreg:$0x1e] =	wrdreg s12  }
0x20: {  	s19 =	simm.s32 $0x880;
	s21 =	simm.s32 $0x980;
	[dreg:$0x1f] =	wrdreg s13  }
0x21: {  	s22 =	simm.s32 $0x1800;
	s20 =	simm.s32 $0x4;
	[smem:$0x7EF] =	sst s14  }
0x22: {  	s5 =	sadd.s32 $0x55800, s1;
	s1 =	sadd.s32 $0x69800, s1;
	[smem:$0x7F0] =	sst s15  }
0x23: {  	s18 =	sshrl.u32 s0, $0x1;
	s10 =	simm.s32 $0x9;
	[smem:$0x7F1] =	sst s16  }
0x24: {  	s11 =	simm.s32 $0x1000;
	s12 =	simm.s32 $0x50;
	[smem:$0x7F2] =	sst s17  }
0x25: {  	s13 =	simm.s32 $0x2000;
	s14 =	simm.s32 $0x4800;
	[smem:$0x7F4] =	sst s19  }
0x26: {  	s15 =	simm.s32 $0x7000;
	s16 =	simm.s32 $0x9800;
	[smem:$0x7F6] =	sst s21  }
0x27: {  	s17 =	simm.s32 $0x1;
	s19 =	simm.s32 $0x3;
	[smem:$0x7F7] =	sst s22  }
0x28: {  	s21 =	simm.s32 $0x5;
	s24 =	simm.s32 $0x1900;
	s22 =	simm.s32 $0x6  }
0x29: {  	s25 =	simm.s32 $0x1980;
	s9 =	simm.s32 $0x0;
	[dreg:$0x4] =	wrdreg s5  }
0x2a: {  	[dreg:$0x5] =	wrdreg s1;
	s5 =	simm.s32 $0x1080;
	s6 =	sadd.s32 s7, s6  }
0x2b: {  	s0 =	ssub.s32 s0, s18;
	s7 =	sor.u32 $0x1C09, s26;
	[smem:$0x7F9] =	sst s24  }
0x2c: {  	s18 =	simm.s32 $0x800;
	[smem:$0x7FA] =	sst s25;
	s26 =	simm.s32 $0xA00  }
0x2d: {  	s24 =	simm.s32 $0x8;
	s25 =	simm.s32 $0xA80;
	[dreg:$0x9] =	wrdreg s5  }
0x2e: {  	s1 =	simm.s32 $0x1B80;
	s5 =	sadd.s32 $0x7D800, s2;
	[smem:$0x7F3] =	sst s18  }
0x2f: {  	s6 =	sshrl.u32 s6, $0x3;
	s0 =	smax.u32 s0, $0x1;
	[smem:$0x7FB] =	sst s26  }
0x30: {  	s18 =	simm.s32 $0x2;
	[smem:$0x7FC] =	sst s7;
	s2 =	sadd.s32 s6, s2  }
0x31: {  	s6 =	sadd.s32 s23, s3;
	[smem:$0x7EE] =	sst s0;
	s23 =	simm.s32 $0x1880  }
0x32: {  	s26 =	simm.s32 $0xB00;
	s2 =	sadd.s32 $0xA4A00, s2;
	[smem:$0x7F8] =	sst s23  }
0x33: {  	s0 =	simm.s32 $0xC00;
	s8 =	sshrl.u32 s6, $0x3;
	[smem:$0x7ED] =	sst s2  }
0x34: {  	s23 =	simm.s32 $0x7;
	s2 =	simm.s32 $0x1C00;
	[smem:$0x7FD] =	sst s8  }
.LBB2_1:
0x35: {  	[smem:$0x7EC] =	sst s9  }
0x36: {  	s6 =	rddreg [dreg:$0x1]  }
0x37: {  	[spmem:s8], [sflag:s7] =	dma.local [hbm:s6], $0x2800  }
0x38: {  	_ =	swait.ge [sflag:s10], $0x2800  }
0x39: {  	[sflag:s10] =	ssyncset.done $0x0  }
0x3a: {  	[sflag:s10] =	ssyncadd.s32 $0xFFFFD800  }
0x3b: {  	[bflag:$0x0] =	sbarrier.arrive $0xFFFF  }
0x3c: {  	s7 =	rddreg [dreg:$0x5]  }
0x3d: {  	s6 =	sadd.s32 $0x0, s7  }
0x3e: {  	[tilespmem:s4], [sflag:$0x9] =	stream.linear.gather [hbm4b:s6+s4], $0xC80, $0x38;
	v63 =	vld [tilespmem:$0x0]  }
0x3f: {  	_ =	swait.ge [sflag:s10], $0xC80  }
0x40: {  	s8 =	rddreg [dreg:$0x4];
	[sflag:s10] =	ssyncset.done $0x0  }
0x41: {  	[sflag:s10] =	ssyncadd.s32 $0xFFFFF380;
	s6 =	sadd.s32 $0x0, s8  }
0x42: {  	[tilespmem:s11], [sflag:$0x9] =	stream.linear.gather [hbm4b:s6+s4], $0xC80, $0x38;
	v63 =	vld [tilespmem:$0x0]  }
0x43: {  	_ =	swait.ge [sflag:s10], $0xC80  }
0x44: {  	[sflag:s10] =	ssyncset.done $0x0  }
0x45: {  	[sflag:s10] =	ssyncadd.s32 $0xFFFFF380  }
0x46: {  	[tilespmem:s13], [sflag:$0x1] =	stream.indirect.gather [hbm4b:s5+s12], $0x80, s4, s12, $0xb8;
	v63 =	vld [tilespmem:$0x0]  }
0x47: {  	s9 =	rddreg [dreg:$0x6]  }
0x48: {  	[tilespmem:s14], [sflag:$0x2] =	stream.indirect.gather [hbm4b:s5+s12], $0x80, s9, s12, $0xb8;
	v63 =	vld [tilespmem:$0x0]  }
0x49: {  	s7 =	rddreg [dreg:$0x7]  }
0x4a: {  	[tilespmem:s15], [sflag:$0x3] =	stream.indirect.gather [hbm4b:s5+s12], $0x80, s7, s12, $0xb8;
	v63 =	vld [tilespmem:$0x0]  }
0x4b: {  	s9 =	rddreg [dreg:$0x8]  }
0x4c: {  	[tilespmem:s16], [sflag:$0x4] =	stream.indirect.gather [hbm4b:s5+s12], $0x80, s9, s12, $0xb8;
	v63 =	vld [tilespmem:$0x0]  }
0x4d: {  	_ =	swait.ge [sflag:s17], $0x2800  }
0x4e: {  	[sflag:s17] =	ssyncset.done $0x0  }
0x4f: {  	[sflag:s17] =	ssyncadd.s32 $0xFFFFD800  }
0x50: {  	[spmem:s3] =	stream.indirect.scatter.add.f32 [tilespmem:s13], [sflag:$0x5], $0x80, s11, s12, $0xb8;
	v63 =	vld [tilespmem:$0x0]  }
0x51: {  	_ =	swait.ge [sflag:s18], $0x2800  }
0x52: {  	[sflag:s18] =	ssyncset.done $0x0  }
0x53: {  	s7 =	rddreg [dreg:$0x9];
	[sflag:s18] =	ssyncadd.s32 $0xFFFFD800  }
0x54: {  	[spmem:s3] =	stream.indirect.scatter.add.f32 [tilespmem:s14], [sflag:$0x6], $0x80, s7, s12, $0xb8;
	v63 =	vld [tilespmem:$0x0]  }
0x55: {  	_ =	swait.ge [sflag:s19], $0x2800  }
0x56: {  	[sflag:s19] =	ssyncset.done $0x0  }
0x57: {  	s8 =	rddreg [dreg:$0xa];
	[sflag:s19] =	ssyncadd.s32 $0xFFFFD800  }
0x58: {  	[spmem:s3] =	stream.indirect.scatter.add.f32 [tilespmem:s15], [sflag:$0x7], $0x80, s8, s12, $0xb8;
	v63 =	vld [tilespmem:$0x0]  }
0x59: {  	_ =	swait.ge [sflag:s20], $0x2800  }
0x5a: {  	[sflag:s20] =	ssyncset.done $0x0  }
0x5b: {  	s9 =	rddreg [dreg:$0xb];
	[sflag:s20] =	ssyncadd.s32 $0xFFFFD800  }
0x5c: {  	[spmem:s3] =	stream.indirect.scatter.add.f32 [tilespmem:s16], [sflag:$0x8], $0x80, s9, s12, $0xb8;
	v63 =	vld [tilespmem:$0x0]  }
0x5d: {  	_ =	swait.ge [sflag:s21], $0x2800  }
0x5e: {  	[sflag:s21] =	ssyncset.done $0x0  }
0x5f: {  	s7 =	rddreg [dreg:$0xc];
	[sflag:s21] =	ssyncadd.s32 $0xFFFFD800  }
0x60: {  	[tilespmem:s13], [sflag:$0x1] =	stream.indirect.gather [hbm4b:s5+s12], $0x80, s7, s12, $0xb8;
	v63 =	vld [tilespmem:$0x0]  }
0x61: {  	_ =	swait.ge [sflag:s22], $0x2800  }
0x62: {  	[sflag:s22] =	ssyncset.done $0x0  }
0x63: {  	s8 =	rddreg [dreg:$0xd];
	[sflag:s22] =	ssyncadd.s32 $0xFFFFD800  }
0x64: {  	[tilespmem:s14], [sflag:$0x2] =	stream.indirect.gather [hbm4b:s5+s12], $0x80, s8, s12, $0xb8;
	v63 =	vld [tilespmem:$0x0]  }
0x65: {  	_ =	swait.ge [sflag:s23], $0x2800  }
0x66: {  	[sflag:s23] =	ssyncset.done $0x0  }
0x67: {  	s9 =	rddreg [dreg:$0xe];
	[sflag:s23] =	ssyncadd.s32 $0xFFFFD800  }
0x68: {  	[tilespmem:s15], [sflag:$0x3] =	stream.indirect.gather [hbm4b:s5+s12], $0x80, s9, s12, $0xb8;
	v63 =	vld [tilespmem:$0x0]  }
0x69: {  	_ =	swait.ge [sflag:s24], $0x2800  }
0x6a: {  	[sflag:s24] =	ssyncset.done $0x0  }
0x6b: {  	s7 =	rddreg [dreg:$0xf];
	[sflag:s24] =	ssyncadd.s32 $0xFFFFD800  }
0x6c: {  	[tilespmem:s16], [sflag:$0x4] =	stream.indirect.gather [hbm4b:s5+s12], $0x80, s7, s12, $0xb8;
	v63 =	vld [tilespmem:$0x0]  }
0x6d: {  	_ =	swait.ge [sflag:s17], $0x2800  }
0x6e: {  	[sflag:s17] =	ssyncset.done $0x0  }
0x6f: {  	s8 =	rddreg [dreg:$0x10];
	[sflag:s17] =	ssyncadd.s32 $0xFFFFD800  }
0x70: {  	[spmem:s3] =	stream.indirect.scatter.add.f32 [tilespmem:s13], [sflag:$0x5], $0x80, s8, s12, $0xb8;
	v63 =	vld [tilespmem:$0x0]  }
0x71: {  	_ =	swait.ge [sflag:s18], $0x2800  }
0x72: {  	[sflag:s18] =	ssyncset.done $0x0  }
0x73: {  	s9 =	rddreg [dreg:$0x11];
	[sflag:s18] =	ssyncadd.s32 $0xFFFFD800  }
0x74: {  	[spmem:s3] =	stream.indirect.scatter.add.f32 [tilespmem:s14], [sflag:$0x6], $0x80, s9, s12, $0xb8;
	v63 =	vld [tilespmem:$0x0]  }
0x75: {  	_ =	swait.ge [sflag:s19], $0x2800  }
0x76: {  	[sflag:s19] =	ssyncset.done $0x0  }
0x77: {  	s7 =	rddreg [dreg:$0x12];
	[sflag:s19] =	ssyncadd.s32 $0xFFFFD800  }
0x78: {  	[spmem:s3] =	stream.indirect.scatter.add.f32 [tilespmem:s15], [sflag:$0x7], $0x80, s7, s12, $0xb8;
	v63 =	vld [tilespmem:$0x0]  }
0x79: {  	_ =	swait.ge [sflag:s20], $0x2800  }
0x7a: {  	[sflag:s20] =	ssyncset.done $0x0  }
0x7b: {  	s8 =	rddreg [dreg:$0x13];
	[sflag:s20] =	ssyncadd.s32 $0xFFFFD800  }
0x7c: {  	[spmem:s3] =	stream.indirect.scatter.add.f32 [tilespmem:s16], [sflag:$0x8], $0x80, s8, s12, $0xb8;
	v63 =	vld [tilespmem:$0x0]  }
0x7d: {  	_ =	swait.ge [sflag:s21], $0x2800  }
0x7e: {  	[sflag:s21] =	ssyncset.done $0x0  }
0x7f: {  	s9 =	rddreg [dreg:$0x14];
	[sflag:s21] =	ssyncadd.s32 $0xFFFFD800  }
0x80: {  	[tilespmem:s13], [sflag:$0x1] =	stream.indirect.gather [hbm4b:s5+s12], $0x80, s9, s12, $0xb8;
	v63 =	vld [tilespmem:$0x0]  }
0x81: {  	_ =	swait.ge [sflag:s22], $0x2800  }
0x82: {  	[sflag:s22] =	ssyncset.done $0x0  }
0x83: {  	s7 =	rddreg [dreg:$0x15];
	[sflag:s22] =	ssyncadd.s32 $0xFFFFD800  }
0x84: {  	[tilespmem:s14], [sflag:$0x2] =	stream.indirect.gather [hbm4b:s5+s12], $0x80, s7, s12, $0xb8;
	v63 =	vld [tilespmem:$0x0]  }
0x85: {  	_ =	swait.ge [sflag:s23], $0x2800  }
0x86: {  	[sflag:s23] =	ssyncset.done $0x0  }
0x87: {  	s8 =	rddreg [dreg:$0x16];
	[sflag:s23] =	ssyncadd.s32 $0xFFFFD800  }
0x88: {  	[tilespmem:s15], [sflag:$0x3] =	stream.indirect.gather [hbm4b:s5+s12], $0x80, s8, s12, $0xb8;
	v63 =	vld [tilespmem:$0x0]  }
0x89: {  	_ =	swait.ge [sflag:s24], $0x2800  }
0x8a: {  	[sflag:s24] =	ssyncset.done $0x0  }
0x8b: {  	s9 =	rddreg [dreg:$0x17];
	[sflag:s24] =	ssyncadd.s32 $0xFFFFD800  }
0x8c: {  	[tilespmem:s16], [sflag:$0x4] =	stream.indirect.gather [hbm4b:s5+s12], $0x80, s9, s12, $0xb8;
	v63 =	vld [tilespmem:$0x0]  }
0x8d: {  	_ =	swait.ge [sflag:s17], $0x2800  }
0x8e: {  	[sflag:s17] =	ssyncset.done $0x0  }
0x8f: {  	s7 =	rddreg [dreg:$0x18];
	[sflag:s17] =	ssyncadd.s32 $0xFFFFD800  }
0x90: {  	[spmem:s3] =	stream.indirect.scatter.add.f32 [tilespmem:s13], [sflag:$0x5], $0x80, s7, s12, $0xb8;
	v63 =	vld [tilespmem:$0x0]  }
0x91: {  	_ =	swait.ge [sflag:s18], $0x2800  }
0x92: {  	[sflag:s18] =	ssyncset.done $0x0  }
0x93: {  	s8 =	rddreg [dreg:$0x19];
	[sflag:s18] =	ssyncadd.s32 $0xFFFFD800  }
0x94: {  	[spmem:s3] =	stream.indirect.scatter.add.f32 [tilespmem:s14], [sflag:$0x6], $0x80, s8, s12, $0xb8;
	v63 =	vld [tilespmem:$0x0]  }
0x95: {  	_ =	swait.ge [sflag:s19], $0x2800  }
0x96: {  	[sflag:s19] =	ssyncset.done $0x0  }
0x97: {  	s9 =	rddreg [dreg:$0x1a];
	[sflag:s19] =	ssyncadd.s32 $0xFFFFD800  }
0x98: {  	[spmem:s3] =	stream.indirect.scatter.add.f32 [tilespmem:s15], [sflag:$0x7], $0x80, s9, s12, $0xb8;
	v63 =	vld [tilespmem:$0x0]  }
0x99: {  	_ =	swait.ge [sflag:s20], $0x2800  }
0x9a: {  	[sflag:s20] =	ssyncset.done $0x0  }
0x9b: {  	s7 =	rddreg [dreg:$0x1b];
	[sflag:s20] =	ssyncadd.s32 $0xFFFFD800  }
0x9c: {  	[spmem:s3] =	stream.indirect.scatter.add.f32 [tilespmem:s16], [sflag:$0x8], $0x80, s7, s12, $0xb8;
	v63 =	vld [tilespmem:$0x0]  }
0x9d: {  	_ =	swait.ge [sflag:s21], $0x2800  }
0x9e: {  	[sflag:s21] =	ssyncset.done $0x0  }
0x9f: {  	s8 =	rddreg [dreg:$0x1c];
	[sflag:s21] =	ssyncadd.s32 $0xFFFFD800  }
0xa0: {  	[tilespmem:s13], [sflag:$0x1] =	stream.indirect.gather [hbm4b:s5+s12], $0x80, s8, s12, $0xb8;
	v63 =	vld [tilespmem:$0x0]  }
0xa1: {  	_ =	swait.ge [sflag:s22], $0x2800  }
0xa2: {  	[sflag:s22] =	ssyncset.done $0x0  }
0xa3: {  	s9 =	rddreg [dreg:$0x1d];
	[sflag:s22] =	ssyncadd.s32 $0xFFFFD800  }
0xa4: {  	[tilespmem:s14], [sflag:$0x2] =	stream.indirect.gather [hbm4b:s5+s12], $0x80, s9, s12, $0xb8;
	v63 =	vld [tilespmem:$0x0]  }
0xa5: {  	_ =	swait.ge [sflag:s23], $0x2800  }
0xa6: {  	[sflag:s23] =	ssyncset.done $0x0  }
0xa7: {  	s7 =	rddreg [dreg:$0x1e];
	[sflag:s23] =	ssyncadd.s32 $0xFFFFD800  }
0xa8: {  	[tilespmem:s15], [sflag:$0x3] =	stream.indirect.gather [hbm4b:s5+s12], $0x80, s7, s12, $0xb8;
	v63 =	vld [tilespmem:$0x0]  }
0xa9: {  	_ =	swait.ge [sflag:s24], $0x2800  }
0xaa: {  	[sflag:s24] =	ssyncset.done $0x0  }
0xab: {  	s8 =	rddreg [dreg:$0x1f];
	[sflag:s24] =	ssyncadd.s32 $0xFFFFD800  }
0xac: {  	[tilespmem:s16], [sflag:$0x4] =	stream.indirect.gather [hbm4b:s5+s12], $0x80, s8, s12, $0xb8;
	v63 =	vld [tilespmem:$0x0]  }
0xad: {  	_ =	swait.ge [sflag:s17], $0x2800  }
0xae: {  	s9 =	sld [smem:$0x7EF]  }
0xaf: {  	[sflag:s17] =	ssyncset.done $0x0  }
0xb0: {  	[sflag:s17] =	ssyncadd.s32 $0xFFFFD800  }
0xb1: {  	[spmem:s3] =	stream.indirect.scatter.add.f32 [tilespmem:s13], [sflag:$0x5], $0x80, s9, s12, $0xb8;
	v63 =	vld [tilespmem:$0x0]  }
0xb2: {  	_ =	swait.ge [sflag:s18], $0x2800  }
0xb3: {  	s7 =	sld [smem:$0x7F0]  }
0xb4: {  	[sflag:s18] =	ssyncset.done $0x0  }
0xb5: {  	[sflag:s18] =	ssyncadd.s32 $0xFFFFD800  }
0xb6: {  	[spmem:s3] =	stream.indirect.scatter.add.f32 [tilespmem:s14], [sflag:$0x6], $0x80, s7, s12, $0xb8;
	v63 =	vld [tilespmem:$0x0]  }
0xb7: {  	_ =	swait.ge [sflag:s19], $0x2800  }
0xb8: {  	s8 =	sld [smem:$0x7F1]  }
0xb9: {  	[sflag:s19] =	ssyncset.done $0x0  }
0xba: {  	[sflag:s19] =	ssyncadd.s32 $0xFFFFD800  }
0xbb: {  	[spmem:s3] =	stream.indirect.scatter.add.f32 [tilespmem:s15], [sflag:$0x7], $0x80, s8, s12, $0xb8;
	v63 =	vld [tilespmem:$0x0]  }
0xbc: {  	_ =	swait.ge [sflag:s20], $0x2800  }
0xbd: {  	s9 =	sld [smem:$0x7F2]  }
0xbe: {  	[sflag:s20] =	ssyncset.done $0x0  }
0xbf: {  	[sflag:s20] =	ssyncadd.s32 $0xFFFFD800  }
0xc0: {  	[spmem:s3] =	stream.indirect.scatter.add.f32 [tilespmem:s16], [sflag:$0x8], $0x80, s9, s12, $0xb8;
	v63 =	vld [tilespmem:$0x0]  }
0xc1: {  	_ =	swait.ge [sflag:s21], $0x2800  }
0xc2: {  	s7 =	sld [smem:$0x7F3]  }
0xc3: {  	[sflag:s21] =	ssyncset.done $0x0  }
0xc4: {  	[sflag:s21] =	ssyncadd.s32 $0xFFFFD800  }
0xc5: {  	[tilespmem:s13], [sflag:$0x1] =	stream.indirect.gather [hbm4b:s5+s12], $0x80, s7, s12, $0xb8;
	v63 =	vld [tilespmem:$0x0]  }
0xc6: {  	_ =	swait.ge [sflag:s22], $0x2800  }
0xc7: {  	s8 =	sld [smem:$0x7F4]  }
0xc8: {  	[sflag:s22] =	ssyncset.done $0x0  }
0xc9: {  	[sflag:s22] =	ssyncadd.s32 $0xFFFFD800  }
0xca: {  	[tilespmem:s14], [sflag:$0x2] =	stream.indirect.gather [hbm4b:s5+s12], $0x80, s8, s12, $0xb8;
	v63 =	vld [tilespmem:$0x0]  }
0xcb: {  	_ =	swait.ge [sflag:s23], $0x2800  }
0xcc: {  	s9 =	sld [smem:$0x7F5]  }
0xcd: {  	[sflag:s23] =	ssyncset.done $0x0  }
0xce: {  	[sflag:s23] =	ssyncadd.s32 $0xFFFFD800  }
0xcf: {  	[tilespmem:s15], [sflag:$0x3] =	stream.indirect.gather [hbm4b:s5+s12], $0x80, s9, s12, $0xb8;
	v63 =	vld [tilespmem:$0x0]  }
0xd0: {  	_ =	swait.ge [sflag:s24], $0x2800  }
0xd1: {  	s7 =	sld [smem:$0x7F6]  }
0xd2: {  	[sflag:s24] =	ssyncset.done $0x0  }
0xd3: {  	[sflag:s24] =	ssyncadd.s32 $0xFFFFD800  }
0xd4: {  	[tilespmem:s16], [sflag:$0x4] =	stream.indirect.gather [hbm4b:s5+s12], $0x80, s7, s12, $0xb8;
	v63 =	vld [tilespmem:$0x0]  }
0xd5: {  	_ =	swait.ge [sflag:s17], $0x2800  }
0xd6: {  	s8 =	sld [smem:$0x7F7]  }
0xd7: {  	[sflag:s17] =	ssyncset.done $0x0  }
0xd8: {  	[sflag:s17] =	ssyncadd.s32 $0xFFFFD800  }
0xd9: {  	[spmem:s3] =	stream.indirect.scatter.add.f32 [tilespmem:s13], [sflag:$0x5], $0x80, s8, s12, $0xb8;
	v63 =	vld [tilespmem:$0x0]  }
0xda: {  	_ =	swait.ge [sflag:s18], $0x2800  }
0xdb: {  	s9 =	sld [smem:$0x7F8]  }
0xdc: {  	[sflag:s18] =	ssyncset.done $0x0  }
0xdd: {  	[sflag:s18] =	ssyncadd.s32 $0xFFFFD800  }
0xde: {  	[spmem:s3] =	stream.indirect.scatter.add.f32 [tilespmem:s14], [sflag:$0x6], $0x80, s9, s12, $0xb8;
	v63 =	vld [tilespmem:$0x0]  }
0xdf: {  	_ =	swait.ge [sflag:s19], $0x2800  }
0xe0: {  	s7 =	sld [smem:$0x7F9]  }
0xe1: {  	[sflag:s19] =	ssyncset.done $0x0  }
0xe2: {  	[sflag:s19] =	ssyncadd.s32 $0xFFFFD800  }
0xe3: {  	[spmem:s3] =	stream.indirect.scatter.add.f32 [tilespmem:s15], [sflag:$0x7], $0x80, s7, s12, $0xb8;
	v63 =	vld [tilespmem:$0x0]  }
0xe4: {  	_ =	swait.ge [sflag:s20], $0x2800  }
0xe5: {  	s8 =	sld [smem:$0x7FA]  }
0xe6: {  	[sflag:s20] =	ssyncset.done $0x0  }
0xe7: {  	[sflag:s20] =	ssyncadd.s32 $0xFFFFD800  }
0xe8: {  	[spmem:s3] =	stream.indirect.scatter.add.f32 [tilespmem:s16], [sflag:$0x8], $0x80, s8, s12, $0xb8;
	v63 =	vld [tilespmem:$0x0]  }
0xe9: {  	_ =	swait.ge [sflag:s21], $0x2800  }
0xea: {  	s9 =	sld [smem:$0x7FB]  }
0xeb: {  	[sflag:s21] =	ssyncset.done $0x0  }
0xec: {  	[sflag:s21] =	ssyncadd.s32 $0xFFFFD800  }
0xed: {  	[tilespmem:s13], [sflag:$0x1] =	stream.indirect.gather [hbm4b:s5+s12], $0x80, s9, s12, $0xb8;
	v63 =	vld [tilespmem:$0x0]  }
0xee: {  	_ =	swait.ge [sflag:s22], $0x2800  }
0xef: {  	[sflag:s22] =	ssyncset.done $0x0  }
0xf0: {  	[sflag:s22] =	ssyncadd.s32 $0xFFFFD800  }
0xf1: {  	[tilespmem:s14], [sflag:$0x2] =	stream.indirect.gather [hbm4b:s5+s12], $0x80, s25, s12, $0xb8;
	v63 =	vld [tilespmem:$0x0]  }
0xf2: {  	_ =	swait.ge [sflag:s23], $0x2800  }
0xf3: {  	[sflag:s23] =	ssyncset.done $0x0  }
0xf4: {  	[sflag:s23] =	ssyncadd.s32 $0xFFFFD800  }
0xf5: {  	[tilespmem:s15], [sflag:$0x3] =	stream.indirect.gather [hbm4b:s5+s12], $0x80, s26, s12, $0xb8;
	v63 =	vld [tilespmem:$0x0]  }
0xf6: {  	_ =	swait.ge [sflag:s24], $0x2800  }
0xf7: {  	[sflag:s24] =	ssyncset.done $0x0  }
0xf8: {  	[sflag:s24] =	ssyncadd.s32 $0xFFFFD800  }
0xf9: {  	[tilespmem:s16], [sflag:$0x4] =	stream.indirect.gather [hbm4b:s5+s12], $0x80, s28, s12, $0xb8;
	v63 =	vld [tilespmem:$0x0]  }
0xfa: {  	_ =	swait.ge [sflag:s17], $0x2800  }
0xfb: {  	[sflag:s17] =	ssyncset.done $0x0  }
0xfc: {  	[sflag:s17] =	ssyncadd.s32 $0xFFFFD800  }
0xfd: {  	[spmem:s3] =	stream.indirect.scatter.add.f32 [tilespmem:s13], [sflag:$0x5], $0x80, s29, s12, $0xb8;
	v63 =	vld [tilespmem:$0x0]  }
0xfe: {  	_ =	swait.ge [sflag:s18], $0x2800  }
0xff: {  	[sflag:s18] =	ssyncset.done $0x0  }
0x100: {  	[sflag:s18] =	ssyncadd.s32 $0xFFFFD800  }
0x101: {  	[spmem:s3] =	stream.indirect.scatter.add.f32 [tilespmem:s14], [sflag:$0x6], $0x80, s30, s12, $0xb8;
	v63 =	vld [tilespmem:$0x0]  }
0x102: {  	_ =	swait.ge [sflag:s19], $0x2800  }
0x103: {  	[sflag:s19] =	ssyncset.done $0x0  }
0x104: {  	[sflag:s19] =	ssyncadd.s32 $0xFFFFD800  }
0x105: {  	[spmem:s3] =	stream.indirect.scatter.add.f32 [tilespmem:s15], [sflag:$0x7], $0x80, s31, s12, $0xb8;
	v63 =	vld [tilespmem:$0x0]  }
0x106: {  	_ =	swait.ge [sflag:s20], $0x2800  }
0x107: {  	[sflag:s20] =	ssyncset.done $0x0  }
0x108: {  	[sflag:s20] =	ssyncadd.s32 $0xFFFFD800  }
0x109: {  	[spmem:s3] =	stream.indirect.scatter.add.f32 [tilespmem:s16], [sflag:$0x8], $0x80, s1, s12, $0xb8;
	v63 =	vld [tilespmem:$0x0]  }
0x10a: {  	_ =	swait.ge [sflag:s21], $0x2800  }
0x10b: {  	[sflag:s21] =	ssyncset.done $0x0  }
0x10c: {  	[sflag:s21] =	ssyncadd.s32 $0xFFFFD800  }
0x10d: {  	_ =	swait.ge [sflag:s22], $0x2800  }
0x10e: {  	[sflag:s22] =	ssyncset.done $0x0  }
0x10f: {  	[sflag:s22] =	ssyncadd.s32 $0xFFFFD800  }
0x110: {  	_ =	swait.ge [sflag:s23], $0x2800  }
0x111: {  	[sflag:s23] =	ssyncset.done $0x0  }
0x112: {  	[sflag:s23] =	ssyncadd.s32 $0xFFFFD800  }
0x113: {  	_ =	swait.ge [sflag:s24], $0x2800  }
0x114: {  	[sflag:s24] =	ssyncset.done $0x0  }
0x115: {  	[sflag:s24] =	ssyncadd.s32 $0xFFFFD800  }
0x116: {  	[tilespmem:s13], [sflag:$0x1] =	stream.indirect.gather [hbm4b:s5+s12], $0x80, s0, s12, $0xb8;
	v63 =	vld [tilespmem:$0x0]  }
0x117: {  	_ =	swait.ge [sflag:s17], $0x2800  }
0x118: {  	[sflag:s17] =	ssyncset.done $0x0  }
0x119: {  	[sflag:s17] =	ssyncadd.s32 $0xFFFFD800  }
0x11a: {  	[spmem:s3] =	stream.indirect.scatter.add.f32 [tilespmem:s13], [sflag:$0x9], $0x80, s2, s12, $0xb8;
	v63 =	vld [tilespmem:$0x0]  }
0x11b: {  	s6 =	simm.s32 $0x400;
	_ =	swait.ge [sflag:s10], $0x2800  }
0x11c: {  	s8 =	simm.s32 $0x200;
	s9 =	rddreg [dreg:$0x5];
	[sflag:s10] =	ssyncset.done $0x0  }
.LBB2_2:
0x11d: {  	[sflag:s10] =	ssyncadd.s32 $0xFFFFD800;
	s9 =	sadd.s32 s8, s9  }
0x11e: {  	[tilespmem:s4], [sflag:$0x9] =	stream.linear.gather [hbm4b:s9+s4], $0xC80, $0x38;
	v63 =	vld [tilespmem:$0x0]  }
0x11f: {  	_ =	swait.ge [sflag:s10], $0xC80  }
0x120: {  	s9 =	rddreg [dreg:$0x4];
	[sflag:s10] =	ssyncset.done $0x0  }
0x121: {  	[sflag:s10] =	ssyncadd.s32 $0xFFFFF380;
	s9 =	sadd.s32 s8, s9  }
0x122: {  	[tilespmem:s11], [sflag:$0x9] =	stream.linear.gather [hbm4b:s9+s4], $0xC80, $0x38;
	v63 =	vld [tilespmem:$0x0]  }
0x123: {  	_ =	swait.ge [sflag:s10], $0xC80  }
0x124: {  	[sflag:s10] =	ssyncset.done $0x0  }
0x125: {  	s7 =	smov.u32 s6;
	[sflag:s10] =	ssyncadd.s32 $0xFFFFF380  }
0x126: {  	[tilespmem:s13], [sflag:$0x1] =	stream.indirect.gather [hbm4b:s5+s12], $0x80, s4, s12, $0xb8;
	v63 =	vld [tilespmem:$0x0]  }
0x127: {  	s8 =	smov.u32 s7;
	s7 =	rddreg [dreg:$0x6]  }
0x128: {  	[tilespmem:s14], [sflag:$0x2] =	stream.indirect.gather [hbm4b:s5+s12], $0x80, s7, s12, $0xb8;
	v63 =	vld [tilespmem:$0x0]  }
0x129: {  	s9 =	rddreg [dreg:$0x7]  }
0x12a: {  	[tilespmem:s15], [sflag:$0x3] =	stream.indirect.gather [hbm4b:s5+s12], $0x80, s9, s12, $0xb8;
	v63 =	vld [tilespmem:$0x0]  }
0x12b: {  	s7 =	rddreg [dreg:$0x8]  }
0x12c: {  	[tilespmem:s16], [sflag:$0x4] =	stream.indirect.gather [hbm4b:s5+s12], $0x80, s7, s12, $0xb8;
	v63 =	vld [tilespmem:$0x0]  }
0x12d: {  	_ =	swait.ge [sflag:s17], $0x2800  }
0x12e: {  	[sflag:s17] =	ssyncset.done $0x0  }
0x12f: {  	[sflag:s17] =	ssyncadd.s32 $0xFFFFD800  }
0x130: {  	[spmem:s3] =	stream.indirect.scatter.add.f32 [tilespmem:s13], [sflag:$0x5], $0x80, s11, s12, $0xb8;
	v63 =	vld [tilespmem:$0x0]  }
0x131: {  	_ =	swait.ge [sflag:s18], $0x2800  }
0x132: {  	[sflag:s18] =	ssyncset.done $0x0  }
0x133: {  	s9 =	rddreg [dreg:$0x9];
	[sflag:s18] =	ssyncadd.s32 $0xFFFFD800  }
0x134: {  	[spmem:s3] =	stream.indirect.scatter.add.f32 [tilespmem:s14], [sflag:$0x6], $0x80, s9, s12, $0xb8;
	v63 =	vld [tilespmem:$0x0]  }
0x135: {  	_ =	swait.ge [sflag:s19], $0x2800  }
0x136: {  	[sflag:s19] =	ssyncset.done $0x0  }
0x137: {  	s9 =	rddreg [dreg:$0xa];
	[sflag:s19] =	ssyncadd.s32 $0xFFFFD800  }
0x138: {  	[spmem:s3] =	stream.indirect.scatter.add.f32 [tilespmem:s15], [sflag:$0x7], $0x80, s9, s12, $0xb8;
	v63 =	vld [tilespmem:$0x0]  }
0x139: {  	_ =	swait.ge [sflag:s20], $0x2800  }
0x13a: {  	[sflag:s20] =	ssyncset.done $0x0  }
0x13b: {  	s9 =	rddreg [dreg:$0xb];
	[sflag:s20] =	ssyncadd.s32 $0xFFFFD800  }
0x13c: {  	[spmem:s3] =	stream.indirect.scatter.add.f32 [tilespmem:s16], [sflag:$0x8], $0x80, s9, s12, $0xb8;
	v63 =	vld [tilespmem:$0x0]  }
0x13d: {  	_ =	swait.ge [sflag:s21], $0x2800  }
0x13e: {  	[sflag:s21] =	ssyncset.done $0x0  }
0x13f: {  	s9 =	rddreg [dreg:$0xc];
	[sflag:s21] =	ssyncadd.s32 $0xFFFFD800  }
0x140: {  	[tilespmem:s13], [sflag:$0x1] =	stream.indirect.gather [hbm4b:s5+s12], $0x80, s9, s12, $0xb8;
	v63 =	vld [tilespmem:$0x0]  }
0x141: {  	_ =	swait.ge [sflag:s22], $0x2800  }
0x142: {  	[sflag:s22] =	ssyncset.done $0x0  }
0x143: {  	s9 =	rddreg [dreg:$0xd];
	[sflag:s22] =	ssyncadd.s32 $0xFFFFD800  }
0x144: {  	[tilespmem:s14], [sflag:$0x2] =	stream.indirect.gather [hbm4b:s5+s12], $0x80, s9, s12, $0xb8;
	v63 =	vld [tilespmem:$0x0]  }
0x145: {  	_ =	swait.ge [sflag:s23], $0x2800  }
0x146: {  	[sflag:s23] =	ssyncset.done $0x0  }
0x147: {  	s9 =	rddreg [dreg:$0xe];
	[sflag:s23] =	ssyncadd.s32 $0xFFFFD800  }
0x148: {  	[tilespmem:s15], [sflag:$0x3] =	stream.indirect.gather [hbm4b:s5+s12], $0x80, s9, s12, $0xb8;
	v63 =	vld [tilespmem:$0x0]  }
0x149: {  	_ =	swait.ge [sflag:s24], $0x2800  }
0x14a: {  	[sflag:s24] =	ssyncset.done $0x0  }
0x14b: {  	s9 =	rddreg [dreg:$0xf];
	[sflag:s24] =	ssyncadd.s32 $0xFFFFD800  }
0x14c: {  	[tilespmem:s16], [sflag:$0x4] =	stream.indirect.gather [hbm4b:s5+s12], $0x80, s9, s12, $0xb8;
	v63 =	vld [tilespmem:$0x0]  }
0x14d: {  	_ =	swait.ge [sflag:s17], $0x2800  }
0x14e: {  	[sflag:s17] =	ssyncset.done $0x0  }
0x14f: {  	s9 =	rddreg [dreg:$0x10];
	[sflag:s17] =	ssyncadd.s32 $0xFFFFD800  }
0x150: {  	[spmem:s3] =	stream.indirect.scatter.add.f32 [tilespmem:s13], [sflag:$0x5], $0x80, s9, s12, $0xb8;
	v63 =	vld [tilespmem:$0x0]  }
0x151: {  	_ =	swait.ge [sflag:s18], $0x2800  }
0x152: {  	[sflag:s18] =	ssyncset.done $0x0  }
0x153: {  	s9 =	rddreg [dreg:$0x11];
	[sflag:s18] =	ssyncadd.s32 $0xFFFFD800  }
0x154: {  	[spmem:s3] =	stream.indirect.scatter.add.f32 [tilespmem:s14], [sflag:$0x6], $0x80, s9, s12, $0xb8;
	v63 =	vld [tilespmem:$0x0]  }
0x155: {  	_ =	swait.ge [sflag:s19], $0x2800  }
0x156: {  	[sflag:s19] =	ssyncset.done $0x0  }
0x157: {  	s9 =	rddreg [dreg:$0x12];
	[sflag:s19] =	ssyncadd.s32 $0xFFFFD800  }
0x158: {  	[spmem:s3] =	stream.indirect.scatter.add.f32 [tilespmem:s15], [sflag:$0x7], $0x80, s9, s12, $0xb8;
	v63 =	vld [tilespmem:$0x0]  }
0x159: {  	_ =	swait.ge [sflag:s20], $0x2800  }
0x15a: {  	[sflag:s20] =	ssyncset.done $0x0  }
0x15b: {  	s9 =	rddreg [dreg:$0x13];
	[sflag:s20] =	ssyncadd.s32 $0xFFFFD800  }
0x15c: {  	[spmem:s3] =	stream.indirect.scatter.add.f32 [tilespmem:s16], [sflag:$0x8], $0x80, s9, s12, $0xb8;
	v63 =	vld [tilespmem:$0x0]  }
0x15d: {  	_ =	swait.ge [sflag:s21], $0x2800  }
0x15e: {  	[sflag:s21] =	ssyncset.done $0x0  }
0x15f: {  	s9 =	rddreg [dreg:$0x14];
	[sflag:s21] =	ssyncadd.s32 $0xFFFFD800  }
0x160: {  	[tilespmem:s13], [sflag:$0x1] =	stream.indirect.gather [hbm4b:s5+s12], $0x80, s9, s12, $0xb8;
	v63 =	vld [tilespmem:$0x0]  }
0x161: {  	_ =	swait.ge [sflag:s22], $0x2800  }
0x162: {  	[sflag:s22] =	ssyncset.done $0x0  }
0x163: {  	s9 =	rddreg [dreg:$0x15];
	[sflag:s22] =	ssyncadd.s32 $0xFFFFD800  }
0x164: {  	[tilespmem:s14], [sflag:$0x2] =	stream.indirect.gather [hbm4b:s5+s12], $0x80, s9, s12, $0xb8;
	v63 =	vld [tilespmem:$0x0]  }
0x165: {  	_ =	swait.ge [sflag:s23], $0x2800  }
0x166: {  	[sflag:s23] =	ssyncset.done $0x0  }
0x167: {  	s9 =	rddreg [dreg:$0x16];
	[sflag:s23] =	ssyncadd.s32 $0xFFFFD800  }
0x168: {  	[tilespmem:s15], [sflag:$0x3] =	stream.indirect.gather [hbm4b:s5+s12], $0x80, s9, s12, $0xb8;
	v63 =	vld [tilespmem:$0x0]  }
0x169: {  	_ =	swait.ge [sflag:s24], $0x2800  }
0x16a: {  	[sflag:s24] =	ssyncset.done $0x0  }
0x16b: {  	s9 =	rddreg [dreg:$0x17];
	[sflag:s24] =	ssyncadd.s32 $0xFFFFD800  }
0x16c: {  	[tilespmem:s16], [sflag:$0x4] =	stream.indirect.gather [hbm4b:s5+s12], $0x80, s9, s12, $0xb8;
	v63 =	vld [tilespmem:$0x0]  }
0x16d: {  	_ =	swait.ge [sflag:s17], $0x2800  }
0x16e: {  	[sflag:s17] =	ssyncset.done $0x0  }
0x16f: {  	s9 =	rddreg [dreg:$0x18];
	[sflag:s17] =	ssyncadd.s32 $0xFFFFD800  }
0x170: {  	[spmem:s3] =	stream.indirect.scatter.add.f32 [tilespmem:s13], [sflag:$0x5], $0x80, s9, s12, $0xb8;
	v63 =	vld [tilespmem:$0x0]  }
0x171: {  	_ =	swait.ge [sflag:s18], $0x2800  }
0x172: {  	[sflag:s18] =	ssyncset.done $0x0  }
0x173: {  	s9 =	rddreg [dreg:$0x19];
	[sflag:s18] =	ssyncadd.s32 $0xFFFFD800  }
0x174: {  	[spmem:s3] =	stream.indirect.scatter.add.f32 [tilespmem:s14], [sflag:$0x6], $0x80, s9, s12, $0xb8;
	v63 =	vld [tilespmem:$0x0]  }
0x175: {  	_ =	swait.ge [sflag:s19], $0x2800  }
0x176: {  	[sflag:s19] =	ssyncset.done $0x0  }
0x177: {  	s9 =	rddreg [dreg:$0x1a];
	[sflag:s19] =	ssyncadd.s32 $0xFFFFD800  }
0x178: {  	[spmem:s3] =	stream.indirect.scatter.add.f32 [tilespmem:s15], [sflag:$0x7], $0x80, s9, s12, $0xb8;
	v63 =	vld [tilespmem:$0x0]  }
0x179: {  	_ =	swait.ge [sflag:s20], $0x2800  }
0x17a: {  	[sflag:s20] =	ssyncset.done $0x0  }
0x17b: {  	s9 =	rddreg [dreg:$0x1b];
	[sflag:s20] =	ssyncadd.s32 $0xFFFFD800  }
0x17c: {  	[spmem:s3] =	stream.indirect.scatter.add.f32 [tilespmem:s16], [sflag:$0x8], $0x80, s9, s12, $0xb8;
	v63 =	vld [tilespmem:$0x0]  }
0x17d: {  	_ =	swait.ge [sflag:s21], $0x2800  }
0x17e: {  	[sflag:s21] =	ssyncset.done $0x0  }
0x17f: {  	s9 =	rddreg [dreg:$0x1c];
	[sflag:s21] =	ssyncadd.s32 $0xFFFFD800  }
0x180: {  	[tilespmem:s13], [sflag:$0x1] =	stream.indirect.gather [hbm4b:s5+s12], $0x80, s9, s12, $0xb8;
	v63 =	vld [tilespmem:$0x0]  }
0x181: {  	_ =	swait.ge [sflag:s22], $0x2800  }
0x182: {  	[sflag:s22] =	ssyncset.done $0x0  }
0x183: {  	s9 =	rddreg [dreg:$0x1d];
	[sflag:s22] =	ssyncadd.s32 $0xFFFFD800  }
0x184: {  	[tilespmem:s14], [sflag:$0x2] =	stream.indirect.gather [hbm4b:s5+s12], $0x80, s9, s12, $0xb8;
	v63 =	vld [tilespmem:$0x0]  }
0x185: {  	_ =	swait.ge [sflag:s23], $0x2800  }
0x186: {  	[sflag:s23] =	ssyncset.done $0x0  }
0x187: {  	s9 =	rddreg [dreg:$0x1e];
	[sflag:s23] =	ssyncadd.s32 $0xFFFFD800  }
0x188: {  	[tilespmem:s15], [sflag:$0x3] =	stream.indirect.gather [hbm4b:s5+s12], $0x80, s9, s12, $0xb8;
	v63 =	vld [tilespmem:$0x0]  }
0x189: {  	_ =	swait.ge [sflag:s24], $0x2800  }
0x18a: {  	[sflag:s24] =	ssyncset.done $0x0  }
0x18b: {  	s9 =	rddreg [dreg:$0x1f];
	[sflag:s24] =	ssyncadd.s32 $0xFFFFD800  }
0x18c: {  	[tilespmem:s16], [sflag:$0x4] =	stream.indirect.gather [hbm4b:s5+s12], $0x80, s9, s12, $0xb8;
	v63 =	vld [tilespmem:$0x0]  }
0x18d: {  	_ =	swait.ge [sflag:s17], $0x2800  }
0x18e: {  	s9 =	sld [smem:$0x7EF]  }
0x18f: {  	[sflag:s17] =	ssyncset.done $0x0  }
0x190: {  	[sflag:s17] =	ssyncadd.s32 $0xFFFFD800  }
0x191: {  	[spmem:s3] =	stream.indirect.scatter.add.f32 [tilespmem:s13], [sflag:$0x5], $0x80, s9, s12, $0xb8;
	v63 =	vld [tilespmem:$0x0]  }
0x192: {  	_ =	swait.ge [sflag:s18], $0x2800  }
0x193: {  	s9 =	sld [smem:$0x7F0]  }
0x194: {  	[sflag:s18] =	ssyncset.done $0x0  }
0x195: {  	[sflag:s18] =	ssyncadd.s32 $0xFFFFD800  }
0x196: {  	[spmem:s3] =	stream.indirect.scatter.add.f32 [tilespmem:s14], [sflag:$0x6], $0x80, s9, s12, $0xb8;
	v63 =	vld [tilespmem:$0x0]  }
0x197: {  	_ =	swait.ge [sflag:s19], $0x2800  }
0x198: {  	s9 =	sld [smem:$0x7F1]  }
0x199: {  	[sflag:s19] =	ssyncset.done $0x0  }
0x19a: {  	[sflag:s19] =	ssyncadd.s32 $0xFFFFD800  }
0x19b: {  	[spmem:s3] =	stream.indirect.scatter.add.f32 [tilespmem:s15], [sflag:$0x7], $0x80, s9, s12, $0xb8;
	v63 =	vld [tilespmem:$0x0]  }
0x19c: {  	_ =	swait.ge [sflag:s20], $0x2800  }
0x19d: {  	s9 =	sld [smem:$0x7F2]  }
0x19e: {  	[sflag:s20] =	ssyncset.done $0x0  }
0x19f: {  	[sflag:s20] =	ssyncadd.s32 $0xFFFFD800  }
0x1a0: {  	[spmem:s3] =	stream.indirect.scatter.add.f32 [tilespmem:s16], [sflag:$0x8], $0x80, s9, s12, $0xb8;
	v63 =	vld [tilespmem:$0x0]  }
0x1a1: {  	_ =	swait.ge [sflag:s21], $0x2800  }
0x1a2: {  	s9 =	sld [smem:$0x7F3]  }
0x1a3: {  	[sflag:s21] =	ssyncset.done $0x0  }
0x1a4: {  	[sflag:s21] =	ssyncadd.s32 $0xFFFFD800  }
0x1a5: {  	[tilespmem:s13], [sflag:$0x1] =	stream.indirect.gather [hbm4b:s5+s12], $0x80, s9, s12, $0xb8;
	v63 =	vld [tilespmem:$0x0]  }
0x1a6: {  	_ =	swait.ge [sflag:s22], $0x2800  }
0x1a7: {  	s9 =	sld [smem:$0x7F4]  }
0x1a8: {  	[sflag:s22] =	ssyncset.done $0x0  }
0x1a9: {  	[sflag:s22] =	ssyncadd.s32 $0xFFFFD800  }
0x1aa: {  	[tilespmem:s14], [sflag:$0x2] =	stream.indirect.gather [hbm4b:s5+s12], $0x80, s9, s12, $0xb8;
	v63 =	vld [tilespmem:$0x0]  }
0x1ab: {  	_ =	swait.ge [sflag:s23], $0x2800  }
0x1ac: {  	s9 =	sld [smem:$0x7F5]  }
0x1ad: {  	[sflag:s23] =	ssyncset.done $0x0  }
0x1ae: {  	[sflag:s23] =	ssyncadd.s32 $0xFFFFD800  }
0x1af: {  	[tilespmem:s15], [sflag:$0x3] =	stream.indirect.gather [hbm4b:s5+s12], $0x80, s9, s12, $0xb8;
	v63 =	vld [tilespmem:$0x0]  }
0x1b0: {  	_ =	swait.ge [sflag:s24], $0x2800  }
0x1b1: {  	s9 =	sld [smem:$0x7F6]  }
0x1b2: {  	[sflag:s24] =	ssyncset.done $0x0  }
0x1b3: {  	[sflag:s24] =	ssyncadd.s32 $0xFFFFD800  }
0x1b4: {  	[tilespmem:s16], [sflag:$0x4] =	stream.indirect.gather [hbm4b:s5+s12], $0x80, s9, s12, $0xb8;
	v63 =	vld [tilespmem:$0x0]  }
0x1b5: {  	_ =	swait.ge [sflag:s17], $0x2800  }
0x1b6: {  	s9 =	sld [smem:$0x7F7]  }
0x1b7: {  	[sflag:s17] =	ssyncset.done $0x0  }
0x1b8: {  	[sflag:s17] =	ssyncadd.s32 $0xFFFFD800  }
0x1b9: {  	[spmem:s3] =	stream.indirect.scatter.add.f32 [tilespmem:s13], [sflag:$0x5], $0x80, s9, s12, $0xb8;
	v63 =	vld [tilespmem:$0x0]  }
0x1ba: {  	_ =	swait.ge [sflag:s18], $0x2800  }
0x1bb: {  	s9 =	sld [smem:$0x7F8]  }
0x1bc: {  	[sflag:s18] =	ssyncset.done $0x0  }
0x1bd: {  	[sflag:s18] =	ssyncadd.s32 $0xFFFFD800  }
0x1be: {  	[spmem:s3] =	stream.indirect.scatter.add.f32 [tilespmem:s14], [sflag:$0x6], $0x80, s9, s12, $0xb8;
	v63 =	vld [tilespmem:$0x0]  }
0x1bf: {  	_ =	swait.ge [sflag:s19], $0x2800  }
0x1c0: {  	s9 =	sld [smem:$0x7F9]  }
0x1c1: {  	[sflag:s19] =	ssyncset.done $0x0  }
0x1c2: {  	[sflag:s19] =	ssyncadd.s32 $0xFFFFD800  }
0x1c3: {  	[spmem:s3] =	stream.indirect.scatter.add.f32 [tilespmem:s15], [sflag:$0x7], $0x80, s9, s12, $0xb8;
	v63 =	vld [tilespmem:$0x0]  }
0x1c4: {  	_ =	swait.ge [sflag:s20], $0x2800  }
0x1c5: {  	s9 =	sld [smem:$0x7FA]  }
0x1c6: {  	[sflag:s20] =	ssyncset.done $0x0  }
0x1c7: {  	[sflag:s20] =	ssyncadd.s32 $0xFFFFD800  }
0x1c8: {  	[spmem:s3] =	stream.indirect.scatter.add.f32 [tilespmem:s16], [sflag:$0x8], $0x80, s9, s12, $0xb8;
	v63 =	vld [tilespmem:$0x0]  }
0x1c9: {  	_ =	swait.ge [sflag:s21], $0x2800  }
0x1ca: {  	s9 =	sld [smem:$0x7FB]  }
0x1cb: {  	[sflag:s21] =	ssyncset.done $0x0  }
0x1cc: {  	[sflag:s21] =	ssyncadd.s32 $0xFFFFD800  }
0x1cd: {  	[tilespmem:s13], [sflag:$0x1] =	stream.indirect.gather [hbm4b:s5+s12], $0x80, s9, s12, $0xb8;
	v63 =	vld [tilespmem:$0x0]  }
0x1ce: {  	_ =	swait.ge [sflag:s22], $0x2800  }
0x1cf: {  	[sflag:s22] =	ssyncset.done $0x0  }
0x1d0: {  	[sflag:s22] =	ssyncadd.s32 $0xFFFFD800  }
0x1d1: {  	[tilespmem:s14], [sflag:$0x2] =	stream.indirect.gather [hbm4b:s5+s12], $0x80, s25, s12, $0xb8;
	v63 =	vld [tilespmem:$0x0]  }
0x1d2: {  	_ =	swait.ge [sflag:s23], $0x2800  }
0x1d3: {  	[sflag:s23] =	ssyncset.done $0x0  }
0x1d4: {  	[sflag:s23] =	ssyncadd.s32 $0xFFFFD800  }
0x1d5: {  	[tilespmem:s15], [sflag:$0x3] =	stream.indirect.gather [hbm4b:s5+s12], $0x80, s26, s12, $0xb8;
	v63 =	vld [tilespmem:$0x0]  }
0x1d6: {  	_ =	swait.ge [sflag:s24], $0x2800  }
0x1d7: {  	[sflag:s24] =	ssyncset.done $0x0  }
0x1d8: {  	[sflag:s24] =	ssyncadd.s32 $0xFFFFD800  }
0x1d9: {  	[tilespmem:s16], [sflag:$0x4] =	stream.indirect.gather [hbm4b:s5+s12], $0x80, s28, s12, $0xb8;
	v63 =	vld [tilespmem:$0x0]  }
0x1da: {  	_ =	swait.ge [sflag:s17], $0x2800  }
0x1db: {  	[sflag:s17] =	ssyncset.done $0x0  }
0x1dc: {  	[sflag:s17] =	ssyncadd.s32 $0xFFFFD800  }
0x1dd: {  	[spmem:s3] =	stream.indirect.scatter.add.f32 [tilespmem:s13], [sflag:$0x5], $0x80, s29, s12, $0xb8;
	v63 =	vld [tilespmem:$0x0]  }
0x1de: {  	_ =	swait.ge [sflag:s18], $0x2800  }
0x1df: {  	[sflag:s18] =	ssyncset.done $0x0  }
0x1e0: {  	[sflag:s18] =	ssyncadd.s32 $0xFFFFD800  }
0x1e1: {  	[spmem:s3] =	stream.indirect.scatter.add.f32 [tilespmem:s14], [sflag:$0x6], $0x80, s30, s12, $0xb8;
	v63 =	vld [tilespmem:$0x0]  }
0x1e2: {  	_ =	swait.ge [sflag:s19], $0x2800  }
0x1e3: {  	[sflag:s19] =	ssyncset.done $0x0  }
0x1e4: {  	[sflag:s19] =	ssyncadd.s32 $0xFFFFD800  }
0x1e5: {  	[spmem:s3] =	stream.indirect.scatter.add.f32 [tilespmem:s15], [sflag:$0x7], $0x80, s31, s12, $0xb8;
	v63 =	vld [tilespmem:$0x0]  }
0x1e6: {  	_ =	swait.ge [sflag:s20], $0x2800  }
0x1e7: {  	[sflag:s20] =	ssyncset.done $0x0  }
0x1e8: {  	[sflag:s20] =	ssyncadd.s32 $0xFFFFD800  }
0x1e9: {  	[spmem:s3] =	stream.indirect.scatter.add.f32 [tilespmem:s16], [sflag:$0x8], $0x80, s1, s12, $0xb8;
	v63 =	vld [tilespmem:$0x0]  }
0x1ea: {  	_ =	swait.ge [sflag:s21], $0x2800  }
0x1eb: {  	[sflag:s21] =	ssyncset.done $0x0  }
0x1ec: {  	[sflag:s21] =	ssyncadd.s32 $0xFFFFD800  }
0x1ed: {  	_ =	swait.ge [sflag:s22], $0x2800  }
0x1ee: {  	[sflag:s22] =	ssyncset.done $0x0  }
0x1ef: {  	[sflag:s22] =	ssyncadd.s32 $0xFFFFD800  }
0x1f0: {  	_ =	swait.ge [sflag:s23], $0x2800  }
0x1f1: {  	[sflag:s23] =	ssyncset.done $0x0  }
0x1f2: {  	[sflag:s23] =	ssyncadd.s32 $0xFFFFD800  }
0x1f3: {  	_ =	swait.ge [sflag:s24], $0x2800  }
0x1f4: {  	[sflag:s24] =	ssyncset.done $0x0  }
0x1f5: {  	[sflag:s24] =	ssyncadd.s32 $0xFFFFD800  }
0x1f6: {  	[tilespmem:s13], [sflag:$0x1] =	stream.indirect.gather [hbm4b:s5+s12], $0x80, s0, s12, $0xb8;
	v63 =	vld [tilespmem:$0x0]  }
0x1f7: {  	p0 =	sne.s32 s6, $0x800;
	_ =	swait.ge [sflag:s17], $0x2800  }
.Ltmp0:
0x1f8: {  	[sflag:s17] =	ssyncset.done $0x0;
	(pc) =	sbr.rel @p0 .LBB2_2-.Ltmp0, $4  }
0x1f9: {  	[sflag:s17] =	ssyncadd.s32 $0xFFFFD800  }
0x1fa: {  	[spmem:s3] =	stream.indirect.scatter.add.f32 [tilespmem:s13], [sflag:$0x9], $0x80, s2, s12, $0xb8;
	v63 =	vld [tilespmem:$0x0]  }
0x1fb: {  	_ =	swait.ge [sflag:s10], $0x2800  }
0x1fc: {  	s6 =	sadd.s32 $0x200, s6;
	s9 =	rddreg [dreg:$0x5];
	[sflag:s10] =	ssyncset.done $0x0  }
0x1fd: {  	[sflag:s10] =	ssyncadd.s32 $0xFFFFD800;
	s6 =	sadd.s32 s8, s9  }
0x1fe: {  	[tilespmem:s4], [sflag:$0x9] =	stream.linear.gather [hbm4b:s6+s4], $0xC80, $0x38;
	v63 =	vld [tilespmem:$0x0]  }
0x1ff: {  	_ =	swait.ge [sflag:s10], $0xC80  }
0x200: {  	s7 =	rddreg [dreg:$0x4];
	[sflag:s10] =	ssyncset.done $0x0  }
0x201: {  	[sflag:s10] =	ssyncadd.s32 $0xFFFFF380;
	s6 =	sadd.s32 s8, s7  }
0x202: {  	[tilespmem:s11], [sflag:$0x9] =	stream.linear.gather [hbm4b:s6+s4], $0xC80, $0x38;
	v63 =	vld [tilespmem:$0x0]  }
0x203: {  	_ =	swait.ge [sflag:s10], $0xC80  }
0x204: {  	[sflag:s10] =	ssyncset.done $0x0  }
0x205: {  	[sflag:s10] =	ssyncadd.s32 $0xFFFFF380  }
0x206: {  	[tilespmem:s13], [sflag:$0x1] =	stream.indirect.gather [hbm4b:s5+s12], $0x80, s4, s12, $0xb8;
	v63 =	vld [tilespmem:$0x0]  }
0x207: {  	s9 =	rddreg [dreg:$0x6]  }
0x208: {  	[tilespmem:s14], [sflag:$0x2] =	stream.indirect.gather [hbm4b:s5+s12], $0x80, s9, s12, $0xb8;
	v63 =	vld [tilespmem:$0x0]  }
0x209: {  	s7 =	rddreg [dreg:$0x7]  }
0x20a: {  	[tilespmem:s15], [sflag:$0x3] =	stream.indirect.gather [hbm4b:s5+s12], $0x80, s7, s12, $0xb8;
	v63 =	vld [tilespmem:$0x0]  }
0x20b: {  	s8 =	rddreg [dreg:$0x8]  }
0x20c: {  	[tilespmem:s16], [sflag:$0x4] =	stream.indirect.gather [hbm4b:s5+s12], $0x80, s8, s12, $0xb8;
	v63 =	vld [tilespmem:$0x0]  }
0x20d: {  	_ =	swait.ge [sflag:s17], $0x2800  }
0x20e: {  	[sflag:s17] =	ssyncset.done $0x0  }
0x20f: {  	[sflag:s17] =	ssyncadd.s32 $0xFFFFD800  }
0x210: {  	[spmem:s3] =	stream.indirect.scatter.add.f32 [tilespmem:s13], [sflag:$0x5], $0x80, s11, s12, $0xb8;
	v63 =	vld [tilespmem:$0x0]  }
0x211: {  	_ =	swait.ge [sflag:s18], $0x2800  }
0x212: {  	[sflag:s18] =	ssyncset.done $0x0  }
0x213: {  	s9 =	rddreg [dreg:$0x9];
	[sflag:s18] =	ssyncadd.s32 $0xFFFFD800  }
0x214: {  	[spmem:s3] =	stream.indirect.scatter.add.f32 [tilespmem:s14], [sflag:$0x6], $0x80, s9, s12, $0xb8;
	v63 =	vld [tilespmem:$0x0]  }
0x215: {  	_ =	swait.ge [sflag:s19], $0x2800  }
0x216: {  	[sflag:s19] =	ssyncset.done $0x0  }
0x217: {  	s7 =	rddreg [dreg:$0xa];
	[sflag:s19] =	ssyncadd.s32 $0xFFFFD800  }
0x218: {  	[spmem:s3] =	stream.indirect.scatter.add.f32 [tilespmem:s15], [sflag:$0x7], $0x80, s7, s12, $0xb8;
	v63 =	vld [tilespmem:$0x0]  }
0x219: {  	_ =	swait.ge [sflag:s20], $0x2800  }
0x21a: {  	[sflag:s20] =	ssyncset.done $0x0  }
0x21b: {  	s8 =	rddreg [dreg:$0xb];
	[sflag:s20] =	ssyncadd.s32 $0xFFFFD800  }
0x21c: {  	[spmem:s3] =	stream.indirect.scatter.add.f32 [tilespmem:s16], [sflag:$0x8], $0x80, s8, s12, $0xb8;
	v63 =	vld [tilespmem:$0x0]  }
0x21d: {  	_ =	swait.ge [sflag:s21], $0x2800  }
0x21e: {  	[sflag:s21] =	ssyncset.done $0x0  }
0x21f: {  	s9 =	rddreg [dreg:$0xc];
	[sflag:s21] =	ssyncadd.s32 $0xFFFFD800  }
0x220: {  	[tilespmem:s13], [sflag:$0x1] =	stream.indirect.gather [hbm4b:s5+s12], $0x80, s9, s12, $0xb8;
	v63 =	vld [tilespmem:$0x0]  }
0x221: {  	_ =	swait.ge [sflag:s22], $0x2800  }
0x222: {  	[sflag:s22] =	ssyncset.done $0x0  }
0x223: {  	s7 =	rddreg [dreg:$0xd];
	[sflag:s22] =	ssyncadd.s32 $0xFFFFD800  }
0x224: {  	[tilespmem:s14], [sflag:$0x2] =	stream.indirect.gather [hbm4b:s5+s12], $0x80, s7, s12, $0xb8;
	v63 =	vld [tilespmem:$0x0]  }
0x225: {  	_ =	swait.ge [sflag:s23], $0x2800  }
0x226: {  	[sflag:s23] =	ssyncset.done $0x0  }
0x227: {  	s8 =	rddreg [dreg:$0xe];
	[sflag:s23] =	ssyncadd.s32 $0xFFFFD800  }
0x228: {  	[tilespmem:s15], [sflag:$0x3] =	stream.indirect.gather [hbm4b:s5+s12], $0x80, s8, s12, $0xb8;
	v63 =	vld [tilespmem:$0x0]  }
0x229: {  	_ =	swait.ge [sflag:s24], $0x2800  }
0x22a: {  	[sflag:s24] =	ssyncset.done $0x0  }
0x22b: {  	s9 =	rddreg [dreg:$0xf];
	[sflag:s24] =	ssyncadd.s32 $0xFFFFD800  }
0x22c: {  	[tilespmem:s16], [sflag:$0x4] =	stream.indirect.gather [hbm4b:s5+s12], $0x80, s9, s12, $0xb8;
	v63 =	vld [tilespmem:$0x0]  }
0x22d: {  	_ =	swait.ge [sflag:s17], $0x2800  }
0x22e: {  	[sflag:s17] =	ssyncset.done $0x0  }
0x22f: {  	s7 =	rddreg [dreg:$0x10];
	[sflag:s17] =	ssyncadd.s32 $0xFFFFD800  }
0x230: {  	[spmem:s3] =	stream.indirect.scatter.add.f32 [tilespmem:s13], [sflag:$0x5], $0x80, s7, s12, $0xb8;
	v63 =	vld [tilespmem:$0x0]  }
0x231: {  	_ =	swait.ge [sflag:s18], $0x2800  }
0x232: {  	[sflag:s18] =	ssyncset.done $0x0  }
0x233: {  	s8 =	rddreg [dreg:$0x11];
	[sflag:s18] =	ssyncadd.s32 $0xFFFFD800  }
0x234: {  	[spmem:s3] =	stream.indirect.scatter.add.f32 [tilespmem:s14], [sflag:$0x6], $0x80, s8, s12, $0xb8;
	v63 =	vld [tilespmem:$0x0]  }
0x235: {  	_ =	swait.ge [sflag:s19], $0x2800  }
0x236: {  	[sflag:s19] =	ssyncset.done $0x0  }
0x237: {  	s9 =	rddreg [dreg:$0x12];
	[sflag:s19] =	ssyncadd.s32 $0xFFFFD800  }
0x238: {  	[spmem:s3] =	stream.indirect.scatter.add.f32 [tilespmem:s15], [sflag:$0x7], $0x80, s9, s12, $0xb8;
	v63 =	vld [tilespmem:$0x0]  }
0x239: {  	_ =	swait.ge [sflag:s20], $0x2800  }
0x23a: {  	[sflag:s20] =	ssyncset.done $0x0  }
0x23b: {  	s7 =	rddreg [dreg:$0x13];
	[sflag:s20] =	ssyncadd.s32 $0xFFFFD800  }
0x23c: {  	[spmem:s3] =	stream.indirect.scatter.add.f32 [tilespmem:s16], [sflag:$0x8], $0x80, s7, s12, $0xb8;
	v63 =	vld [tilespmem:$0x0]  }
0x23d: {  	_ =	swait.ge [sflag:s21], $0x2800  }
0x23e: {  	[sflag:s21] =	ssyncset.done $0x0  }
0x23f: {  	s8 =	rddreg [dreg:$0x14];
	[sflag:s21] =	ssyncadd.s32 $0xFFFFD800  }
0x240: {  	[tilespmem:s13], [sflag:$0x1] =	stream.indirect.gather [hbm4b:s5+s12], $0x80, s8, s12, $0xb8;
	v63 =	vld [tilespmem:$0x0]  }
0x241: {  	_ =	swait.ge [sflag:s22], $0x2800  }
0x242: {  	[sflag:s22] =	ssyncset.done $0x0  }
0x243: {  	s9 =	rddreg [dreg:$0x15];
	[sflag:s22] =	ssyncadd.s32 $0xFFFFD800  }
0x244: {  	[tilespmem:s14], [sflag:$0x2] =	stream.indirect.gather [hbm4b:s5+s12], $0x80, s9, s12, $0xb8;
	v63 =	vld [tilespmem:$0x0]  }
0x245: {  	_ =	swait.ge [sflag:s23], $0x2800  }
0x246: {  	[sflag:s23] =	ssyncset.done $0x0  }
0x247: {  	s7 =	rddreg [dreg:$0x16];
	[sflag:s23] =	ssyncadd.s32 $0xFFFFD800  }
0x248: {  	[tilespmem:s15], [sflag:$0x3] =	stream.indirect.gather [hbm4b:s5+s12], $0x80, s7, s12, $0xb8;
	v63 =	vld [tilespmem:$0x0]  }
0x249: {  	_ =	swait.ge [sflag:s24], $0x2800  }
0x24a: {  	[sflag:s24] =	ssyncset.done $0x0  }
0x24b: {  	s8 =	rddreg [dreg:$0x17];
	[sflag:s24] =	ssyncadd.s32 $0xFFFFD800  }
0x24c: {  	[tilespmem:s16], [sflag:$0x4] =	stream.indirect.gather [hbm4b:s5+s12], $0x80, s8, s12, $0xb8;
	v63 =	vld [tilespmem:$0x0]  }
0x24d: {  	_ =	swait.ge [sflag:s17], $0x2800  }
0x24e: {  	[sflag:s17] =	ssyncset.done $0x0  }
0x24f: {  	s9 =	rddreg [dreg:$0x18];
	[sflag:s17] =	ssyncadd.s32 $0xFFFFD800  }
0x250: {  	[spmem:s3] =	stream.indirect.scatter.add.f32 [tilespmem:s13], [sflag:$0x5], $0x80, s9, s12, $0xb8;
	v63 =	vld [tilespmem:$0x0]  }
0x251: {  	_ =	swait.ge [sflag:s18], $0x2800  }
0x252: {  	[sflag:s18] =	ssyncset.done $0x0  }
0x253: {  	s7 =	rddreg [dreg:$0x19];
	[sflag:s18] =	ssyncadd.s32 $0xFFFFD800  }
0x254: {  	[spmem:s3] =	stream.indirect.scatter.add.f32 [tilespmem:s14], [sflag:$0x6], $0x80, s7, s12, $0xb8;
	v63 =	vld [tilespmem:$0x0]  }
0x255: {  	_ =	swait.ge [sflag:s19], $0x2800  }
0x256: {  	[sflag:s19] =	ssyncset.done $0x0  }
0x257: {  	s8 =	rddreg [dreg:$0x1a];
	[sflag:s19] =	ssyncadd.s32 $0xFFFFD800  }
0x258: {  	[spmem:s3] =	stream.indirect.scatter.add.f32 [tilespmem:s15], [sflag:$0x7], $0x80, s8, s12, $0xb8;
	v63 =	vld [tilespmem:$0x0]  }
0x259: {  	_ =	swait.ge [sflag:s20], $0x2800  }
0x25a: {  	[sflag:s20] =	ssyncset.done $0x0  }
0x25b: {  	s9 =	rddreg [dreg:$0x1b];
	[sflag:s20] =	ssyncadd.s32 $0xFFFFD800  }
0x25c: {  	[spmem:s3] =	stream.indirect.scatter.add.f32 [tilespmem:s16], [sflag:$0x8], $0x80, s9, s12, $0xb8;
	v63 =	vld [tilespmem:$0x0]  }
0x25d: {  	_ =	swait.ge [sflag:s21], $0x2800  }
0x25e: {  	[sflag:s21] =	ssyncset.done $0x0  }
0x25f: {  	s7 =	rddreg [dreg:$0x1c];
	[sflag:s21] =	ssyncadd.s32 $0xFFFFD800  }
0x260: {  	[tilespmem:s13], [sflag:$0x1] =	stream.indirect.gather [hbm4b:s5+s12], $0x80, s7, s12, $0xb8;
	v63 =	vld [tilespmem:$0x0]  }
0x261: {  	_ =	swait.ge [sflag:s22], $0x2800  }
0x262: {  	[sflag:s22] =	ssyncset.done $0x0  }
0x263: {  	s8 =	rddreg [dreg:$0x1d];
	[sflag:s22] =	ssyncadd.s32 $0xFFFFD800  }
0x264: {  	[tilespmem:s14], [sflag:$0x2] =	stream.indirect.gather [hbm4b:s5+s12], $0x80, s8, s12, $0xb8;
	v63 =	vld [tilespmem:$0x0]  }
0x265: {  	_ =	swait.ge [sflag:s23], $0x2800  }
0x266: {  	[sflag:s23] =	ssyncset.done $0x0  }
0x267: {  	s9 =	rddreg [dreg:$0x1e];
	[sflag:s23] =	ssyncadd.s32 $0xFFFFD800  }
0x268: {  	[tilespmem:s15], [sflag:$0x3] =	stream.indirect.gather [hbm4b:s5+s12], $0x80, s9, s12, $0xb8;
	v63 =	vld [tilespmem:$0x0]  }
0x269: {  	_ =	swait.ge [sflag:s24], $0x2800  }
0x26a: {  	[sflag:s24] =	ssyncset.done $0x0  }
0x26b: {  	s7 =	rddreg [dreg:$0x1f];
	[sflag:s24] =	ssyncadd.s32 $0xFFFFD800  }
0x26c: {  	[tilespmem:s16], [sflag:$0x4] =	stream.indirect.gather [hbm4b:s5+s12], $0x80, s7, s12, $0xb8;
	v63 =	vld [tilespmem:$0x0]  }
0x26d: {  	_ =	swait.ge [sflag:s17], $0x2800  }
0x26e: {  	s8 =	sld [smem:$0x7EF]  }
0x26f: {  	[sflag:s17] =	ssyncset.done $0x0  }
0x270: {  	[sflag:s17] =	ssyncadd.s32 $0xFFFFD800  }
0x271: {  	[spmem:s3] =	stream.indirect.scatter.add.f32 [tilespmem:s13], [sflag:$0x5], $0x80, s8, s12, $0xb8;
	v63 =	vld [tilespmem:$0x0]  }
0x272: {  	_ =	swait.ge [sflag:s18], $0x2800  }
0x273: {  	s9 =	sld [smem:$0x7F0]  }
0x274: {  	[sflag:s18] =	ssyncset.done $0x0  }
0x275: {  	[sflag:s18] =	ssyncadd.s32 $0xFFFFD800  }
0x276: {  	[spmem:s3] =	stream.indirect.scatter.add.f32 [tilespmem:s14], [sflag:$0x6], $0x80, s9, s12, $0xb8;
	v63 =	vld [tilespmem:$0x0]  }
0x277: {  	_ =	swait.ge [sflag:s19], $0x2800  }
0x278: {  	s7 =	sld [smem:$0x7F1]  }
0x279: {  	[sflag:s19] =	ssyncset.done $0x0  }
0x27a: {  	[sflag:s19] =	ssyncadd.s32 $0xFFFFD800  }
0x27b: {  	[spmem:s3] =	stream.indirect.scatter.add.f32 [tilespmem:s15], [sflag:$0x7], $0x80, s7, s12, $0xb8;
	v63 =	vld [tilespmem:$0x0]  }
0x27c: {  	_ =	swait.ge [sflag:s20], $0x2800  }
0x27d: {  	s8 =	sld [smem:$0x7F2]  }
0x27e: {  	[sflag:s20] =	ssyncset.done $0x0  }
0x27f: {  	[sflag:s20] =	ssyncadd.s32 $0xFFFFD800  }
0x280: {  	[spmem:s3] =	stream.indirect.scatter.add.f32 [tilespmem:s16], [sflag:$0x8], $0x80, s8, s12, $0xb8;
	v63 =	vld [tilespmem:$0x0]  }
0x281: {  	_ =	swait.ge [sflag:s21], $0x2800  }
0x282: {  	s9 =	sld [smem:$0x7F3]  }
0x283: {  	[sflag:s21] =	ssyncset.done $0x0  }
0x284: {  	[sflag:s21] =	ssyncadd.s32 $0xFFFFD800  }
0x285: {  	[tilespmem:s13], [sflag:$0x1] =	stream.indirect.gather [hbm4b:s5+s12], $0x80, s9, s12, $0xb8;
	v63 =	vld [tilespmem:$0x0]  }
0x286: {  	_ =	swait.ge [sflag:s22], $0x2800  }
0x287: {  	s7 =	sld [smem:$0x7F4]  }
0x288: {  	[sflag:s22] =	ssyncset.done $0x0  }
0x289: {  	[sflag:s22] =	ssyncadd.s32 $0xFFFFD800  }
0x28a: {  	[tilespmem:s14], [sflag:$0x2] =	stream.indirect.gather [hbm4b:s5+s12], $0x80, s7, s12, $0xb8;
	v63 =	vld [tilespmem:$0x0]  }
0x28b: {  	_ =	swait.ge [sflag:s23], $0x2800  }
0x28c: {  	s8 =	sld [smem:$0x7F5]  }
0x28d: {  	[sflag:s23] =	ssyncset.done $0x0  }
0x28e: {  	[sflag:s23] =	ssyncadd.s32 $0xFFFFD800  }
0x28f: {  	[tilespmem:s15], [sflag:$0x3] =	stream.indirect.gather [hbm4b:s5+s12], $0x80, s8, s12, $0xb8;
	v63 =	vld [tilespmem:$0x0]  }
0x290: {  	_ =	swait.ge [sflag:s24], $0x2800  }
0x291: {  	s9 =	sld [smem:$0x7F6]  }
0x292: {  	[sflag:s24] =	ssyncset.done $0x0  }
0x293: {  	[sflag:s24] =	ssyncadd.s32 $0xFFFFD800  }
0x294: {  	[tilespmem:s16], [sflag:$0x4] =	stream.indirect.gather [hbm4b:s5+s12], $0x80, s9, s12, $0xb8;
	v63 =	vld [tilespmem:$0x0]  }
0x295: {  	_ =	swait.ge [sflag:s17], $0x2800  }
0x296: {  	s7 =	sld [smem:$0x7F7]  }
0x297: {  	[sflag:s17] =	ssyncset.done $0x0  }
0x298: {  	[sflag:s17] =	ssyncadd.s32 $0xFFFFD800  }
0x299: {  	[spmem:s3] =	stream.indirect.scatter.add.f32 [tilespmem:s13], [sflag:$0x5], $0x80, s7, s12, $0xb8;
	v63 =	vld [tilespmem:$0x0]  }
0x29a: {  	_ =	swait.ge [sflag:s18], $0x2800  }
0x29b: {  	s8 =	sld [smem:$0x7F8]  }
0x29c: {  	[sflag:s18] =	ssyncset.done $0x0  }
0x29d: {  	[sflag:s18] =	ssyncadd.s32 $0xFFFFD800  }
0x29e: {  	[spmem:s3] =	stream.indirect.scatter.add.f32 [tilespmem:s14], [sflag:$0x6], $0x80, s8, s12, $0xb8;
	v63 =	vld [tilespmem:$0x0]  }
0x29f: {  	_ =	swait.ge [sflag:s19], $0x2800  }
0x2a0: {  	s9 =	sld [smem:$0x7F9]  }
0x2a1: {  	[sflag:s19] =	ssyncset.done $0x0  }
0x2a2: {  	[sflag:s19] =	ssyncadd.s32 $0xFFFFD800  }
0x2a3: {  	[spmem:s3] =	stream.indirect.scatter.add.f32 [tilespmem:s15], [sflag:$0x7], $0x80, s9, s12, $0xb8;
	v63 =	vld [tilespmem:$0x0]  }
0x2a4: {  	_ =	swait.ge [sflag:s20], $0x2800  }
0x2a5: {  	s7 =	sld [smem:$0x7FA]  }
0x2a6: {  	[sflag:s20] =	ssyncset.done $0x0  }
0x2a7: {  	[sflag:s20] =	ssyncadd.s32 $0xFFFFD800  }
0x2a8: {  	[spmem:s3] =	stream.indirect.scatter.add.f32 [tilespmem:s16], [sflag:$0x8], $0x80, s7, s12, $0xb8;
	v63 =	vld [tilespmem:$0x0]  }
0x2a9: {  	_ =	swait.ge [sflag:s21], $0x2800  }
0x2aa: {  	s8 =	sld [smem:$0x7FB]  }
0x2ab: {  	[sflag:s21] =	ssyncset.done $0x0  }
0x2ac: {  	[sflag:s21] =	ssyncadd.s32 $0xFFFFD800  }
0x2ad: {  	[tilespmem:s13], [sflag:$0x1] =	stream.indirect.gather [hbm4b:s5+s12], $0x80, s8, s12, $0xb8;
	v63 =	vld [tilespmem:$0x0]  }
0x2ae: {  	_ =	swait.ge [sflag:s22], $0x2800  }
0x2af: {  	[sflag:s22] =	ssyncset.done $0x0  }
0x2b0: {  	[sflag:s22] =	ssyncadd.s32 $0xFFFFD800  }
0x2b1: {  	[tilespmem:s14], [sflag:$0x2] =	stream.indirect.gather [hbm4b:s5+s12], $0x80, s25, s12, $0xb8;
	v63 =	vld [tilespmem:$0x0]  }
0x2b2: {  	_ =	swait.ge [sflag:s23], $0x2800  }
0x2b3: {  	[sflag:s23] =	ssyncset.done $0x0  }
0x2b4: {  	[sflag:s23] =	ssyncadd.s32 $0xFFFFD800  }
0x2b5: {  	[tilespmem:s15], [sflag:$0x3] =	stream.indirect.gather [hbm4b:s5+s12], $0x80, s26, s12, $0xb8;
	v63 =	vld [tilespmem:$0x0]  }
0x2b6: {  	_ =	swait.ge [sflag:s24], $0x2800  }
0x2b7: {  	[sflag:s24] =	ssyncset.done $0x0  }
0x2b8: {  	[sflag:s24] =	ssyncadd.s32 $0xFFFFD800  }
0x2b9: {  	[tilespmem:s16], [sflag:$0x4] =	stream.indirect.gather [hbm4b:s5+s12], $0x80, s28, s12, $0xb8;
	v63 =	vld [tilespmem:$0x0]  }
0x2ba: {  	_ =	swait.ge [sflag:s17], $0x2800  }
0x2bb: {  	[sflag:s17] =	ssyncset.done $0x0  }
0x2bc: {  	[sflag:s17] =	ssyncadd.s32 $0xFFFFD800  }
0x2bd: {  	[spmem:s3] =	stream.indirect.scatter.add.f32 [tilespmem:s13], [sflag:$0x5], $0x80, s29, s12, $0xb8;
	v63 =	vld [tilespmem:$0x0]  }
0x2be: {  	_ =	swait.ge [sflag:s18], $0x2800  }
0x2bf: {  	[sflag:s18] =	ssyncset.done $0x0  }
0x2c0: {  	[sflag:s18] =	ssyncadd.s32 $0xFFFFD800  }
0x2c1: {  	[spmem:s3] =	stream.indirect.scatter.add.f32 [tilespmem:s14], [sflag:$0x6], $0x80, s30, s12, $0xb8;
	v63 =	vld [tilespmem:$0x0]  }
0x2c2: {  	_ =	swait.ge [sflag:s19], $0x2800  }
0x2c3: {  	[sflag:s19] =	ssyncset.done $0x0  }
0x2c4: {  	[sflag:s19] =	ssyncadd.s32 $0xFFFFD800  }
0x2c5: {  	[spmem:s3] =	stream.indirect.scatter.add.f32 [tilespmem:s15], [sflag:$0x7], $0x80, s31, s12, $0xb8;
	v63 =	vld [tilespmem:$0x0]  }
0x2c6: {  	_ =	swait.ge [sflag:s20], $0x2800  }
0x2c7: {  	[sflag:s20] =	ssyncset.done $0x0  }
0x2c8: {  	[sflag:s20] =	ssyncadd.s32 $0xFFFFD800  }
0x2c9: {  	[spmem:s3] =	stream.indirect.scatter.add.f32 [tilespmem:s16], [sflag:$0x8], $0x80, s1, s12, $0xb8;
	v63 =	vld [tilespmem:$0x0]  }
0x2ca: {  	_ =	swait.ge [sflag:s21], $0x2800  }
0x2cb: {  	[sflag:s21] =	ssyncset.done $0x0  }
0x2cc: {  	[sflag:s21] =	ssyncadd.s32 $0xFFFFD800  }
0x2cd: {  	_ =	swait.ge [sflag:s22], $0x2800  }
0x2ce: {  	[sflag:s22] =	ssyncset.done $0x0  }
0x2cf: {  	[sflag:s22] =	ssyncadd.s32 $0xFFFFD800  }
0x2d0: {  	_ =	swait.ge [sflag:s23], $0x2800  }
0x2d1: {  	[sflag:s23] =	ssyncset.done $0x0  }
0x2d2: {  	[sflag:s23] =	ssyncadd.s32 $0xFFFFD800  }
0x2d3: {  	_ =	swait.ge [sflag:s24], $0x2800  }
0x2d4: {  	[sflag:s24] =	ssyncset.done $0x0  }
0x2d5: {  	[sflag:s24] =	ssyncadd.s32 $0xFFFFD800  }
0x2d6: {  	[tilespmem:s13], [sflag:$0x1] =	stream.indirect.gather [hbm4b:s5+s12], $0x80, s0, s12, $0xb8;
	v63 =	vld [tilespmem:$0x0]  }
0x2d7: {  	_ =	swait.ge [sflag:s17], $0x2800  }
0x2d8: {  	[sflag:s17] =	ssyncset.done $0x0  }
0x2d9: {  	[sflag:s17] =	ssyncadd.s32 $0xFFFFD800  }
0x2da: {  	[spmem:s3] =	stream.indirect.scatter.add.f32 [tilespmem:s13], [sflag:$0x9], $0x80, s2, s12, $0xb8;
	v63 =	vld [tilespmem:$0x0]  }
0x2db: {  	_ =	swait.ge [sflag:s10], $0x2800  }
0x2dc: {  	[sflag:s10] =	ssyncset.done $0x0  }
0x2dd: {  	[sflag:s10] =	ssyncadd.s32 $0xFFFFD800  }
0x2de: {  	[bflag:$0x0] =	sbarrier.arrive $0xFFFF  }
0x2df: {  	s7 =	sld [smem:$0x7FC]  }
0x2e0: {  	s9 =	sld [smem:$0x7ED]  }
0x2e1: {  	s8 =	sld [smem:$0x7FD];
	_ =	sdelay $0x2  }
0x2e2: {  	[hbm:s9], [sflag:s7] =	dma.local [spmem:s8], $0x2800  }
0x2e3: {  	_ =	swait.ge [sflag:s10], $0x2800  }
0x2e4: {  	s6 =	sld [smem:$0x7EC];
	_ =	sdelay $0x2  }
0x2e5: {  	s9 =	sadd.s32 $0x1, s6;
	s6 =	sld [smem:$0x7EE];
	_ =	sdelay $0x2  }
0x2e6: {  	p0 =	sne.s32 s9, s6  }
.Ltmp1:
0x2e7: {  	_ = 	snop;
	(pc) =	sbr.rel @p0 .LBB2_1-.Ltmp1, $3  }
0x2e8: {  	_ =	sdelay $0x1  }
0x2e9: {  	[sflag:s10] =	ssyncset.done $0x0  }
0x2ea: {  	[sflag:s10] =	ssyncadd.s32 $0xFFFFD800  }
0x2eb: {  	_ =	sfence.sel $0x180000  }
0x2ec: {  	[bflag:$0x0] =	sbarrier.arrive $0xFFFF  }
0x2ed: {  	_ =	strace $0x9000004A  }
0x2ee: {  	s0 =	stileid.u32;
	[bflag:$0x2] =	sbarrier.arrive $0xFFFF  }
0x2ef: {  	p0 =	sne.s32 s0, $0x0;
	s0 =	rddreg [dreg:$0x3]  }
0x2f0: {  	s0 =	sadd.s32 @!p0 $0x100000, s0  }
0x2f1: {  	[sflag:s0] =	ssyncadd.tile.s32 @!p0 $0x1;
	_ =	shalt  }
.Lfunc_end2:
_tile_overlayer_lowered:
.L_overlay_start_2:
0x2f2: {  	(tag) =	ssettag $0x2  }
0x2f3: {  	s0 =	rddreg [dreg:$0x0];
	s2 =	stileid.u32  }
0x2f4: {  	s1 =	rddreg [dreg:$0x1];
	p0 =	sne.s32 s2, $0x0  }
0x2f5: {  	s3 =	rddreg [dreg:$0x2];
	[bflag:$0x3] =	sbarrier.arrive $0xFFFF;
	s2 =	simm.s32 @!p0 $0x1C09  }
0x2f6: {  	[timem:s3], [sflag:s2] =	dma.local @!p0 [hbm:s0], s1  }
0x2f7: {  	s0 =	simm.s32 @!p0 $0x9  }
0x2f8: {  	_ =	swait.ge @!p0 [sflag:s0], s1  }
0x2f9: {  	s1 =	ssub.s32 @!p0 $0x0, s1;
	[sflag:s0] =	ssyncset.done @!p0 $0x0  }
0x2fa: {  	[sflag:s0] =	ssyncadd.s32 @!p0 s1  }
0x2fb: {  	[bflag:$0x3] =	sbarrier.arrive $0xFFFF  }
0x2fc: {  	_ =	shalt  }

// kernel: kernel.16.cloned.1.call-start
scs
__scs_entry_jumppad:
0x0: {  	(pc) =	sbr.rel $0x88, $3  }
0x1: {  	(tag) =	ssettag $0x0;
	lr =	simm.s32 $0x1  }
0x2: {  	[smem:$0x3F99] =	sst lr;
	_ =	strace $0xD0000000  }
0x3: {  	_ = 	snop  }
0x4: {  	_ = 	snop  }
0x5: {  	_ = 	snop  }
0x6: {  	_ = 	snop  }
0x7: {  	_ = 	snop  }
__scs_overlays_trampoline_lowered:
0x8: {  	[smem:$0x3FA8] =	sst s0  }
0x9: {  	[smem:$0x3FA9] =	sst s1  }
0xa: {  	[smem:$0x3FAA] =	sst s2  }
0xb: {  	[smem:$0x3FAB] =	sst s3  }
0xc: {  	[smem:$0x3FAC] =	sst s4  }
0xd: {  	[smem:$0x3FAD] =	sst s5  }
0xe: {  	[smem:$0x3FAE] =	sst s6  }
0xf: {  	[smem:$0x3FAF] =	sst s7  }
0x10: {  	[smem:$0x3FB0] =	sst s8  }
0x11: {  	[smem:$0x3FB1] =	sst s9;
	s0 =	simm.s32 @!p0 $0x0  }
0x12: {  	s1 =	sld [smem:$0x3F97];
	s0 =	simm.s32 @p0 $0x1  }
0x13: {  	[smem:$0x3FB2] =	sst s0;
	s0 =	simm.s32 @!p1 $0x0  }
0x14: {  	s2 =	sld [smem:$0x3F96];
	s0 =	simm.s32 @p1 $0x1  }
0x15: {  	[smem:$0x3FB3] =	sst s0;
	s0 =	simm.s32 @!p2 $0x0  }
0x16: {  	s3 =	sld [smem:$0x3FDB];
	s0 =	simm.s32 @p2 $0x1  }
0x17: {  	s4 =	simm.s32 $0x1BF5;
	[smem:$0x3FB5] =	sst s0  }
0x18: {  	s0 =	sld [smem:$0x3F98];
	_ =	swait.ge [sflag:s4], $0x0  }
0x19: {  	s7 =	sld [smem:$0x3F99]  }
0x1a: {  	s8 =	sadd.s32 $0xFFFFE003, lr  }
0x1b: {  	s9 =	sadd.s32 $0xFFFFFEF7, lr;
	s5 =	simm.s32 $0xFFFFFFFF;
	p2 =	slt.u32 s8, $0xFFFFF086  }
0x1c: {  	p1 =	slt.u32 s9, $0xF7A;
	s5 =	simm.s32 @!p2 $0x0  }
0x1d: {  	s5 =	simm.s32 @p1 $0x1;
	p0 =	seq.s32 s7, s2  }
0x1e: {  	s7 =	smul.u32 @!p0 $0xF7A, s2;
	p2 =	seq.s32 @!p0 s5, $0x0  }
0x1f: {  	s9 =	smul.u32 $0xF7A, s1;
	s8 =	simm.s32 @!p0 $0x1BF5;
	p2 =	por !p2, p0  }
0x20: {  	[sflag:s8] =	ssyncset.s32 @!p0 $0xFFFFF086;
	s6 =	sadd.s32 @!p0 s3, s7;
	s7 =	simm.s32 @!p0 $0x108  }
0x21: {  	s3 =	sadd.s32 s3, s9;
	s6 =	sadd.s32 @!p0 $0x88, s6;
	s7 =	simm.s32 @p2 $0x1082  }
0x22: {  	[simem:s7], [sflag:s8] =	dma.local @!p0 [hbm:s6], $0xF7A  }
0x23: {  	s9 =	sor.u32 $0xD0000000, s2;
	s6 =	simm.s32 $0x108;
	_ =	swait.ge @!p0 [sflag:s8], $0x0  }
0x24: {  	s3 =	sadd.s32 $0x88, s3;
	s6 =	simm.s32 @!p1 $0x1082;
	[sflag:s4] =	ssyncset.s32 $0xFFFFF086  }
0x25: {  	[simem:s6], [sflag:s4] =	dma.local [hbm:s3], $0xF7A  }
0x26: {  	[smem:$0x3F99] =	sst s1;
	(tag) =	ssettag s2;
	_ =	strace s9  }
0x27: {  	s1 =	sld [smem:$0x3FA9]  }
0x28: {  	s2 =	sld [smem:$0x3FAA]  }
0x29: {  	s4 =	sld [smem:$0x3FAC]  }
0x2a: {  	p0 =	seq.s32 s5, $0x0;
	s5 =	sld [smem:$0x3FAD]  }
0x2b: {  	s6 =	sld [smem:$0x3FAE]  }
0x2c: {  	s7 =	sld [smem:$0x3FAF]  }
0x2d: {  	s3 =	simm.s32 $0x108;
	s8 =	sld [smem:$0x3FB0]  }
0x2e: {  	s3 =	simm.s32 @!p0 $0x1082;
	s9 =	sld [smem:$0x3FB1]  }
0x2f: {  	lr =	sadd.s32 s0, s3;
	s0 =	sld [smem:$0x3FA8]  }
0x30: {  	s3 =	sld [smem:$0x3FAB]  }
0x31: {  	[smem:$0x3FB4] =	sst s10  }
0x32: {  	s10 =	sld [smem:$0x3FB2];
	_ =	sdelay $0x3  }
0x33: {  	p0 =	seq.s32 s10, $0x1;
	s10 =	sld [smem:$0x3FB4];
	_ =	sdelay $0x3  }
0x34: {  	[smem:$0x3FB4] =	sst s10  }
0x35: {  	s10 =	sld [smem:$0x3FB3];
	_ =	sdelay $0x3  }
0x36: {  	p1 =	seq.s32 s10, $0x1;
	s10 =	sld [smem:$0x3FB4];
	_ =	sdelay $0x3  }
0x37: {  	[smem:$0x3FB4] =	sst s10  }
0x38: {  	s10 =	sld [smem:$0x3FB5]  }
0x39: {  	_ = 	snop;
	(pc) =	sbr.ind lr, $3  }
0x3a: {  	_ = 	snop  }
0x3b: {  	_ = 	snop  }
0x3c: {  	p2 =	seq.s32 s10, $0x1;
	s10 =	sld [smem:$0x3FB4]  }
0x3d: {  	_ =	shalt  }
0x3e: {  	_ =	shalt  }
0x3f: {  	_ =	shalt  }
0x40: {  	_ =	shalt  }
0x41: {  	_ =	shalt  }
0x42: {  	_ =	shalt  }
0x43: {  	_ =	shalt  }
0x44: {  	_ =	shalt  }
0x45: {  	_ =	shalt  }
0x46: {  	_ =	shalt  }
0x47: {  	_ =	shalt  }
0x48: {  	_ =	shalt  }
0x49: {  	_ =	shalt  }
0x4a: {  	_ =	shalt  }
0x4b: {  	_ =	shalt  }
0x4c: {  	_ =	shalt  }
0x4d: {  	_ =	shalt  }
0x4e: {  	_ =	shalt  }
0x4f: {  	_ =	shalt  }
0x50: {  	_ =	shalt  }
0x51: {  	_ =	shalt  }
0x52: {  	_ =	shalt  }
0x53: {  	_ =	shalt  }
0x54: {  	_ =	shalt  }
0x55: {  	_ =	shalt  }
0x56: {  	_ =	shalt  }
0x57: {  	_ =	shalt  }
0x58: {  	_ =	shalt  }
0x59: {  	_ =	shalt  }
0x5a: {  	_ =	shalt  }
0x5b: {  	_ =	shalt  }
0x5c: {  	_ =	shalt  }
0x5d: {  	_ =	shalt  }
0x5e: {  	_ =	shalt  }
0x5f: {  	_ =	shalt  }
0x60: {  	_ =	shalt  }
0x61: {  	_ =	shalt  }
0x62: {  	_ =	shalt  }
0x63: {  	_ =	shalt  }
0x64: {  	_ =	shalt  }
0x65: {  	_ =	shalt  }
0x66: {  	_ =	shalt  }
0x67: {  	_ =	shalt  }
0x68: {  	_ =	shalt  }
0x69: {  	_ =	shalt  }
0x6a: {  	_ =	shalt  }
0x6b: {  	_ =	shalt  }
0x6c: {  	_ =	shalt  }
0x6d: {  	_ =	shalt  }
0x6e: {  	_ =	shalt  }
0x6f: {  	_ =	shalt  }
0x70: {  	_ =	shalt  }
0x71: {  	_ =	shalt  }
0x72: {  	_ =	shalt  }
0x73: {  	_ =	shalt  }
0x74: {  	_ =	shalt  }
0x75: {  	_ =	shalt  }
0x76: {  	_ =	shalt  }
0x77: {  	_ =	shalt  }
0x78: {  	_ =	shalt  }
0x79: {  	_ =	shalt  }
0x7a: {  	_ =	shalt  }
0x7b: {  	_ =	shalt  }
0x7c: {  	_ =	shalt  }
0x7d: {  	_ =	shalt  }
0x7e: {  	_ =	shalt  }
0x7f: {  	_ =	shalt  }
0x80: {  	_ =	shalt  }
0x81: {  	_ =	shalt  }
0x82: {  	_ =	shalt  }
0x83: {  	_ =	shalt  }
0x84: {  	_ =	shalt  }
0x85: {  	_ =	shalt  }
0x86: {  	_ =	shalt  }
0x87: {  	_ =	shalt  }
.Lfunc_end0:
.L_simem_size_0:
called_computation.2_lowered:
.L_overlay_start_0:
0x88: {  	s2 =	sld [smem:$0x3FD9]  }
0x89: {  	s3 =	sld [smem:$0x3FFE];
	_ =	sdelay $0x1  }
0x8a: {  	s1 =	srdreg.scid  }
0x8b: {  	s0 =	sand.u32 $0x1, s1  }
0x8c: {  	s17 =	sshll.u32 s0, $0xA;
	s2 =	sadd.s32 s3, s2  }
0x8d: {  	s2 =	sadd.s32 s2, s17  }
0x8e: {  	[smem:$0x3FC0] =	sst s2  }
0x8f: {  	_ = 	snop  }
0x90: {  	s2 =	sld [smem:$0x3FD0];
	(tm) =	ssettm $0x1  }
0x91: {  	s18 =	sld [smem:$0x3FFB];
	_ =	sdelay $0x3  }
0x92: {  	_ =	strace s18  }
0x93: {  	s3 =	sld [smem:$0x3FFC];
	_ =	sdelay $0x3  }
0x94: {  	_ =	strace s3  }
0x95: {  	s3 =	sld [smem:$0x3FFD];
	_ =	sdelay $0x3  }
0x96: {  	_ =	strace s3  }
0x97: {  	_ =	strace $0x8FFFFFFF  }
0x98: {  	s19 =	sld [smem:$0x3FDB];
	_ =	sdelay $0x1  }
0x99: {  	s4 =	simm.s32 $_scs_section_size  }
0x9a: {  	s5 =	simm.s32 $_size__tile_overlayer_lowered;
	s6 =	simm.s32 $_tile_overlayer_lowered  }
0x9b: {  	s22 =	simm.s32 $0x1BFF;
	s21 =	sshll.u32 s6, $0x1;
	s3 =	sadd.s32 s4, s19  }
0x9c: {  	s7 =	simm.s32 $0x0;
	s20 =	sshll.u32 s5, $0x1;
	s5 =	sadd.s32 s21, s3  }
0x9d: {  	[timem:s7], [sflag:s22] =	dma.local [hbm:s5], s20  }
0x9e: {  	_ =	swait.ge [sflag:s22], s20  }
0x9f: {  	s4 =	ssub.s32 $0x0, s20;
	[sflag:s22] =	ssyncset.done $0x0  }
0xa0: {  	[sflag:s22] =	ssyncadd.s32 s4;
	_ =	sdelay $0x1  }
0xa1: {  	s23 =	simm.s32 $0x1B8B  }
0xa2: {  	_ =	swait.ge [sflag:s23], $0x1  }
0xa3: {  	[sflag:s23] =	ssyncset.done $0x0  }
0xa4: {  	s25 =	simm.s32 $0x1B8E;
	s24 =	sld [smem:$0x3FFE];
	[sflag:s23] =	ssyncadd.s32 $0xFFFFFFFF  }
0xa5: {  	s26 =	simm.s32 $execute0_lowered;
	[smem:$0x3FD2] =	sst s25  }
0xa6: {  	s5 =	sshll.u32 s26, $0x1;
	_ =	strace $0x8000004C;
	[dreg:$0x1] =	wrdreg $0xFFFFFFFF  }
0xa7: {  	s28 =	simm.s32 $_size_execute0_lowered;
	s3 =	sadd.s32 s3, s5;
	[dreg:$0x0] =	wrdreg $0x0  }
0xa8: {  	s5 =	sshll.u32 s28, $0x1;
	[dreg:$0x2] =	wrdreg s3  }
0xa9: {  	[dreg:$0x3] =	wrdreg s5  }
0xaa: {  	[dreg:$0x4] =	wrdreg $0xC0  }
0xab: {  	_ =	task [dreg:s7], $0x5FFFF  }
0xac: {  	[dreg:$0x1] =	wrdreg $0xFFFFFFFF  }
0xad: {  	[dreg:$0x0] =	wrdreg $0x60  }
0xae: {  	[dreg:$0x2] =	wrdreg s24  }
0xaf: {  	[dreg:$0x3] =	wrdreg s2  }
0xb0: {  	[dreg:$0x4] =	wrdreg $0xC0000  }
0xb1: {  	[dreg:$0x5] =	wrdreg $0x9  }
0xb2: {  	_ =	task.clear_ibuf [dreg:s7], $0x6FFFF;
	_ =	strace $0x9000004C  }
0xb3: {  	s29 =	simm.s32 $0x9;
	_ =	strace $0x8000004E  }
0xb4: {  	_ =	swait.ge [sflag:s29], $0x1  }
0xb5: {  	[sflag:s29] =	ssyncadd.s32 $0xFFFFFFFF  }
0xb6: {  	_ =	strace $0x9000004E  }
0xb7: {  	_ =	sfence  }
0xb8: {  	s30 =	sld [smem:$0x0];
	_ =	sdelay $0x2  }
0xb9: {  	s31 =	sshll.u32 s1, $0xD;
	s1 =	sshrl.u32 s1, $0x2  }
0xba: {  	s3 =	sand.u32 $0x4000, s31;
	s1 =	sadd.s32 s1, s30  }
0xbb: {  	s0 =	sor.u32 s3, s0;
	s1 =	sshll.u32 s1, $0x11  }
0xbc: {  	s0 =	sor.u32 s1, s0  }
0xbd: {  	s0 =	sadd.s32 $0x8F2B, s0  }
0xbe: {  	[sflag:s0] =	ssyncadd.remote.s32 $0x1  }
0xbf: {  	_ =	sfence.sel $0xFFFF  }
0xc0: {  	[dreg:$0x0] =	wrdreg $0xFFFFFFFF;
	(pc) =	sbr.abs _section_cstart, $3  }
0xc1: {  	[dreg:$0x1] =	wrdreg $0xFFFFFFFF  }
0xc2: {  	_ =	task.clear_ibuf [dreg:s7], $0x2FFFF;
	_ =	strace $0x9FFFFFFF  }
0xc3: {  	(tm) =	ssettm $0x7FFFFFFF  }
tec
execute0_lowered:
.L_overlay_start_1:
0x0: {  	(tag) =	ssettag $0x1  }
0x1: {  	s0 =	srdreg.scid;
	s8 =	stileid.u32  }
0x2: {  	s0 =	sand.u32 $0x1, s0;
	s4 =	smul.u32 $0x5000, s8  }
0x3: {  	s1 =	smul.u32 $0x50000, s0  }
0x4: {  	s2 =	rddreg [dreg:$0x0]  }
0x5: {  	s3 =	rddreg [dreg:$0x2];
	s1 =	sadd.s32 s4, s1;
	s4 =	simm.s32 $0x0  }
0x6: {  	s24 =	simm.s32 $0x80;
	[smem:$0x7FF] =	sst s4  }
0x7: {  	s25 =	simm.s32 $0x100;
	_ =	strace $0x8000004D;
	[dreg:$0x6] =	wrdreg s24  }
0x8: {  	s26 =	simm.s32 $0x180;
	[dreg:$0x7] =	wrdreg s25  }
0x9: {  	s6 =	simm.s32 $0x1100;
	[dreg:$0x8] =	wrdreg s26  }
0xa: {  	s7 =	simm.s32 $0x1180;
	[dreg:$0xa] =	wrdreg s6  }
0xb: {  	s9 =	simm.s32 $0x200;
	[dreg:$0xb] =	wrdreg s7  }
0xc: {  	s10 =	simm.s32 $0x280;
	[dreg:$0xc] =	wrdreg s9  }
0xd: {  	s11 =	simm.s32 $0x300;
	[dreg:$0xd] =	wrdreg s10  }
0xe: {  	s12 =	simm.s32 $0x380;
	[dreg:$0xe] =	wrdreg s11  }
0xf: {  	s13 =	simm.s32 $0x1200;
	[dreg:$0xf] =	wrdreg s12  }
0x10: {  	s14 =	simm.s32 $0x1280;
	s15 =	simm.s32 $0x1300;
	[dreg:$0x10] =	wrdreg s13  }
0x11: {  	s16 =	simm.s32 $0x1380;
	s17 =	simm.s32 $0x400;
	[dreg:$0x11] =	wrdreg s14  }
0x12: {  	s19 =	simm.s32 $0x480;
	s21 =	simm.s32 $0x500;
	[dreg:$0x12] =	wrdreg s15  }
0x13: {  	s22 =	simm.s32 $0x580;
	s28 =	simm.s32 $0xB80;
	[dreg:$0x13] =	wrdreg s16  }
0x14: {  	s29 =	simm.s32 $0x1A00;
	s20 =	smul.u32 $0x50000, s8;
	[dreg:$0x14] =	wrdreg s17  }
0x15: {  	s30 =	simm.s32 $0x1A80;
	s31 =	simm.s32 $0x1B00;
	[dreg:$0x15] =	wrdreg s19  }
0x16: {  	s23 =	sshrl.u32 s20, $0x2;
	s1 =	sshrl.u32 s1, $0x3;
	[dreg:$0x16] =	wrdreg s21  }
0x17: {  	s20 =	simm.s32 $0x900;
	s1 =	sadd.s32 s1, s2;
	[dreg:$0x17] =	wrdreg s22  }
0x18: {  	s6 =	smul.u32 $0x140000, s0;
	s24 =	simm.s32 $0x1400;
	[smem:$0x7F5] =	sst s20  }
0x19: {  	s7 =	smul.u32 $0x14000, s8;
	s25 =	simm.s32 $0x1480;
	[dreg:$0x18] =	wrdreg s24  }
0x1a: {  	s26 =	sshll.u32 s8, $0x6;
	s8 =	simm.s32 $0x1500;
	[dreg:$0x19] =	wrdreg s25  }
0x1b: {  	s0 =	ssub.s32 $0x2, s0;
	s9 =	simm.s32 $0x1580;
	[dreg:$0x1a] =	wrdreg s8  }
0x1c: {  	s10 =	simm.s32 $0x600;
	s11 =	simm.s32 $0x680;
	[dreg:$0x1b] =	wrdreg s9  }
0x1d: {  	s12 =	simm.s32 $0x700;
	s13 =	simm.s32 $0x780;
	[dreg:$0x1c] =	wrdreg s10  }
0x1e: {  	s14 =	simm.s32 $0x1600;
	s15 =	simm.s32 $0x1680;
	[dreg:$0x1d] =	wrdreg s11  }
0x1f: {  	s16 =	simm.s32 $0x1700;
	s17 =	simm.s32 $0x1780;
	[dreg:$0x1e] =	wrdreg s12  }
0x20: {  	s19 =	simm.s32 $0x880;
	s21 =	simm.s32 $0x980;
	[dreg:$0x1f] =	wrdreg s13  }
0x21: {  	s22 =	simm.s32 $0x1800;
	s20 =	simm.s32 $0x4;
	[smem:$0x7EF] =	sst s14  }
0x22: {  	s5 =	sadd.s32 $0x55800, s1;
	s1 =	sadd.s32 $0x69800, s1;
	[smem:$0x7F0] =	sst s15  }
0x23: {  	s18 =	sshrl.u32 s0, $0x1;
	s10 =	simm.s32 $0x9;
	[smem:$0x7F1] =	sst s16  }
0x24: {  	s11 =	simm.s32 $0x1000;
	s12 =	simm.s32 $0x50;
	[smem:$0x7F2] =	sst s17  }
0x25: {  	s13 =	simm.s32 $0x2000;
	s14 =	simm.s32 $0x4800;
	[smem:$0x7F4] =	sst s19  }
0x26: {  	s15 =	simm.s32 $0x7000;
	s16 =	simm.s32 $0x9800;
	[smem:$0x7F6] =	sst s21  }
0x27: {  	s17 =	simm.s32 $0x1;
	s19 =	simm.s32 $0x3;
	[smem:$0x7F7] =	sst s22  }
0x28: {  	s21 =	simm.s32 $0x5;
	s24 =	simm.s32 $0x1900;
	s22 =	simm.s32 $0x6  }
0x29: {  	s25 =	simm.s32 $0x1980;
	s9 =	simm.s32 $0x0;
	[dreg:$0x4] =	wrdreg s5  }
0x2a: {  	[dreg:$0x5] =	wrdreg s1;
	s5 =	simm.s32 $0x1080;
	s6 =	sadd.s32 s7, s6  }
0x2b: {  	s0 =	ssub.s32 s0, s18;
	s7 =	sor.u32 $0x1C09, s26;
	[smem:$0x7F9] =	sst s24  }
0x2c: {  	s18 =	simm.s32 $0x800;
	[smem:$0x7FA] =	sst s25;
	s26 =	simm.s32 $0xA00  }
0x2d: {  	s24 =	simm.s32 $0x8;
	s25 =	simm.s32 $0xA80;
	[dreg:$0x9] =	wrdreg s5  }
0x2e: {  	s1 =	simm.s32 $0x1B80;
	s5 =	sadd.s32 $0x7D800, s2;
	[smem:$0x7F3] =	sst s18  }
0x2f: {  	s6 =	sshrl.u32 s6, $0x3;
	s0 =	smax.u32 s0, $0x1;
	[smem:$0x7FB] =	sst s26  }
0x30: {  	s18 =	simm.s32 $0x2;
	[smem:$0x7FC] =	sst s7;
	s2 =	sadd.s32 s6, s2  }
0x31: {  	s6 =	sadd.s32 s23, s3;
	[smem:$0x7EE] =	sst s0;
	s23 =	simm.s32 $0x1880  }
0x32: {  	s26 =	simm.s32 $0xB00;
	s2 =	sadd.s32 $0xA4A00, s2;
	[smem:$0x7F8] =	sst s23  }
0x33: {  	s0 =	simm.s32 $0xC00;
	s8 =	sshrl.u32 s6, $0x3;
	[smem:$0x7ED] =	sst s2  }
0x34: {  	s23 =	simm.s32 $0x7;
	s2 =	simm.s32 $0x1C00;
	[smem:$0x7FD] =	sst s8  }
.LBB2_1:
0x35: {  	[smem:$0x7EC] =	sst s9  }
0x36: {  	s6 =	rddreg [dreg:$0x1]  }
0x37: {  	[spmem:s8], [sflag:s7] =	dma.local [hbm:s6], $0x2800  }
0x38: {  	_ =	swait.ge [sflag:s10], $0x2800  }
0x39: {  	[sflag:s10] =	ssyncset.done $0x0  }
0x3a: {  	[sflag:s10] =	ssyncadd.s32 $0xFFFFD800  }
0x3b: {  	[bflag:$0x0] =	sbarrier.arrive $0xFFFF  }
0x3c: {  	s7 =	rddreg [dreg:$0x5]  }
0x3d: {  	s6 =	sadd.s32 $0x0, s7  }
0x3e: {  	[tilespmem:s4], [sflag:$0x9] =	stream.linear.gather [hbm4b:s6+s4], $0xC80, $0x38;
	v63 =	vld [tilespmem:$0x0]  }
0x3f: {  	_ =	swait.ge [sflag:s10], $0xC80  }
0x40: {  	s8 =	rddreg [dreg:$0x4];
	[sflag:s10] =	ssyncset.done $0x0  }
0x41: {  	[sflag:s10] =	ssyncadd.s32 $0xFFFFF380;
	s6 =	sadd.s32 $0x0, s8  }
0x42: {  	[tilespmem:s11], [sflag:$0x9] =	stream.linear.gather [hbm4b:s6+s4], $0xC80, $0x38;
	v63 =	vld [tilespmem:$0x0]  }
0x43: {  	_ =	swait.ge [sflag:s10], $0xC80  }
0x44: {  	[sflag:s10] =	ssyncset.done $0x0  }
0x45: {  	[sflag:s10] =	ssyncadd.s32 $0xFFFFF380  }
0x46: {  	[tilespmem:s13], [sflag:$0x1] =	stream.indirect.gather [hbm4b:s5+s12], $0x80, s4, s12, $0xb8;
	v63 =	vld [tilespmem:$0x0]  }
0x47: {  	s9 =	rddreg [dreg:$0x6]  }
0x48: {  	[tilespmem:s14], [sflag:$0x2] =	stream.indirect.gather [hbm4b:s5+s12], $0x80, s9, s12, $0xb8;
	v63 =	vld [tilespmem:$0x0]  }
0x49: {  	s7 =	rddreg [dreg:$0x7]  }
0x4a: {  	[tilespmem:s15], [sflag:$0x3] =	stream.indirect.gather [hbm4b:s5+s12], $0x80, s7, s12, $0xb8;
	v63 =	vld [tilespmem:$0x0]  }
0x4b: {  	s9 =	rddreg [dreg:$0x8]  }
0x4c: {  	[tilespmem:s16], [sflag:$0x4] =	stream.indirect.gather [hbm4b:s5+s12], $0x80, s9, s12, $0xb8;
	v63 =	vld [tilespmem:$0x0]  }
0x4d: {  	_ =	swait.ge [sflag:s17], $0x2800  }
0x4e: {  	[sflag:s17] =	ssyncset.done $0x0  }
0x4f: {  	[sflag:s17] =	ssyncadd.s32 $0xFFFFD800  }
0x50: {  	[spmem:s3] =	stream.indirect.scatter.add.f32 [tilespmem:s13], [sflag:$0x5], $0x80, s11, s12, $0xb8;
	v63 =	vld [tilespmem:$0x0]  }
0x51: {  	_ =	swait.ge [sflag:s18], $0x2800  }
0x52: {  	[sflag:s18] =	ssyncset.done $0x0  }
0x53: {  	s7 =	rddreg [dreg:$0x9];
	[sflag:s18] =	ssyncadd.s32 $0xFFFFD800  }
0x54: {  	[spmem:s3] =	stream.indirect.scatter.add.f32 [tilespmem:s14], [sflag:$0x6], $0x80, s7, s12, $0xb8;
	v63 =	vld [tilespmem:$0x0]  }
0x55: {  	_ =	swait.ge [sflag:s19], $0x2800  }
0x56: {  	[sflag:s19] =	ssyncset.done $0x0  }
0x57: {  	s8 =	rddreg [dreg:$0xa];
	[sflag:s19] =	ssyncadd.s32 $0xFFFFD800  }
0x58: {  	[spmem:s3] =	stream.indirect.scatter.add.f32 [tilespmem:s15], [sflag:$0x7], $0x80, s8, s12, $0xb8;
	v63 =	vld [tilespmem:$0x0]  }
0x59: {  	_ =	swait.ge [sflag:s20], $0x2800  }
0x5a: {  	[sflag:s20] =	ssyncset.done $0x0  }
0x5b: {  	s9 =	rddreg [dreg:$0xb];
	[sflag:s20] =	ssyncadd.s32 $0xFFFFD800  }
0x5c: {  	[spmem:s3] =	stream.indirect.scatter.add.f32 [tilespmem:s16], [sflag:$0x8], $0x80, s9, s12, $0xb8;
	v63 =	vld [tilespmem:$0x0]  }
0x5d: {  	_ =	swait.ge [sflag:s21], $0x2800  }
0x5e: {  	[sflag:s21] =	ssyncset.done $0x0  }
0x5f: {  	s7 =	rddreg [dreg:$0xc];
	[sflag:s21] =	ssyncadd.s32 $0xFFFFD800  }
0x60: {  	[tilespmem:s13], [sflag:$0x1] =	stream.indirect.gather [hbm4b:s5+s12], $0x80, s7, s12, $0xb8;
	v63 =	vld [tilespmem:$0x0]  }
0x61: {  	_ =	swait.ge [sflag:s22], $0x2800  }
0x62: {  	[sflag:s22] =	ssyncset.done $0x0  }
0x63: {  	s8 =	rddreg [dreg:$0xd];
	[sflag:s22] =	ssyncadd.s32 $0xFFFFD800  }
0x64: {  	[tilespmem:s14], [sflag:$0x2] =	stream.indirect.gather [hbm4b:s5+s12], $0x80, s8, s12, $0xb8;
	v63 =	vld [tilespmem:$0x0]  }
0x65: {  	_ =	swait.ge [sflag:s23], $0x2800  }
0x66: {  	[sflag:s23] =	ssyncset.done $0x0  }
0x67: {  	s9 =	rddreg [dreg:$0xe];
	[sflag:s23] =	ssyncadd.s32 $0xFFFFD800  }
0x68: {  	[tilespmem:s15], [sflag:$0x3] =	stream.indirect.gather [hbm4b:s5+s12], $0x80, s9, s12, $0xb8;
	v63 =	vld [tilespmem:$0x0]  }
0x69: {  	_ =	swait.ge [sflag:s24], $0x2800  }
0x6a: {  	[sflag:s24] =	ssyncset.done $0x0  }
0x6b: {  	s7 =	rddreg [dreg:$0xf];
	[sflag:s24] =	ssyncadd.s32 $0xFFFFD800  }
0x6c: {  	[tilespmem:s16], [sflag:$0x4] =	stream.indirect.gather [hbm4b:s5+s12], $0x80, s7, s12, $0xb8;
	v63 =	vld [tilespmem:$0x0]  }
0x6d: {  	_ =	swait.ge [sflag:s17], $0x2800  }
0x6e: {  	[sflag:s17] =	ssyncset.done $0x0  }
0x6f: {  	s8 =	rddreg [dreg:$0x10];
	[sflag:s17] =	ssyncadd.s32 $0xFFFFD800  }
0x70: {  	[spmem:s3] =	stream.indirect.scatter.add.f32 [tilespmem:s13], [sflag:$0x5], $0x80, s8, s12, $0xb8;
	v63 =	vld [tilespmem:$0x0]  }
0x71: {  	_ =	swait.ge [sflag:s18], $0x2800  }
0x72: {  	[sflag:s18] =	ssyncset.done $0x0  }
0x73: {  	s9 =	rddreg [dreg:$0x11];
	[sflag:s18] =	ssyncadd.s32 $0xFFFFD800  }
0x74: {  	[spmem:s3] =	stream.indirect.scatter.add.f32 [tilespmem:s14], [sflag:$0x6], $0x80, s9, s12, $0xb8;
	v63 =	vld [tilespmem:$0x0]  }
0x75: {  	_ =	swait.ge [sflag:s19], $0x2800  }
0x76: {  	[sflag:s19] =	ssyncset.done $0x0  }
0x77: {  	s7 =	rddreg [dreg:$0x12];
	[sflag:s19] =	ssyncadd.s32 $0xFFFFD800  }
0x78: {  	[spmem:s3] =	stream.indirect.scatter.add.f32 [tilespmem:s15], [sflag:$0x7], $0x80, s7, s12, $0xb8;
	v63 =	vld [tilespmem:$0x0]  }
0x79: {  	_ =	swait.ge [sflag:s20], $0x2800  }
0x7a: {  	[sflag:s20] =	ssyncset.done $0x0  }
0x7b: {  	s8 =	rddreg [dreg:$0x13];
	[sflag:s20] =	ssyncadd.s32 $0xFFFFD800  }
0x7c: {  	[spmem:s3] =	stream.indirect.scatter.add.f32 [tilespmem:s16], [sflag:$0x8], $0x80, s8, s12, $0xb8;
	v63 =	vld [tilespmem:$0x0]  }
0x7d: {  	_ =	swait.ge [sflag:s21], $0x2800  }
0x7e: {  	[sflag:s21] =	ssyncset.done $0x0  }
0x7f: {  	s9 =	rddreg [dreg:$0x14];
	[sflag:s21] =	ssyncadd.s32 $0xFFFFD800  }
0x80: {  	[tilespmem:s13], [sflag:$0x1] =	stream.indirect.gather [hbm4b:s5+s12], $0x80, s9, s12, $0xb8;
	v63 =	vld [tilespmem:$0x0]  }
0x81: {  	_ =	swait.ge [sflag:s22], $0x2800  }
0x82: {  	[sflag:s22] =	ssyncset.done $0x0  }
0x83: {  	s7 =	rddreg [dreg:$0x15];
	[sflag:s22] =	ssyncadd.s32 $0xFFFFD800  }
0x84: {  	[tilespmem:s14], [sflag:$0x2] =	stream.indirect.gather [hbm4b:s5+s12], $0x80, s7, s12, $0xb8;
	v63 =	vld [tilespmem:$0x0]  }
0x85: {  	_ =	swait.ge [sflag:s23], $0x2800  }
0x86: {  	[sflag:s23] =	ssyncset.done $0x0  }
0x87: {  	s8 =	rddreg [dreg:$0x16];
	[sflag:s23] =	ssyncadd.s32 $0xFFFFD800  }
0x88: {  	[tilespmem:s15], [sflag:$0x3] =	stream.indirect.gather [hbm4b:s5+s12], $0x80, s8, s12, $0xb8;
	v63 =	vld [tilespmem:$0x0]  }
0x89: {  	_ =	swait.ge [sflag:s24], $0x2800  }
0x8a: {  	[sflag:s24] =	ssyncset.done $0x0  }
0x8b: {  	s9 =	rddreg [dreg:$0x17];
	[sflag:s24] =	ssyncadd.s32 $0xFFFFD800  }
0x8c: {  	[tilespmem:s16], [sflag:$0x4] =	stream.indirect.gather [hbm4b:s5+s12], $0x80, s9, s12, $0xb8;
	v63 =	vld [tilespmem:$0x0]  }
0x8d: {  	_ =	swait.ge [sflag:s17], $0x2800  }
0x8e: {  	[sflag:s17] =	ssyncset.done $0x0  }
0x8f: {  	s7 =	rddreg [dreg:$0x18];
	[sflag:s17] =	ssyncadd.s32 $0xFFFFD800  }
0x90: {  	[spmem:s3] =	stream.indirect.scatter.add.f32 [tilespmem:s13], [sflag:$0x5], $0x80, s7, s12, $0xb8;
	v63 =	vld [tilespmem:$0x0]  }
0x91: {  	_ =	swait.ge [sflag:s18], $0x2800  }
0x92: {  	[sflag:s18] =	ssyncset.done $0x0  }
0x93: {  	s8 =	rddreg [dreg:$0x19];
	[sflag:s18] =	ssyncadd.s32 $0xFFFFD800  }
0x94: {  	[spmem:s3] =	stream.indirect.scatter.add.f32 [tilespmem:s14], [sflag:$0x6], $0x80, s8, s12, $0xb8;
	v63 =	vld [tilespmem:$0x0]  }
0x95: {  	_ =	swait.ge [sflag:s19], $0x2800  }
0x96: {  	[sflag:s19] =	ssyncset.done $0x0  }
0x97: {  	s9 =	rddreg [dreg:$0x1a];
	[sflag:s19] =	ssyncadd.s32 $0xFFFFD800  }
0x98: {  	[spmem:s3] =	stream.indirect.scatter.add.f32 [tilespmem:s15], [sflag:$0x7], $0x80, s9, s12, $0xb8;
	v63 =	vld [tilespmem:$0x0]  }
0x99: {  	_ =	swait.ge [sflag:s20], $0x2800  }
0x9a: {  	[sflag:s20] =	ssyncset.done $0x0  }
0x9b: {  	s7 =	rddreg [dreg:$0x1b];
	[sflag:s20] =	ssyncadd.s32 $0xFFFFD800  }
0x9c: {  	[spmem:s3] =	stream.indirect.scatter.add.f32 [tilespmem:s16], [sflag:$0x8], $0x80, s7, s12, $0xb8;
	v63 =	vld [tilespmem:$0x0]  }
0x9d: {  	_ =	swait.ge [sflag:s21], $0x2800  }
0x9e: {  	[sflag:s21] =	ssyncset.done $0x0  }
0x9f: {  	s8 =	rddreg [dreg:$0x1c];
	[sflag:s21] =	ssyncadd.s32 $0xFFFFD800  }
0xa0: {  	[tilespmem:s13], [sflag:$0x1] =	stream.indirect.gather [hbm4b:s5+s12], $0x80, s8, s12, $0xb8;
	v63 =	vld [tilespmem:$0x0]  }
0xa1: {  	_ =	swait.ge [sflag:s22], $0x2800  }
0xa2: {  	[sflag:s22] =	ssyncset.done $0x0  }
0xa3: {  	s9 =	rddreg [dreg:$0x1d];
	[sflag:s22] =	ssyncadd.s32 $0xFFFFD800  }
0xa4: {  	[tilespmem:s14], [sflag:$0x2] =	stream.indirect.gather [hbm4b:s5+s12], $0x80, s9, s12, $0xb8;
	v63 =	vld [tilespmem:$0x0]  }
0xa5: {  	_ =	swait.ge [sflag:s23], $0x2800  }
0xa6: {  	[sflag:s23] =	ssyncset.done $0x0  }
0xa7: {  	s7 =	rddreg [dreg:$0x1e];
	[sflag:s23] =	ssyncadd.s32 $0xFFFFD800  }
0xa8: {  	[tilespmem:s15], [sflag:$0x3] =	stream.indirect.gather [hbm4b:s5+s12], $0x80, s7, s12, $0xb8;
	v63 =	vld [tilespmem:$0x0]  }
0xa9: {  	_ =	swait.ge [sflag:s24], $0x2800  }
0xaa: {  	[sflag:s24] =	ssyncset.done $0x0  }
0xab: {  	s8 =	rddreg [dreg:$0x1f];
	[sflag:s24] =	ssyncadd.s32 $0xFFFFD800  }
0xac: {  	[tilespmem:s16], [sflag:$0x4] =	stream.indirect.gather [hbm4b:s5+s12], $0x80, s8, s12, $0xb8;
	v63 =	vld [tilespmem:$0x0]  }
0xad: {  	_ =	swait.ge [sflag:s17], $0x2800  }
0xae: {  	s9 =	sld [smem:$0x7EF]  }
0xaf: {  	[sflag:s17] =	ssyncset.done $0x0  }
0xb0: {  	[sflag:s17] =	ssyncadd.s32 $0xFFFFD800  }
0xb1: {  	[spmem:s3] =	stream.indirect.scatter.add.f32 [tilespmem:s13], [sflag:$0x5], $0x80, s9, s12, $0xb8;
	v63 =	vld [tilespmem:$0x0]  }
0xb2: {  	_ =	swait.ge [sflag:s18], $0x2800  }
0xb3: {  	s7 =	sld [smem:$0x7F0]  }
0xb4: {  	[sflag:s18] =	ssyncset.done $0x0  }
0xb5: {  	[sflag:s18] =	ssyncadd.s32 $0xFFFFD800  }
0xb6: {  	[spmem:s3] =	stream.indirect.scatter.add.f32 [tilespmem:s14], [sflag:$0x6], $0x80, s7, s12, $0xb8;
	v63 =	vld [tilespmem:$0x0]  }
0xb7: {  	_ =	swait.ge [sflag:s19], $0x2800  }
0xb8: {  	s8 =	sld [smem:$0x7F1]  }
0xb9: {  	[sflag:s19] =	ssyncset.done $0x0  }
0xba: {  	[sflag:s19] =	ssyncadd.s32 $0xFFFFD800  }
0xbb: {  	[spmem:s3] =	stream.indirect.scatter.add.f32 [tilespmem:s15], [sflag:$0x7], $0x80, s8, s12, $0xb8;
	v63 =	vld [tilespmem:$0x0]  }
0xbc: {  	_ =	swait.ge [sflag:s20], $0x2800  }
0xbd: {  	s9 =	sld [smem:$0x7F2]  }
0xbe: {  	[sflag:s20] =	ssyncset.done $0x0  }
0xbf: {  	[sflag:s20] =	ssyncadd.s32 $0xFFFFD800  }
0xc0: {  	[spmem:s3] =	stream.indirect.scatter.add.f32 [tilespmem:s16], [sflag:$0x8], $0x80, s9, s12, $0xb8;
	v63 =	vld [tilespmem:$0x0]  }
0xc1: {  	_ =	swait.ge [sflag:s21], $0x2800  }
0xc2: {  	s7 =	sld [smem:$0x7F3]  }
0xc3: {  	[sflag:s21] =	ssyncset.done $0x0  }
0xc4: {  	[sflag:s21] =	ssyncadd.s32 $0xFFFFD800  }
0xc5: {  	[tilespmem:s13], [sflag:$0x1] =	stream.indirect.gather [hbm4b:s5+s12], $0x80, s7, s12, $0xb8;
	v63 =	vld [tilespmem:$0x0]  }
0xc6: {  	_ =	swait.ge [sflag:s22], $0x2800  }
0xc7: {  	s8 =	sld [smem:$0x7F4]  }
0xc8: {  	[sflag:s22] =	ssyncset.done $0x0  }
0xc9: {  	[sflag:s22] =	ssyncadd.s32 $0xFFFFD800  }
0xca: {  	[tilespmem:s14], [sflag:$0x2] =	stream.indirect.gather [hbm4b:s5+s12], $0x80, s8, s12, $0xb8;
	v63 =	vld [tilespmem:$0x0]  }
0xcb: {  	_ =	swait.ge [sflag:s23], $0x2800  }
0xcc: {  	s9 =	sld [smem:$0x7F5]  }
0xcd: {  	[sflag:s23] =	ssyncset.done $0x0  }
0xce: {  	[sflag:s23] =	ssyncadd.s32 $0xFFFFD800  }
0xcf: {  	[tilespmem:s15], [sflag:$0x3] =	stream.indirect.gather [hbm4b:s5+s12], $0x80, s9, s12, $0xb8;
	v63 =	vld [tilespmem:$0x0]  }
0xd0: {  	_ =	swait.ge [sflag:s24], $0x2800  }
0xd1: {  	s7 =	sld [smem:$0x7F6]  }
0xd2: {  	[sflag:s24] =	ssyncset.done $0x0  }
0xd3: {  	[sflag:s24] =	ssyncadd.s32 $0xFFFFD800  }
0xd4: {  	[tilespmem:s16], [sflag:$0x4] =	stream.indirect.gather [hbm4b:s5+s12], $0x80, s7, s12, $0xb8;
	v63 =	vld [tilespmem:$0x0]  }
0xd5: {  	_ =	swait.ge [sflag:s17], $0x2800  }
0xd6: {  	s8 =	sld [smem:$0x7F7]  }
0xd7: {  	[sflag:s17] =	ssyncset.done $0x0  }
0xd8: {  	[sflag:s17] =	ssyncadd.s32 $0xFFFFD800  }
0xd9: {  	[spmem:s3] =	stream.indirect.scatter.add.f32 [tilespmem:s13], [sflag:$0x5], $0x80, s8, s12, $0xb8;
	v63 =	vld [tilespmem:$0x0]  }
0xda: {  	_ =	swait.ge [sflag:s18], $0x2800  }
0xdb: {  	s9 =	sld [smem:$0x7F8]  }
0xdc: {  	[sflag:s18] =	ssyncset.done $0x0  }
0xdd: {  	[sflag:s18] =	ssyncadd.s32 $0xFFFFD800  }
0xde: {  	[spmem:s3] =	stream.indirect.scatter.add.f32 [tilespmem:s14], [sflag:$0x6], $0x80, s9, s12, $0xb8;
	v63 =	vld [tilespmem:$0x0]  }
0xdf: {  	_ =	swait.ge [sflag:s19], $0x2800  }
0xe0: {  	s7 =	sld [smem:$0x7F9]  }
0xe1: {  	[sflag:s19] =	ssyncset.done $0x0  }
0xe2: {  	[sflag:s19] =	ssyncadd.s32 $0xFFFFD800  }
0xe3: {  	[spmem:s3] =	stream.indirect.scatter.add.f32 [tilespmem:s15], [sflag:$0x7], $0x80, s7, s12, $0xb8;
	v63 =	vld [tilespmem:$0x0]  }
0xe4: {  	_ =	swait.ge [sflag:s20], $0x2800  }
0xe5: {  	s8 =	sld [smem:$0x7FA]  }
0xe6: {  	[sflag:s20] =	ssyncset.done $0x0  }
0xe7: {  	[sflag:s20] =	ssyncadd.s32 $0xFFFFD800  }
0xe8: {  	[spmem:s3] =	stream.indirect.scatter.add.f32 [tilespmem:s16], [sflag:$0x8], $0x80, s8, s12, $0xb8;
	v63 =	vld [tilespmem:$0x0]  }
0xe9: {  	_ =	swait.ge [sflag:s21], $0x2800  }
0xea: {  	s9 =	sld [smem:$0x7FB]  }
0xeb: {  	[sflag:s21] =	ssyncset.done $0x0  }
0xec: {  	[sflag:s21] =	ssyncadd.s32 $0xFFFFD800  }
0xed: {  	[tilespmem:s13], [sflag:$0x1] =	stream.indirect.gather [hbm4b:s5+s12], $0x80, s9, s12, $0xb8;
	v63 =	vld [tilespmem:$0x0]  }
0xee: {  	_ =	swait.ge [sflag:s22], $0x2800  }
0xef: {  	[sflag:s22] =	ssyncset.done $0x0  }
0xf0: {  	[sflag:s22] =	ssyncadd.s32 $0xFFFFD800  }
0xf1: {  	[tilespmem:s14], [sflag:$0x2] =	stream.indirect.gather [hbm4b:s5+s12], $0x80, s25, s12, $0xb8;
	v63 =	vld [tilespmem:$0x0]  }
0xf2: {  	_ =	swait.ge [sflag:s23], $0x2800  }
0xf3: {  	[sflag:s23] =	ssyncset.done $0x0  }
0xf4: {  	[sflag:s23] =	ssyncadd.s32 $0xFFFFD800  }
0xf5: {  	[tilespmem:s15], [sflag:$0x3] =	stream.indirect.gather [hbm4b:s5+s12], $0x80, s26, s12, $0xb8;
	v63 =	vld [tilespmem:$0x0]  }
0xf6: {  	_ =	swait.ge [sflag:s24], $0x2800  }
0xf7: {  	[sflag:s24] =	ssyncset.done $0x0  }
0xf8: {  	[sflag:s24] =	ssyncadd.s32 $0xFFFFD800  }
0xf9: {  	[tilespmem:s16], [sflag:$0x4] =	stream.indirect.gather [hbm4b:s5+s12], $0x80, s28, s12, $0xb8;
	v63 =	vld [tilespmem:$0x0]  }
0xfa: {  	_ =	swait.ge [sflag:s17], $0x2800  }
0xfb: {  	[sflag:s17] =	ssyncset.done $0x0  }
0xfc: {  	[sflag:s17] =	ssyncadd.s32 $0xFFFFD800  }
0xfd: {  	[spmem:s3] =	stream.indirect.scatter.add.f32 [tilespmem:s13], [sflag:$0x5], $0x80, s29, s12, $0xb8;
	v63 =	vld [tilespmem:$0x0]  }
0xfe: {  	_ =	swait.ge [sflag:s18], $0x2800  }
0xff: {  	[sflag:s18] =	ssyncset.done $0x0  }
0x100: {  	[sflag:s18] =	ssyncadd.s32 $0xFFFFD800  }
0x101: {  	[spmem:s3] =	stream.indirect.scatter.add.f32 [tilespmem:s14], [sflag:$0x6], $0x80, s30, s12, $0xb8;
	v63 =	vld [tilespmem:$0x0]  }
0x102: {  	_ =	swait.ge [sflag:s19], $0x2800  }
0x103: {  	[sflag:s19] =	ssyncset.done $0x0  }
0x104: {  	[sflag:s19] =	ssyncadd.s32 $0xFFFFD800  }
0x105: {  	[spmem:s3] =	stream.indirect.scatter.add.f32 [tilespmem:s15], [sflag:$0x7], $0x80, s31, s12, $0xb8;
	v63 =	vld [tilespmem:$0x0]  }
0x106: {  	_ =	swait.ge [sflag:s20], $0x2800  }
0x107: {  	[sflag:s20] =	ssyncset.done $0x0  }
0x108: {  	[sflag:s20] =	ssyncadd.s32 $0xFFFFD800  }
0x109: {  	[spmem:s3] =	stream.indirect.scatter.add.f32 [tilespmem:s16], [sflag:$0x8], $0x80, s1, s12, $0xb8;
	v63 =	vld [tilespmem:$0x0]  }
0x10a: {  	_ =	swait.ge [sflag:s21], $0x2800  }
0x10b: {  	[sflag:s21] =	ssyncset.done $0x0  }
0x10c: {  	[sflag:s21] =	ssyncadd.s32 $0xFFFFD800  }
0x10d: {  	_ =	swait.ge [sflag:s22], $0x2800  }
0x10e: {  	[sflag:s22] =	ssyncset.done $0x0  }
0x10f: {  	[sflag:s22] =	ssyncadd.s32 $0xFFFFD800  }
0x110: {  	_ =	swait.ge [sflag:s23], $0x2800  }
0x111: {  	[sflag:s23] =	ssyncset.done $0x0  }
0x112: {  	[sflag:s23] =	ssyncadd.s32 $0xFFFFD800  }
0x113: {  	_ =	swait.ge [sflag:s24], $0x2800  }
0x114: {  	[sflag:s24] =	ssyncset.done $0x0  }
0x115: {  	[sflag:s24] =	ssyncadd.s32 $0xFFFFD800  }
0x116: {  	[tilespmem:s13], [sflag:$0x1] =	stream.indirect.gather [hbm4b:s5+s12], $0x80, s0, s12, $0xb8;
	v63 =	vld [tilespmem:$0x0]  }
0x117: {  	_ =	swait.ge [sflag:s17], $0x2800  }
0x118: {  	[sflag:s17] =	ssyncset.done $0x0  }
0x119: {  	[sflag:s17] =	ssyncadd.s32 $0xFFFFD800  }
0x11a: {  	[spmem:s3] =	stream.indirect.scatter.add.f32 [tilespmem:s13], [sflag:$0x9], $0x80, s2, s12, $0xb8;
	v63 =	vld [tilespmem:$0x0]  }
0x11b: {  	s6 =	simm.s32 $0x400;
	_ =	swait.ge [sflag:s10], $0x2800  }
0x11c: {  	s8 =	simm.s32 $0x200;
	s9 =	rddreg [dreg:$0x5];
	[sflag:s10] =	ssyncset.done $0x0  }
.LBB2_2:
0x11d: {  	[sflag:s10] =	ssyncadd.s32 $0xFFFFD800;
	s9 =	sadd.s32 s8, s9  }
0x11e: {  	[tilespmem:s4], [sflag:$0x9] =	stream.linear.gather [hbm4b:s9+s4], $0xC80, $0x38;
	v63 =	vld [tilespmem:$0x0]  }
0x11f: {  	_ =	swait.ge [sflag:s10], $0xC80  }
0x120: {  	s9 =	rddreg [dreg:$0x4];
	[sflag:s10] =	ssyncset.done $0x0  }
0x121: {  	[sflag:s10] =	ssyncadd.s32 $0xFFFFF380;
	s9 =	sadd.s32 s8, s9  }
0x122: {  	[tilespmem:s11], [sflag:$0x9] =	stream.linear.gather [hbm4b:s9+s4], $0xC80, $0x38;
	v63 =	vld [tilespmem:$0x0]  }
0x123: {  	_ =	swait.ge [sflag:s10], $0xC80  }
0x124: {  	[sflag:s10] =	ssyncset.done $0x0  }
0x125: {  	s7 =	smov.u32 s6;
	[sflag:s10] =	ssyncadd.s32 $0xFFFFF380  }
0x126: {  	[tilespmem:s13], [sflag:$0x1] =	stream.indirect.gather [hbm4b:s5+s12], $0x80, s4, s12, $0xb8;
	v63 =	vld [tilespmem:$0x0]  }
0x127: {  	s8 =	smov.u32 s7;
	s7 =	rddreg [dreg:$0x6]  }
0x128: {  	[tilespmem:s14], [sflag:$0x2] =	stream.indirect.gather [hbm4b:s5+s12], $0x80, s7, s12, $0xb8;
	v63 =	vld [tilespmem:$0x0]  }
0x129: {  	s9 =	rddreg [dreg:$0x7]  }
0x12a: {  	[tilespmem:s15], [sflag:$0x3] =	stream.indirect.gather [hbm4b:s5+s12], $0x80, s9, s12, $0xb8;
	v63 =	vld [tilespmem:$0x0]  }
0x12b: {  	s7 =	rddreg [dreg:$0x8]  }
0x12c: {  	[tilespmem:s16], [sflag:$0x4] =	stream.indirect.gather [hbm4b:s5+s12], $0x80, s7, s12, $0xb8;
	v63 =	vld [tilespmem:$0x0]  }
0x12d: {  	_ =	swait.ge [sflag:s17], $0x2800  }
0x12e: {  	[sflag:s17] =	ssyncset.done $0x0  }
0x12f: {  	[sflag:s17] =	ssyncadd.s32 $0xFFFFD800  }
0x130: {  	[spmem:s3] =	stream.indirect.scatter.add.f32 [tilespmem:s13], [sflag:$0x5], $0x80, s11, s12, $0xb8;
	v63 =	vld [tilespmem:$0x0]  }
0x131: {  	_ =	swait.ge [sflag:s18], $0x2800  }
0x132: {  	[sflag:s18] =	ssyncset.done $0x0  }
0x133: {  	s9 =	rddreg [dreg:$0x9];
	[sflag:s18] =	ssyncadd.s32 $0xFFFFD800  }
0x134: {  	[spmem:s3] =	stream.indirect.scatter.add.f32 [tilespmem:s14], [sflag:$0x6], $0x80, s9, s12, $0xb8;
	v63 =	vld [tilespmem:$0x0]  }
0x135: {  	_ =	swait.ge [sflag:s19], $0x2800  }
0x136: {  	[sflag:s19] =	ssyncset.done $0x0  }
0x137: {  	s9 =	rddreg [dreg:$0xa];
	[sflag:s19] =	ssyncadd.s32 $0xFFFFD800  }
0x138: {  	[spmem:s3] =	stream.indirect.scatter.add.f32 [tilespmem:s15], [sflag:$0x7], $0x80, s9, s12, $0xb8;
	v63 =	vld [tilespmem:$0x0]  }
0x139: {  	_ =	swait.ge [sflag:s20], $0x2800  }
0x13a: {  	[sflag:s20] =	ssyncset.done $0x0  }
0x13b: {  	s9 =	rddreg [dreg:$0xb];
	[sflag:s20] =	ssyncadd.s32 $0xFFFFD800  }
0x13c: {  	[spmem:s3] =	stream.indirect.scatter.add.f32 [tilespmem:s16], [sflag:$0x8], $0x80, s9, s12, $0xb8;
	v63 =	vld [tilespmem:$0x0]  }
0x13d: {  	_ =	swait.ge [sflag:s21], $0x2800  }
0x13e: {  	[sflag:s21] =	ssyncset.done $0x0  }
0x13f: {  	s9 =	rddreg [dreg:$0xc];
	[sflag:s21] =	ssyncadd.s32 $0xFFFFD800  }
0x140: {  	[tilespmem:s13], [sflag:$0x1] =	stream.indirect.gather [hbm4b:s5+s12], $0x80, s9, s12, $0xb8;
	v63 =	vld [tilespmem:$0x0]  }
0x141: {  	_ =	swait.ge [sflag:s22], $0x2800  }
0x142: {  	[sflag:s22] =	ssyncset.done $0x0  }
0x143: {  	s9 =	rddreg [dreg:$0xd];
	[sflag:s22] =	ssyncadd.s32 $0xFFFFD800  }
0x144: {  	[tilespmem:s14], [sflag:$0x2] =	stream.indirect.gather [hbm4b:s5+s12], $0x80, s9, s12, $0xb8;
	v63 =	vld [tilespmem:$0x0]  }
0x145: {  	_ =	swait.ge [sflag:s23], $0x2800  }
0x146: {  	[sflag:s23] =	ssyncset.done $0x0  }
0x147: {  	s9 =	rddreg [dreg:$0xe];
	[sflag:s23] =	ssyncadd.s32 $0xFFFFD800  }
0x148: {  	[tilespmem:s15], [sflag:$0x3] =	stream.indirect.gather [hbm4b:s5+s12], $0x80, s9, s12, $0xb8;
	v63 =	vld [tilespmem:$0x0]  }
0x149: {  	_ =	swait.ge [sflag:s24], $0x2800  }
0x14a: {  	[sflag:s24] =	ssyncset.done $0x0  }
0x14b: {  	s9 =	rddreg [dreg:$0xf];
	[sflag:s24] =	ssyncadd.s32 $0xFFFFD800  }
0x14c: {  	[tilespmem:s16], [sflag:$0x4] =	stream.indirect.gather [hbm4b:s5+s12], $0x80, s9, s12, $0xb8;
	v63 =	vld [tilespmem:$0x0]  }
0x14d: {  	_ =	swait.ge [sflag:s17], $0x2800  }
0x14e: {  	[sflag:s17] =	ssyncset.done $0x0  }
0x14f: {  	s9 =	rddreg [dreg:$0x10];
	[sflag:s17] =	ssyncadd.s32 $0xFFFFD800  }
0x150: {  	[spmem:s3] =	stream.indirect.scatter.add.f32 [tilespmem:s13], [sflag:$0x5], $0x80, s9, s12, $0xb8;
	v63 =	vld [tilespmem:$0x0]  }
0x151: {  	_ =	swait.ge [sflag:s18], $0x2800  }
0x152: {  	[sflag:s18] =	ssyncset.done $0x0  }
0x153: {  	s9 =	rddreg [dreg:$0x11];
	[sflag:s18] =	ssyncadd.s32 $0xFFFFD800  }
0x154: {  	[spmem:s3] =	stream.indirect.scatter.add.f32 [tilespmem:s14], [sflag:$0x6], $0x80, s9, s12, $0xb8;
	v63 =	vld [tilespmem:$0x0]  }
0x155: {  	_ =	swait.ge [sflag:s19], $0x2800  }
0x156: {  	[sflag:s19] =	ssyncset.done $0x0  }
0x157: {  	s9 =	rddreg [dreg:$0x12];
	[sflag:s19] =	ssyncadd.s32 $0xFFFFD800  }
0x158: {  	[spmem:s3] =	stream.indirect.scatter.add.f32 [tilespmem:s15], [sflag:$0x7], $0x80, s9, s12, $0xb8;
	v63 =	vld [tilespmem:$0x0]  }
0x159: {  	_ =	swait.ge [sflag:s20], $0x2800  }
0x15a: {  	[sflag:s20] =	ssyncset.done $0x0  }
0x15b: {  	s9 =	rddreg [dreg:$0x13];
	[sflag:s20] =	ssyncadd.s32 $0xFFFFD800  }
0x15c: {  	[spmem:s3] =	stream.indirect.scatter.add.f32 [tilespmem:s16], [sflag:$0x8], $0x80, s9, s12, $0xb8;
	v63 =	vld [tilespmem:$0x0]  }
0x15d: {  	_ =	swait.ge [sflag:s21], $0x2800  }
0x15e: {  	[sflag:s21] =	ssyncset.done $0x0  }
0x15f: {  	s9 =	rddreg [dreg:$0x14];
	[sflag:s21] =	ssyncadd.s32 $0xFFFFD800  }
0x160: {  	[tilespmem:s13], [sflag:$0x1] =	stream.indirect.gather [hbm4b:s5+s12], $0x80, s9, s12, $0xb8;
	v63 =	vld [tilespmem:$0x0]  }
0x161: {  	_ =	swait.ge [sflag:s22], $0x2800  }
0x162: {  	[sflag:s22] =	ssyncset.done $0x0  }
0x163: {  	s9 =	rddreg [dreg:$0x15];
	[sflag:s22] =	ssyncadd.s32 $0xFFFFD800  }
0x164: {  	[tilespmem:s14], [sflag:$0x2] =	stream.indirect.gather [hbm4b:s5+s12], $0x80, s9, s12, $0xb8;
	v63 =	vld [tilespmem:$0x0]  }
0x165: {  	_ =	swait.ge [sflag:s23], $0x2800  }
0x166: {  	[sflag:s23] =	ssyncset.done $0x0  }
0x167: {  	s9 =	rddreg [dreg:$0x16];
	[sflag:s23] =	ssyncadd.s32 $0xFFFFD800  }
0x168: {  	[tilespmem:s15], [sflag:$0x3] =	stream.indirect.gather [hbm4b:s5+s12], $0x80, s9, s12, $0xb8;
	v63 =	vld [tilespmem:$0x0]  }
0x169: {  	_ =	swait.ge [sflag:s24], $0x2800  }
0x16a: {  	[sflag:s24] =	ssyncset.done $0x0  }
0x16b: {  	s9 =	rddreg [dreg:$0x17];
	[sflag:s24] =	ssyncadd.s32 $0xFFFFD800  }
0x16c: {  	[tilespmem:s16], [sflag:$0x4] =	stream.indirect.gather [hbm4b:s5+s12], $0x80, s9, s12, $0xb8;
	v63 =	vld [tilespmem:$0x0]  }
0x16d: {  	_ =	swait.ge [sflag:s17], $0x2800  }
0x16e: {  	[sflag:s17] =	ssyncset.done $0x0  }
0x16f: {  	s9 =	rddreg [dreg:$0x18];
	[sflag:s17] =	ssyncadd.s32 $0xFFFFD800  }
0x170: {  	[spmem:s3] =	stream.indirect.scatter.add.f32 [tilespmem:s13], [sflag:$0x5], $0x80, s9, s12, $0xb8;
	v63 =	vld [tilespmem:$0x0]  }
0x171: {  	_ =	swait.ge [sflag:s18], $0x2800  }
0x172: {  	[sflag:s18] =	ssyncset.done $0x0  }
0x173: {  	s9 =	rddreg [dreg:$0x19];
	[sflag:s18] =	ssyncadd.s32 $0xFFFFD800  }
0x174: {  	[spmem:s3] =	stream.indirect.scatter.add.f32 [tilespmem:s14], [sflag:$0x6], $0x80, s9, s12, $0xb8;
	v63 =	vld [tilespmem:$0x0]  }
0x175: {  	_ =	swait.ge [sflag:s19], $0x2800  }
0x176: {  	[sflag:s19] =	ssyncset.done $0x0  }
0x177: {  	s9 =	rddreg [dreg:$0x1a];
	[sflag:s19] =	ssyncadd.s32 $0xFFFFD800  }
0x178: {  	[spmem:s3] =	stream.indirect.scatter.add.f32 [tilespmem:s15], [sflag:$0x7], $0x80, s9, s12, $0xb8;
	v63 =	vld [tilespmem:$0x0]  }
0x179: {  	_ =	swait.ge [sflag:s20], $0x2800  }
0x17a: {  	[sflag:s20] =	ssyncset.done $0x0  }
0x17b: {  	s9 =	rddreg [dreg:$0x1b];
	[sflag:s20] =	ssyncadd.s32 $0xFFFFD800  }
0x17c: {  	[spmem:s3] =	stream.indirect.scatter.add.f32 [tilespmem:s16], [sflag:$0x8], $0x80, s9, s12, $0xb8;
	v63 =	vld [tilespmem:$0x0]  }
0x17d: {  	_ =	swait.ge [sflag:s21], $0x2800  }
0x17e: {  	[sflag:s21] =	ssyncset.done $0x0  }
0x17f: {  	s9 =	rddreg [dreg:$0x1c];
	[sflag:s21] =	ssyncadd.s32 $0xFFFFD800  }
0x180: {  	[tilespmem:s13], [sflag:$0x1] =	stream.indirect.gather [hbm4b:s5+s12], $0x80, s9, s12, $0xb8;
	v63 =	vld [tilespmem:$0x0]  }
0x181: {  	_ =	swait.ge [sflag:s22], $0x2800  }
0x182: {  	[sflag:s22] =	ssyncset.done $0x0  }
0x183: {  	s9 =	rddreg [dreg:$0x1d];
	[sflag:s22] =	ssyncadd.s32 $0xFFFFD800  }
0x184: {  	[tilespmem:s14], [sflag:$0x2] =	stream.indirect.gather [hbm4b:s5+s12], $0x80, s9, s12, $0xb8;
	v63 =	vld [tilespmem:$0x0]  }
0x185: {  	_ =	swait.ge [sflag:s23], $0x2800  }
0x186: {  	[sflag:s23] =	ssyncset.done $0x0  }
0x187: {  	s9 =	rddreg [dreg:$0x1e];
	[sflag:s23] =	ssyncadd.s32 $0xFFFFD800  }
0x188: {  	[tilespmem:s15], [sflag:$0x3] =	stream.indirect.gather [hbm4b:s5+s12], $0x80, s9, s12, $0xb8;
	v63 =	vld [tilespmem:$0x0]  }
0x189: {  	_ =	swait.ge [sflag:s24], $0x2800  }
0x18a: {  	[sflag:s24] =	ssyncset.done $0x0  }
0x18b: {  	s9 =	rddreg [dreg:$0x1f];
	[sflag:s24] =	ssyncadd.s32 $0xFFFFD800  }
0x18c: {  	[tilespmem:s16], [sflag:$0x4] =	stream.indirect.gather [hbm4b:s5+s12], $0x80, s9, s12, $0xb8;
	v63 =	vld [tilespmem:$0x0]  }
0x18d: {  	_ =	swait.ge [sflag:s17], $0x2800  }
0x18e: {  	s9 =	sld [smem:$0x7EF]  }
0x18f: {  	[sflag:s17] =	ssyncset.done $0x0  }
0x190: {  	[sflag:s17] =	ssyncadd.s32 $0xFFFFD800  }
0x191: {  	[spmem:s3] =	stream.indirect.scatter.add.f32 [tilespmem:s13], [sflag:$0x5], $0x80, s9, s12, $0xb8;
	v63 =	vld [tilespmem:$0x0]  }
0x192: {  	_ =	swait.ge [sflag:s18], $0x2800  }
0x193: {  	s9 =	sld [smem:$0x7F0]  }
0x194: {  	[sflag:s18] =	ssyncset.done $0x0  }
0x195: {  	[sflag:s18] =	ssyncadd.s32 $0xFFFFD800  }
0x196: {  	[spmem:s3] =	stream.indirect.scatter.add.f32 [tilespmem:s14], [sflag:$0x6], $0x80, s9, s12, $0xb8;
	v63 =	vld [tilespmem:$0x0]  }
0x197: {  	_ =	swait.ge [sflag:s19], $0x2800  }
0x198: {  	s9 =	sld [smem:$0x7F1]  }
0x199: {  	[sflag:s19] =	ssyncset.done $0x0  }
0x19a: {  	[sflag:s19] =	ssyncadd.s32 $0xFFFFD800  }
0x19b: {  	[spmem:s3] =	stream.indirect.scatter.add.f32 [tilespmem:s15], [sflag:$0x7], $0x80, s9, s12, $0xb8;
	v63 =	vld [tilespmem:$0x0]  }
0x19c: {  	_ =	swait.ge [sflag:s20], $0x2800  }
0x19d: {  	s9 =	sld [smem:$0x7F2]  }
0x19e: {  	[sflag:s20] =	ssyncset.done $0x0  }
0x19f: {  	[sflag:s20] =	ssyncadd.s32 $0xFFFFD800  }
0x1a0: {  	[spmem:s3] =	stream.indirect.scatter.add.f32 [tilespmem:s16], [sflag:$0x8], $0x80, s9, s12, $0xb8;
	v63 =	vld [tilespmem:$0x0]  }
0x1a1: {  	_ =	swait.ge [sflag:s21], $0x2800  }
0x1a2: {  	s9 =	sld [smem:$0x7F3]  }
0x1a3: {  	[sflag:s21] =	ssyncset.done $0x0  }
0x1a4: {  	[sflag:s21] =	ssyncadd.s32 $0xFFFFD800  }
0x1a5: {  	[tilespmem:s13], [sflag:$0x1] =	stream.indirect.gather [hbm4b:s5+s12], $0x80, s9, s12, $0xb8;
	v63 =	vld [tilespmem:$0x0]  }
0x1a6: {  	_ =	swait.ge [sflag:s22], $0x2800  }
0x1a7: {  	s9 =	sld [smem:$0x7F4]  }
0x1a8: {  	[sflag:s22] =	ssyncset.done $0x0  }
0x1a9: {  	[sflag:s22] =	ssyncadd.s32 $0xFFFFD800  }
0x1aa: {  	[tilespmem:s14], [sflag:$0x2] =	stream.indirect.gather [hbm4b:s5+s12], $0x80, s9, s12, $0xb8;
	v63 =	vld [tilespmem:$0x0]  }
0x1ab: {  	_ =	swait.ge [sflag:s23], $0x2800  }
0x1ac: {  	s9 =	sld [smem:$0x7F5]  }
0x1ad: {  	[sflag:s23] =	ssyncset.done $0x0  }
0x1ae: {  	[sflag:s23] =	ssyncadd.s32 $0xFFFFD800  }
0x1af: {  	[tilespmem:s15], [sflag:$0x3] =	stream.indirect.gather [hbm4b:s5+s12], $0x80, s9, s12, $0xb8;
	v63 =	vld [tilespmem:$0x0]  }
0x1b0: {  	_ =	swait.ge [sflag:s24], $0x2800  }
0x1b1: {  	s9 =	sld [smem:$0x7F6]  }
0x1b2: {  	[sflag:s24] =	ssyncset.done $0x0  }
0x1b3: {  	[sflag:s24] =	ssyncadd.s32 $0xFFFFD800  }
0x1b4: {  	[tilespmem:s16], [sflag:$0x4] =	stream.indirect.gather [hbm4b:s5+s12], $0x80, s9, s12, $0xb8;
	v63 =	vld [tilespmem:$0x0]  }
0x1b5: {  	_ =	swait.ge [sflag:s17], $0x2800  }
0x1b6: {  	s9 =	sld [smem:$0x7F7]  }
0x1b7: {  	[sflag:s17] =	ssyncset.done $0x0  }
0x1b8: {  	[sflag:s17] =	ssyncadd.s32 $0xFFFFD800  }
0x1b9: {  	[spmem:s3] =	stream.indirect.scatter.add.f32 [tilespmem:s13], [sflag:$0x5], $0x80, s9, s12, $0xb8;
	v63 =	vld [tilespmem:$0x0]  }
0x1ba: {  	_ =	swait.ge [sflag:s18], $0x2800  }
0x1bb: {  	s9 =	sld [smem:$0x7F8]  }
0x1bc: {  	[sflag:s18] =	ssyncset.done $0x0  }
0x1bd: {  	[sflag:s18] =	ssyncadd.s32 $0xFFFFD800  }
0x1be: {  	[spmem:s3] =	stream.indirect.scatter.add.f32 [tilespmem:s14], [sflag:$0x6], $0x80, s9, s12, $0xb8;
	v63 =	vld [tilespmem:$0x0]  }
0x1bf: {  	_ =	swait.ge [sflag:s19], $0x2800  }
0x1c0: {  	s9 =	sld [smem:$0x7F9]  }
0x1c1: {  	[sflag:s19] =	ssyncset.done $0x0  }
0x1c2: {  	[sflag:s19] =	ssyncadd.s32 $0xFFFFD800  }
0x1c3: {  	[spmem:s3] =	stream.indirect.scatter.add.f32 [tilespmem:s15], [sflag:$0x7], $0x80, s9, s12, $0xb8;
	v63 =	vld [tilespmem:$0x0]  }
0x1c4: {  	_ =	swait.ge [sflag:s20], $0x2800  }
0x1c5: {  	s9 =	sld [smem:$0x7FA]  }
0x1c6: {  	[sflag:s20] =	ssyncset.done $0x0  }
0x1c7: {  	[sflag:s20] =	ssyncadd.s32 $0xFFFFD800  }
0x1c8: {  	[spmem:s3] =	stream.indirect.scatter.add.f32 [tilespmem:s16], [sflag:$0x8], $0x80, s9, s12, $0xb8;
	v63 =	vld [tilespmem:$0x0]  }
0x1c9: {  	_ =	swait.ge [sflag:s21], $0x2800  }
0x1ca: {  	s9 =	sld [smem:$0x7FB]  }
0x1cb: {  	[sflag:s21] =	ssyncset.done $0x0  }
0x1cc: {  	[sflag:s21] =	ssyncadd.s32 $0xFFFFD800  }
0x1cd: {  	[tilespmem:s13], [sflag:$0x1] =	stream.indirect.gather [hbm4b:s5+s12], $0x80, s9, s12, $0xb8;
	v63 =	vld [tilespmem:$0x0]  }
0x1ce: {  	_ =	swait.ge [sflag:s22], $0x2800  }
0x1cf: {  	[sflag:s22] =	ssyncset.done $0x0  }
0x1d0: {  	[sflag:s22] =	ssyncadd.s32 $0xFFFFD800  }
0x1d1: {  	[tilespmem:s14], [sflag:$0x2] =	stream.indirect.gather [hbm4b:s5+s12], $0x80, s25, s12, $0xb8;
	v63 =	vld [tilespmem:$0x0]  }
0x1d2: {  	_ =	swait.ge [sflag:s23], $0x2800  }
0x1d3: {  	[sflag:s23] =	ssyncset.done $0x0  }
0x1d4: {  	[sflag:s23] =	ssyncadd.s32 $0xFFFFD800  }
0x1d5: {  	[tilespmem:s15], [sflag:$0x3] =	stream.indirect.gather [hbm4b:s5+s12], $0x80, s26, s12, $0xb8;
	v63 =	vld [tilespmem:$0x0]  }
0x1d6: {  	_ =	swait.ge [sflag:s24], $0x2800  }
0x1d7: {  	[sflag:s24] =	ssyncset.done $0x0  }
0x1d8: {  	[sflag:s24] =	ssyncadd.s32 $0xFFFFD800  }
0x1d9: {  	[tilespmem:s16], [sflag:$0x4] =	stream.indirect.gather [hbm4b:s5+s12], $0x80, s28, s12, $0xb8;
	v63 =	vld [tilespmem:$0x0]  }
0x1da: {  	_ =	swait.ge [sflag:s17], $0x2800  }
0x1db: {  	[sflag:s17] =	ssyncset.done $0x0  }
0x1dc: {  	[sflag:s17] =	ssyncadd.s32 $0xFFFFD800  }
0x1dd: {  	[spmem:s3] =	stream.indirect.scatter.add.f32 [tilespmem:s13], [sflag:$0x5], $0x80, s29, s12, $0xb8;
	v63 =	vld [tilespmem:$0x0]  }
0x1de: {  	_ =	swait.ge [sflag:s18], $0x2800  }
0x1df: {  	[sflag:s18] =	ssyncset.done $0x0  }
0x1e0: {  	[sflag:s18] =	ssyncadd.s32 $0xFFFFD800  }
0x1e1: {  	[spmem:s3] =	stream.indirect.scatter.add.f32 [tilespmem:s14], [sflag:$0x6], $0x80, s30, s12, $0xb8;
	v63 =	vld [tilespmem:$0x0]  }
0x1e2: {  	_ =	swait.ge [sflag:s19], $0x2800  }
0x1e3: {  	[sflag:s19] =	ssyncset.done $0x0  }
0x1e4: {  	[sflag:s19] =	ssyncadd.s32 $0xFFFFD800  }
0x1e5: {  	[spmem:s3] =	stream.indirect.scatter.add.f32 [tilespmem:s15], [sflag:$0x7], $0x80, s31, s12, $0xb8;
	v63 =	vld [tilespmem:$0x0]  }
0x1e6: {  	_ =	swait.ge [sflag:s20], $0x2800  }
0x1e7: {  	[sflag:s20] =	ssyncset.done $0x0  }
0x1e8: {  	[sflag:s20] =	ssyncadd.s32 $0xFFFFD800  }
0x1e9: {  	[spmem:s3] =	stream.indirect.scatter.add.f32 [tilespmem:s16], [sflag:$0x8], $0x80, s1, s12, $0xb8;
	v63 =	vld [tilespmem:$0x0]  }
0x1ea: {  	_ =	swait.ge [sflag:s21], $0x2800  }
0x1eb: {  	[sflag:s21] =	ssyncset.done $0x0  }
0x1ec: {  	[sflag:s21] =	ssyncadd.s32 $0xFFFFD800  }
0x1ed: {  	_ =	swait.ge [sflag:s22], $0x2800  }
0x1ee: {  	[sflag:s22] =	ssyncset.done $0x0  }
0x1ef: {  	[sflag:s22] =	ssyncadd.s32 $0xFFFFD800  }
0x1f0: {  	_ =	swait.ge [sflag:s23], $0x2800  }
0x1f1: {  	[sflag:s23] =	ssyncset.done $0x0  }
0x1f2: {  	[sflag:s23] =	ssyncadd.s32 $0xFFFFD800  }
0x1f3: {  	_ =	swait.ge [sflag:s24], $0x2800  }
0x1f4: {  	[sflag:s24] =	ssyncset.done $0x0  }
0x1f5: {  	[sflag:s24] =	ssyncadd.s32 $0xFFFFD800  }
0x1f6: {  	[tilespmem:s13], [sflag:$0x1] =	stream.indirect.gather [hbm4b:s5+s12], $0x80, s0, s12, $0xb8;
	v63 =	vld [tilespmem:$0x0]  }
0x1f7: {  	p0 =	sne.s32 s6, $0x800;
	_ =	swait.ge [sflag:s17], $0x2800  }
.Ltmp0:
0x1f8: {  	[sflag:s17] =	ssyncset.done $0x0;
	(pc) =	sbr.rel @p0 .LBB2_2-.Ltmp0, $4  }
0x1f9: {  	[sflag:s17] =	ssyncadd.s32 $0xFFFFD800  }
0x1fa: {  	[spmem:s3] =	stream.indirect.scatter.add.f32 [tilespmem:s13], [sflag:$0x9], $0x80, s2, s12, $0xb8;
	v63 =	vld [tilespmem:$0x0]  }
0x1fb: {  	_ =	swait.ge [sflag:s10], $0x2800  }
0x1fc: {  	s6 =	sadd.s32 $0x200, s6;
	s9 =	rddreg [dreg:$0x5];
	[sflag:s10] =	ssyncset.done $0x0  }
0x1fd: {  	[sflag:s10] =	ssyncadd.s32 $0xFFFFD800;
	s6 =	sadd.s32 s8, s9  }
0x1fe: {  	[tilespmem:s4], [sflag:$0x9] =	stream.linear.gather [hbm4b:s6+s4], $0xC80, $0x38;
	v63 =	vld [tilespmem:$0x0]  }
0x1ff: {  	_ =	swait.ge [sflag:s10], $0xC80  }
0x200: {  	s7 =	rddreg [dreg:$0x4];
	[sflag:s10] =	ssyncset.done $0x0  }
0x201: {  	[sflag:s10] =	ssyncadd.s32 $0xFFFFF380;
	s6 =	sadd.s32 s8, s7  }
0x202: {  	[tilespmem:s11], [sflag:$0x9] =	stream.linear.gather [hbm4b:s6+s4], $0xC80, $0x38;
	v63 =	vld [tilespmem:$0x0]  }
0x203: {  	_ =	swait.ge [sflag:s10], $0xC80  }
0x204: {  	[sflag:s10] =	ssyncset.done $0x0  }
0x205: {  	[sflag:s10] =	ssyncadd.s32 $0xFFFFF380  }
0x206: {  	[tilespmem:s13], [sflag:$0x1] =	stream.indirect.gather [hbm4b:s5+s12], $0x80, s4, s12, $0xb8;
	v63 =	vld [tilespmem:$0x0]  }
0x207: {  	s9 =	rddreg [dreg:$0x6]  }
0x208: {  	[tilespmem:s14], [sflag:$0x2] =	stream.indirect.gather [hbm4b:s5+s12], $0x80, s9, s12, $0xb8;
	v63 =	vld [tilespmem:$0x0]  }
0x209: {  	s7 =	rddreg [dreg:$0x7]  }
0x20a: {  	[tilespmem:s15], [sflag:$0x3] =	stream.indirect.gather [hbm4b:s5+s12], $0x80, s7, s12, $0xb8;
	v63 =	vld [tilespmem:$0x0]  }
0x20b: {  	s8 =	rddreg [dreg:$0x8]  }
0x20c: {  	[tilespmem:s16], [sflag:$0x4] =	stream.indirect.gather [hbm4b:s5+s12], $0x80, s8, s12, $0xb8;
	v63 =	vld [tilespmem:$0x0]  }
0x20d: {  	_ =	swait.ge [sflag:s17], $0x2800  }
0x20e: {  	[sflag:s17] =	ssyncset.done $0x0  }
0x20f: {  	[sflag:s17] =	ssyncadd.s32 $0xFFFFD800  }
0x210: {  	[spmem:s3] =	stream.indirect.scatter.add.f32 [tilespmem:s13], [sflag:$0x5], $0x80, s11, s12, $0xb8;
	v63 =	vld [tilespmem:$0x0]  }
0x211: {  	_ =	swait.ge [sflag:s18], $0x2800  }
0x212: {  	[sflag:s18] =	ssyncset.done $0x0  }
0x213: {  	s9 =	rddreg [dreg:$0x9];
	[sflag:s18] =	ssyncadd.s32 $0xFFFFD800  }
0x214: {  	[spmem:s3] =	stream.indirect.scatter.add.f32 [tilespmem:s14], [sflag:$0x6], $0x80, s9, s12, $0xb8;
	v63 =	vld [tilespmem:$0x0]  }
0x215: {  	_ =	swait.ge [sflag:s19], $0x2800  }
0x216: {  	[sflag:s19] =	ssyncset.done $0x0  }
0x217: {  	s7 =	rddreg [dreg:$0xa];
	[sflag:s19] =	ssyncadd.s32 $0xFFFFD800  }
0x218: {  	[spmem:s3] =	stream.indirect.scatter.add.f32 [tilespmem:s15], [sflag:$0x7], $0x80, s7, s12, $0xb8;
	v63 =	vld [tilespmem:$0x0]  }
0x219: {  	_ =	swait.ge [sflag:s20], $0x2800  }
0x21a: {  	[sflag:s20] =	ssyncset.done $0x0  }
0x21b: {  	s8 =	rddreg [dreg:$0xb];
	[sflag:s20] =	ssyncadd.s32 $0xFFFFD800  }
0x21c: {  	[spmem:s3] =	stream.indirect.scatter.add.f32 [tilespmem:s16], [sflag:$0x8], $0x80, s8, s12, $0xb8;
	v63 =	vld [tilespmem:$0x0]  }
0x21d: {  	_ =	swait.ge [sflag:s21], $0x2800  }
0x21e: {  	[sflag:s21] =	ssyncset.done $0x0  }
0x21f: {  	s9 =	rddreg [dreg:$0xc];
	[sflag:s21] =	ssyncadd.s32 $0xFFFFD800  }
0x220: {  	[tilespmem:s13], [sflag:$0x1] =	stream.indirect.gather [hbm4b:s5+s12], $0x80, s9, s12, $0xb8;
	v63 =	vld [tilespmem:$0x0]  }
0x221: {  	_ =	swait.ge [sflag:s22], $0x2800  }
0x222: {  	[sflag:s22] =	ssyncset.done $0x0  }
0x223: {  	s7 =	rddreg [dreg:$0xd];
	[sflag:s22] =	ssyncadd.s32 $0xFFFFD800  }
0x224: {  	[tilespmem:s14], [sflag:$0x2] =	stream.indirect.gather [hbm4b:s5+s12], $0x80, s7, s12, $0xb8;
	v63 =	vld [tilespmem:$0x0]  }
0x225: {  	_ =	swait.ge [sflag:s23], $0x2800  }
0x226: {  	[sflag:s23] =	ssyncset.done $0x0  }
0x227: {  	s8 =	rddreg [dreg:$0xe];
	[sflag:s23] =	ssyncadd.s32 $0xFFFFD800  }
0x228: {  	[tilespmem:s15], [sflag:$0x3] =	stream.indirect.gather [hbm4b:s5+s12], $0x80, s8, s12, $0xb8;
	v63 =	vld [tilespmem:$0x0]  }
0x229: {  	_ =	swait.ge [sflag:s24], $0x2800  }
0x22a: {  	[sflag:s24] =	ssyncset.done $0x0  }
0x22b: {  	s9 =	rddreg [dreg:$0xf];
	[sflag:s24] =	ssyncadd.s32 $0xFFFFD800  }
0x22c: {  	[tilespmem:s16], [sflag:$0x4] =	stream.indirect.gather [hbm4b:s5+s12], $0x80, s9, s12, $0xb8;
	v63 =	vld [tilespmem:$0x0]  }
0x22d: {  	_ =	swait.ge [sflag:s17], $0x2800  }
0x22e: {  	[sflag:s17] =	ssyncset.done $0x0  }
0x22f: {  	s7 =	rddreg [dreg:$0x10];
	[sflag:s17] =	ssyncadd.s32 $0xFFFFD800  }
0x230: {  	[spmem:s3] =	stream.indirect.scatter.add.f32 [tilespmem:s13], [sflag:$0x5], $0x80, s7, s12, $0xb8;
	v63 =	vld [tilespmem:$0x0]  }
0x231: {  	_ =	swait.ge [sflag:s18], $0x2800  }
0x232: {  	[sflag:s18] =	ssyncset.done $0x0  }
0x233: {  	s8 =	rddreg [dreg:$0x11];
	[sflag:s18] =	ssyncadd.s32 $0xFFFFD800  }
0x234: {  	[spmem:s3] =	stream.indirect.scatter.add.f32 [tilespmem:s14], [sflag:$0x6], $0x80, s8, s12, $0xb8;
	v63 =	vld [tilespmem:$0x0]  }
0x235: {  	_ =	swait.ge [sflag:s19], $0x2800  }
0x236: {  	[sflag:s19] =	ssyncset.done $0x0  }
0x237: {  	s9 =	rddreg [dreg:$0x12];
	[sflag:s19] =	ssyncadd.s32 $0xFFFFD800  }
0x238: {  	[spmem:s3] =	stream.indirect.scatter.add.f32 [tilespmem:s15], [sflag:$0x7], $0x80, s9, s12, $0xb8;
	v63 =	vld [tilespmem:$0x0]  }
0x239: {  	_ =	swait.ge [sflag:s20], $0x2800  }
0x23a: {  	[sflag:s20] =	ssyncset.done $0x0  }
0x23b: {  	s7 =	rddreg [dreg:$0x13];
	[sflag:s20] =	ssyncadd.s32 $0xFFFFD800  }
0x23c: {  	[spmem:s3] =	stream.indirect.scatter.add.f32 [tilespmem:s16], [sflag:$0x8], $0x80, s7, s12, $0xb8;
	v63 =	vld [tilespmem:$0x0]  }
0x23d: {  	_ =	swait.ge [sflag:s21], $0x2800  }
0x23e: {  	[sflag:s21] =	ssyncset.done $0x0  }
0x23f: {  	s8 =	rddreg [dreg:$0x14];
	[sflag:s21] =	ssyncadd.s32 $0xFFFFD800  }
0x240: {  	[tilespmem:s13], [sflag:$0x1] =	stream.indirect.gather [hbm4b:s5+s12], $0x80, s8, s12, $0xb8;
	v63 =	vld [tilespmem:$0x0]  }
0x241: {  	_ =	swait.ge [sflag:s22], $0x2800  }
0x242: {  	[sflag:s22] =	ssyncset.done $0x0  }
0x243: {  	s9 =	rddreg [dreg:$0x15];
	[sflag:s22] =	ssyncadd.s32 $0xFFFFD800  }
0x244: {  	[tilespmem:s14], [sflag:$0x2] =	stream.indirect.gather [hbm4b:s5+s12], $0x80, s9, s12, $0xb8;
	v63 =	vld [tilespmem:$0x0]  }
0x245: {  	_ =	swait.ge [sflag:s23], $0x2800  }
0x246: {  	[sflag:s23] =	ssyncset.done $0x0  }
0x247: {  	s7 =	rddreg [dreg:$0x16];
	[sflag:s23] =	ssyncadd.s32 $0xFFFFD800  }
0x248: {  	[tilespmem:s15], [sflag:$0x3] =	stream.indirect.gather [hbm4b:s5+s12], $0x80, s7, s12, $0xb8;
	v63 =	vld [tilespmem:$0x0]  }
0x249: {  	_ =	swait.ge [sflag:s24], $0x2800  }
0x24a: {  	[sflag:s24] =	ssyncset.done $0x0  }
0x24b: {  	s8 =	rddreg [dreg:$0x17];
	[sflag:s24] =	ssyncadd.s32 $0xFFFFD800  }
0x24c: {  	[tilespmem:s16], [sflag:$0x4] =	stream.indirect.gather [hbm4b:s5+s12], $0x80, s8, s12, $0xb8;
	v63 =	vld [tilespmem:$0x0]  }
0x24d: {  	_ =	swait.ge [sflag:s17], $0x2800  }
0x24e: {  	[sflag:s17] =	ssyncset.done $0x0  }
0x24f: {  	s9 =	rddreg [dreg:$0x18];
	[sflag:s17] =	ssyncadd.s32 $0xFFFFD800  }
0x250: {  	[spmem:s3] =	stream.indirect.scatter.add.f32 [tilespmem:s13], [sflag:$0x5], $0x80, s9, s12, $0xb8;
	v63 =	vld [tilespmem:$0x0]  }
0x251: {  	_ =	swait.ge [sflag:s18], $0x2800  }
0x252: {  	[sflag:s18] =	ssyncset.done $0x0  }
0x253: {  	s7 =	rddreg [dreg:$0x19];
	[sflag:s18] =	ssyncadd.s32 $0xFFFFD800  }
0x254: {  	[spmem:s3] =	stream.indirect.scatter.add.f32 [tilespmem:s14], [sflag:$0x6], $0x80, s7, s12, $0xb8;
	v63 =	vld [tilespmem:$0x0]  }
0x255: {  	_ =	swait.ge [sflag:s19], $0x2800  }
0x256: {  	[sflag:s19] =	ssyncset.done $0x0  }
0x257: {  	s8 =	rddreg [dreg:$0x1a];
	[sflag:s19] =	ssyncadd.s32 $0xFFFFD800  }
0x258: {  	[spmem:s3] =	stream.indirect.scatter.add.f32 [tilespmem:s15], [sflag:$0x7], $0x80, s8, s12, $0xb8;
	v63 =	vld [tilespmem:$0x0]  }
0x259: {  	_ =	swait.ge [sflag:s20], $0x2800  }
0x25a: {  	[sflag:s20] =	ssyncset.done $0x0  }
0x25b: {  	s9 =	rddreg [dreg:$0x1b];
	[sflag:s20] =	ssyncadd.s32 $0xFFFFD800  }
0x25c: {  	[spmem:s3] =	stream.indirect.scatter.add.f32 [tilespmem:s16], [sflag:$0x8], $0x80, s9, s12, $0xb8;
	v63 =	vld [tilespmem:$0x0]  }
0x25d: {  	_ =	swait.ge [sflag:s21], $0x2800  }
0x25e: {  	[sflag:s21] =	ssyncset.done $0x0  }
0x25f: {  	s7 =	rddreg [dreg:$0x1c];
	[sflag:s21] =	ssyncadd.s32 $0xFFFFD800  }
0x260: {  	[tilespmem:s13], [sflag:$0x1] =	stream.indirect.gather [hbm4b:s5+s12], $0x80, s7, s12, $0xb8;
	v63 =	vld [tilespmem:$0x0]  }
0x261: {  	_ =	swait.ge [sflag:s22], $0x2800  }
0x262: {  	[sflag:s22] =	ssyncset.done $0x0  }
0x263: {  	s8 =	rddreg [dreg:$0x1d];
	[sflag:s22] =	ssyncadd.s32 $0xFFFFD800  }
0x264: {  	[tilespmem:s14], [sflag:$0x2] =	stream.indirect.gather [hbm4b:s5+s12], $0x80, s8, s12, $0xb8;
	v63 =	vld [tilespmem:$0x0]  }
0x265: {  	_ =	swait.ge [sflag:s23], $0x2800  }
0x266: {  	[sflag:s23] =	ssyncset.done $0x0  }
0x267: {  	s9 =	rddreg [dreg:$0x1e];
	[sflag:s23] =	ssyncadd.s32 $0xFFFFD800  }
0x268: {  	[tilespmem:s15], [sflag:$0x3] =	stream.indirect.gather [hbm4b:s5+s12], $0x80, s9, s12, $0xb8;
	v63 =	vld [tilespmem:$0x0]  }
0x269: {  	_ =	swait.ge [sflag:s24], $0x2800  }
0x26a: {  	[sflag:s24] =	ssyncset.done $0x0  }
0x26b: {  	s7 =	rddreg [dreg:$0x1f];
	[sflag:s24] =	ssyncadd.s32 $0xFFFFD800  }
0x26c: {  	[tilespmem:s16], [sflag:$0x4] =	stream.indirect.gather [hbm4b:s5+s12], $0x80, s7, s12, $0xb8;
	v63 =	vld [tilespmem:$0x0]  }
0x26d: {  	_ =	swait.ge [sflag:s17], $0x2800  }
0x26e: {  	s8 =	sld [smem:$0x7EF]  }
0x26f: {  	[sflag:s17] =	ssyncset.done $0x0  }
0x270: {  	[sflag:s17] =	ssyncadd.s32 $0xFFFFD800  }
0x271: {  	[spmem:s3] =	stream.indirect.scatter.add.f32 [tilespmem:s13], [sflag:$0x5], $0x80, s8, s12, $0xb8;
	v63 =	vld [tilespmem:$0x0]  }
0x272: {  	_ =	swait.ge [sflag:s18], $0x2800  }
0x273: {  	s9 =	sld [smem:$0x7F0]  }
0x274: {  	[sflag:s18] =	ssyncset.done $0x0  }
0x275: {  	[sflag:s18] =	ssyncadd.s32 $0xFFFFD800  }
0x276: {  	[spmem:s3] =	stream.indirect.scatter.add.f32 [tilespmem:s14], [sflag:$0x6], $0x80, s9, s12, $0xb8;
	v63 =	vld [tilespmem:$0x0]  }
0x277: {  	_ =	swait.ge [sflag:s19], $0x2800  }
0x278: {  	s7 =	sld [smem:$0x7F1]  }
0x279: {  	[sflag:s19] =	ssyncset.done $0x0  }
0x27a: {  	[sflag:s19] =	ssyncadd.s32 $0xFFFFD800  }
0x27b: {  	[spmem:s3] =	stream.indirect.scatter.add.f32 [tilespmem:s15], [sflag:$0x7], $0x80, s7, s12, $0xb8;
	v63 =	vld [tilespmem:$0x0]  }
0x27c: {  	_ =	swait.ge [sflag:s20], $0x2800  }
0x27d: {  	s8 =	sld [smem:$0x7F2]  }
0x27e: {  	[sflag:s20] =	ssyncset.done $0x0  }
0x27f: {  	[sflag:s20] =	ssyncadd.s32 $0xFFFFD800  }
0x280: {  	[spmem:s3] =	stream.indirect.scatter.add.f32 [tilespmem:s16], [sflag:$0x8], $0x80, s8, s12, $0xb8;
	v63 =	vld [tilespmem:$0x0]  }
0x281: {  	_ =	swait.ge [sflag:s21], $0x2800  }
0x282: {  	s9 =	sld [smem:$0x7F3]  }
0x283: {  	[sflag:s21] =	ssyncset.done $0x0  }
0x284: {  	[sflag:s21] =	ssyncadd.s32 $0xFFFFD800  }
0x285: {  	[tilespmem:s13], [sflag:$0x1] =	stream.indirect.gather [hbm4b:s5+s12], $0x80, s9, s12, $0xb8;
	v63 =	vld [tilespmem:$0x0]  }
0x286: {  	_ =	swait.ge [sflag:s22], $0x2800  }
0x287: {  	s7 =	sld [smem:$0x7F4]  }
0x288: {  	[sflag:s22] =	ssyncset.done $0x0  }
0x289: {  	[sflag:s22] =	ssyncadd.s32 $0xFFFFD800  }
0x28a: {  	[tilespmem:s14], [sflag:$0x2] =	stream.indirect.gather [hbm4b:s5+s12], $0x80, s7, s12, $0xb8;
	v63 =	vld [tilespmem:$0x0]  }
0x28b: {  	_ =	swait.ge [sflag:s23], $0x2800  }
0x28c: {  	s8 =	sld [smem:$0x7F5]  }
0x28d: {  	[sflag:s23] =	ssyncset.done $0x0  }
0x28e: {  	[sflag:s23] =	ssyncadd.s32 $0xFFFFD800  }
0x28f: {  	[tilespmem:s15], [sflag:$0x3] =	stream.indirect.gather [hbm4b:s5+s12], $0x80, s8, s12, $0xb8;
	v63 =	vld [tilespmem:$0x0]  }
0x290: {  	_ =	swait.ge [sflag:s24], $0x2800  }
0x291: {  	s9 =	sld [smem:$0x7F6]  }
0x292: {  	[sflag:s24] =	ssyncset.done $0x0  }
0x293: {  	[sflag:s24] =	ssyncadd.s32 $0xFFFFD800  }
0x294: {  	[tilespmem:s16], [sflag:$0x4] =	stream.indirect.gather [hbm4b:s5+s12], $0x80, s9, s12, $0xb8;
	v63 =	vld [tilespmem:$0x0]  }
0x295: {  	_ =	swait.ge [sflag:s17], $0x2800  }
0x296: {  	s7 =	sld [smem:$0x7F7]  }
0x297: {  	[sflag:s17] =	ssyncset.done $0x0  }
0x298: {  	[sflag:s17] =	ssyncadd.s32 $0xFFFFD800  }
0x299: {  	[spmem:s3] =	stream.indirect.scatter.add.f32 [tilespmem:s13], [sflag:$0x5], $0x80, s7, s12, $0xb8;
	v63 =	vld [tilespmem:$0x0]  }
0x29a: {  	_ =	swait.ge [sflag:s18], $0x2800  }
0x29b: {  	s8 =	sld [smem:$0x7F8]  }
0x29c: {  	[sflag:s18] =	ssyncset.done $0x0  }
0x29d: {  	[sflag:s18] =	ssyncadd.s32 $0xFFFFD800  }
0x29e: {  	[spmem:s3] =	stream.indirect.scatter.add.f32 [tilespmem:s14], [sflag:$0x6], $0x80, s8, s12, $0xb8;
	v63 =	vld [tilespmem:$0x0]  }
0x29f: {  	_ =	swait.ge [sflag:s19], $0x2800  }
0x2a0: {  	s9 =	sld [smem:$0x7F9]  }
0x2a1: {  	[sflag:s19] =	ssyncset.done $0x0  }
0x2a2: {  	[sflag:s19] =	ssyncadd.s32 $0xFFFFD800  }
0x2a3: {  	[spmem:s3] =	stream.indirect.scatter.add.f32 [tilespmem:s15], [sflag:$0x7], $0x80, s9, s12, $0xb8;
	v63 =	vld [tilespmem:$0x0]  }
0x2a4: {  	_ =	swait.ge [sflag:s20], $0x2800  }
0x2a5: {  	s7 =	sld [smem:$0x7FA]  }
0x2a6: {  	[sflag:s20] =	ssyncset.done $0x0  }
0x2a7: {  	[sflag:s20] =	ssyncadd.s32 $0xFFFFD800  }
0x2a8: {  	[spmem:s3] =	stream.indirect.scatter.add.f32 [tilespmem:s16], [sflag:$0x8], $0x80, s7, s12, $0xb8;
	v63 =	vld [tilespmem:$0x0]  }
0x2a9: {  	_ =	swait.ge [sflag:s21], $0x2800  }
0x2aa: {  	s8 =	sld [smem:$0x7FB]  }
0x2ab: {  	[sflag:s21] =	ssyncset.done $0x0  }
0x2ac: {  	[sflag:s21] =	ssyncadd.s32 $0xFFFFD800  }
0x2ad: {  	[tilespmem:s13], [sflag:$0x1] =	stream.indirect.gather [hbm4b:s5+s12], $0x80, s8, s12, $0xb8;
	v63 =	vld [tilespmem:$0x0]  }
0x2ae: {  	_ =	swait.ge [sflag:s22], $0x2800  }
0x2af: {  	[sflag:s22] =	ssyncset.done $0x0  }
0x2b0: {  	[sflag:s22] =	ssyncadd.s32 $0xFFFFD800  }
0x2b1: {  	[tilespmem:s14], [sflag:$0x2] =	stream.indirect.gather [hbm4b:s5+s12], $0x80, s25, s12, $0xb8;
	v63 =	vld [tilespmem:$0x0]  }
0x2b2: {  	_ =	swait.ge [sflag:s23], $0x2800  }
0x2b3: {  	[sflag:s23] =	ssyncset.done $0x0  }
0x2b4: {  	[sflag:s23] =	ssyncadd.s32 $0xFFFFD800  }
0x2b5: {  	[tilespmem:s15], [sflag:$0x3] =	stream.indirect.gather [hbm4b:s5+s12], $0x80, s26, s12, $0xb8;
	v63 =	vld [tilespmem:$0x0]  }
0x2b6: {  	_ =	swait.ge [sflag:s24], $0x2800  }
0x2b7: {  	[sflag:s24] =	ssyncset.done $0x0  }
0x2b8: {  	[sflag:s24] =	ssyncadd.s32 $0xFFFFD800  }
0x2b9: {  	[tilespmem:s16], [sflag:$0x4] =	stream.indirect.gather [hbm4b:s5+s12], $0x80, s28, s12, $0xb8;
	v63 =	vld [tilespmem:$0x0]  }
0x2ba: {  	_ =	swait.ge [sflag:s17], $0x2800  }
0x2bb: {  	[sflag:s17] =	ssyncset.done $0x0  }
0x2bc: {  	[sflag:s17] =	ssyncadd.s32 $0xFFFFD800  }
0x2bd: {  	[spmem:s3] =	stream.indirect.scatter.add.f32 [tilespmem:s13], [sflag:$0x5], $0x80, s29, s12, $0xb8;
	v63 =	vld [tilespmem:$0x0]  }
0x2be: {  	_ =	swait.ge [sflag:s18], $0x2800  }
0x2bf: {  	[sflag:s18] =	ssyncset.done $0x0  }
0x2c0: {  	[sflag:s18] =	ssyncadd.s32 $0xFFFFD800  }
0x2c1: {  	[spmem:s3] =	stream.indirect.scatter.add.f32 [tilespmem:s14], [sflag:$0x6], $0x80, s30, s12, $0xb8;
	v63 =	vld [tilespmem:$0x0]  }
0x2c2: {  	_ =	swait.ge [sflag:s19], $0x2800  }
0x2c3: {  	[sflag:s19] =	ssyncset.done $0x0  }
0x2c4: {  	[sflag:s19] =	ssyncadd.s32 $0xFFFFD800  }
0x2c5: {  	[spmem:s3] =	stream.indirect.scatter.add.f32 [tilespmem:s15], [sflag:$0x7], $0x80, s31, s12, $0xb8;
	v63 =	vld [tilespmem:$0x0]  }
0x2c6: {  	_ =	swait.ge [sflag:s20], $0x2800  }
0x2c7: {  	[sflag:s20] =	ssyncset.done $0x0  }
0x2c8: {  	[sflag:s20] =	ssyncadd.s32 $0xFFFFD800  }
0x2c9: {  	[spmem:s3] =	stream.indirect.scatter.add.f32 [tilespmem:s16], [sflag:$0x8], $0x80, s1, s12, $0xb8;
	v63 =	vld [tilespmem:$0x0]  }
0x2ca: {  	_ =	swait.ge [sflag:s21], $0x2800  }
0x2cb: {  	[sflag:s21] =	ssyncset.done $0x0  }
0x2cc: {  	[sflag:s21] =	ssyncadd.s32 $0xFFFFD800  }
0x2cd: {  	_ =	swait.ge [sflag:s22], $0x2800  }
0x2ce: {  	[sflag:s22] =	ssyncset.done $0x0  }
0x2cf: {  	[sflag:s22] =	ssyncadd.s32 $0xFFFFD800  }
0x2d0: {  	_ =	swait.ge [sflag:s23], $0x2800  }
0x2d1: {  	[sflag:s23] =	ssyncset.done $0x0  }
0x2d2: {  	[sflag:s23] =	ssyncadd.s32 $0xFFFFD800  }
0x2d3: {  	_ =	swait.ge [sflag:s24], $0x2800  }
0x2d4: {  	[sflag:s24] =	ssyncset.done $0x0  }
0x2d5: {  	[sflag:s24] =	ssyncadd.s32 $0xFFFFD800  }
0x2d6: {  	[tilespmem:s13], [sflag:$0x1] =	stream.indirect.gather [hbm4b:s5+s12], $0x80, s0, s12, $0xb8;
	v63 =	vld [tilespmem:$0x0]  }
0x2d7: {  	_ =	swait.ge [sflag:s17], $0x2800  }
0x2d8: {  	[sflag:s17] =	ssyncset.done $0x0  }
0x2d9: {  	[sflag:s17] =	ssyncadd.s32 $0xFFFFD800  }
0x2da: {  	[spmem:s3] =	stream.indirect.scatter.add.f32 [tilespmem:s13], [sflag:$0x9], $0x80, s2, s12, $0xb8;
	v63 =	vld [tilespmem:$0x0]  }
0x2db: {  	_ =	swait.ge [sflag:s10], $0x2800  }
0x2dc: {  	[sflag:s10] =	ssyncset.done $0x0  }
0x2dd: {  	[sflag:s10] =	ssyncadd.s32 $0xFFFFD800  }
0x2de: {  	[bflag:$0x0] =	sbarrier.arrive $0xFFFF  }
0x2df: {  	s7 =	sld [smem:$0x7FC]  }
0x2e0: {  	s9 =	sld [smem:$0x7ED]  }
0x2e1: {  	s8 =	sld [smem:$0x7FD];
	_ =	sdelay $0x2  }
0x2e2: {  	[hbm:s9], [sflag:s7] =	dma.local [spmem:s8], $0x2800  }
0x2e3: {  	_ =	swait.ge [sflag:s10], $0x2800  }
0x2e4: {  	s6 =	sld [smem:$0x7EC];
	_ =	sdelay $0x2  }
0x2e5: {  	s9 =	sadd.s32 $0x1, s6;
	s6 =	sld [smem:$0x7EE];
	_ =	sdelay $0x2  }
0x2e6: {  	p0 =	sne.s32 s9, s6  }
.Ltmp1:
0x2e7: {  	_ = 	snop;
	(pc) =	sbr.rel @p0 .LBB2_1-.Ltmp1, $3  }
0x2e8: {  	_ =	sdelay $0x1  }
0x2e9: {  	[sflag:s10] =	ssyncset.done $0x0  }
0x2ea: {  	[sflag:s10] =	ssyncadd.s32 $0xFFFFD800  }
0x2eb: {  	_ =	sfence.sel $0x180000  }
0x2ec: {  	[bflag:$0x0] =	sbarrier.arrive $0xFFFF  }
0x2ed: {  	_ =	strace $0x9000004D  }
0x2ee: {  	s0 =	stileid.u32;
	[bflag:$0x2] =	sbarrier.arrive $0xFFFF  }
0x2ef: {  	p0 =	sne.s32 s0, $0x0;
	s0 =	rddreg [dreg:$0x3]  }
0x2f0: {  	s0 =	sadd.s32 @!p0 $0x100000, s0  }
0x2f1: {  	[sflag:s0] =	ssyncadd.tile.s32 @!p0 $0x1;
	_ =	shalt  }
.Lfunc_end2:
_tile_overlayer_lowered:
.L_overlay_start_2:
0x2f2: {  	(tag) =	ssettag $0x2  }
0x2f3: {  	s0 =	rddreg [dreg:$0x0];
	s2 =	stileid.u32  }
0x2f4: {  	s1 =	rddreg [dreg:$0x1];
	p0 =	sne.s32 s2, $0x0  }
0x2f5: {  	s3 =	rddreg [dreg:$0x2];
	[bflag:$0x3] =	sbarrier.arrive $0xFFFF;
	s2 =	simm.s32 @!p0 $0x1C09  }
0x2f6: {  	[timem:s3], [sflag:s2] =	dma.local @!p0 [hbm:s0], s1  }
0x2f7: {  	s0 =	simm.s32 @!p0 $0x9  }
0x2f8: {  	_ =	swait.ge @!p0 [sflag:s0], s1  }
0x2f9: {  	s1 =	ssub.s32 @!p0 $0x0, s1;
	[sflag:s0] =	ssyncset.done @!p0 $0x0  }
0x2fa: {  	[sflag:s0] =	ssyncadd.s32 @!p0 s1  }
0x2fb: {  	[bflag:$0x3] =	sbarrier.arrive $0xFFFF  }
0x2fc: {  	_ =	shalt  }

// kernel: kernel.19.cloned.1.call-start
scs
__scs_entry_jumppad:
0x0: {  	(pc) =	sbr.rel $0x88, $3  }
0x1: {  	(tag) =	ssettag $0x0;
	lr =	simm.s32 $0x1  }
0x2: {  	[smem:$0x3F99] =	sst lr;
	_ =	strace $0xD0000000  }
0x3: {  	_ = 	snop  }
0x4: {  	_ = 	snop  }
0x5: {  	_ = 	snop  }
0x6: {  	_ = 	snop  }
0x7: {  	_ = 	snop  }
__scs_overlays_trampoline_lowered:
0x8: {  	[smem:$0x3FA8] =	sst s0  }
0x9: {  	[smem:$0x3FA9] =	sst s1  }
0xa: {  	[smem:$0x3FAA] =	sst s2  }
0xb: {  	[smem:$0x3FAB] =	sst s3  }
0xc: {  	[smem:$0x3FAC] =	sst s4  }
0xd: {  	[smem:$0x3FAD] =	sst s5  }
0xe: {  	[smem:$0x3FAE] =	sst s6  }
0xf: {  	[smem:$0x3FAF] =	sst s7  }
0x10: {  	[smem:$0x3FB0] =	sst s8  }
0x11: {  	[smem:$0x3FB1] =	sst s9;
	s0 =	simm.s32 @!p0 $0x0  }
0x12: {  	s1 =	sld [smem:$0x3F97];
	s0 =	simm.s32 @p0 $0x1  }
0x13: {  	[smem:$0x3FB2] =	sst s0;
	s0 =	simm.s32 @!p1 $0x0  }
0x14: {  	s2 =	sld [smem:$0x3F96];
	s0 =	simm.s32 @p1 $0x1  }
0x15: {  	[smem:$0x3FB3] =	sst s0;
	s0 =	simm.s32 @!p2 $0x0  }
0x16: {  	s3 =	sld [smem:$0x3FDB];
	s0 =	simm.s32 @p2 $0x1  }
0x17: {  	s4 =	simm.s32 $0x1BF5;
	[smem:$0x3FB5] =	sst s0  }
0x18: {  	s0 =	sld [smem:$0x3F98];
	_ =	swait.ge [sflag:s4], $0x0  }
0x19: {  	s7 =	sld [smem:$0x3F99]  }
0x1a: {  	s8 =	sadd.s32 $0xFFFFE003, lr  }
0x1b: {  	s9 =	sadd.s32 $0xFFFFFEF7, lr;
	s5 =	simm.s32 $0xFFFFFFFF;
	p2 =	slt.u32 s8, $0xFFFFF086  }
0x1c: {  	p1 =	slt.u32 s9, $0xF7A;
	s5 =	simm.s32 @!p2 $0x0  }
0x1d: {  	s5 =	simm.s32 @p1 $0x1;
	p0 =	seq.s32 s7, s2  }
0x1e: {  	s7 =	smul.u32 @!p0 $0xF7A, s2;
	p2 =	seq.s32 @!p0 s5, $0x0  }
0x1f: {  	s9 =	smul.u32 $0xF7A, s1;
	s8 =	simm.s32 @!p0 $0x1BF5;
	p2 =	por !p2, p0  }
0x20: {  	[sflag:s8] =	ssyncset.s32 @!p0 $0xFFFFF086;
	s6 =	sadd.s32 @!p0 s3, s7;
	s7 =	simm.s32 @!p0 $0x108  }
0x21: {  	s3 =	sadd.s32 s3, s9;
	s6 =	sadd.s32 @!p0 $0x88, s6;
	s7 =	simm.s32 @p2 $0x1082  }
0x22: {  	[simem:s7], [sflag:s8] =	dma.local @!p0 [hbm:s6], $0xF7A  }
0x23: {  	s9 =	sor.u32 $0xD0000000, s2;
	s6 =	simm.s32 $0x108;
	_ =	swait.ge @!p0 [sflag:s8], $0x0  }
0x24: {  	s3 =	sadd.s32 $0x88, s3;
	s6 =	simm.s32 @!p1 $0x1082;
	[sflag:s4] =	ssyncset.s32 $0xFFFFF086  }
0x25: {  	[simem:s6], [sflag:s4] =	dma.local [hbm:s3], $0xF7A  }
0x26: {  	[smem:$0x3F99] =	sst s1;
	(tag) =	ssettag s2;
	_ =	strace s9  }
0x27: {  	s1 =	sld [smem:$0x3FA9]  }
0x28: {  	s2 =	sld [smem:$0x3FAA]  }
0x29: {  	s4 =	sld [smem:$0x3FAC]  }
0x2a: {  	p0 =	seq.s32 s5, $0x0;
	s5 =	sld [smem:$0x3FAD]  }
0x2b: {  	s6 =	sld [smem:$0x3FAE]  }
0x2c: {  	s7 =	sld [smem:$0x3FAF]  }
0x2d: {  	s3 =	simm.s32 $0x108;
	s8 =	sld [smem:$0x3FB0]  }
0x2e: {  	s3 =	simm.s32 @!p0 $0x1082;
	s9 =	sld [smem:$0x3FB1]  }
0x2f: {  	lr =	sadd.s32 s0, s3;
	s0 =	sld [smem:$0x3FA8]  }
0x30: {  	s3 =	sld [smem:$0x3FAB]  }
0x31: {  	[smem:$0x3FB4] =	sst s10  }
0x32: {  	s10 =	sld [smem:$0x3FB2];
	_ =	sdelay $0x3  }
0x33: {  	p0 =	seq.s32 s10, $0x1;
	s10 =	sld [smem:$0x3FB4];
	_ =	sdelay $0x3  }
0x34: {  	[smem:$0x3FB4] =	sst s10  }
0x35: {  	s10 =	sld [smem:$0x3FB3];
	_ =	sdelay $0x3  }
0x36: {  	p1 =	seq.s32 s10, $0x1;
	s10 =	sld [smem:$0x3FB4];
	_ =	sdelay $0x3  }
0x37: {  	[smem:$0x3FB4] =	sst s10  }
0x38: {  	s10 =	sld [smem:$0x3FB5]  }
0x39: {  	_ = 	snop;
	(pc) =	sbr.ind lr, $3  }
0x3a: {  	_ = 	snop  }
0x3b: {  	_ = 	snop  }
0x3c: {  	p2 =	seq.s32 s10, $0x1;
	s10 =	sld [smem:$0x3FB4]  }
0x3d: {  	_ =	shalt  }
0x3e: {  	_ =	shalt  }
0x3f: {  	_ =	shalt  }
0x40: {  	_ =	shalt  }
0x41: {  	_ =	shalt  }
0x42: {  	_ =	shalt  }
0x43: {  	_ =	shalt  }
0x44: {  	_ =	shalt  }
0x45: {  	_ =	shalt  }
0x46: {  	_ =	shalt  }
0x47: {  	_ =	shalt  }
0x48: {  	_ =	shalt  }
0x49: {  	_ =	shalt  }
0x4a: {  	_ =	shalt  }
0x4b: {  	_ =	shalt  }
0x4c: {  	_ =	shalt  }
0x4d: {  	_ =	shalt  }
0x4e: {  	_ =	shalt  }
0x4f: {  	_ =	shalt  }
0x50: {  	_ =	shalt  }
0x51: {  	_ =	shalt  }
0x52: {  	_ =	shalt  }
0x53: {  	_ =	shalt  }
0x54: {  	_ =	shalt  }
0x55: {  	_ =	shalt  }
0x56: {  	_ =	shalt  }
0x57: {  	_ =	shalt  }
0x58: {  	_ =	shalt  }
0x59: {  	_ =	shalt  }
0x5a: {  	_ =	shalt  }
0x5b: {  	_ =	shalt  }
0x5c: {  	_ =	shalt  }
0x5d: {  	_ =	shalt  }
0x5e: {  	_ =	shalt  }
0x5f: {  	_ =	shalt  }
0x60: {  	_ =	shalt  }
0x61: {  	_ =	shalt  }
0x62: {  	_ =	shalt  }
0x63: {  	_ =	shalt  }
0x64: {  	_ =	shalt  }
0x65: {  	_ =	shalt  }
0x66: {  	_ =	shalt  }
0x67: {  	_ =	shalt  }
0x68: {  	_ =	shalt  }
0x69: {  	_ =	shalt  }
0x6a: {  	_ =	shalt  }
0x6b: {  	_ =	shalt  }
0x6c: {  	_ =	shalt  }
0x6d: {  	_ =	shalt  }
0x6e: {  	_ =	shalt  }
0x6f: {  	_ =	shalt  }
0x70: {  	_ =	shalt  }
0x71: {  	_ =	shalt  }
0x72: {  	_ =	shalt  }
0x73: {  	_ =	shalt  }
0x74: {  	_ =	shalt  }
0x75: {  	_ =	shalt  }
0x76: {  	_ =	shalt  }
0x77: {  	_ =	shalt  }
0x78: {  	_ =	shalt  }
0x79: {  	_ =	shalt  }
0x7a: {  	_ =	shalt  }
0x7b: {  	_ =	shalt  }
0x7c: {  	_ =	shalt  }
0x7d: {  	_ =	shalt  }
0x7e: {  	_ =	shalt  }
0x7f: {  	_ =	shalt  }
0x80: {  	_ =	shalt  }
0x81: {  	_ =	shalt  }
0x82: {  	_ =	shalt  }
0x83: {  	_ =	shalt  }
0x84: {  	_ =	shalt  }
0x85: {  	_ =	shalt  }
0x86: {  	_ =	shalt  }
0x87: {  	_ =	shalt  }
.Lfunc_end0:
.L_simem_size_0:
called_computation.3_lowered:
.L_overlay_start_0:
0x88: {  	s2 =	sld [smem:$0x3FD9]  }
0x89: {  	s3 =	sld [smem:$0x3FFE];
	_ =	sdelay $0x1  }
0x8a: {  	s1 =	srdreg.scid  }
0x8b: {  	s0 =	sand.u32 $0x1, s1  }
0x8c: {  	s17 =	sshll.u32 s0, $0xA;
	s2 =	sadd.s32 s3, s2  }
0x8d: {  	s2 =	sadd.s32 s2, s17  }
0x8e: {  	[smem:$0x3FC0] =	sst s2  }
0x8f: {  	_ = 	snop  }
0x90: {  	s2 =	sld [smem:$0x3FD0];
	(tm) =	ssettm $0x1  }
0x91: {  	s18 =	sld [smem:$0x3FFB];
	_ =	sdelay $0x3  }
0x92: {  	_ =	strace s18  }
0x93: {  	s3 =	sld [smem:$0x3FFC];
	_ =	sdelay $0x3  }
0x94: {  	_ =	strace s3  }
0x95: {  	s3 =	sld [smem:$0x3FFD];
	_ =	sdelay $0x3  }
0x96: {  	_ =	strace s3  }
0x97: {  	_ =	strace $0x8FFFFFFF  }
0x98: {  	s19 =	sld [smem:$0x3FDB];
	_ =	sdelay $0x1  }
0x99: {  	s4 =	simm.s32 $_scs_section_size  }
0x9a: {  	s5 =	simm.s32 $_size__tile_overlayer_lowered;
	s6 =	simm.s32 $_tile_overlayer_lowered  }
0x9b: {  	s22 =	simm.s32 $0x1BFF;
	s21 =	sshll.u32 s6, $0x1;
	s3 =	sadd.s32 s4, s19  }
0x9c: {  	s7 =	simm.s32 $0x0;
	s20 =	sshll.u32 s5, $0x1;
	s5 =	sadd.s32 s21, s3  }
0x9d: {  	[timem:s7], [sflag:s22] =	dma.local [hbm:s5], s20  }
0x9e: {  	_ =	swait.ge [sflag:s22], s20  }
0x9f: {  	s4 =	ssub.s32 $0x0, s20;
	[sflag:s22] =	ssyncset.done $0x0  }
0xa0: {  	[sflag:s22] =	ssyncadd.s32 s4;
	_ =	sdelay $0x1  }
0xa1: {  	s23 =	simm.s32 $0x1B8B  }
0xa2: {  	_ =	swait.ge [sflag:s23], $0x1  }
0xa3: {  	[sflag:s23] =	ssyncset.done $0x0  }
0xa4: {  	s25 =	simm.s32 $0x1B8E;
	s24 =	sld [smem:$0x3FFE];
	[sflag:s23] =	ssyncadd.s32 $0xFFFFFFFF  }
0xa5: {  	s26 =	simm.s32 $execute0_lowered;
	[smem:$0x3FD2] =	sst s25  }
0xa6: {  	s5 =	sshll.u32 s26, $0x1;
	_ =	strace $0x8000004F;
	[dreg:$0x1] =	wrdreg $0xFFFFFFFF  }
0xa7: {  	s28 =	simm.s32 $_size_execute0_lowered;
	s3 =	sadd.s32 s3, s5;
	[dreg:$0x0] =	wrdreg $0x0  }
0xa8: {  	s5 =	sshll.u32 s28, $0x1;
	[dreg:$0x2] =	wrdreg s3  }
0xa9: {  	[dreg:$0x3] =	wrdreg s5  }
0xaa: {  	[dreg:$0x4] =	wrdreg $0xC0  }
0xab: {  	_ =	task [dreg:s7], $0x5FFFF  }
0xac: {  	[dreg:$0x1] =	wrdreg $0xFFFFFFFF  }
0xad: {  	[dreg:$0x0] =	wrdreg $0x60  }
0xae: {  	[dreg:$0x2] =	wrdreg s24  }
0xaf: {  	[dreg:$0x3] =	wrdreg s2  }
0xb0: {  	[dreg:$0x4] =	wrdreg $0xC0000  }
0xb1: {  	[dreg:$0x5] =	wrdreg $0x9  }
0xb2: {  	_ =	task.clear_ibuf [dreg:s7], $0x6FFFF;
	_ =	strace $0x9000004F  }
0xb3: {  	s29 =	simm.s32 $0x9;
	_ =	strace $0x80000051  }
0xb4: {  	_ =	swait.ge [sflag:s29], $0x1  }
0xb5: {  	[sflag:s29] =	ssyncadd.s32 $0xFFFFFFFF  }
0xb6: {  	_ =	strace $0x90000051  }
0xb7: {  	_ =	sfence  }
0xb8: {  	s30 =	sld [smem:$0x0];
	_ =	sdelay $0x2  }
0xb9: {  	s31 =	sshll.u32 s1, $0xD;
	s1 =	sshrl.u32 s1, $0x2  }
0xba: {  	s3 =	sand.u32 $0x4000, s31;
	s1 =	sadd.s32 s1, s30  }
0xbb: {  	s0 =	sor.u32 s3, s0;
	s1 =	sshll.u32 s1, $0x11  }
0xbc: {  	s0 =	sor.u32 s1, s0  }
0xbd: {  	s0 =	sadd.s32 $0x8F2B, s0  }
0xbe: {  	[sflag:s0] =	ssyncadd.remote.s32 $0x1  }
0xbf: {  	_ =	sfence.sel $0xFFFF  }
0xc0: {  	[dreg:$0x0] =	wrdreg $0xFFFFFFFF;
	(pc) =	sbr.abs _section_cstart, $3  }
0xc1: {  	[dreg:$0x1] =	wrdreg $0xFFFFFFFF  }
0xc2: {  	_ =	task.clear_ibuf [dreg:s7], $0x2FFFF;
	_ =	strace $0x9FFFFFFF  }
0xc3: {  	(tm) =	ssettm $0x7FFFFFFF  }
tec
execute0_lowered:
.L_overlay_start_1:
0x0: {  	(tag) =	ssettag $0x1  }
0x1: {  	s0 =	srdreg.scid;
	s8 =	stileid.u32  }
0x2: {  	s0 =	sand.u32 $0x1, s0;
	s4 =	smul.u32 $0x5000, s8  }
0x3: {  	s1 =	smul.u32 $0x50000, s0  }
0x4: {  	s2 =	rddreg [dreg:$0x0]  }
0x5: {  	s3 =	rddreg [dreg:$0x2];
	s1 =	sadd.s32 s4, s1;
	s4 =	simm.s32 $0x0  }
0x6: {  	s24 =	simm.s32 $0x80;
	[smem:$0x7FF] =	sst s4  }
0x7: {  	s25 =	simm.s32 $0x100;
	_ =	strace $0x80000050;
	[dreg:$0x6] =	wrdreg s24  }
0x8: {  	s26 =	simm.s32 $0x180;
	[dreg:$0x7] =	wrdreg s25  }
0x9: {  	s6 =	simm.s32 $0x1100;
	[dreg:$0x8] =	wrdreg s26  }
0xa: {  	s7 =	simm.s32 $0x1180;
	[dreg:$0xa] =	wrdreg s6  }
0xb: {  	s9 =	simm.s32 $0x200;
	[dreg:$0xb] =	wrdreg s7  }
0xc: {  	s10 =	simm.s32 $0x280;
	[dreg:$0xc] =	wrdreg s9  }
0xd: {  	s11 =	simm.s32 $0x300;
	[dreg:$0xd] =	wrdreg s10  }
0xe: {  	s12 =	simm.s32 $0x380;
	[dreg:$0xe] =	wrdreg s11  }
0xf: {  	s13 =	simm.s32 $0x1200;
	[dreg:$0xf] =	wrdreg s12  }
0x10: {  	s14 =	simm.s32 $0x1280;
	s15 =	simm.s32 $0x1300;
	[dreg:$0x10] =	wrdreg s13  }
0x11: {  	s16 =	simm.s32 $0x1380;
	s17 =	simm.s32 $0x400;
	[dreg:$0x11] =	wrdreg s14  }
0x12: {  	s19 =	simm.s32 $0x480;
	s21 =	simm.s32 $0x500;
	[dreg:$0x12] =	wrdreg s15  }
0x13: {  	s22 =	simm.s32 $0x580;
	s28 =	simm.s32 $0xB80;
	[dreg:$0x13] =	wrdreg s16  }
0x14: {  	s29 =	simm.s32 $0x1A00;
	s20 =	smul.u32 $0x50000, s8;
	[dreg:$0x14] =	wrdreg s17  }
0x15: {  	s30 =	simm.s32 $0x1A80;
	s31 =	simm.s32 $0x1B00;
	[dreg:$0x15] =	wrdreg s19  }
0x16: {  	s23 =	sshrl.u32 s20, $0x2;
	s1 =	sshrl.u32 s1, $0x3;
	[dreg:$0x16] =	wrdreg s21  }
0x17: {  	s20 =	simm.s32 $0x900;
	s1 =	sadd.s32 s1, s2;
	[dreg:$0x17] =	wrdreg s22  }
0x18: {  	s6 =	smul.u32 $0x140000, s0;
	s24 =	simm.s32 $0x1400;
	[smem:$0x7F5] =	sst s20  }
0x19: {  	s7 =	smul.u32 $0x14000, s8;
	s25 =	simm.s32 $0x1480;
	[dreg:$0x18] =	wrdreg s24  }
0x1a: {  	s26 =	sshll.u32 s8, $0x6;
	s8 =	simm.s32 $0x1500;
	[dreg:$0x19] =	wrdreg s25  }
0x1b: {  	s0 =	ssub.s32 $0x2, s0;
	s9 =	simm.s32 $0x1580;
	[dreg:$0x1a] =	wrdreg s8  }
0x1c: {  	s10 =	simm.s32 $0x600;
	s11 =	simm.s32 $0x680;
	[dreg:$0x1b] =	wrdreg s9  }
0x1d: {  	s12 =	simm.s32 $0x700;
	s13 =	simm.s32 $0x780;
	[dreg:$0x1c] =	wrdreg s10  }
0x1e: {  	s14 =	simm.s32 $0x1600;
	s15 =	simm.s32 $0x1680;
	[dreg:$0x1d] =	wrdreg s11  }
0x1f: {  	s16 =	simm.s32 $0x1700;
	s17 =	simm.s32 $0x1780;
	[dreg:$0x1e] =	wrdreg s12  }
0x20: {  	s19 =	simm.s32 $0x880;
	s21 =	simm.s32 $0x980;
	[dreg:$0x1f] =	wrdreg s13  }
0x21: {  	s22 =	simm.s32 $0x1800;
	s20 =	simm.s32 $0x4;
	[smem:$0x7EF] =	sst s14  }
0x22: {  	s5 =	sadd.s32 $0x55800, s1;
	s1 =	sadd.s32 $0x69800, s1;
	[smem:$0x7F0] =	sst s15  }
0x23: {  	s18 =	sshrl.u32 s0, $0x1;
	s10 =	simm.s32 $0x9;
	[smem:$0x7F1] =	sst s16  }
0x24: {  	s11 =	simm.s32 $0x1000;
	s12 =	simm.s32 $0x50;
	[smem:$0x7F2] =	sst s17  }
0x25: {  	s13 =	simm.s32 $0x2000;
	s14 =	simm.s32 $0x4800;
	[smem:$0x7F4] =	sst s19  }
0x26: {  	s15 =	simm.s32 $0x7000;
	s16 =	simm.s32 $0x9800;
	[smem:$0x7F6] =	sst s21  }
0x27: {  	s17 =	simm.s32 $0x1;
	s19 =	simm.s32 $0x3;
	[smem:$0x7F7] =	sst s22  }
0x28: {  	s21 =	simm.s32 $0x5;
	s24 =	simm.s32 $0x1900;
	s22 =	simm.s32 $0x6  }
0x29: {  	s25 =	simm.s32 $0x1980;
	s9 =	simm.s32 $0x0;
	[dreg:$0x4] =	wrdreg s5  }
0x2a: {  	[dreg:$0x5] =	wrdreg s1;
	s5 =	simm.s32 $0x1080;
	s6 =	sadd.s32 s7, s6  }
0x2b: {  	s0 =	ssub.s32 s0, s18;
	s7 =	sor.u32 $0x1C09, s26;
	[smem:$0x7F9] =	sst s24  }
0x2c: {  	s18 =	simm.s32 $0x800;
	[smem:$0x7FA] =	sst s25;
	s26 =	simm.s32 $0xA00  }
0x2d: {  	s24 =	simm.s32 $0x8;
	s25 =	simm.s32 $0xA80;
	[dreg:$0x9] =	wrdreg s5  }
0x2e: {  	s1 =	simm.s32 $0x1B80;
	s5 =	sadd.s32 $0x7D800, s2;
	[smem:$0x7F3] =	sst s18  }
0x2f: {  	s6 =	sshrl.u32 s6, $0x3;
	s0 =	smax.u32 s0, $0x1;
	[smem:$0x7FB] =	sst s26  }
0x30: {  	s18 =	simm.s32 $0x2;
	[smem:$0x7FC] =	sst s7;
	s2 =	sadd.s32 s6, s2  }
0x31: {  	s6 =	sadd.s32 s23, s3;
	[smem:$0x7EE] =	sst s0;
	s23 =	simm.s32 $0x1880  }
0x32: {  	s26 =	simm.s32 $0xB00;
	s2 =	sadd.s32 $0xA4A00, s2;
	[smem:$0x7F8] =	sst s23  }
0x33: {  	s0 =	simm.s32 $0xC00;
	s8 =	sshrl.u32 s6, $0x3;
	[smem:$0x7ED] =	sst s2  }
0x34: {  	s23 =	simm.s32 $0x7;
	s2 =	simm.s32 $0x1C00;
	[smem:$0x7FD] =	sst s8  }
.LBB2_1:
0x35: {  	[smem:$0x7EC] =	sst s9  }
0x36: {  	s6 =	rddreg [dreg:$0x1]  }
0x37: {  	[spmem:s8], [sflag:s7] =	dma.local [hbm:s6], $0x2800  }
0x38: {  	_ =	swait.ge [sflag:s10], $0x2800  }
0x39: {  	[sflag:s10] =	ssyncset.done $0x0  }
0x3a: {  	[sflag:s10] =	ssyncadd.s32 $0xFFFFD800  }
0x3b: {  	[bflag:$0x0] =	sbarrier.arrive $0xFFFF  }
0x3c: {  	s7 =	rddreg [dreg:$0x5]  }
0x3d: {  	s6 =	sadd.s32 $0x0, s7  }
0x3e: {  	[tilespmem:s4], [sflag:$0x9] =	stream.linear.gather [hbm4b:s6+s4], $0xC80, $0x38;
	v63 =	vld [tilespmem:$0x0]  }
0x3f: {  	_ =	swait.ge [sflag:s10], $0xC80  }
0x40: {  	s8 =	rddreg [dreg:$0x4];
	[sflag:s10] =	ssyncset.done $0x0  }
0x41: {  	[sflag:s10] =	ssyncadd.s32 $0xFFFFF380;
	s6 =	sadd.s32 $0x0, s8  }
0x42: {  	[tilespmem:s11], [sflag:$0x9] =	stream.linear.gather [hbm4b:s6+s4], $0xC80, $0x38;
	v63 =	vld [tilespmem:$0x0]  }
0x43: {  	_ =	swait.ge [sflag:s10], $0xC80  }
0x44: {  	[sflag:s10] =	ssyncset.done $0x0  }
0x45: {  	[sflag:s10] =	ssyncadd.s32 $0xFFFFF380  }
0x46: {  	[tilespmem:s13], [sflag:$0x1] =	stream.indirect.gather [hbm4b:s5+s12], $0x80, s4, s12, $0xb8;
	v63 =	vld [tilespmem:$0x0]  }
0x47: {  	s9 =	rddreg [dreg:$0x6]  }
0x48: {  	[tilespmem:s14], [sflag:$0x2] =	stream.indirect.gather [hbm4b:s5+s12], $0x80, s9, s12, $0xb8;
	v63 =	vld [tilespmem:$0x0]  }
0x49: {  	s7 =	rddreg [dreg:$0x7]  }
0x4a: {  	[tilespmem:s15], [sflag:$0x3] =	stream.indirect.gather [hbm4b:s5+s12], $0x80, s7, s12, $0xb8;
	v63 =	vld [tilespmem:$0x0]  }
0x4b: {  	s9 =	rddreg [dreg:$0x8]  }
0x4c: {  	[tilespmem:s16], [sflag:$0x4] =	stream.indirect.gather [hbm4b:s5+s12], $0x80, s9, s12, $0xb8;
	v63 =	vld [tilespmem:$0x0]  }
0x4d: {  	_ =	swait.ge [sflag:s17], $0x2800  }
0x4e: {  	[sflag:s17] =	ssyncset.done $0x0  }
0x4f: {  	[sflag:s17] =	ssyncadd.s32 $0xFFFFD800  }
0x50: {  	[spmem:s3] =	stream.indirect.scatter.add.f32 [tilespmem:s13], [sflag:$0x5], $0x80, s11, s12, $0xb8;
	v63 =	vld [tilespmem:$0x0]  }
0x51: {  	_ =	swait.ge [sflag:s18], $0x2800  }
0x52: {  	[sflag:s18] =	ssyncset.done $0x0  }
0x53: {  	s7 =	rddreg [dreg:$0x9];
	[sflag:s18] =	ssyncadd.s32 $0xFFFFD800  }
0x54: {  	[spmem:s3] =	stream.indirect.scatter.add.f32 [tilespmem:s14], [sflag:$0x6], $0x80, s7, s12, $0xb8;
	v63 =	vld [tilespmem:$0x0]  }
0x55: {  	_ =	swait.ge [sflag:s19], $0x2800  }
0x56: {  	[sflag:s19] =	ssyncset.done $0x0  }
0x57: {  	s8 =	rddreg [dreg:$0xa];
	[sflag:s19] =	ssyncadd.s32 $0xFFFFD800  }
0x58: {  	[spmem:s3] =	stream.indirect.scatter.add.f32 [tilespmem:s15], [sflag:$0x7], $0x80, s8, s12, $0xb8;
	v63 =	vld [tilespmem:$0x0]  }
0x59: {  	_ =	swait.ge [sflag:s20], $0x2800  }
0x5a: {  	[sflag:s20] =	ssyncset.done $0x0  }
0x5b: {  	s9 =	rddreg [dreg:$0xb];
	[sflag:s20] =	ssyncadd.s32 $0xFFFFD800  }
0x5c: {  	[spmem:s3] =	stream.indirect.scatter.add.f32 [tilespmem:s16], [sflag:$0x8], $0x80, s9, s12, $0xb8;
	v63 =	vld [tilespmem:$0x0]  }
0x5d: {  	_ =	swait.ge [sflag:s21], $0x2800  }
0x5e: {  	[sflag:s21] =	ssyncset.done $0x0  }
0x5f: {  	s7 =	rddreg [dreg:$0xc];
	[sflag:s21] =	ssyncadd.s32 $0xFFFFD800  }
0x60: {  	[tilespmem:s13], [sflag:$0x1] =	stream.indirect.gather [hbm4b:s5+s12], $0x80, s7, s12, $0xb8;
	v63 =	vld [tilespmem:$0x0]  }
0x61: {  	_ =	swait.ge [sflag:s22], $0x2800  }
0x62: {  	[sflag:s22] =	ssyncset.done $0x0  }
0x63: {  	s8 =	rddreg [dreg:$0xd];
	[sflag:s22] =	ssyncadd.s32 $0xFFFFD800  }
0x64: {  	[tilespmem:s14], [sflag:$0x2] =	stream.indirect.gather [hbm4b:s5+s12], $0x80, s8, s12, $0xb8;
	v63 =	vld [tilespmem:$0x0]  }
0x65: {  	_ =	swait.ge [sflag:s23], $0x2800  }
0x66: {  	[sflag:s23] =	ssyncset.done $0x0  }
0x67: {  	s9 =	rddreg [dreg:$0xe];
	[sflag:s23] =	ssyncadd.s32 $0xFFFFD800  }
0x68: {  	[tilespmem:s15], [sflag:$0x3] =	stream.indirect.gather [hbm4b:s5+s12], $0x80, s9, s12, $0xb8;
	v63 =	vld [tilespmem:$0x0]  }
0x69: {  	_ =	swait.ge [sflag:s24], $0x2800  }
0x6a: {  	[sflag:s24] =	ssyncset.done $0x0  }
0x6b: {  	s7 =	rddreg [dreg:$0xf];
	[sflag:s24] =	ssyncadd.s32 $0xFFFFD800  }
0x6c: {  	[tilespmem:s16], [sflag:$0x4] =	stream.indirect.gather [hbm4b:s5+s12], $0x80, s7, s12, $0xb8;
	v63 =	vld [tilespmem:$0x0]  }
0x6d: {  	_ =	swait.ge [sflag:s17], $0x2800  }
0x6e: {  	[sflag:s17] =	ssyncset.done $0x0  }
0x6f: {  	s8 =	rddreg [dreg:$0x10];
	[sflag:s17] =	ssyncadd.s32 $0xFFFFD800  }
0x70: {  	[spmem:s3] =	stream.indirect.scatter.add.f32 [tilespmem:s13], [sflag:$0x5], $0x80, s8, s12, $0xb8;
	v63 =	vld [tilespmem:$0x0]  }
0x71: {  	_ =	swait.ge [sflag:s18], $0x2800  }
0x72: {  	[sflag:s18] =	ssyncset.done $0x0  }
0x73: {  	s9 =	rddreg [dreg:$0x11];
	[sflag:s18] =	ssyncadd.s32 $0xFFFFD800  }
0x74: {  	[spmem:s3] =	stream.indirect.scatter.add.f32 [tilespmem:s14], [sflag:$0x6], $0x80, s9, s12, $0xb8;
	v63 =	vld [tilespmem:$0x0]  }
0x75: {  	_ =	swait.ge [sflag:s19], $0x2800  }
0x76: {  	[sflag:s19] =	ssyncset.done $0x0  }
0x77: {  	s7 =	rddreg [dreg:$0x12];
	[sflag:s19] =	ssyncadd.s32 $0xFFFFD800  }
0x78: {  	[spmem:s3] =	stream.indirect.scatter.add.f32 [tilespmem:s15], [sflag:$0x7], $0x80, s7, s12, $0xb8;
	v63 =	vld [tilespmem:$0x0]  }
0x79: {  	_ =	swait.ge [sflag:s20], $0x2800  }
0x7a: {  	[sflag:s20] =	ssyncset.done $0x0  }
0x7b: {  	s8 =	rddreg [dreg:$0x13];
	[sflag:s20] =	ssyncadd.s32 $0xFFFFD800  }
0x7c: {  	[spmem:s3] =	stream.indirect.scatter.add.f32 [tilespmem:s16], [sflag:$0x8], $0x80, s8, s12, $0xb8;
	v63 =	vld [tilespmem:$0x0]  }
0x7d: {  	_ =	swait.ge [sflag:s21], $0x2800  }
0x7e: {  	[sflag:s21] =	ssyncset.done $0x0  }
0x7f: {  	s9 =	rddreg [dreg:$0x14];
	[sflag:s21] =	ssyncadd.s32 $0xFFFFD800  }
0x80: {  	[tilespmem:s13], [sflag:$0x1] =	stream.indirect.gather [hbm4b:s5+s12], $0x80, s9, s12, $0xb8;
	v63 =	vld [tilespmem:$0x0]  }
0x81: {  	_ =	swait.ge [sflag:s22], $0x2800  }
0x82: {  	[sflag:s22] =	ssyncset.done $0x0  }
0x83: {  	s7 =	rddreg [dreg:$0x15];
	[sflag:s22] =	ssyncadd.s32 $0xFFFFD800  }
0x84: {  	[tilespmem:s14], [sflag:$0x2] =	stream.indirect.gather [hbm4b:s5+s12], $0x80, s7, s12, $0xb8;
	v63 =	vld [tilespmem:$0x0]  }
0x85: {  	_ =	swait.ge [sflag:s23], $0x2800  }
0x86: {  	[sflag:s23] =	ssyncset.done $0x0  }
0x87: {  	s8 =	rddreg [dreg:$0x16];
	[sflag:s23] =	ssyncadd.s32 $0xFFFFD800  }
0x88: {  	[tilespmem:s15], [sflag:$0x3] =	stream.indirect.gather [hbm4b:s5+s12], $0x80, s8, s12, $0xb8;
	v63 =	vld [tilespmem:$0x0]  }
0x89: {  	_ =	swait.ge [sflag:s24], $0x2800  }
0x8a: {  	[sflag:s24] =	ssyncset.done $0x0  }
0x8b: {  	s9 =	rddreg [dreg:$0x17];
	[sflag:s24] =	ssyncadd.s32 $0xFFFFD800  }
0x8c: {  	[tilespmem:s16], [sflag:$0x4] =	stream.indirect.gather [hbm4b:s5+s12], $0x80, s9, s12, $0xb8;
	v63 =	vld [tilespmem:$0x0]  }
0x8d: {  	_ =	swait.ge [sflag:s17], $0x2800  }
0x8e: {  	[sflag:s17] =	ssyncset.done $0x0  }
0x8f: {  	s7 =	rddreg [dreg:$0x18];
	[sflag:s17] =	ssyncadd.s32 $0xFFFFD800  }
0x90: {  	[spmem:s3] =	stream.indirect.scatter.add.f32 [tilespmem:s13], [sflag:$0x5], $0x80, s7, s12, $0xb8;
	v63 =	vld [tilespmem:$0x0]  }
0x91: {  	_ =	swait.ge [sflag:s18], $0x2800  }
0x92: {  	[sflag:s18] =	ssyncset.done $0x0  }
0x93: {  	s8 =	rddreg [dreg:$0x19];
	[sflag:s18] =	ssyncadd.s32 $0xFFFFD800  }
0x94: {  	[spmem:s3] =	stream.indirect.scatter.add.f32 [tilespmem:s14], [sflag:$0x6], $0x80, s8, s12, $0xb8;
	v63 =	vld [tilespmem:$0x0]  }
0x95: {  	_ =	swait.ge [sflag:s19], $0x2800  }
0x96: {  	[sflag:s19] =	ssyncset.done $0x0  }
0x97: {  	s9 =	rddreg [dreg:$0x1a];
	[sflag:s19] =	ssyncadd.s32 $0xFFFFD800  }
0x98: {  	[spmem:s3] =	stream.indirect.scatter.add.f32 [tilespmem:s15], [sflag:$0x7], $0x80, s9, s12, $0xb8;
	v63 =	vld [tilespmem:$0x0]  }
0x99: {  	_ =	swait.ge [sflag:s20], $0x2800  }
0x9a: {  	[sflag:s20] =	ssyncset.done $0x0  }
0x9b: {  	s7 =	rddreg [dreg:$0x1b];
	[sflag:s20] =	ssyncadd.s32 $0xFFFFD800  }
0x9c: {  	[spmem:s3] =	stream.indirect.scatter.add.f32 [tilespmem:s16], [sflag:$0x8], $0x80, s7, s12, $0xb8;
	v63 =	vld [tilespmem:$0x0]  }
0x9d: {  	_ =	swait.ge [sflag:s21], $0x2800  }
0x9e: {  	[sflag:s21] =	ssyncset.done $0x0  }
0x9f: {  	s8 =	rddreg [dreg:$0x1c];
	[sflag:s21] =	ssyncadd.s32 $0xFFFFD800  }
0xa0: {  	[tilespmem:s13], [sflag:$0x1] =	stream.indirect.gather [hbm4b:s5+s12], $0x80, s8, s12, $0xb8;
	v63 =	vld [tilespmem:$0x0]  }
0xa1: {  	_ =	swait.ge [sflag:s22], $0x2800  }
0xa2: {  	[sflag:s22] =	ssyncset.done $0x0  }
0xa3: {  	s9 =	rddreg [dreg:$0x1d];
	[sflag:s22] =	ssyncadd.s32 $0xFFFFD800  }
0xa4: {  	[tilespmem:s14], [sflag:$0x2] =	stream.indirect.gather [hbm4b:s5+s12], $0x80, s9, s12, $0xb8;
	v63 =	vld [tilespmem:$0x0]  }
0xa5: {  	_ =	swait.ge [sflag:s23], $0x2800  }
0xa6: {  	[sflag:s23] =	ssyncset.done $0x0  }
0xa7: {  	s7 =	rddreg [dreg:$0x1e];
	[sflag:s23] =	ssyncadd.s32 $0xFFFFD800  }
0xa8: {  	[tilespmem:s15], [sflag:$0x3] =	stream.indirect.gather [hbm4b:s5+s12], $0x80, s7, s12, $0xb8;
	v63 =	vld [tilespmem:$0x0]  }
0xa9: {  	_ =	swait.ge [sflag:s24], $0x2800  }
0xaa: {  	[sflag:s24] =	ssyncset.done $0x0  }
0xab: {  	s8 =	rddreg [dreg:$0x1f];
	[sflag:s24] =	ssyncadd.s32 $0xFFFFD800  }
0xac: {  	[tilespmem:s16], [sflag:$0x4] =	stream.indirect.gather [hbm4b:s5+s12], $0x80, s8, s12, $0xb8;
	v63 =	vld [tilespmem:$0x0]  }
0xad: {  	_ =	swait.ge [sflag:s17], $0x2800  }
0xae: {  	s9 =	sld [smem:$0x7EF]  }
0xaf: {  	[sflag:s17] =	ssyncset.done $0x0  }
0xb0: {  	[sflag:s17] =	ssyncadd.s32 $0xFFFFD800  }
0xb1: {  	[spmem:s3] =	stream.indirect.scatter.add.f32 [tilespmem:s13], [sflag:$0x5], $0x80, s9, s12, $0xb8;
	v63 =	vld [tilespmem:$0x0]  }
0xb2: {  	_ =	swait.ge [sflag:s18], $0x2800  }
0xb3: {  	s7 =	sld [smem:$0x7F0]  }
0xb4: {  	[sflag:s18] =	ssyncset.done $0x0  }
0xb5: {  	[sflag:s18] =	ssyncadd.s32 $0xFFFFD800  }
0xb6: {  	[spmem:s3] =	stream.indirect.scatter.add.f32 [tilespmem:s14], [sflag:$0x6], $0x80, s7, s12, $0xb8;
	v63 =	vld [tilespmem:$0x0]  }
0xb7: {  	_ =	swait.ge [sflag:s19], $0x2800  }
0xb8: {  	s8 =	sld [smem:$0x7F1]  }
0xb9: {  	[sflag:s19] =	ssyncset.done $0x0  }
0xba: {  	[sflag:s19] =	ssyncadd.s32 $0xFFFFD800  }
0xbb: {  	[spmem:s3] =	stream.indirect.scatter.add.f32 [tilespmem:s15], [sflag:$0x7], $0x80, s8, s12, $0xb8;
	v63 =	vld [tilespmem:$0x0]  }
0xbc: {  	_ =	swait.ge [sflag:s20], $0x2800  }
0xbd: {  	s9 =	sld [smem:$0x7F2]  }
0xbe: {  	[sflag:s20] =	ssyncset.done $0x0  }
0xbf: {  	[sflag:s20] =	ssyncadd.s32 $0xFFFFD800  }
0xc0: {  	[spmem:s3] =	stream.indirect.scatter.add.f32 [tilespmem:s16], [sflag:$0x8], $0x80, s9, s12, $0xb8;
	v63 =	vld [tilespmem:$0x0]  }
0xc1: {  	_ =	swait.ge [sflag:s21], $0x2800  }
0xc2: {  	s7 =	sld [smem:$0x7F3]  }
0xc3: {  	[sflag:s21] =	ssyncset.done $0x0  }
0xc4: {  	[sflag:s21] =	ssyncadd.s32 $0xFFFFD800  }
0xc5: {  	[tilespmem:s13], [sflag:$0x1] =	stream.indirect.gather [hbm4b:s5+s12], $0x80, s7, s12, $0xb8;
	v63 =	vld [tilespmem:$0x0]  }
0xc6: {  	_ =	swait.ge [sflag:s22], $0x2800  }
0xc7: {  	s8 =	sld [smem:$0x7F4]  }
0xc8: {  	[sflag:s22] =	ssyncset.done $0x0  }
0xc9: {  	[sflag:s22] =	ssyncadd.s32 $0xFFFFD800  }
0xca: {  	[tilespmem:s14], [sflag:$0x2] =	stream.indirect.gather [hbm4b:s5+s12], $0x80, s8, s12, $0xb8;
	v63 =	vld [tilespmem:$0x0]  }
0xcb: {  	_ =	swait.ge [sflag:s23], $0x2800  }
0xcc: {  	s9 =	sld [smem:$0x7F5]  }
0xcd: {  	[sflag:s23] =	ssyncset.done $0x0  }
0xce: {  	[sflag:s23] =	ssyncadd.s32 $0xFFFFD800  }
0xcf: {  	[tilespmem:s15], [sflag:$0x3] =	stream.indirect.gather [hbm4b:s5+s12], $0x80, s9, s12, $0xb8;
	v63 =	vld [tilespmem:$0x0]  }
0xd0: {  	_ =	swait.ge [sflag:s24], $0x2800  }
0xd1: {  	s7 =	sld [smem:$0x7F6]  }
0xd2: {  	[sflag:s24] =	ssyncset.done $0x0  }
0xd3: {  	[sflag:s24] =	ssyncadd.s32 $0xFFFFD800  }
0xd4: {  	[tilespmem:s16], [sflag:$0x4] =	stream.indirect.gather [hbm4b:s5+s12], $0x80, s7, s12, $0xb8;
	v63 =	vld [tilespmem:$0x0]  }
0xd5: {  	_ =	swait.ge [sflag:s17], $0x2800  }
0xd6: {  	s8 =	sld [smem:$0x7F7]  }
0xd7: {  	[sflag:s17] =	ssyncset.done $0x0  }
0xd8: {  	[sflag:s17] =	ssyncadd.s32 $0xFFFFD800  }
0xd9: {  	[spmem:s3] =	stream.indirect.scatter.add.f32 [tilespmem:s13], [sflag:$0x5], $0x80, s8, s12, $0xb8;
	v63 =	vld [tilespmem:$0x0]  }
0xda: {  	_ =	swait.ge [sflag:s18], $0x2800  }
0xdb: {  	s9 =	sld [smem:$0x7F8]  }
0xdc: {  	[sflag:s18] =	ssyncset.done $0x0  }
0xdd: {  	[sflag:s18] =	ssyncadd.s32 $0xFFFFD800  }
0xde: {  	[spmem:s3] =	stream.indirect.scatter.add.f32 [tilespmem:s14], [sflag:$0x6], $0x80, s9, s12, $0xb8;
	v63 =	vld [tilespmem:$0x0]  }
0xdf: {  	_ =	swait.ge [sflag:s19], $0x2800  }
0xe0: {  	s7 =	sld [smem:$0x7F9]  }
0xe1: {  	[sflag:s19] =	ssyncset.done $0x0  }
0xe2: {  	[sflag:s19] =	ssyncadd.s32 $0xFFFFD800  }
0xe3: {  	[spmem:s3] =	stream.indirect.scatter.add.f32 [tilespmem:s15], [sflag:$0x7], $0x80, s7, s12, $0xb8;
	v63 =	vld [tilespmem:$0x0]  }
0xe4: {  	_ =	swait.ge [sflag:s20], $0x2800  }
0xe5: {  	s8 =	sld [smem:$0x7FA]  }
0xe6: {  	[sflag:s20] =	ssyncset.done $0x0  }
0xe7: {  	[sflag:s20] =	ssyncadd.s32 $0xFFFFD800  }
0xe8: {  	[spmem:s3] =	stream.indirect.scatter.add.f32 [tilespmem:s16], [sflag:$0x8], $0x80, s8, s12, $0xb8;
	v63 =	vld [tilespmem:$0x0]  }
0xe9: {  	_ =	swait.ge [sflag:s21], $0x2800  }
0xea: {  	s9 =	sld [smem:$0x7FB]  }
0xeb: {  	[sflag:s21] =	ssyncset.done $0x0  }
0xec: {  	[sflag:s21] =	ssyncadd.s32 $0xFFFFD800  }
0xed: {  	[tilespmem:s13], [sflag:$0x1] =	stream.indirect.gather [hbm4b:s5+s12], $0x80, s9, s12, $0xb8;
	v63 =	vld [tilespmem:$0x0]  }
0xee: {  	_ =	swait.ge [sflag:s22], $0x2800  }
0xef: {  	[sflag:s22] =	ssyncset.done $0x0  }
0xf0: {  	[sflag:s22] =	ssyncadd.s32 $0xFFFFD800  }
0xf1: {  	[tilespmem:s14], [sflag:$0x2] =	stream.indirect.gather [hbm4b:s5+s12], $0x80, s25, s12, $0xb8;
	v63 =	vld [tilespmem:$0x0]  }
0xf2: {  	_ =	swait.ge [sflag:s23], $0x2800  }
0xf3: {  	[sflag:s23] =	ssyncset.done $0x0  }
0xf4: {  	[sflag:s23] =	ssyncadd.s32 $0xFFFFD800  }
0xf5: {  	[tilespmem:s15], [sflag:$0x3] =	stream.indirect.gather [hbm4b:s5+s12], $0x80, s26, s12, $0xb8;
	v63 =	vld [tilespmem:$0x0]  }
0xf6: {  	_ =	swait.ge [sflag:s24], $0x2800  }
0xf7: {  	[sflag:s24] =	ssyncset.done $0x0  }
0xf8: {  	[sflag:s24] =	ssyncadd.s32 $0xFFFFD800  }
0xf9: {  	[tilespmem:s16], [sflag:$0x4] =	stream.indirect.gather [hbm4b:s5+s12], $0x80, s28, s12, $0xb8;
	v63 =	vld [tilespmem:$0x0]  }
0xfa: {  	_ =	swait.ge [sflag:s17], $0x2800  }
0xfb: {  	[sflag:s17] =	ssyncset.done $0x0  }
0xfc: {  	[sflag:s17] =	ssyncadd.s32 $0xFFFFD800  }
0xfd: {  	[spmem:s3] =	stream.indirect.scatter.add.f32 [tilespmem:s13], [sflag:$0x5], $0x80, s29, s12, $0xb8;
	v63 =	vld [tilespmem:$0x0]  }
0xfe: {  	_ =	swait.ge [sflag:s18], $0x2800  }
0xff: {  	[sflag:s18] =	ssyncset.done $0x0  }
0x100: {  	[sflag:s18] =	ssyncadd.s32 $0xFFFFD800  }
0x101: {  	[spmem:s3] =	stream.indirect.scatter.add.f32 [tilespmem:s14], [sflag:$0x6], $0x80, s30, s12, $0xb8;
	v63 =	vld [tilespmem:$0x0]  }
0x102: {  	_ =	swait.ge [sflag:s19], $0x2800  }
0x103: {  	[sflag:s19] =	ssyncset.done $0x0  }
0x104: {  	[sflag:s19] =	ssyncadd.s32 $0xFFFFD800  }
0x105: {  	[spmem:s3] =	stream.indirect.scatter.add.f32 [tilespmem:s15], [sflag:$0x7], $0x80, s31, s12, $0xb8;
	v63 =	vld [tilespmem:$0x0]  }
0x106: {  	_ =	swait.ge [sflag:s20], $0x2800  }
0x107: {  	[sflag:s20] =	ssyncset.done $0x0  }
0x108: {  	[sflag:s20] =	ssyncadd.s32 $0xFFFFD800  }
0x109: {  	[spmem:s3] =	stream.indirect.scatter.add.f32 [tilespmem:s16], [sflag:$0x8], $0x80, s1, s12, $0xb8;
	v63 =	vld [tilespmem:$0x0]  }
0x10a: {  	_ =	swait.ge [sflag:s21], $0x2800  }
0x10b: {  	[sflag:s21] =	ssyncset.done $0x0  }
0x10c: {  	[sflag:s21] =	ssyncadd.s32 $0xFFFFD800  }
0x10d: {  	_ =	swait.ge [sflag:s22], $0x2800  }
0x10e: {  	[sflag:s22] =	ssyncset.done $0x0  }
0x10f: {  	[sflag:s22] =	ssyncadd.s32 $0xFFFFD800  }
0x110: {  	_ =	swait.ge [sflag:s23], $0x2800  }
0x111: {  	[sflag:s23] =	ssyncset.done $0x0  }
0x112: {  	[sflag:s23] =	ssyncadd.s32 $0xFFFFD800  }
0x113: {  	_ =	swait.ge [sflag:s24], $0x2800  }
0x114: {  	[sflag:s24] =	ssyncset.done $0x0  }
0x115: {  	[sflag:s24] =	ssyncadd.s32 $0xFFFFD800  }
0x116: {  	[tilespmem:s13], [sflag:$0x1] =	stream.indirect.gather [hbm4b:s5+s12], $0x80, s0, s12, $0xb8;
	v63 =	vld [tilespmem:$0x0]  }
0x117: {  	_ =	swait.ge [sflag:s17], $0x2800  }
0x118: {  	[sflag:s17] =	ssyncset.done $0x0  }
0x119: {  	[sflag:s17] =	ssyncadd.s32 $0xFFFFD800  }
0x11a: {  	[spmem:s3] =	stream.indirect.scatter.add.f32 [tilespmem:s13], [sflag:$0x9], $0x80, s2, s12, $0xb8;
	v63 =	vld [tilespmem:$0x0]  }
0x11b: {  	s6 =	simm.s32 $0x400;
	_ =	swait.ge [sflag:s10], $0x2800  }
0x11c: {  	s8 =	simm.s32 $0x200;
	s9 =	rddreg [dreg:$0x5];
	[sflag:s10] =	ssyncset.done $0x0  }
.LBB2_2:
0x11d: {  	[sflag:s10] =	ssyncadd.s32 $0xFFFFD800;
	s9 =	sadd.s32 s8, s9  }
0x11e: {  	[tilespmem:s4], [sflag:$0x9] =	stream.linear.gather [hbm4b:s9+s4], $0xC80, $0x38;
	v63 =	vld [tilespmem:$0x0]  }
0x11f: {  	_ =	swait.ge [sflag:s10], $0xC80  }
0x120: {  	s9 =	rddreg [dreg:$0x4];
	[sflag:s10] =	ssyncset.done $0x0  }
0x121: {  	[sflag:s10] =	ssyncadd.s32 $0xFFFFF380;
	s9 =	sadd.s32 s8, s9  }
0x122: {  	[tilespmem:s11], [sflag:$0x9] =	stream.linear.gather [hbm4b:s9+s4], $0xC80, $0x38;
	v63 =	vld [tilespmem:$0x0]  }
0x123: {  	_ =	swait.ge [sflag:s10], $0xC80  }
0x124: {  	[sflag:s10] =	ssyncset.done $0x0  }
0x125: {  	s7 =	smov.u32 s6;
	[sflag:s10] =	ssyncadd.s32 $0xFFFFF380  }
0x126: {  	[tilespmem:s13], [sflag:$0x1] =	stream.indirect.gather [hbm4b:s5+s12], $0x80, s4, s12, $0xb8;
	v63 =	vld [tilespmem:$0x0]  }
0x127: {  	s8 =	smov.u32 s7;
	s7 =	rddreg [dreg:$0x6]  }
0x128: {  	[tilespmem:s14], [sflag:$0x2] =	stream.indirect.gather [hbm4b:s5+s12], $0x80, s7, s12, $0xb8;
	v63 =	vld [tilespmem:$0x0]  }
0x129: {  	s9 =	rddreg [dreg:$0x7]  }
0x12a: {  	[tilespmem:s15], [sflag:$0x3] =	stream.indirect.gather [hbm4b:s5+s12], $0x80, s9, s12, $0xb8;
	v63 =	vld [tilespmem:$0x0]  }
0x12b: {  	s7 =	rddreg [dreg:$0x8]  }
0x12c: {  	[tilespmem:s16], [sflag:$0x4] =	stream.indirect.gather [hbm4b:s5+s12], $0x80, s7, s12, $0xb8;
	v63 =	vld [tilespmem:$0x0]  }
0x12d: {  	_ =	swait.ge [sflag:s17], $0x2800  }
0x12e: {  	[sflag:s17] =	ssyncset.done $0x0  }
0x12f: {  	[sflag:s17] =	ssyncadd.s32 $0xFFFFD800  }
0x130: {  	[spmem:s3] =	stream.indirect.scatter.add.f32 [tilespmem:s13], [sflag:$0x5], $0x80, s11, s12, $0xb8;
	v63 =	vld [tilespmem:$0x0]  }
0x131: {  	_ =	swait.ge [sflag:s18], $0x2800  }
0x132: {  	[sflag:s18] =	ssyncset.done $0x0  }
0x133: {  	s9 =	rddreg [dreg:$0x9];
	[sflag:s18] =	ssyncadd.s32 $0xFFFFD800  }
0x134: {  	[spmem:s3] =	stream.indirect.scatter.add.f32 [tilespmem:s14], [sflag:$0x6], $0x80, s9, s12, $0xb8;
	v63 =	vld [tilespmem:$0x0]  }
0x135: {  	_ =	swait.ge [sflag:s19], $0x2800  }
0x136: {  	[sflag:s19] =	ssyncset.done $0x0  }
0x137: {  	s9 =	rddreg [dreg:$0xa];
	[sflag:s19] =	ssyncadd.s32 $0xFFFFD800  }
0x138: {  	[spmem:s3] =	stream.indirect.scatter.add.f32 [tilespmem:s15], [sflag:$0x7], $0x80, s9, s12, $0xb8;
	v63 =	vld [tilespmem:$0x0]  }
0x139: {  	_ =	swait.ge [sflag:s20], $0x2800  }
0x13a: {  	[sflag:s20] =	ssyncset.done $0x0  }
0x13b: {  	s9 =	rddreg [dreg:$0xb];
	[sflag:s20] =	ssyncadd.s32 $0xFFFFD800  }
0x13c: {  	[spmem:s3] =	stream.indirect.scatter.add.f32 [tilespmem:s16], [sflag:$0x8], $0x80, s9, s12, $0xb8;
	v63 =	vld [tilespmem:$0x0]  }
0x13d: {  	_ =	swait.ge [sflag:s21], $0x2800  }
0x13e: {  	[sflag:s21] =	ssyncset.done $0x0  }
0x13f: {  	s9 =	rddreg [dreg:$0xc];
	[sflag:s21] =	ssyncadd.s32 $0xFFFFD800  }
0x140: {  	[tilespmem:s13], [sflag:$0x1] =	stream.indirect.gather [hbm4b:s5+s12], $0x80, s9, s12, $0xb8;
	v63 =	vld [tilespmem:$0x0]  }
0x141: {  	_ =	swait.ge [sflag:s22], $0x2800  }
0x142: {  	[sflag:s22] =	ssyncset.done $0x0  }
0x143: {  	s9 =	rddreg [dreg:$0xd];
	[sflag:s22] =	ssyncadd.s32 $0xFFFFD800  }
0x144: {  	[tilespmem:s14], [sflag:$0x2] =	stream.indirect.gather [hbm4b:s5+s12], $0x80, s9, s12, $0xb8;
	v63 =	vld [tilespmem:$0x0]  }
0x145: {  	_ =	swait.ge [sflag:s23], $0x2800  }
0x146: {  	[sflag:s23] =	ssyncset.done $0x0  }
0x147: {  	s9 =	rddreg [dreg:$0xe];
	[sflag:s23] =	ssyncadd.s32 $0xFFFFD800  }
0x148: {  	[tilespmem:s15], [sflag:$0x3] =	stream.indirect.gather [hbm4b:s5+s12], $0x80, s9, s12, $0xb8;
	v63 =	vld [tilespmem:$0x0]  }
0x149: {  	_ =	swait.ge [sflag:s24], $0x2800  }
0x14a: {  	[sflag:s24] =	ssyncset.done $0x0  }
0x14b: {  	s9 =	rddreg [dreg:$0xf];
	[sflag:s24] =	ssyncadd.s32 $0xFFFFD800  }
0x14c: {  	[tilespmem:s16], [sflag:$0x4] =	stream.indirect.gather [hbm4b:s5+s12], $0x80, s9, s12, $0xb8;
	v63 =	vld [tilespmem:$0x0]  }
0x14d: {  	_ =	swait.ge [sflag:s17], $0x2800  }
0x14e: {  	[sflag:s17] =	ssyncset.done $0x0  }
0x14f: {  	s9 =	rddreg [dreg:$0x10];
	[sflag:s17] =	ssyncadd.s32 $0xFFFFD800  }
0x150: {  	[spmem:s3] =	stream.indirect.scatter.add.f32 [tilespmem:s13], [sflag:$0x5], $0x80, s9, s12, $0xb8;
	v63 =	vld [tilespmem:$0x0]  }
0x151: {  	_ =	swait.ge [sflag:s18], $0x2800  }
0x152: {  	[sflag:s18] =	ssyncset.done $0x0  }
0x153: {  	s9 =	rddreg [dreg:$0x11];
	[sflag:s18] =	ssyncadd.s32 $0xFFFFD800  }
0x154: {  	[spmem:s3] =	stream.indirect.scatter.add.f32 [tilespmem:s14], [sflag:$0x6], $0x80, s9, s12, $0xb8;
	v63 =	vld [tilespmem:$0x0]  }
0x155: {  	_ =	swait.ge [sflag:s19], $0x2800  }
0x156: {  	[sflag:s19] =	ssyncset.done $0x0  }
0x157: {  	s9 =	rddreg [dreg:$0x12];
	[sflag:s19] =	ssyncadd.s32 $0xFFFFD800  }
0x158: {  	[spmem:s3] =	stream.indirect.scatter.add.f32 [tilespmem:s15], [sflag:$0x7], $0x80, s9, s12, $0xb8;
	v63 =	vld [tilespmem:$0x0]  }
0x159: {  	_ =	swait.ge [sflag:s20], $0x2800  }
0x15a: {  	[sflag:s20] =	ssyncset.done $0x0  }
0x15b: {  	s9 =	rddreg [dreg:$0x13];
	[sflag:s20] =	ssyncadd.s32 $0xFFFFD800  }
0x15c: {  	[spmem:s3] =	stream.indirect.scatter.add.f32 [tilespmem:s16], [sflag:$0x8], $0x80, s9, s12, $0xb8;
	v63 =	vld [tilespmem:$0x0]  }
0x15d: {  	_ =	swait.ge [sflag:s21], $0x2800  }
0x15e: {  	[sflag:s21] =	ssyncset.done $0x0  }
0x15f: {  	s9 =	rddreg [dreg:$0x14];
	[sflag:s21] =	ssyncadd.s32 $0xFFFFD800  }
0x160: {  	[tilespmem:s13], [sflag:$0x1] =	stream.indirect.gather [hbm4b:s5+s12], $0x80, s9, s12, $0xb8;
	v63 =	vld [tilespmem:$0x0]  }
0x161: {  	_ =	swait.ge [sflag:s22], $0x2800  }
0x162: {  	[sflag:s22] =	ssyncset.done $0x0  }
0x163: {  	s9 =	rddreg [dreg:$0x15];
	[sflag:s22] =	ssyncadd.s32 $0xFFFFD800  }
0x164: {  	[tilespmem:s14], [sflag:$0x2] =	stream.indirect.gather [hbm4b:s5+s12], $0x80, s9, s12, $0xb8;
	v63 =	vld [tilespmem:$0x0]  }
0x165: {  	_ =	swait.ge [sflag:s23], $0x2800  }
0x166: {  	[sflag:s23] =	ssyncset.done $0x0  }
0x167: {  	s9 =	rddreg [dreg:$0x16];
	[sflag:s23] =	ssyncadd.s32 $0xFFFFD800  }
0x168: {  	[tilespmem:s15], [sflag:$0x3] =	stream.indirect.gather [hbm4b:s5+s12], $0x80, s9, s12, $0xb8;
	v63 =	vld [tilespmem:$0x0]  }
0x169: {  	_ =	swait.ge [sflag:s24], $0x2800  }
0x16a: {  	[sflag:s24] =	ssyncset.done $0x0  }
0x16b: {  	s9 =	rddreg [dreg:$0x17];
	[sflag:s24] =	ssyncadd.s32 $0xFFFFD800  }
0x16c: {  	[tilespmem:s16], [sflag:$0x4] =	stream.indirect.gather [hbm4b:s5+s12], $0x80, s9, s12, $0xb8;
	v63 =	vld [tilespmem:$0x0]  }
0x16d: {  	_ =	swait.ge [sflag:s17], $0x2800  }
0x16e: {  	[sflag:s17] =	ssyncset.done $0x0  }
0x16f: {  	s9 =	rddreg [dreg:$0x18];
	[sflag:s17] =	ssyncadd.s32 $0xFFFFD800  }
0x170: {  	[spmem:s3] =	stream.indirect.scatter.add.f32 [tilespmem:s13], [sflag:$0x5], $0x80, s9, s12, $0xb8;
	v63 =	vld [tilespmem:$0x0]  }
0x171: {  	_ =	swait.ge [sflag:s18], $0x2800  }
0x172: {  	[sflag:s18] =	ssyncset.done $0x0  }
0x173: {  	s9 =	rddreg [dreg:$0x19];
	[sflag:s18] =	ssyncadd.s32 $0xFFFFD800  }
0x174: {  	[spmem:s3] =	stream.indirect.scatter.add.f32 [tilespmem:s14], [sflag:$0x6], $0x80, s9, s12, $0xb8;
	v63 =	vld [tilespmem:$0x0]  }
0x175: {  	_ =	swait.ge [sflag:s19], $0x2800  }
0x176: {  	[sflag:s19] =	ssyncset.done $0x0  }
0x177: {  	s9 =	rddreg [dreg:$0x1a];
	[sflag:s19] =	ssyncadd.s32 $0xFFFFD800  }
0x178: {  	[spmem:s3] =	stream.indirect.scatter.add.f32 [tilespmem:s15], [sflag:$0x7], $0x80, s9, s12, $0xb8;
	v63 =	vld [tilespmem:$0x0]  }
0x179: {  	_ =	swait.ge [sflag:s20], $0x2800  }
0x17a: {  	[sflag:s20] =	ssyncset.done $0x0  }
0x17b: {  	s9 =	rddreg [dreg:$0x1b];
	[sflag:s20] =	ssyncadd.s32 $0xFFFFD800  }
0x17c: {  	[spmem:s3] =	stream.indirect.scatter.add.f32 [tilespmem:s16], [sflag:$0x8], $0x80, s9, s12, $0xb8;
	v63 =	vld [tilespmem:$0x0]  }
0x17d: {  	_ =	swait.ge [sflag:s21], $0x2800  }
0x17e: {  	[sflag:s21] =	ssyncset.done $0x0  }
0x17f: {  	s9 =	rddreg [dreg:$0x1c];
	[sflag:s21] =	ssyncadd.s32 $0xFFFFD800  }
0x180: {  	[tilespmem:s13], [sflag:$0x1] =	stream.indirect.gather [hbm4b:s5+s12], $0x80, s9, s12, $0xb8;
	v63 =	vld [tilespmem:$0x0]  }
0x181: {  	_ =	swait.ge [sflag:s22], $0x2800  }
0x182: {  	[sflag:s22] =	ssyncset.done $0x0  }
0x183: {  	s9 =	rddreg [dreg:$0x1d];
	[sflag:s22] =	ssyncadd.s32 $0xFFFFD800  }
0x184: {  	[tilespmem:s14], [sflag:$0x2] =	stream.indirect.gather [hbm4b:s5+s12], $0x80, s9, s12, $0xb8;
	v63 =	vld [tilespmem:$0x0]  }
0x185: {  	_ =	swait.ge [sflag:s23], $0x2800  }
0x186: {  	[sflag:s23] =	ssyncset.done $0x0  }
0x187: {  	s9 =	rddreg [dreg:$0x1e];
	[sflag:s23] =	ssyncadd.s32 $0xFFFFD800  }
0x188: {  	[tilespmem:s15], [sflag:$0x3] =	stream.indirect.gather [hbm4b:s5+s12], $0x80, s9, s12, $0xb8;
	v63 =	vld [tilespmem:$0x0]  }
0x189: {  	_ =	swait.ge [sflag:s24], $0x2800  }
0x18a: {  	[sflag:s24] =	ssyncset.done $0x0  }
0x18b: {  	s9 =	rddreg [dreg:$0x1f];
	[sflag:s24] =	ssyncadd.s32 $0xFFFFD800  }
0x18c: {  	[tilespmem:s16], [sflag:$0x4] =	stream.indirect.gather [hbm4b:s5+s12], $0x80, s9, s12, $0xb8;
	v63 =	vld [tilespmem:$0x0]  }
0x18d: {  	_ =	swait.ge [sflag:s17], $0x2800  }
0x18e: {  	s9 =	sld [smem:$0x7EF]  }
0x18f: {  	[sflag:s17] =	ssyncset.done $0x0  }
0x190: {  	[sflag:s17] =	ssyncadd.s32 $0xFFFFD800  }
0x191: {  	[spmem:s3] =	stream.indirect.scatter.add.f32 [tilespmem:s13], [sflag:$0x5], $0x80, s9, s12, $0xb8;
	v63 =	vld [tilespmem:$0x0]  }
0x192: {  	_ =	swait.ge [sflag:s18], $0x2800  }
0x193: {  	s9 =	sld [smem:$0x7F0]  }
0x194: {  	[sflag:s18] =	ssyncset.done $0x0  }
0x195: {  	[sflag:s18] =	ssyncadd.s32 $0xFFFFD800  }
0x196: {  	[spmem:s3] =	stream.indirect.scatter.add.f32 [tilespmem:s14], [sflag:$0x6], $0x80, s9, s12, $0xb8;
	v63 =	vld [tilespmem:$0x0]  }
0x197: {  	_ =	swait.ge [sflag:s19], $0x2800  }
0x198: {  	s9 =	sld [smem:$0x7F1]  }
0x199: {  	[sflag:s19] =	ssyncset.done $0x0  }
0x19a: {  	[sflag:s19] =	ssyncadd.s32 $0xFFFFD800  }
0x19b: {  	[spmem:s3] =	stream.indirect.scatter.add.f32 [tilespmem:s15], [sflag:$0x7], $0x80, s9, s12, $0xb8;
	v63 =	vld [tilespmem:$0x0]  }
0x19c: {  	_ =	swait.ge [sflag:s20], $0x2800  }
0x19d: {  	s9 =	sld [smem:$0x7F2]  }
0x19e: {  	[sflag:s20] =	ssyncset.done $0x0  }
0x19f: {  	[sflag:s20] =	ssyncadd.s32 $0xFFFFD800  }
0x1a0: {  	[spmem:s3] =	stream.indirect.scatter.add.f32 [tilespmem:s16], [sflag:$0x8], $0x80, s9, s12, $0xb8;
	v63 =	vld [tilespmem:$0x0]  }
0x1a1: {  	_ =	swait.ge [sflag:s21], $0x2800  }
0x1a2: {  	s9 =	sld [smem:$0x7F3]  }
0x1a3: {  	[sflag:s21] =	ssyncset.done $0x0  }
0x1a4: {  	[sflag:s21] =	ssyncadd.s32 $0xFFFFD800  }
0x1a5: {  	[tilespmem:s13], [sflag:$0x1] =	stream.indirect.gather [hbm4b:s5+s12], $0x80, s9, s12, $0xb8;
	v63 =	vld [tilespmem:$0x0]  }
0x1a6: {  	_ =	swait.ge [sflag:s22], $0x2800  }
0x1a7: {  	s9 =	sld [smem:$0x7F4]  }
0x1a8: {  	[sflag:s22] =	ssyncset.done $0x0  }
0x1a9: {  	[sflag:s22] =	ssyncadd.s32 $0xFFFFD800  }
0x1aa: {  	[tilespmem:s14], [sflag:$0x2] =	stream.indirect.gather [hbm4b:s5+s12], $0x80, s9, s12, $0xb8;
	v63 =	vld [tilespmem:$0x0]  }
0x1ab: {  	_ =	swait.ge [sflag:s23], $0x2800  }
0x1ac: {  	s9 =	sld [smem:$0x7F5]  }
0x1ad: {  	[sflag:s23] =	ssyncset.done $0x0  }
0x1ae: {  	[sflag:s23] =	ssyncadd.s32 $0xFFFFD800  }
0x1af: {  	[tilespmem:s15], [sflag:$0x3] =	stream.indirect.gather [hbm4b:s5+s12], $0x80, s9, s12, $0xb8;
	v63 =	vld [tilespmem:$0x0]  }
0x1b0: {  	_ =	swait.ge [sflag:s24], $0x2800  }
0x1b1: {  	s9 =	sld [smem:$0x7F6]  }
0x1b2: {  	[sflag:s24] =	ssyncset.done $0x0  }
0x1b3: {  	[sflag:s24] =	ssyncadd.s32 $0xFFFFD800  }
0x1b4: {  	[tilespmem:s16], [sflag:$0x4] =	stream.indirect.gather [hbm4b:s5+s12], $0x80, s9, s12, $0xb8;
	v63 =	vld [tilespmem:$0x0]  }
0x1b5: {  	_ =	swait.ge [sflag:s17], $0x2800  }
0x1b6: {  	s9 =	sld [smem:$0x7F7]  }
0x1b7: {  	[sflag:s17] =	ssyncset.done $0x0  }
0x1b8: {  	[sflag:s17] =	ssyncadd.s32 $0xFFFFD800  }
0x1b9: {  	[spmem:s3] =	stream.indirect.scatter.add.f32 [tilespmem:s13], [sflag:$0x5], $0x80, s9, s12, $0xb8;
	v63 =	vld [tilespmem:$0x0]  }
0x1ba: {  	_ =	swait.ge [sflag:s18], $0x2800  }
0x1bb: {  	s9 =	sld [smem:$0x7F8]  }
0x1bc: {  	[sflag:s18] =	ssyncset.done $0x0  }
0x1bd: {  	[sflag:s18] =	ssyncadd.s32 $0xFFFFD800  }
0x1be: {  	[spmem:s3] =	stream.indirect.scatter.add.f32 [tilespmem:s14], [sflag:$0x6], $0x80, s9, s12, $0xb8;
	v63 =	vld [tilespmem:$0x0]  }
0x1bf: {  	_ =	swait.ge [sflag:s19], $0x2800  }
0x1c0: {  	s9 =	sld [smem:$0x7F9]  }
0x1c1: {  	[sflag:s19] =	ssyncset.done $0x0  }
0x1c2: {  	[sflag:s19] =	ssyncadd.s32 $0xFFFFD800  }
0x1c3: {  	[spmem:s3] =	stream.indirect.scatter.add.f32 [tilespmem:s15], [sflag:$0x7], $0x80, s9, s12, $0xb8;
	v63 =	vld [tilespmem:$0x0]  }
0x1c4: {  	_ =	swait.ge [sflag:s20], $0x2800  }
0x1c5: {  	s9 =	sld [smem:$0x7FA]  }
0x1c6: {  	[sflag:s20] =	ssyncset.done $0x0  }
0x1c7: {  	[sflag:s20] =	ssyncadd.s32 $0xFFFFD800  }
0x1c8: {  	[spmem:s3] =	stream.indirect.scatter.add.f32 [tilespmem:s16], [sflag:$0x8], $0x80, s9, s12, $0xb8;
	v63 =	vld [tilespmem:$0x0]  }
0x1c9: {  	_ =	swait.ge [sflag:s21], $0x2800  }
0x1ca: {  	s9 =	sld [smem:$0x7FB]  }
0x1cb: {  	[sflag:s21] =	ssyncset.done $0x0  }
0x1cc: {  	[sflag:s21] =	ssyncadd.s32 $0xFFFFD800  }
0x1cd: {  	[tilespmem:s13], [sflag:$0x1] =	stream.indirect.gather [hbm4b:s5+s12], $0x80, s9, s12, $0xb8;
	v63 =	vld [tilespmem:$0x0]  }
0x1ce: {  	_ =	swait.ge [sflag:s22], $0x2800  }
0x1cf: {  	[sflag:s22] =	ssyncset.done $0x0  }
0x1d0: {  	[sflag:s22] =	ssyncadd.s32 $0xFFFFD800  }
0x1d1: {  	[tilespmem:s14], [sflag:$0x2] =	stream.indirect.gather [hbm4b:s5+s12], $0x80, s25, s12, $0xb8;
	v63 =	vld [tilespmem:$0x0]  }
0x1d2: {  	_ =	swait.ge [sflag:s23], $0x2800  }
0x1d3: {  	[sflag:s23] =	ssyncset.done $0x0  }
0x1d4: {  	[sflag:s23] =	ssyncadd.s32 $0xFFFFD800  }
0x1d5: {  	[tilespmem:s15], [sflag:$0x3] =	stream.indirect.gather [hbm4b:s5+s12], $0x80, s26, s12, $0xb8;
	v63 =	vld [tilespmem:$0x0]  }
0x1d6: {  	_ =	swait.ge [sflag:s24], $0x2800  }
0x1d7: {  	[sflag:s24] =	ssyncset.done $0x0  }
0x1d8: {  	[sflag:s24] =	ssyncadd.s32 $0xFFFFD800  }
0x1d9: {  	[tilespmem:s16], [sflag:$0x4] =	stream.indirect.gather [hbm4b:s5+s12], $0x80, s28, s12, $0xb8;
	v63 =	vld [tilespmem:$0x0]  }
0x1da: {  	_ =	swait.ge [sflag:s17], $0x2800  }
0x1db: {  	[sflag:s17] =	ssyncset.done $0x0  }
0x1dc: {  	[sflag:s17] =	ssyncadd.s32 $0xFFFFD800  }
0x1dd: {  	[spmem:s3] =	stream.indirect.scatter.add.f32 [tilespmem:s13], [sflag:$0x5], $0x80, s29, s12, $0xb8;
	v63 =	vld [tilespmem:$0x0]  }
0x1de: {  	_ =	swait.ge [sflag:s18], $0x2800  }
0x1df: {  	[sflag:s18] =	ssyncset.done $0x0  }
0x1e0: {  	[sflag:s18] =	ssyncadd.s32 $0xFFFFD800  }
0x1e1: {  	[spmem:s3] =	stream.indirect.scatter.add.f32 [tilespmem:s14], [sflag:$0x6], $0x80, s30, s12, $0xb8;
	v63 =	vld [tilespmem:$0x0]  }
0x1e2: {  	_ =	swait.ge [sflag:s19], $0x2800  }
0x1e3: {  	[sflag:s19] =	ssyncset.done $0x0  }
0x1e4: {  	[sflag:s19] =	ssyncadd.s32 $0xFFFFD800  }
0x1e5: {  	[spmem:s3] =	stream.indirect.scatter.add.f32 [tilespmem:s15], [sflag:$0x7], $0x80, s31, s12, $0xb8;
	v63 =	vld [tilespmem:$0x0]  }
0x1e6: {  	_ =	swait.ge [sflag:s20], $0x2800  }
0x1e7: {  	[sflag:s20] =	ssyncset.done $0x0  }
0x1e8: {  	[sflag:s20] =	ssyncadd.s32 $0xFFFFD800  }
0x1e9: {  	[spmem:s3] =	stream.indirect.scatter.add.f32 [tilespmem:s16], [sflag:$0x8], $0x80, s1, s12, $0xb8;
	v63 =	vld [tilespmem:$0x0]  }
0x1ea: {  	_ =	swait.ge [sflag:s21], $0x2800  }
0x1eb: {  	[sflag:s21] =	ssyncset.done $0x0  }
0x1ec: {  	[sflag:s21] =	ssyncadd.s32 $0xFFFFD800  }
0x1ed: {  	_ =	swait.ge [sflag:s22], $0x2800  }
0x1ee: {  	[sflag:s22] =	ssyncset.done $0x0  }
0x1ef: {  	[sflag:s22] =	ssyncadd.s32 $0xFFFFD800  }
0x1f0: {  	_ =	swait.ge [sflag:s23], $0x2800  }
0x1f1: {  	[sflag:s23] =	ssyncset.done $0x0  }
0x1f2: {  	[sflag:s23] =	ssyncadd.s32 $0xFFFFD800  }
0x1f3: {  	_ =	swait.ge [sflag:s24], $0x2800  }
0x1f4: {  	[sflag:s24] =	ssyncset.done $0x0  }
0x1f5: {  	[sflag:s24] =	ssyncadd.s32 $0xFFFFD800  }
0x1f6: {  	[tilespmem:s13], [sflag:$0x1] =	stream.indirect.gather [hbm4b:s5+s12], $0x80, s0, s12, $0xb8;
	v63 =	vld [tilespmem:$0x0]  }
0x1f7: {  	p0 =	sne.s32 s6, $0x800;
	_ =	swait.ge [sflag:s17], $0x2800  }
.Ltmp0:
0x1f8: {  	[sflag:s17] =	ssyncset.done $0x0;
	(pc) =	sbr.rel @p0 .LBB2_2-.Ltmp0, $4  }
0x1f9: {  	[sflag:s17] =	ssyncadd.s32 $0xFFFFD800  }
0x1fa: {  	[spmem:s3] =	stream.indirect.scatter.add.f32 [tilespmem:s13], [sflag:$0x9], $0x80, s2, s12, $0xb8;
	v63 =	vld [tilespmem:$0x0]  }
0x1fb: {  	_ =	swait.ge [sflag:s10], $0x2800  }
0x1fc: {  	s6 =	sadd.s32 $0x200, s6;
	s9 =	rddreg [dreg:$0x5];
	[sflag:s10] =	ssyncset.done $0x0  }
0x1fd: {  	[sflag:s10] =	ssyncadd.s32 $0xFFFFD800;
	s6 =	sadd.s32 s8, s9  }
0x1fe: {  	[tilespmem:s4], [sflag:$0x9] =	stream.linear.gather [hbm4b:s6+s4], $0xC80, $0x38;
	v63 =	vld [tilespmem:$0x0]  }
0x1ff: {  	_ =	swait.ge [sflag:s10], $0xC80  }
0x200: {  	s7 =	rddreg [dreg:$0x4];
	[sflag:s10] =	ssyncset.done $0x0  }
0x201: {  	[sflag:s10] =	ssyncadd.s32 $0xFFFFF380;
	s6 =	sadd.s32 s8, s7  }
0x202: {  	[tilespmem:s11], [sflag:$0x9] =	stream.linear.gather [hbm4b:s6+s4], $0xC80, $0x38;
	v63 =	vld [tilespmem:$0x0]  }
0x203: {  	_ =	swait.ge [sflag:s10], $0xC80  }
0x204: {  	[sflag:s10] =	ssyncset.done $0x0  }
0x205: {  	[sflag:s10] =	ssyncadd.s32 $0xFFFFF380  }
0x206: {  	[tilespmem:s13], [sflag:$0x1] =	stream.indirect.gather [hbm4b:s5+s12], $0x80, s4, s12, $0xb8;
	v63 =	vld [tilespmem:$0x0]  }
0x207: {  	s9 =	rddreg [dreg:$0x6]  }
0x208: {  	[tilespmem:s14], [sflag:$0x2] =	stream.indirect.gather [hbm4b:s5+s12], $0x80, s9, s12, $0xb8;
	v63 =	vld [tilespmem:$0x0]  }
0x209: {  	s7 =	rddreg [dreg:$0x7]  }
0x20a: {  	[tilespmem:s15], [sflag:$0x3] =	stream.indirect.gather [hbm4b:s5+s12], $0x80, s7, s12, $0xb8;
	v63 =	vld [tilespmem:$0x0]  }
0x20b: {  	s8 =	rddreg [dreg:$0x8]  }
0x20c: {  	[tilespmem:s16], [sflag:$0x4] =	stream.indirect.gather [hbm4b:s5+s12], $0x80, s8, s12, $0xb8;
	v63 =	vld [tilespmem:$0x0]  }
0x20d: {  	_ =	swait.ge [sflag:s17], $0x2800  }
0x20e: {  	[sflag:s17] =	ssyncset.done $0x0  }
0x20f: {  	[sflag:s17] =	ssyncadd.s32 $0xFFFFD800  }
0x210: {  	[spmem:s3] =	stream.indirect.scatter.add.f32 [tilespmem:s13], [sflag:$0x5], $0x80, s11, s12, $0xb8;
	v63 =	vld [tilespmem:$0x0]  }
0x211: {  	_ =	swait.ge [sflag:s18], $0x2800  }
0x212: {  	[sflag:s18] =	ssyncset.done $0x0  }
0x213: {  	s9 =	rddreg [dreg:$0x9];
	[sflag:s18] =	ssyncadd.s32 $0xFFFFD800  }
0x214: {  	[spmem:s3] =	stream.indirect.scatter.add.f32 [tilespmem:s14], [sflag:$0x6], $0x80, s9, s12, $0xb8;
	v63 =	vld [tilespmem:$0x0]  }
0x215: {  	_ =	swait.ge [sflag:s19], $0x2800  }
0x216: {  	[sflag:s19] =	ssyncset.done $0x0  }
0x217: {  	s7 =	rddreg [dreg:$0xa];
	[sflag:s19] =	ssyncadd.s32 $0xFFFFD800  }
0x218: {  	[spmem:s3] =	stream.indirect.scatter.add.f32 [tilespmem:s15], [sflag:$0x7], $0x80, s7, s12, $0xb8;
	v63 =	vld [tilespmem:$0x0]  }
0x219: {  	_ =	swait.ge [sflag:s20], $0x2800  }
0x21a: {  	[sflag:s20] =	ssyncset.done $0x0  }
0x21b: {  	s8 =	rddreg [dreg:$0xb];
	[sflag:s20] =	ssyncadd.s32 $0xFFFFD800  }
0x21c: {  	[spmem:s3] =	stream.indirect.scatter.add.f32 [tilespmem:s16], [sflag:$0x8], $0x80, s8, s12, $0xb8;
	v63 =	vld [tilespmem:$0x0]  }
0x21d: {  	_ =	swait.ge [sflag:s21], $0x2800  }
0x21e: {  	[sflag:s21] =	ssyncset.done $0x0  }
0x21f: {  	s9 =	rddreg [dreg:$0xc];
	[sflag:s21] =	ssyncadd.s32 $0xFFFFD800  }
0x220: {  	[tilespmem:s13], [sflag:$0x1] =	stream.indirect.gather [hbm4b:s5+s12], $0x80, s9, s12, $0xb8;
	v63 =	vld [tilespmem:$0x0]  }
0x221: {  	_ =	swait.ge [sflag:s22], $0x2800  }
0x222: {  	[sflag:s22] =	ssyncset.done $0x0  }
0x223: {  	s7 =	rddreg [dreg:$0xd];
	[sflag:s22] =	ssyncadd.s32 $0xFFFFD800  }
0x224: {  	[tilespmem:s14], [sflag:$0x2] =	stream.indirect.gather [hbm4b:s5+s12], $0x80, s7, s12, $0xb8;
	v63 =	vld [tilespmem:$0x0]  }
0x225: {  	_ =	swait.ge [sflag:s23], $0x2800  }
0x226: {  	[sflag:s23] =	ssyncset.done $0x0  }
0x227: {  	s8 =	rddreg [dreg:$0xe];
	[sflag:s23] =	ssyncadd.s32 $0xFFFFD800  }
0x228: {  	[tilespmem:s15], [sflag:$0x3] =	stream.indirect.gather [hbm4b:s5+s12], $0x80, s8, s12, $0xb8;
	v63 =	vld [tilespmem:$0x0]  }
0x229: {  	_ =	swait.ge [sflag:s24], $0x2800  }
0x22a: {  	[sflag:s24] =	ssyncset.done $0x0  }
0x22b: {  	s9 =	rddreg [dreg:$0xf];
	[sflag:s24] =	ssyncadd.s32 $0xFFFFD800  }
0x22c: {  	[tilespmem:s16], [sflag:$0x4] =	stream.indirect.gather [hbm4b:s5+s12], $0x80, s9, s12, $0xb8;
	v63 =	vld [tilespmem:$0x0]  }
0x22d: {  	_ =	swait.ge [sflag:s17], $0x2800  }
0x22e: {  	[sflag:s17] =	ssyncset.done $0x0  }
0x22f: {  	s7 =	rddreg [dreg:$0x10];
	[sflag:s17] =	ssyncadd.s32 $0xFFFFD800  }
0x230: {  	[spmem:s3] =	stream.indirect.scatter.add.f32 [tilespmem:s13], [sflag:$0x5], $0x80, s7, s12, $0xb8;
	v63 =	vld [tilespmem:$0x0]  }
0x231: {  	_ =	swait.ge [sflag:s18], $0x2800  }
0x232: {  	[sflag:s18] =	ssyncset.done $0x0  }
0x233: {  	s8 =	rddreg [dreg:$0x11];
	[sflag:s18] =	ssyncadd.s32 $0xFFFFD800  }
0x234: {  	[spmem:s3] =	stream.indirect.scatter.add.f32 [tilespmem:s14], [sflag:$0x6], $0x80, s8, s12, $0xb8;
	v63 =	vld [tilespmem:$0x0]  }
0x235: {  	_ =	swait.ge [sflag:s19], $0x2800  }
0x236: {  	[sflag:s19] =	ssyncset.done $0x0  }
0x237: {  	s9 =	rddreg [dreg:$0x12];
	[sflag:s19] =	ssyncadd.s32 $0xFFFFD800  }
0x238: {  	[spmem:s3] =	stream.indirect.scatter.add.f32 [tilespmem:s15], [sflag:$0x7], $0x80, s9, s12, $0xb8;
	v63 =	vld [tilespmem:$0x0]  }
0x239: {  	_ =	swait.ge [sflag:s20], $0x2800  }
0x23a: {  	[sflag:s20] =	ssyncset.done $0x0  }
0x23b: {  	s7 =	rddreg [dreg:$0x13];
	[sflag:s20] =	ssyncadd.s32 $0xFFFFD800  }
0x23c: {  	[spmem:s3] =	stream.indirect.scatter.add.f32 [tilespmem:s16], [sflag:$0x8], $0x80, s7, s12, $0xb8;
	v63 =	vld [tilespmem:$0x0]  }
0x23d: {  	_ =	swait.ge [sflag:s21], $0x2800  }
0x23e: {  	[sflag:s21] =	ssyncset.done $0x0  }
0x23f: {  	s8 =	rddreg [dreg:$0x14];
	[sflag:s21] =	ssyncadd.s32 $0xFFFFD800  }
0x240: {  	[tilespmem:s13], [sflag:$0x1] =	stream.indirect.gather [hbm4b:s5+s12], $0x80, s8, s12, $0xb8;
	v63 =	vld [tilespmem:$0x0]  }
0x241: {  	_ =	swait.ge [sflag:s22], $0x2800  }
0x242: {  	[sflag:s22] =	ssyncset.done $0x0  }
0x243: {  	s9 =	rddreg [dreg:$0x15];
	[sflag:s22] =	ssyncadd.s32 $0xFFFFD800  }
0x244: {  	[tilespmem:s14], [sflag:$0x2] =	stream.indirect.gather [hbm4b:s5+s12], $0x80, s9, s12, $0xb8;
	v63 =	vld [tilespmem:$0x0]  }
0x245: {  	_ =	swait.ge [sflag:s23], $0x2800  }
0x246: {  	[sflag:s23] =	ssyncset.done $0x0  }
0x247: {  	s7 =	rddreg [dreg:$0x16];
	[sflag:s23] =	ssyncadd.s32 $0xFFFFD800  }
0x248: {  	[tilespmem:s15], [sflag:$0x3] =	stream.indirect.gather [hbm4b:s5+s12], $0x80, s7, s12, $0xb8;
	v63 =	vld [tilespmem:$0x0]  }
0x249: {  	_ =	swait.ge [sflag:s24], $0x2800  }
0x24a: {  	[sflag:s24] =	ssyncset.done $0x0  }
0x24b: {  	s8 =	rddreg [dreg:$0x17];
	[sflag:s24] =	ssyncadd.s32 $0xFFFFD800  }
0x24c: {  	[tilespmem:s16], [sflag:$0x4] =	stream.indirect.gather [hbm4b:s5+s12], $0x80, s8, s12, $0xb8;
	v63 =	vld [tilespmem:$0x0]  }
0x24d: {  	_ =	swait.ge [sflag:s17], $0x2800  }
0x24e: {  	[sflag:s17] =	ssyncset.done $0x0  }
0x24f: {  	s9 =	rddreg [dreg:$0x18];
	[sflag:s17] =	ssyncadd.s32 $0xFFFFD800  }
0x250: {  	[spmem:s3] =	stream.indirect.scatter.add.f32 [tilespmem:s13], [sflag:$0x5], $0x80, s9, s12, $0xb8;
	v63 =	vld [tilespmem:$0x0]  }
0x251: {  	_ =	swait.ge [sflag:s18], $0x2800  }
0x252: {  	[sflag:s18] =	ssyncset.done $0x0  }
0x253: {  	s7 =	rddreg [dreg:$0x19];
	[sflag:s18] =	ssyncadd.s32 $0xFFFFD800  }
0x254: {  	[spmem:s3] =	stream.indirect.scatter.add.f32 [tilespmem:s14], [sflag:$0x6], $0x80, s7, s12, $0xb8;
	v63 =	vld [tilespmem:$0x0]  }
0x255: {  	_ =	swait.ge [sflag:s19], $0x2800  }
0x256: {  	[sflag:s19] =	ssyncset.done $0x0  }
0x257: {  	s8 =	rddreg [dreg:$0x1a];
	[sflag:s19] =	ssyncadd.s32 $0xFFFFD800  }
0x258: {  	[spmem:s3] =	stream.indirect.scatter.add.f32 [tilespmem:s15], [sflag:$0x7], $0x80, s8, s12, $0xb8;
	v63 =	vld [tilespmem:$0x0]  }
0x259: {  	_ =	swait.ge [sflag:s20], $0x2800  }
0x25a: {  	[sflag:s20] =	ssyncset.done $0x0  }
0x25b: {  	s9 =	rddreg [dreg:$0x1b];
	[sflag:s20] =	ssyncadd.s32 $0xFFFFD800  }
0x25c: {  	[spmem:s3] =	stream.indirect.scatter.add.f32 [tilespmem:s16], [sflag:$0x8], $0x80, s9, s12, $0xb8;
	v63 =	vld [tilespmem:$0x0]  }
0x25d: {  	_ =	swait.ge [sflag:s21], $0x2800  }
0x25e: {  	[sflag:s21] =	ssyncset.done $0x0  }
0x25f: {  	s7 =	rddreg [dreg:$0x1c];
	[sflag:s21] =	ssyncadd.s32 $0xFFFFD800  }
0x260: {  	[tilespmem:s13], [sflag:$0x1] =	stream.indirect.gather [hbm4b:s5+s12], $0x80, s7, s12, $0xb8;
	v63 =	vld [tilespmem:$0x0]  }
0x261: {  	_ =	swait.ge [sflag:s22], $0x2800  }
0x262: {  	[sflag:s22] =	ssyncset.done $0x0  }
0x263: {  	s8 =	rddreg [dreg:$0x1d];
	[sflag:s22] =	ssyncadd.s32 $0xFFFFD800  }
0x264: {  	[tilespmem:s14], [sflag:$0x2] =	stream.indirect.gather [hbm4b:s5+s12], $0x80, s8, s12, $0xb8;
	v63 =	vld [tilespmem:$0x0]  }
0x265: {  	_ =	swait.ge [sflag:s23], $0x2800  }
0x266: {  	[sflag:s23] =	ssyncset.done $0x0  }
0x267: {  	s9 =	rddreg [dreg:$0x1e];
	[sflag:s23] =	ssyncadd.s32 $0xFFFFD800  }
0x268: {  	[tilespmem:s15], [sflag:$0x3] =	stream.indirect.gather [hbm4b:s5+s12], $0x80, s9, s12, $0xb8;
	v63 =	vld [tilespmem:$0x0]  }
0x269: {  	_ =	swait.ge [sflag:s24], $0x2800  }
0x26a: {  	[sflag:s24] =	ssyncset.done $0x0  }
0x26b: {  	s7 =	rddreg [dreg:$0x1f];
	[sflag:s24] =	ssyncadd.s32 $0xFFFFD800  }
0x26c: {  	[tilespmem:s16], [sflag:$0x4] =	stream.indirect.gather [hbm4b:s5+s12], $0x80, s7, s12, $0xb8;
	v63 =	vld [tilespmem:$0x0]  }
0x26d: {  	_ =	swait.ge [sflag:s17], $0x2800  }
0x26e: {  	s8 =	sld [smem:$0x7EF]  }
0x26f: {  	[sflag:s17] =	ssyncset.done $0x0  }
0x270: {  	[sflag:s17] =	ssyncadd.s32 $0xFFFFD800  }
0x271: {  	[spmem:s3] =	stream.indirect.scatter.add.f32 [tilespmem:s13], [sflag:$0x5], $0x80, s8, s12, $0xb8;
	v63 =	vld [tilespmem:$0x0]  }
0x272: {  	_ =	swait.ge [sflag:s18], $0x2800  }
0x273: {  	s9 =	sld [smem:$0x7F0]  }
0x274: {  	[sflag:s18] =	ssyncset.done $0x0  }
0x275: {  	[sflag:s18] =	ssyncadd.s32 $0xFFFFD800  }
0x276: {  	[spmem:s3] =	stream.indirect.scatter.add.f32 [tilespmem:s14], [sflag:$0x6], $0x80, s9, s12, $0xb8;
	v63 =	vld [tilespmem:$0x0]  }
0x277: {  	_ =	swait.ge [sflag:s19], $0x2800  }
0x278: {  	s7 =	sld [smem:$0x7F1]  }
0x279: {  	[sflag:s19] =	ssyncset.done $0x0  }
0x27a: {  	[sflag:s19] =	ssyncadd.s32 $0xFFFFD800  }
0x27b: {  	[spmem:s3] =	stream.indirect.scatter.add.f32 [tilespmem:s15], [sflag:$0x7], $0x80, s7, s12, $0xb8;
	v63 =	vld [tilespmem:$0x0]  }
0x27c: {  	_ =	swait.ge [sflag:s20], $0x2800  }
0x27d: {  	s8 =	sld [smem:$0x7F2]  }
0x27e: {  	[sflag:s20] =	ssyncset.done $0x0  }
0x27f: {  	[sflag:s20] =	ssyncadd.s32 $0xFFFFD800  }
0x280: {  	[spmem:s3] =	stream.indirect.scatter.add.f32 [tilespmem:s16], [sflag:$0x8], $0x80, s8, s12, $0xb8;
	v63 =	vld [tilespmem:$0x0]  }
0x281: {  	_ =	swait.ge [sflag:s21], $0x2800  }
0x282: {  	s9 =	sld [smem:$0x7F3]  }
0x283: {  	[sflag:s21] =	ssyncset.done $0x0  }
0x284: {  	[sflag:s21] =	ssyncadd.s32 $0xFFFFD800  }
0x285: {  	[tilespmem:s13], [sflag:$0x1] =	stream.indirect.gather [hbm4b:s5+s12], $0x80, s9, s12, $0xb8;
	v63 =	vld [tilespmem:$0x0]  }
0x286: {  	_ =	swait.ge [sflag:s22], $0x2800  }
0x287: {  	s7 =	sld [smem:$0x7F4]  }
0x288: {  	[sflag:s22] =	ssyncset.done $0x0  }
0x289: {  	[sflag:s22] =	ssyncadd.s32 $0xFFFFD800  }
0x28a: {  	[tilespmem:s14], [sflag:$0x2] =	stream.indirect.gather [hbm4b:s5+s12], $0x80, s7, s12, $0xb8;
	v63 =	vld [tilespmem:$0x0]  }
0x28b: {  	_ =	swait.ge [sflag:s23], $0x2800  }
0x28c: {  	s8 =	sld [smem:$0x7F5]  }
0x28d: {  	[sflag:s23] =	ssyncset.done $0x0  }
0x28e: {  	[sflag:s23] =	ssyncadd.s32 $0xFFFFD800  }
0x28f: {  	[tilespmem:s15], [sflag:$0x3] =	stream.indirect.gather [hbm4b:s5+s12], $0x80, s8, s12, $0xb8;
	v63 =	vld [tilespmem:$0x0]  }
0x290: {  	_ =	swait.ge [sflag:s24], $0x2800  }
0x291: {  	s9 =	sld [smem:$0x7F6]  }
0x292: {  	[sflag:s24] =	ssyncset.done $0x0  }
0x293: {  	[sflag:s24] =	ssyncadd.s32 $0xFFFFD800  }
0x294: {  	[tilespmem:s16], [sflag:$0x4] =	stream.indirect.gather [hbm4b:s5+s12], $0x80, s9, s12, $0xb8;
	v63 =	vld [tilespmem:$0x0]  }
0x295: {  	_ =	swait.ge [sflag:s17], $0x2800  }
0x296: {  	s7 =	sld [smem:$0x7F7]  }
0x297: {  	[sflag:s17] =	ssyncset.done $0x0  }
0x298: {  	[sflag:s17] =	ssyncadd.s32 $0xFFFFD800  }
0x299: {  	[spmem:s3] =	stream.indirect.scatter.add.f32 [tilespmem:s13], [sflag:$0x5], $0x80, s7, s12, $0xb8;
	v63 =	vld [tilespmem:$0x0]  }
0x29a: {  	_ =	swait.ge [sflag:s18], $0x2800  }
0x29b: {  	s8 =	sld [smem:$0x7F8]  }
0x29c: {  	[sflag:s18] =	ssyncset.done $0x0  }
0x29d: {  	[sflag:s18] =	ssyncadd.s32 $0xFFFFD800  }
0x29e: {  	[spmem:s3] =	stream.indirect.scatter.add.f32 [tilespmem:s14], [sflag:$0x6], $0x80, s8, s12, $0xb8;
	v63 =	vld [tilespmem:$0x0]  }
0x29f: {  	_ =	swait.ge [sflag:s19], $0x2800  }
0x2a0: {  	s9 =	sld [smem:$0x7F9]  }
0x2a1: {  	[sflag:s19] =	ssyncset.done $0x0  }
0x2a2: {  	[sflag:s19] =	ssyncadd.s32 $0xFFFFD800  }
0x2a3: {  	[spmem:s3] =	stream.indirect.scatter.add.f32 [tilespmem:s15], [sflag:$0x7], $0x80, s9, s12, $0xb8;
	v63 =	vld [tilespmem:$0x0]  }
0x2a4: {  	_ =	swait.ge [sflag:s20], $0x2800  }
0x2a5: {  	s7 =	sld [smem:$0x7FA]  }
0x2a6: {  	[sflag:s20] =	ssyncset.done $0x0  }
0x2a7: {  	[sflag:s20] =	ssyncadd.s32 $0xFFFFD800  }
0x2a8: {  	[spmem:s3] =	stream.indirect.scatter.add.f32 [tilespmem:s16], [sflag:$0x8], $0x80, s7, s12, $0xb8;
	v63 =	vld [tilespmem:$0x0]  }
0x2a9: {  	_ =	swait.ge [sflag:s21], $0x2800  }
0x2aa: {  	s8 =	sld [smem:$0x7FB]  }
0x2ab: {  	[sflag:s21] =	ssyncset.done $0x0  }
0x2ac: {  	[sflag:s21] =	ssyncadd.s32 $0xFFFFD800  }
0x2ad: {  	[tilespmem:s13], [sflag:$0x1] =	stream.indirect.gather [hbm4b:s5+s12], $0x80, s8, s12, $0xb8;
	v63 =	vld [tilespmem:$0x0]  }
0x2ae: {  	_ =	swait.ge [sflag:s22], $0x2800  }
0x2af: {  	[sflag:s22] =	ssyncset.done $0x0  }
0x2b0: {  	[sflag:s22] =	ssyncadd.s32 $0xFFFFD800  }
0x2b1: {  	[tilespmem:s14], [sflag:$0x2] =	stream.indirect.gather [hbm4b:s5+s12], $0x80, s25, s12, $0xb8;
	v63 =	vld [tilespmem:$0x0]  }
0x2b2: {  	_ =	swait.ge [sflag:s23], $0x2800  }
0x2b3: {  	[sflag:s23] =	ssyncset.done $0x0  }
0x2b4: {  	[sflag:s23] =	ssyncadd.s32 $0xFFFFD800  }
0x2b5: {  	[tilespmem:s15], [sflag:$0x3] =	stream.indirect.gather [hbm4b:s5+s12], $0x80, s26, s12, $0xb8;
	v63 =	vld [tilespmem:$0x0]  }
0x2b6: {  	_ =	swait.ge [sflag:s24], $0x2800  }
0x2b7: {  	[sflag:s24] =	ssyncset.done $0x0  }
0x2b8: {  	[sflag:s24] =	ssyncadd.s32 $0xFFFFD800  }
0x2b9: {  	[tilespmem:s16], [sflag:$0x4] =	stream.indirect.gather [hbm4b:s5+s12], $0x80, s28, s12, $0xb8;
	v63 =	vld [tilespmem:$0x0]  }
0x2ba: {  	_ =	swait.ge [sflag:s17], $0x2800  }
0x2bb: {  	[sflag:s17] =	ssyncset.done $0x0  }
0x2bc: {  	[sflag:s17] =	ssyncadd.s32 $0xFFFFD800  }
0x2bd: {  	[spmem:s3] =	stream.indirect.scatter.add.f32 [tilespmem:s13], [sflag:$0x5], $0x80, s29, s12, $0xb8;
	v63 =	vld [tilespmem:$0x0]  }
0x2be: {  	_ =	swait.ge [sflag:s18], $0x2800  }
0x2bf: {  	[sflag:s18] =	ssyncset.done $0x0  }
0x2c0: {  	[sflag:s18] =	ssyncadd.s32 $0xFFFFD800  }
0x2c1: {  	[spmem:s3] =	stream.indirect.scatter.add.f32 [tilespmem:s14], [sflag:$0x6], $0x80, s30, s12, $0xb8;
	v63 =	vld [tilespmem:$0x0]  }
0x2c2: {  	_ =	swait.ge [sflag:s19], $0x2800  }
0x2c3: {  	[sflag:s19] =	ssyncset.done $0x0  }
0x2c4: {  	[sflag:s19] =	ssyncadd.s32 $0xFFFFD800  }
0x2c5: {  	[spmem:s3] =	stream.indirect.scatter.add.f32 [tilespmem:s15], [sflag:$0x7], $0x80, s31, s12, $0xb8;
	v63 =	vld [tilespmem:$0x0]  }
0x2c6: {  	_ =	swait.ge [sflag:s20], $0x2800  }
0x2c7: {  	[sflag:s20] =	ssyncset.done $0x0  }
0x2c8: {  	[sflag:s20] =	ssyncadd.s32 $0xFFFFD800  }
0x2c9: {  	[spmem:s3] =	stream.indirect.scatter.add.f32 [tilespmem:s16], [sflag:$0x8], $0x80, s1, s12, $0xb8;
	v63 =	vld [tilespmem:$0x0]  }
0x2ca: {  	_ =	swait.ge [sflag:s21], $0x2800  }
0x2cb: {  	[sflag:s21] =	ssyncset.done $0x0  }
0x2cc: {  	[sflag:s21] =	ssyncadd.s32 $0xFFFFD800  }
0x2cd: {  	_ =	swait.ge [sflag:s22], $0x2800  }
0x2ce: {  	[sflag:s22] =	ssyncset.done $0x0  }
0x2cf: {  	[sflag:s22] =	ssyncadd.s32 $0xFFFFD800  }
0x2d0: {  	_ =	swait.ge [sflag:s23], $0x2800  }
0x2d1: {  	[sflag:s23] =	ssyncset.done $0x0  }
0x2d2: {  	[sflag:s23] =	ssyncadd.s32 $0xFFFFD800  }
0x2d3: {  	_ =	swait.ge [sflag:s24], $0x2800  }
0x2d4: {  	[sflag:s24] =	ssyncset.done $0x0  }
0x2d5: {  	[sflag:s24] =	ssyncadd.s32 $0xFFFFD800  }
0x2d6: {  	[tilespmem:s13], [sflag:$0x1] =	stream.indirect.gather [hbm4b:s5+s12], $0x80, s0, s12, $0xb8;
	v63 =	vld [tilespmem:$0x0]  }
0x2d7: {  	_ =	swait.ge [sflag:s17], $0x2800  }
0x2d8: {  	[sflag:s17] =	ssyncset.done $0x0  }
0x2d9: {  	[sflag:s17] =	ssyncadd.s32 $0xFFFFD800  }
0x2da: {  	[spmem:s3] =	stream.indirect.scatter.add.f32 [tilespmem:s13], [sflag:$0x9], $0x80, s2, s12, $0xb8;
	v63 =	vld [tilespmem:$0x0]  }
0x2db: {  	_ =	swait.ge [sflag:s10], $0x2800  }
0x2dc: {  	[sflag:s10] =	ssyncset.done $0x0  }
0x2dd: {  	[sflag:s10] =	ssyncadd.s32 $0xFFFFD800  }
0x2de: {  	[bflag:$0x0] =	sbarrier.arrive $0xFFFF  }
0x2df: {  	s7 =	sld [smem:$0x7FC]  }
0x2e0: {  	s9 =	sld [smem:$0x7ED]  }
0x2e1: {  	s8 =	sld [smem:$0x7FD];
	_ =	sdelay $0x2  }
0x2e2: {  	[hbm:s9], [sflag:s7] =	dma.local [spmem:s8], $0x2800  }
0x2e3: {  	_ =	swait.ge [sflag:s10], $0x2800  }
0x2e4: {  	s6 =	sld [smem:$0x7EC];
	_ =	sdelay $0x2  }
0x2e5: {  	s9 =	sadd.s32 $0x1, s6;
	s6 =	sld [smem:$0x7EE];
	_ =	sdelay $0x2  }
0x2e6: {  	p0 =	sne.s32 s9, s6  }
.Ltmp1:
0x2e7: {  	_ = 	snop;
	(pc) =	sbr.rel @p0 .LBB2_1-.Ltmp1, $3  }
0x2e8: {  	_ =	sdelay $0x1  }
0x2e9: {  	[sflag:s10] =	ssyncset.done $0x0  }
0x2ea: {  	[sflag:s10] =	ssyncadd.s32 $0xFFFFD800  }
0x2eb: {  	_ =	sfence.sel $0x180000  }
0x2ec: {  	[bflag:$0x0] =	sbarrier.arrive $0xFFFF  }
0x2ed: {  	_ =	strace $0x90000050  }
0x2ee: {  	s0 =	stileid.u32;
	[bflag:$0x2] =	sbarrier.arrive $0xFFFF  }
0x2ef: {  	p0 =	sne.s32 s0, $0x0;
	s0 =	rddreg [dreg:$0x3]  }
0x2f0: {  	s0 =	sadd.s32 @!p0 $0x100000, s0  }
0x2f1: {  	[sflag:s0] =	ssyncadd.tile.s32 @!p0 $0x1;
	_ =	shalt  }
.Lfunc_end2:
_tile_overlayer_lowered:
.L_overlay_start_2:
0x2f2: {  	(tag) =	ssettag $0x2  }
0x2f3: {  	s0 =	rddreg [dreg:$0x0];
	s2 =	stileid.u32  }
0x2f4: {  	s1 =	rddreg [dreg:$0x1];
	p0 =	sne.s32 s2, $0x0  }
0x2f5: {  	s3 =	rddreg [dreg:$0x2];
	[bflag:$0x3] =	sbarrier.arrive $0xFFFF;
	s2 =	simm.s32 @!p0 $0x1C09  }
0x2f6: {  	[timem:s3], [sflag:s2] =	dma.local @!p0 [hbm:s0], s1  }
0x2f7: {  	s0 =	simm.s32 @!p0 $0x9  }
0x2f8: {  	_ =	swait.ge @!p0 [sflag:s0], s1  }
0x2f9: {  	s1 =	ssub.s32 @!p0 $0x0, s1;
	[sflag:s0] =	ssyncset.done @!p0 $0x0  }
0x2fa: {  	[sflag:s0] =	ssyncadd.s32 @!p0 s1  }
0x2fb: {  	[bflag:$0x3] =	sbarrier.arrive $0xFFFF  }
0x2fc: {  	_ =	shalt  }

</sc_bundles>
